<compile_context>
chip_gen: v7x
topology: tpu7x:2x2x1
jax: 0.10.2.dev20260603
libtpu: 0.0.44.dev20260713+nightly
codegen_flags: <defaults>
</compile_context>

<pallas_src>
import functools

import jax
import jax.numpy as jnp
from jax import lax
from jax.experimental import pallas as pl
from jax.experimental.pallas import tpu as pltpu
from jax.experimental.pallas import tpu_sc as plsc

N = 10000
D = 128
NP = 10240
NW = 32
NSUB = 16
CH = 79
CL = 128
CHD = CH
CLD = CL
EP = NW * CH * CL
RPS = NP // NSUB
ZR = 64


def _sc_mesh():
    return plsc.VectorSubcoreMesh(core_axis_name="c", subcore_axis_name="s")


def _deg_sc(src3, dst3, zeros1):
    @functools.partial(
        pl.kernel,
        out_type=[jax.ShapeDtypeStruct((2, NP), jnp.float32),
                  jax.ShapeDtypeStruct((NW, CHD, CLD), jnp.int32)],
        scratch_types=[pltpu.VMEM((CHD, CLD), jnp.int32),
                       pltpu.VMEM((CHD, CLD), jnp.int32),
                       pltpu.VMEM((CHD, CLD), jnp.float32),
                       pltpu.VMEM_SHARED((NP,), jnp.float32)],
        mesh=_sc_mesh(),
    )
    def k(src_h, dst_h, z_h, degp_h, dstp_h, src_v, dst_v, keep_v, deg_acc):
        c = lax.axis_index("c")
        s = lax.axis_index("s")
        w = s * 2 + c
        pltpu.sync_copy(src_h.at[w], src_v)
        pltpu.sync_copy(dst_h.at[w], dst_v)
        pltpu.sync_copy(z_h.at[pl.ds(s * RPS, RPS)],
                        deg_acc.at[pl.ds(s * RPS, RPS)])
        plsc.subcore_barrier()

        def body(j, carry):
            for c8 in range(CLD // 16):
                sl = pl.ds(c8 * 16, 16)
                sv = src_v[j, sl]
                dv = dst_v[j, sl]
                eq = sv == dv
                keep_v[j, sl] = jnp.where(eq, 0.0, 1.0)
                dstp = jnp.where(eq, N + jnp.bitwise_and(sv, 127), dv)
                dst_v[j, sl] = jnp.bitwise_or(sv, lax.shift_left(dstp, 16))
            pltpu.sync_copy(keep_v.at[j], deg_acc.at[src_v.at[j]], add=True)
            return carry

        lax.fori_loop(0, CHD, body, 0)
        plsc.subcore_barrier()
        pltpu.sync_copy(deg_acc.at[pl.ds(s * RPS, RPS)],
                        degp_h.at[c, pl.ds(s * RPS, RPS)])
        pltpu.sync_copy(dst_v, dstp_h.at[w])

    return k(src3, dst3, zeros1)


def _hop_sc(g, pk3, zeros2):
    @functools.partial(
        pl.kernel,
        out_type=jax.ShapeDtypeStruct((2, NP, D), jnp.float32),
        scratch_types=[pltpu.VMEM((CH, CL), jnp.int32),
                       pltpu.VMEM((2, CL), jnp.int32),
                       pltpu.VMEM((CL,), jnp.int32),
                       pltpu.VMEM((CL, D), jnp.float32),
                       pltpu.VMEM((CL, D), jnp.float32),
                       pltpu.VMEM_SHARED((NP, D), jnp.float32),
                       pltpu.SemaphoreType.DMA,
                       pltpu.SemaphoreType.DMA],
        mesh=_sc_mesh(),
    )
    def k(g_h, pk_h, z_h, acc_h, pk_v, sidx, didx, buf0, buf1, acc,
          sem0, sem1):
        c = lax.axis_index("c")
        s = lax.axis_index("s")
        w = s * 2 + c
        pltpu.sync_copy(pk_h.at[w], pk_v)

        def unpack_src(j, slot):
            for c8 in range(CL // 16):
                sl = pl.ds(c8 * 16, 16)
                sidx[slot, sl] = jnp.bitwise_and(pk_v[j, sl], 0xFFFF)

        def unpack_dst(j):
            for c8 in range(CL // 16):
                sl = pl.ds(c8 * 16, 16)
                didx[sl] = lax.shift_right_logical(pk_v[j, sl], 16)

        unpack_src(0, 0)
        pltpu.async_copy(g_h.at[sidx.at[0]], buf0, sem0)
        unpack_src(1, 1)
        pltpu.async_copy(g_h.at[sidx.at[1]], buf1, sem1)
        for z in range(RPS // ZR):
            pltpu.sync_copy(z_h, acc.at[pl.ds(s * RPS + z * ZR, ZR)])
        plsc.subcore_barrier()

        def body(i, carry):
            j0 = 2 * i
            pltpu.make_async_copy(g_h.at[sidx.at[0]], buf0, sem0).wait()
            unpack_dst(j0)
            pltpu.sync_copy(buf0, acc.at[didx], add=True)
            unpack_src(j0 + 2, 0)
            pltpu.async_copy(g_h.at[sidx.at[0]], buf0, sem0)
            j1 = j0 + 1
            pltpu.make_async_copy(g_h.at[sidx.at[1]], buf1, sem1).wait()
            unpack_dst(j1)
            pltpu.sync_copy(buf1, acc.at[didx], add=True)
            unpack_src(j1 + 2, 1)
            pltpu.async_copy(g_h.at[sidx.at[1]], buf1, sem1)
            return carry

        lax.fori_loop(0, (CH - 1) // 2 - 1, body, 0)
        pltpu.make_async_copy(g_h.at[sidx.at[0]], buf0, sem0).wait()
        unpack_dst(CH - 3)
        pltpu.sync_copy(buf0, acc.at[didx], add=True)
        pltpu.make_async_copy(g_h.at[sidx.at[1]], buf1, sem1).wait()
        unpack_dst(CH - 2)
        pltpu.sync_copy(buf1, acc.at[didx], add=True)
        unpack_src(CH - 1, 0)
        pltpu.sync_copy(g_h.at[sidx.at[0]], buf0)
        unpack_dst(CH - 1)
        pltpu.sync_copy(buf0, acc.at[didx], add=True)

        plsc.subcore_barrier()
        pltpu.sync_copy(acc.at[pl.ds(s * RPS, RPS)],
                        acc_h.at[c, pl.ds(s * RPS, RPS)])

    return k(g, pk3, zeros2)


def _prep_tc(deg_p, x_pad):
    R = 512
    grid = NP // R

    def body(dp_ref, x_ref, dis_ref, g_ref):
        deg = dp_ref[0] + dp_ref[1] + 1.0
        dis = lax.rsqrt(deg)
        dis_ref[...] = dis
        g_ref[...] = x_ref[...] * dis

    return pl.pallas_call(
        body,
        grid=(grid,),
        in_specs=[pl.BlockSpec((2, R, 1), lambda i: (0, i, 0)),
                  pl.BlockSpec((R, D), lambda i: (i, 0))],
        out_specs=[pl.BlockSpec((R, 1), lambda i: (i, 0)),
                   pl.BlockSpec((R, D), lambda i: (i, 0))],
        out_shape=[jax.ShapeDtypeStruct((NP, 1), jnp.float32),
                   jax.ShapeDtypeStruct((NP, D), jnp.float32)],
    )(deg_p, x_pad)


def _mid_tc(accs, g1, dis):
    R = 512
    grid = NP // R

    def body(a_ref, g_ref, dis_ref, h_ref, g2_ref):
        dis_b = dis_ref[...]
        h1 = (a_ref[0] + a_ref[1] + g_ref[...]) * dis_b
        h_ref[...] = h1
        g2_ref[...] = h1 * dis_b

    return pl.pallas_call(
        body,
        grid=(grid,),
        in_specs=[pl.BlockSpec((2, R, D), lambda i: (0, i, 0)),
                  pl.BlockSpec((R, D), lambda i: (i, 0)),
                  pl.BlockSpec((R, 1), lambda i: (i, 0))],
        out_specs=[pl.BlockSpec((R, D), lambda i: (i, 0)),
                   pl.BlockSpec((R, D), lambda i: (i, 0))],
        out_shape=[jax.ShapeDtypeStruct((NP, D), jnp.float32),
                   jax.ShapeDtypeStruct((NP, D), jnp.float32)],
    )(accs, g1, dis)


def _final_tc(accs, g2, dis, x_pad, h1, W, b2, a2):
    R = 400
    grid = N // R

    def body(a_ref, g_ref, dis_ref, x_ref, h1_ref, w_ref, b_ref, s_ref, o_ref):
        h2 = (a_ref[0] + a_ref[1] + g_ref[...]) * dis_ref[...]
        acc = jnp.dot(x_ref[...], w_ref[0:128, :],
                      preferred_element_type=jnp.float32)
        acc = acc + jnp.dot(h1_ref[...], w_ref[128:256, :],
                            preferred_element_type=jnp.float32)
        acc = acc + jnp.dot(h2, w_ref[256:384, :],
                            preferred_element_type=jnp.float32)
        acc = acc + b_ref[...]
        slope = s_ref[0, 0]
        o_ref[...] = jnp.where(acc > 0, acc, slope * acc)

    return pl.pallas_call(
        body,
        grid=(grid,),
        in_specs=[pl.BlockSpec((2, R, D), lambda i: (0, i, 0)),
                  pl.BlockSpec((R, D), lambda i: (i, 0)),
                  pl.BlockSpec((R, 1), lambda i: (i, 0)),
                  pl.BlockSpec((R, D), lambda i: (i, 0)),
                  pl.BlockSpec((R, D), lambda i: (i, 0)),
                  pl.BlockSpec((3 * D, D), lambda i: (0, 0)),
                  pl.BlockSpec((1, D), lambda i: (0, 0)),
                  pl.BlockSpec((1, 1), lambda i: (0, 0))],
        out_specs=pl.BlockSpec((R, D), lambda i: (i, 0)),
        out_shape=jax.ShapeDtypeStruct((N, D), jnp.float32),
    )(accs, g2, dis, x_pad, h1, W, b2, a2)


def kernel(x, edge_index, W, b, a):
    E = edge_index.shape[1]
    pad = EP - E
    src = edge_index[0]
    dst = edge_index[1]
    ppw = pad // NW
    pvals = (jnp.arange(pad, dtype=jnp.int32) % N).reshape(NW, ppw)
    src3d = jnp.concatenate(
        [src.reshape(NW, E // NW), pvals], axis=1).reshape(NW, CHD, CLD)
    dst3d = jnp.concatenate(
        [dst.reshape(NW, E // NW), pvals], axis=1).reshape(NW, CHD, CLD)
    x_pad = jnp.pad(x, ((0, NP - N), (0, 0)))
    zeros1 = jnp.zeros((NP,), jnp.float32)
    zeros2 = jnp.zeros((ZR, D), jnp.float32)

    deg_p, pk3d = _deg_sc(src3d, dst3d, zeros1)
    pk3 = pk3d.reshape(NW, CH, CL)
    dis, g1 = _prep_tc(deg_p.reshape(2, NP, 1), x_pad)
    acc1 = _hop_sc(g1, pk3, zeros2)
    h1, g2 = _mid_tc(acc1, g1, dis)
    acc2 = _hop_sc(g2, pk3, zeros2)
    out = _final_tc(acc2, g2, dis, x_pad, h1, W,
                    b.reshape(1, D), a.reshape(1, 1))
    return out

# --- scband reference (transcript-rebuilt; emitter-appended) ---
"""Pipeline reference for scband-mgcn2-56908316672075 (READ-ONLY COPY).

The authoritative reference and input builder live on the scoring server;
editing this copy changes nothing except your own understanding.
"""

import jax, jax.numpy as jnp
import numpy as np

N = 10000
E = 320000
D = 128
H = 128
K = 2


def setup_inputs(seed: int = 0) -> dict:
    key = jax.random.key(seed)
    k1, k2, k3, k4 = jax.random.split(key, 4)
    x = jax.random.normal(k1, (N, D), dtype=jnp.float32)
    edge_index = jax.random.randint(k2, (2, E), 0, N, dtype=jnp.int32)
    W = jax.random.normal(k3, (D * (K + 1), H), dtype=jnp.float32) * (1.0 / np.sqrt(D * (K + 1)))
    b = jnp.zeros((H,), dtype=jnp.float32)
    a = jnp.full((1,), 0.25, dtype=jnp.float32)  # PReLU slope
    return {"x": x, "edge_index": edge_index, "W": W, "b": b, "a": a}


def _sym_norm(edge_index, num_nodes):
    # add_remaining_self_loops: drop existing self loops, append one loop per node (fill=1)
    src, dst = edge_index[0], edge_index[1]
    keep = (src != dst).astype(jnp.float32)
    loops = jnp.arange(num_nodes, dtype=edge_index.dtype)
    src = jnp.concatenate([src, loops])
    dst = jnp.concatenate([dst, loops])
    w = jnp.concatenate([keep, jnp.ones((num_nodes,), dtype=jnp.float32)])
    deg = jnp.zeros((num_nodes,), dtype=jnp.float32).at[src].add(w)
    dis = deg ** -0.5
    dis = jnp.where(jnp.isinf(dis), 0.0, dis)
    norm = dis[src] * w * dis[dst]
    return src, dst, norm


def reference(x, edge_index, W, b, a):
    n = x.shape[0]
    src, dst, norm = _sym_norm(edge_index, n)
    # CombUnweighted: K-hop sym-normalized propagation, concat hops 0..K
    xs = [x]
    h = x
    for _ in range(K):
        msg = norm[:, None] * h[src]          # gather x_j, weight by norm
        h = jnp.zeros_like(h).at[dst].add(msg)  # scatter-add aggr at target
        xs.append(h)
    feats = jnp.concatenate(xs, axis=1)        # [N, D*(K+1)]
    out = feats @ W + b                        # linear projection to n_h
    out = jnp.where(out > 0, out, a * out)     # PReLU
    return out

if __name__ == "__main__":
    import jax
    _d = setup_inputs()
    print(jax.jit(kernel)(*tuple(_d.values())))

</pallas_src>

<mosaic_0001>
#map = affine_map<(d0, d1) -> (0, 0)>
#map1 = affine_map<(d0, d1) -> (0, 0, 0)>
module attributes {stable_mosaic.version = 14 : i64} {
  func.func @k(%arg0: i32, %arg1: i32, %arg2: memref<10240x128xf32, #tpu.memory_space<hbm>>, %arg3: memref<32x79x128xi32, #tpu.memory_space<hbm>>, %arg4: memref<64x128xf32, #tpu.memory_space<hbm>>, %arg5: memref<2x10240x128xf32, #tpu.memory_space<hbm>>, %arg6: memref<79x128xi32, #tpu.memory_space<vmem>>, %arg7: memref<2x128xi32, #tpu.memory_space<vmem>>, %arg8: memref<128xi32, #tpu.memory_space<vmem>>, %arg9: memref<128x128xf32, #tpu.memory_space<vmem>>, %arg10: memref<128x128xf32, #tpu.memory_space<vmem>>, %arg11: memref<10240x128xf32, #tpu.memory_space<vmem_shared>>, %arg12: memref<!tpu.dma_semaphore, #tpu.memory_space<semaphore_mem>>, %arg13: memref<!tpu.dma_semaphore, #tpu.memory_space<semaphore_mem>>) attributes {dimension_semantics = [#tpu.dimension_semantics<core_parallel>, #tpu.dimension_semantics<subcore_parallel>], iteration_bounds = array<i64: 2, 16>, scalar_prefetch = 0 : i64, scratch_operands = 8 : i64, tpu.core_type = #tpu.core_type<sc_vector_subcore>, window_params = [{transform_indices = #map}, {transform_indices = #map1}, {transform_indices = #map}, {transform_indices = #map1}]} {
    %mul3A = arith.constant 2 : i32
    %mul3A_0 = arith.muli %arg1, %mul3A : i32
    %add3A = arith.addi %mul3A_0, %arg0 : i32
    "tpu.region"() ({
      %run_scoped3A_697 = tpu.sem_alloc : memref<!tpu.dma_semaphore, #tpu.memory_space<semaphore_mem>>
      %dma_start3A_698 = arith.constant 0 : i32
      %dma_start3A_699 = arith.constant 0 : i32
      %dma_start3A_700 = tpu.memref_slice %arg3[%add3A, %dma_start3A_698, %dma_start3A_699] : memref<32x79x128xi32, #tpu.memory_space<hbm>> -> memref<1x79x128xi32, #tpu.memory_space<hbm>>
      %dma_start3A_701 = tpu.memref_squeeze %dma_start3A_700 : memref<1x79x128xi32, #tpu.memory_space<hbm>> -> memref<79x128xi32, #tpu.memory_space<hbm>>
      %dma_start3A_702 = arith.constant 0 : i32
      %dma_start3A_703 = arith.constant 0 : i32
      %dma_start3A_704 = tpu.memref_slice %arg3[%add3A, %dma_start3A_702, %dma_start3A_703] : memref<32x79x128xi32, #tpu.memory_space<hbm>> -> memref<1x79x128xi32, #tpu.memory_space<hbm>>
      %dma_start3A_705 = tpu.memref_squeeze %dma_start3A_704 : memref<1x79x128xi32, #tpu.memory_space<hbm>> -> memref<79x128xi32, #tpu.memory_space<hbm>>
      tpu.enqueue_dma source(%dma_start3A_705 : memref<79x128xi32, #tpu.memory_space<hbm>>) target(%arg6 : memref<79x128xi32, #tpu.memory_space<vmem>>) target_semaphore(%run_scoped3A_697 : memref<!tpu.dma_semaphore, #tpu.memory_space<semaphore_mem>>)
      %dma_wait3A_706 = arith.constant 0 : i32
      %dma_wait3A_707 = arith.constant 0 : i32
      %dma_wait3A_708 = tpu.memref_slice %arg3[%add3A, %dma_wait3A_706, %dma_wait3A_707] : memref<32x79x128xi32, #tpu.memory_space<hbm>> -> memref<1x79x128xi32, #tpu.memory_space<hbm>>
      %dma_wait3A_709 = tpu.memref_squeeze %dma_wait3A_708 : memref<1x79x128xi32, #tpu.memory_space<hbm>> -> memref<79x128xi32, #tpu.memory_space<hbm>>
      %dma_wait3A_710 = arith.constant 0 : i32
      %dma_wait3A_711 = arith.constant 0 : i32
      %dma_wait3A_712 = tpu.memref_slice %arg3[%add3A, %dma_wait3A_710, %dma_wait3A_711] : memref<32x79x128xi32, #tpu.memory_space<hbm>> -> memref<1x79x128xi32, #tpu.memory_space<hbm>>
      %dma_wait3A_713 = tpu.memref_squeeze %dma_wait3A_712 : memref<1x79x128xi32, #tpu.memory_space<hbm>> -> memref<79x128xi32, #tpu.memory_space<hbm>>
      tpu.wait_dma2 semaphore(%run_scoped3A_697 : memref<!tpu.dma_semaphore, #tpu.memory_space<semaphore_mem>>) src(%dma_wait3A_713 : memref<79x128xi32, #tpu.memory_space<hbm>>) dst(%arg6 : memref<79x128xi32, #tpu.memory_space<vmem>>)
      tpu.yield
    }) : () -> ()
    %get3A = arith.constant 0 : i32
    %get3A_1 = arith.index_cast %get3A : i32 to index
    %get3A_2 = arith.constant 0 : index
    %get3A_3 = tpu.vector_load %arg6[%get3A_1, %get3A_2] {strides = array<i32>} : memref<79x128xi32, #tpu.memory_space<vmem>>, vector<1x16xi32>,
    %get3A_4 = vector.shape_cast %get3A_3 : vector<1x16xi32> to vector<16xi32>
    %and3A = arith.constant 65535 : i32
    %and3A_5 = vector.broadcast %and3A : i32 to vector<16xi32>
    %and3A_6 = arith.andi %get3A_4, %and3A_5 : vector<16xi32>
    %swap3A = arith.constant 0 : i32
    %swap3A_7 = arith.index_cast %swap3A : i32 to index
    %swap3A_8 = arith.constant 0 : index
    %swap3A_9 = tpu.vector_load %arg7[%swap3A_7, %swap3A_8] {strides = array<i32>} : memref<2x128xi32, #tpu.memory_space<vmem>>, vector<1x16xi32>,
    %swap3A_10 = vector.shape_cast %swap3A_9 : vector<1x16xi32> to vector<16xi32>
    %swap3A_11 = vector.shape_cast %and3A_6 : vector<16xi32> to vector<1x16xi32>
    tpu.vector_store %arg7[%swap3A_7, %swap3A_8], %swap3A_11 {strides = array<i32>} : memref<2x128xi32, #tpu.memory_space<vmem>>, vector<1x16xi32>,
    %get3A_12 = arith.constant 0 : i32
    %get3A_13 = arith.index_cast %get3A_12 : i32 to index
    %get3A_14 = arith.constant 16 : index
    %get3A_15 = tpu.vector_load %arg6[%get3A_13, %get3A_14] {strides = array<i32>} : memref<79x128xi32, #tpu.memory_space<vmem>>, vector<1x16xi32>,
    %get3A_16 = vector.shape_cast %get3A_15 : vector<1x16xi32> to vector<16xi32>
    %and3A_17 = arith.constant 65535 : i32
    %and3A_18 = vector.broadcast %and3A_17 : i32 to vector<16xi32>
    %and3A_19 = arith.andi %get3A_16, %and3A_18 : vector<16xi32>
    %swap3A_20 = arith.constant 0 : i32
    %swap3A_21 = arith.index_cast %swap3A_20 : i32 to index
    %swap3A_22 = arith.constant 16 : index
    %swap3A_23 = tpu.vector_load %arg7[%swap3A_21, %swap3A_22] {strides = array<i32>} : memref<2x128xi32, #tpu.memory_space<vmem>>, vector<1x16xi32>,
    %swap3A_24 = vector.shape_cast %swap3A_23 : vector<1x16xi32> to vector<16xi32>
    %swap3A_25 = vector.shape_cast %and3A_19 : vector<16xi32> to vector<1x16xi32>
    tpu.vector_store %arg7[%swap3A_21, %swap3A_22], %swap3A_25 {strides = array<i32>} : memref<2x128xi32, #tpu.memory_space<vmem>>, vector<1x16xi32>,
    %get3A_26 = arith.constant 0 : i32
    %get3A_27 = arith.index_cast %get3A_26 : i32 to index
    %get3A_28 = arith.constant 32 : index
    %get3A_29 = tpu.vector_load %arg6[%get3A_27, %get3A_28] {strides = array<i32>} : memref<79x128xi32, #tpu.memory_space<vmem>>, vector<1x16xi32>,
    %get3A_30 = vector.shape_cast %get3A_29 : vector<1x16xi32> to vector<16xi32>
    %and3A_31 = arith.constant 65535 : i32
    %and3A_32 = vector.broadcast %and3A_31 : i32 to vector<16xi32>
    %and3A_33 = arith.andi %get3A_30, %and3A_32 : vector<16xi32>
    %swap3A_34 = arith.constant 0 : i32
    %swap3A_35 = arith.index_cast %swap3A_34 : i32 to index
    %swap3A_36 = arith.constant 32 : index
    %swap3A_37 = tpu.vector_load %arg7[%swap3A_35, %swap3A_36] {strides = array<i32>} : memref<2x128xi32, #tpu.memory_space<vmem>>, vector<1x16xi32>,
    %swap3A_38 = vector.shape_cast %swap3A_37 : vector<1x16xi32> to vector<16xi32>
    %swap3A_39 = vector.shape_cast %and3A_33 : vector<16xi32> to vector<1x16xi32>
    tpu.vector_store %arg7[%swap3A_35, %swap3A_36], %swap3A_39 {strides = array<i32>} : memref<2x128xi32, #tpu.memory_space<vmem>>, vector<1x16xi32>,
    %get3A_40 = arith.constant 0 : i32
    %get3A_41 = arith.index_cast %get3A_40 : i32 to index
    %get3A_42 = arith.constant 48 : index
    %get3A_43 = tpu.vector_load %arg6[%get3A_41, %get3A_42] {strides = array<i32>} : memref<79x128xi32, #tpu.memory_space<vmem>>, vector<1x16xi32>,
    %get3A_44 = vector.shape_cast %get3A_43 : vector<1x16xi32> to vector<16xi32>
    %and3A_45 = arith.constant 65535 : i32
    %and3A_46 = vector.broadcast %and3A_45 : i32 to vector<16xi32>
    %and3A_47 = arith.andi %get3A_44, %and3A_46 : vector<16xi32>
    %swap3A_48 = arith.constant 0 : i32
    %swap3A_49 = arith.index_cast %swap3A_48 : i32 to index
    %swap3A_50 = arith.constant 48 : index
    %swap3A_51 = tpu.vector_load %arg7[%swap3A_49, %swap3A_50] {strides = array<i32>} : memref<2x128xi32, #tpu.memory_space<vmem>>, vector<1x16xi32>,
    %swap3A_52 = vector.shape_cast %swap3A_51 : vector<1x16xi32> to vector<16xi32>
    %swap3A_53 = vector.shape_cast %and3A_47 : vector<16xi32> to vector<1x16xi32>
    tpu.vector_store %arg7[%swap3A_49, %swap3A_50], %swap3A_53 {strides = array<i32>} : memref<2x128xi32, #tpu.memory_space<vmem>>, vector<1x16xi32>,
    %get3A_54 = arith.constant 0 : i32
    %get3A_55 = arith.index_cast %get3A_54 : i32 to index
    %get3A_56 = arith.constant 64 : index
    %get3A_57 = tpu.vector_load %arg6[%get3A_55, %get3A_56] {strides = array<i32>} : memref<79x128xi32, #tpu.memory_space<vmem>>, vector<1x16xi32>,
    %get3A_58 = vector.shape_cast %get3A_57 : vector<1x16xi32> to vector<16xi32>
    %and3A_59 = arith.constant 65535 : i32
    %and3A_60 = vector.broadcast %and3A_59 : i32 to vector<16xi32>
    %and3A_61 = arith.andi %get3A_58, %and3A_60 : vector<16xi32>
    %swap3A_62 = arith.constant 0 : i32
    %swap3A_63 = arith.index_cast %swap3A_62 : i32 to index
    %swap3A_64 = arith.constant 64 : index
    %swap3A_65 = tpu.vector_load %arg7[%swap3A_63, %swap3A_64] {strides = array<i32>} : memref<2x128xi32, #tpu.memory_space<vmem>>, vector<1x16xi32>,
    %swap3A_66 = vector.shape_cast %swap3A_65 : vector<1x16xi32> to vector<16xi32>
    %swap3A_67 = vector.shape_cast %and3A_61 : vector<16xi32> to vector<1x16xi32>
    tpu.vector_store %arg7[%swap3A_63, %swap3A_64], %swap3A_67 {strides = array<i32>} : memref<2x128xi32, #tpu.memory_space<vmem>>, vector<1x16xi32>,
    %get3A_68 = arith.constant 0 : i32
    %get3A_69 = arith.index_cast %get3A_68 : i32 to index
    %get3A_70 = arith.constant 80 : index
    %get3A_71 = tpu.vector_load %arg6[%get3A_69, %get3A_70] {strides = array<i32>} : memref<79x128xi32, #tpu.memory_space<vmem>>, vector<1x16xi32>,
    %get3A_72 = vector.shape_cast %get3A_71 : vector<1x16xi32> to vector<16xi32>
    %and3A_73 = arith.constant 65535 : i32
    %and3A_74 = vector.broadcast %and3A_73 : i32 to vector<16xi32>
    %and3A_75 = arith.andi %get3A_72, %and3A_74 : vector<16xi32>
    %swap3A_76 = arith.constant 0 : i32
    %swap3A_77 = arith.index_cast %swap3A_76 : i32 to index
    %swap3A_78 = arith.constant 80 : index
    %swap3A_79 = tpu.vector_load %arg7[%swap3A_77, %swap3A_78] {strides = array<i32>} : memref<2x128xi32, #tpu.memory_space<vmem>>, vector<1x16xi32>,
    %swap3A_80 = vector.shape_cast %swap3A_79 : vector<1x16xi32> to vector<16xi32>
    %swap3A_81 = vector.shape_cast %and3A_75 : vector<16xi32> to vector<1x16xi32>
    tpu.vector_store %arg7[%swap3A_77, %swap3A_78], %swap3A_81 {strides = array<i32>} : memref<2x128xi32, #tpu.memory_space<vmem>>, vector<1x16xi32>,
    %get3A_82 = arith.constant 0 : i32
    %get3A_83 = arith.index_cast %get3A_82 : i32 to index
    %get3A_84 = arith.constant 96 : index
    %get3A_85 = tpu.vector_load %arg6[%get3A_83, %get3A_84] {strides = array<i32>} : memref<79x128xi32, #tpu.memory_space<vmem>>, vector<1x16xi32>,
    %get3A_86 = vector.shape_cast %get3A_85 : vector<1x16xi32> to vector<16xi32>
    %and3A_87 = arith.constant 65535 : i32
    %and3A_88 = vector.broadcast %and3A_87 : i32 to vector<16xi32>
    %and3A_89 = arith.andi %get3A_86, %and3A_88 : vector<16xi32>
    %swap3A_90 = arith.constant 0 : i32
    %swap3A_91 = arith.index_cast %swap3A_90 : i32 to index
    %swap3A_92 = arith.constant 96 : index
    %swap3A_93 = tpu.vector_load %arg7[%swap3A_91, %swap3A_92] {strides = array<i32>} : memref<2x128xi32, #tpu.memory_space<vmem>>, vector<1x16xi32>,
    %swap3A_94 = vector.shape_cast %swap3A_93 : vector<1x16xi32> to vector<16xi32>
    %swap3A_95 = vector.shape_cast %and3A_89 : vector<16xi32> to vector<1x16xi32>
    tpu.vector_store %arg7[%swap3A_91, %swap3A_92], %swap3A_95 {strides = array<i32>} : memref<2x128xi32, #tpu.memory_space<vmem>>, vector<1x16xi32>,
    %get3A_96 = arith.constant 0 : i32
    %get3A_97 = arith.index_cast %get3A_96 : i32 to index
    %get3A_98 = arith.constant 112 : index
    %get3A_99 = tpu.vector_load %arg6[%get3A_97, %get3A_98] {strides = array<i32>} : memref<79x128xi32, #tpu.memory_space<vmem>>, vector<1x16xi32>,
    %get3A_100 = vector.shape_cast %get3A_99 : vector<1x16xi32> to vector<16xi32>
    %and3A_101 = arith.constant 65535 : i32
    %and3A_102 = vector.broadcast %and3A_101 : i32 to vector<16xi32>
    %and3A_103 = arith.andi %get3A_100, %and3A_102 : vector<16xi32>
    %swap3A_104 = arith.constant 0 : i32
    %swap3A_105 = arith.index_cast %swap3A_104 : i32 to index
    %swap3A_106 = arith.constant 112 : index
    %swap3A_107 = tpu.vector_load %arg7[%swap3A_105, %swap3A_106] {strides = array<i32>} : memref<2x128xi32, #tpu.memory_space<vmem>>, vector<1x16xi32>,
    %swap3A_108 = vector.shape_cast %swap3A_107 : vector<1x16xi32> to vector<16xi32>
    %swap3A_109 = vector.shape_cast %and3A_103 : vector<16xi32> to vector<1x16xi32>
    tpu.vector_store %arg7[%swap3A_105, %swap3A_106], %swap3A_109 {strides = array<i32>} : memref<2x128xi32, #tpu.memory_space<vmem>>, vector<1x16xi32>,
    %dma_start3A = arith.constant 0 : i32
    %dma_start3A_110 = arith.constant 0 : i32
    %dma_start3A_111 = tpu.memref_slice %arg7[%dma_start3A, %dma_start3A_110] : memref<2x128xi32, #tpu.memory_space<vmem>> -> memref<1x128xi32, #tpu.memory_space<vmem>>
    %dma_start3A_112 = tpu.memref_squeeze %dma_start3A_111 : memref<1x128xi32, #tpu.memory_space<vmem>> -> memref<128xi32, #tpu.memory_space<vmem>>
    %dma_start3A_113 = arith.constant 0 : i32
    %dma_start3A_114 = arith.constant 0 : i32
    %dma_start3A_115 = tpu.memref_slice %arg2[%dma_start3A_113, %dma_start3A_114] : memref<10240x128xf32, #tpu.memory_space<hbm>> -> memref<10240x128xf32, #tpu.memory_space<hbm>>
    tpu.enqueue_indirect_dma source(%dma_start3A_115 : memref<10240x128xf32, #tpu.memory_space<hbm>>) target(%arg9 : memref<128x128xf32, #tpu.memory_space<vmem>>) offsets(%dma_start3A_112 : memref<128xi32, #tpu.memory_space<vmem>>) semaphore(%arg12 : memref<!tpu.dma_semaphore, #tpu.memory_space<semaphore_mem>>)
    %get3A_116 = arith.constant 1 : i32
    %get3A_117 = arith.index_cast %get3A_116 : i32 to index
    %get3A_118 = arith.constant 0 : index
    %get3A_119 = tpu.vector_load %arg6[%get3A_117, %get3A_118] {strides = array<i32>} : memref<79x128xi32, #tpu.memory_space<vmem>>, vector<1x16xi32>,
    %get3A_120 = vector.shape_cast %get3A_119 : vector<1x16xi32> to vector<16xi32>
    %and3A_121 = arith.constant 65535 : i32
    %and3A_122 = vector.broadcast %and3A_121 : i32 to vector<16xi32>
    %and3A_123 = arith.andi %get3A_120, %and3A_122 : vector<16xi32>
    %swap3A_124 = arith.constant 1 : i32
    %swap3A_125 = arith.index_cast %swap3A_124 : i32 to index
    %swap3A_126 = arith.constant 0 : index
    %swap3A_127 = tpu.vector_load %arg7[%swap3A_125, %swap3A_126] {strides = array<i32>} : memref<2x128xi32, #tpu.memory_space<vmem>>, vector<1x16xi32>,
    %swap3A_128 = vector.shape_cast %swap3A_127 : vector<1x16xi32> to vector<16xi32>
    %swap3A_129 = vector.shape_cast %and3A_123 : vector<16xi32> to vector<1x16xi32>
    tpu.vector_store %arg7[%swap3A_125, %swap3A_126], %swap3A_129 {strides = array<i32>} : memref<2x128xi32, #tpu.memory_space<vmem>>, vector<1x16xi32>,
    %get3A_130 = arith.constant 1 : i32
    %get3A_131 = arith.index_cast %get3A_130 : i32 to index
    %get3A_132 = arith.constant 16 : index
    %get3A_133 = tpu.vector_load %arg6[%get3A_131, %get3A_132] {strides = array<i32>} : memref<79x128xi32, #tpu.memory_space<vmem>>, vector<1x16xi32>,
    %get3A_134 = vector.shape_cast %get3A_133 : vector<1x16xi32> to vector<16xi32>
    %and3A_135 = arith.constant 65535 : i32
    %and3A_136 = vector.broadcast %and3A_135 : i32 to vector<16xi32>
    %and3A_137 = arith.andi %get3A_134, %and3A_136 : vector<16xi32>
    %swap3A_138 = arith.constant 1 : i32
    %swap3A_139 = arith.index_cast %swap3A_138 : i32 to index
    %swap3A_140 = arith.constant 16 : index
    %swap3A_141 = tpu.vector_load %arg7[%swap3A_139, %swap3A_140] {strides = array<i32>} : memref<2x128xi32, #tpu.memory_space<vmem>>, vector<1x16xi32>,
    %swap3A_142 = vector.shape_cast %swap3A_141 : vector<1x16xi32> to vector<16xi32>
    %swap3A_143 = vector.shape_cast %and3A_137 : vector<16xi32> to vector<1x16xi32>
    tpu.vector_store %arg7[%swap3A_139, %swap3A_140], %swap3A_143 {strides = array<i32>} : memref<2x128xi32, #tpu.memory_space<vmem>>, vector<1x16xi32>,
    %get3A_144 = arith.constant 1 : i32
    %get3A_145 = arith.index_cast %get3A_144 : i32 to index
    %get3A_146 = arith.constant 32 : index
    %get3A_147 = tpu.vector_load %arg6[%get3A_145, %get3A_146] {strides = array<i32>} : memref<79x128xi32, #tpu.memory_space<vmem>>, vector<1x16xi32>,
    %get3A_148 = vector.shape_cast %get3A_147 : vector<1x16xi32> to vector<16xi32>
    %and3A_149 = arith.constant 65535 : i32
    %and3A_150 = vector.broadcast %and3A_149 : i32 to vector<16xi32>
    %and3A_151 = arith.andi %get3A_148, %and3A_150 : vector<16xi32>
    %swap3A_152 = arith.constant 1 : i32
    %swap3A_153 = arith.index_cast %swap3A_152 : i32 to index
    %swap3A_154 = arith.constant 32 : index
    %swap3A_155 = tpu.vector_load %arg7[%swap3A_153, %swap3A_154] {strides = array<i32>} : memref<2x128xi32, #tpu.memory_space<vmem>>, vector<1x16xi32>,
    %swap3A_156 = vector.shape_cast %swap3A_155 : vector<1x16xi32> to vector<16xi32>
    %swap3A_157 = vector.shape_cast %and3A_151 : vector<16xi32> to vector<1x16xi32>
    tpu.vector_store %arg7[%swap3A_153, %swap3A_154], %swap3A_157 {strides = array<i32>} : memref<2x128xi32, #tpu.memory_space<vmem>>, vector<1x16xi32>,
    %get3A_158 = arith.constant 1 : i32
    %get3A_159 = arith.index_cast %get3A_158 : i32 to index
    %get3A_160 = arith.constant 48 : index
    %get3A_161 = tpu.vector_load %arg6[%get3A_159, %get3A_160] {strides = array<i32>} : memref<79x128xi32, #tpu.memory_space<vmem>>, vector<1x16xi32>,
    %get3A_162 = vector.shape_cast %get3A_161 : vector<1x16xi32> to vector<16xi32>
    %and3A_163 = arith.constant 65535 : i32
    %and3A_164 = vector.broadcast %and3A_163 : i32 to vector<16xi32>
    %and3A_165 = arith.andi %get3A_162, %and3A_164 : vector<16xi32>
    %swap3A_166 = arith.constant 1 : i32
    %swap3A_167 = arith.index_cast %swap3A_166 : i32 to index
    %swap3A_168 = arith.constant 48 : index
    %swap3A_169 = tpu.vector_load %arg7[%swap3A_167, %swap3A_168] {strides = array<i32>} : memref<2x128xi32, #tpu.memory_space<vmem>>, vector<1x16xi32>,
    %swap3A_170 = vector.shape_cast %swap3A_169 : vector<1x16xi32> to vector<16xi32>
    %swap3A_171 = vector.shape_cast %and3A_165 : vector<16xi32> to vector<1x16xi32>
    tpu.vector_store %arg7[%swap3A_167, %swap3A_168], %swap3A_171 {strides = array<i32>} : memref<2x128xi32, #tpu.memory_space<vmem>>, vector<1x16xi32>,
    %get3A_172 = arith.constant 1 : i32
    %get3A_173 = arith.index_cast %get3A_172 : i32 to index
    %get3A_174 = arith.constant 64 : index
    %get3A_175 = tpu.vector_load %arg6[%get3A_173, %get3A_174] {strides = array<i32>} : memref<79x128xi32, #tpu.memory_space<vmem>>, vector<1x16xi32>,
    %get3A_176 = vector.shape_cast %get3A_175 : vector<1x16xi32> to vector<16xi32>
    %and3A_177 = arith.constant 65535 : i32
    %and3A_178 = vector.broadcast %and3A_177 : i32 to vector<16xi32>
    %and3A_179 = arith.andi %get3A_176, %and3A_178 : vector<16xi32>
    %swap3A_180 = arith.constant 1 : i32
    %swap3A_181 = arith.index_cast %swap3A_180 : i32 to index
    %swap3A_182 = arith.constant 64 : index
    %swap3A_183 = tpu.vector_load %arg7[%swap3A_181, %swap3A_182] {strides = array<i32>} : memref<2x128xi32, #tpu.memory_space<vmem>>, vector<1x16xi32>,
    %swap3A_184 = vector.shape_cast %swap3A_183 : vector<1x16xi32> to vector<16xi32>
    %swap3A_185 = vector.shape_cast %and3A_179 : vector<16xi32> to vector<1x16xi32>
    tpu.vector_store %arg7[%swap3A_181, %swap3A_182], %swap3A_185 {strides = array<i32>} : memref<2x128xi32, #tpu.memory_space<vmem>>, vector<1x16xi32>,
    %get3A_186 = arith.constant 1 : i32
    %get3A_187 = arith.index_cast %get3A_186 : i32 to index
    %get3A_188 = arith.constant 80 : index
    %get3A_189 = tpu.vector_load %arg6[%get3A_187, %get3A_188] {strides = array<i32>} : memref<79x128xi32, #tpu.memory_space<vmem>>, vector<1x16xi32>,
    %get3A_190 = vector.shape_cast %get3A_189 : vector<1x16xi32> to vector<16xi32>
    %and3A_191 = arith.constant 65535 : i32
    %and3A_192 = vector.broadcast %and3A_191 : i32 to vector<16xi32>
    %and3A_193 = arith.andi %get3A_190, %and3A_192 : vector<16xi32>
    %swap3A_194 = arith.constant 1 : i32
    %swap3A_195 = arith.index_cast %swap3A_194 : i32 to index
    %swap3A_196 = arith.constant 80 : index
    %swap3A_197 = tpu.vector_load %arg7[%swap3A_195, %swap3A_196] {strides = array<i32>} : memref<2x128xi32, #tpu.memory_space<vmem>>, vector<1x16xi32>,
    %swap3A_198 = vector.shape_cast %swap3A_197 : vector<1x16xi32> to vector<16xi32>
    %swap3A_199 = vector.shape_cast %and3A_193 : vector<16xi32> to vector<1x16xi32>
    tpu.vector_store %arg7[%swap3A_195, %swap3A_196], %swap3A_199 {strides = array<i32>} : memref<2x128xi32, #tpu.memory_space<vmem>>, vector<1x16xi32>,
    %get3A_200 = arith.constant 1 : i32
    %get3A_201 = arith.index_cast %get3A_200 : i32 to index
    %get3A_202 = arith.constant 96 : index
    %get3A_203 = tpu.vector_load %arg6[%get3A_201, %get3A_202] {strides = array<i32>} : memref<79x128xi32, #tpu.memory_space<vmem>>, vector<1x16xi32>,
    %get3A_204 = vector.shape_cast %get3A_203 : vector<1x16xi32> to vector<16xi32>
    %and3A_205 = arith.constant 65535 : i32
    %and3A_206 = vector.broadcast %and3A_205 : i32 to vector<16xi32>
    %and3A_207 = arith.andi %get3A_204, %and3A_206 : vector<16xi32>
    %swap3A_208 = arith.constant 1 : i32
    %swap3A_209 = arith.index_cast %swap3A_208 : i32 to index
    %swap3A_210 = arith.constant 96 : index
    %swap3A_211 = tpu.vector_load %arg7[%swap3A_209, %swap3A_210] {strides = array<i32>} : memref<2x128xi32, #tpu.memory_space<vmem>>, vector<1x16xi32>,
    %swap3A_212 = vector.shape_cast %swap3A_211 : vector<1x16xi32> to vector<16xi32>
    %swap3A_213 = vector.shape_cast %and3A_207 : vector<16xi32> to vector<1x16xi32>
    tpu.vector_store %arg7[%swap3A_209, %swap3A_210], %swap3A_213 {strides = array<i32>} : memref<2x128xi32, #tpu.memory_space<vmem>>, vector<1x16xi32>,
    %get3A_214 = arith.constant 1 : i32
    %get3A_215 = arith.index_cast %get3A_214 : i32 to index
    %get3A_216 = arith.constant 112 : index
    %get3A_217 = tpu.vector_load %arg6[%get3A_215, %get3A_216] {strides = array<i32>} : memref<79x128xi32, #tpu.memory_space<vmem>>, vector<1x16xi32>,
    %get3A_218 = vector.shape_cast %get3A_217 : vector<1x16xi32> to vector<16xi32>
    %and3A_219 = arith.constant 65535 : i32
    %and3A_220 = vector.broadcast %and3A_219 : i32 to vector<16xi32>
    %and3A_221 = arith.andi %get3A_218, %and3A_220 : vector<16xi32>
    %swap3A_222 = arith.constant 1 : i32
    %swap3A_223 = arith.index_cast %swap3A_222 : i32 to index
    %swap3A_224 = arith.constant 112 : index
    %swap3A_225 = tpu.vector_load %arg7[%swap3A_223, %swap3A_224] {strides = array<i32>} : memref<2x128xi32, #tpu.memory_space<vmem>>, vector<1x16xi32>,
    %swap3A_226 = vector.shape_cast %swap3A_225 : vector<1x16xi32> to vector<16xi32>
    %swap3A_227 = vector.shape_cast %and3A_221 : vector<16xi32> to vector<1x16xi32>
    tpu.vector_store %arg7[%swap3A_223, %swap3A_224], %swap3A_227 {strides = array<i32>} : memref<2x128xi32, #tpu.memory_space<vmem>>, vector<1x16xi32>,
    %dma_start3A_228 = arith.constant 1 : i32
    %dma_start3A_229 = arith.constant 0 : i32
    %dma_start3A_230 = tpu.memref_slice %arg7[%dma_start3A_228, %dma_start3A_229] : memref<2x128xi32, #tpu.memory_space<vmem>> -> memref<1x128xi32, #tpu.memory_space<vmem>>
    %dma_start3A_231 = tpu.memref_squeeze %dma_start3A_230 : memref<1x128xi32, #tpu.memory_space<vmem>> -> memref<128xi32, #tpu.memory_space<vmem>>
    %dma_start3A_232 = arith.constant 0 : i32
    %dma_start3A_233 = arith.constant 0 : i32
    %dma_start3A_234 = tpu.memref_slice %arg2[%dma_start3A_232, %dma_start3A_233] : memref<10240x128xf32, #tpu.memory_space<hbm>> -> memref<10240x128xf32, #tpu.memory_space<hbm>>
    tpu.enqueue_indirect_dma source(%dma_start3A_234 : memref<10240x128xf32, #tpu.memory_space<hbm>>) target(%arg10 : memref<128x128xf32, #tpu.memory_space<vmem>>) offsets(%dma_start3A_231 : memref<128xi32, #tpu.memory_space<vmem>>) semaphore(%arg13 : memref<!tpu.dma_semaphore, #tpu.memory_space<semaphore_mem>>)
    %mul3A_235 = arith.constant 640 : i32
    %mul3A_236 = arith.muli %arg1, %mul3A_235 : i32
    %add3A_237 = arith.constant 0 : i32
    %add3A_238 = arith.addi %mul3A_236, %add3A_237 : i32
    "tpu.region"() ({
      %run_scoped3A_697 = tpu.sem_alloc : memref<!tpu.dma_semaphore, #tpu.memory_space<semaphore_mem>>
      %dma_start3A_698 = arith.constant 0 : i32
      %dma_start3A_699 = tpu.memref_slice %arg11[%add3A_238, %dma_start3A_698] : memref<10240x128xf32, #tpu.memory_space<vmem_shared>> -> memref<64x128xf32, #tpu.memory_space<vmem_shared>>
      tpu.enqueue_dma source(%arg4 : memref<64x128xf32, #tpu.memory_space<hbm>>) target(%dma_start3A_699 : memref<64x128xf32, #tpu.memory_space<vmem_shared>>) target_semaphore(%run_scoped3A_697 : memref<!tpu.dma_semaphore, #tpu.memory_space<semaphore_mem>>)
      %dma_wait3A_700 = arith.constant 0 : i32
      %dma_wait3A_701 = tpu.memref_slice %arg11[%add3A_238, %dma_wait3A_700] : memref<10240x128xf32, #tpu.memory_space<vmem_shared>> -> memref<64x128xf32, #tpu.memory_space<vmem_shared>>
      tpu.wait_dma2 semaphore(%run_scoped3A_697 : memref<!tpu.dma_semaphore, #tpu.memory_space<semaphore_mem>>) src(%arg4 : memref<64x128xf32, #tpu.memory_space<hbm>>) dst(%dma_wait3A_701 : memref<64x128xf32, #tpu.memory_space<vmem_shared>>)
      tpu.yield
    }) : () -> ()
    %mul3A_239 = arith.constant 640 : i32
    %mul3A_240 = arith.muli %arg1, %mul3A_239 : i32
    %add3A_241 = arith.constant 64 : i32
    %add3A_242 = arith.addi %mul3A_240, %add3A_241 : i32
    "tpu.region"() ({
      %run_scoped3A_697 = tpu.sem_alloc : memref<!tpu.dma_semaphore, #tpu.memory_space<semaphore_mem>>
      %dma_start3A_698 = arith.constant 0 : i32
      %dma_start3A_699 = tpu.memref_slice %arg11[%add3A_242, %dma_start3A_698] : memref<10240x128xf32, #tpu.memory_space<vmem_shared>> -> memref<64x128xf32, #tpu.memory_space<vmem_shared>>
      tpu.enqueue_dma source(%arg4 : memref<64x128xf32, #tpu.memory_space<hbm>>) target(%dma_start3A_699 : memref<64x128xf32, #tpu.memory_space<vmem_shared>>) target_semaphore(%run_scoped3A_697 : memref<!tpu.dma_semaphore, #tpu.memory_space<semaphore_mem>>)
      %dma_wait3A_700 = arith.constant 0 : i32
      %dma_wait3A_701 = tpu.memref_slice %arg11[%add3A_242, %dma_wait3A_700] : memref<10240x128xf32, #tpu.memory_space<vmem_shared>> -> memref<64x128xf32, #tpu.memory_space<vmem_shared>>
      tpu.wait_dma2 semaphore(%run_scoped3A_697 : memref<!tpu.dma_semaphore, #tpu.memory_space<semaphore_mem>>) src(%arg4 : memref<64x128xf32, #tpu.memory_space<hbm>>) dst(%dma_wait3A_701 : memref<64x128xf32, #tpu.memory_space<vmem_shared>>)
      tpu.yield
    }) : () -> ()
    %mul3A_243 = arith.constant 640 : i32
    %mul3A_244 = arith.muli %arg1, %mul3A_243 : i32
    %add3A_245 = arith.constant 128 : i32
    %add3A_246 = arith.addi %mul3A_244, %add3A_245 : i32
    "tpu.region"() ({
      %run_scoped3A_697 = tpu.sem_alloc : memref<!tpu.dma_semaphore, #tpu.memory_space<semaphore_mem>>
      %dma_start3A_698 = arith.constant 0 : i32
      %dma_start3A_699 = tpu.memref_slice %arg11[%add3A_246, %dma_start3A_698] : memref<10240x128xf32, #tpu.memory_space<vmem_shared>> -> memref<64x128xf32, #tpu.memory_space<vmem_shared>>
      tpu.enqueue_dma source(%arg4 : memref<64x128xf32, #tpu.memory_space<hbm>>) target(%dma_start3A_699 : memref<64x128xf32, #tpu.memory_space<vmem_shared>>) target_semaphore(%run_scoped3A_697 : memref<!tpu.dma_semaphore, #tpu.memory_space<semaphore_mem>>)
      %dma_wait3A_700 = arith.constant 0 : i32
      %dma_wait3A_701 = tpu.memref_slice %arg11[%add3A_246, %dma_wait3A_700] : memref<10240x128xf32, #tpu.memory_space<vmem_shared>> -> memref<64x128xf32, #tpu.memory_space<vmem_shared>>
      tpu.wait_dma2 semaphore(%run_scoped3A_697 : memref<!tpu.dma_semaphore, #tpu.memory_space<semaphore_mem>>) src(%arg4 : memref<64x128xf32, #tpu.memory_space<hbm>>) dst(%dma_wait3A_701 : memref<64x128xf32, #tpu.memory_space<vmem_shared>>)
      tpu.yield
    }) : () -> ()
    %mul3A_247 = arith.constant 640 : i32
    %mul3A_248 = arith.muli %arg1, %mul3A_247 : i32
    %add3A_249 = arith.constant 192 : i32
    %add3A_250 = arith.addi %mul3A_248, %add3A_249 : i32
    "tpu.region"() ({
      %run_scoped3A_697 = tpu.sem_alloc : memref<!tpu.dma_semaphore, #tpu.memory_space<semaphore_mem>>
      %dma_start3A_698 = arith.constant 0 : i32
      %dma_start3A_699 = tpu.memref_slice %arg11[%add3A_250, %dma_start3A_698] : memref<10240x128xf32, #tpu.memory_space<vmem_shared>> -> memref<64x128xf32, #tpu.memory_space<vmem_shared>>
      tpu.enqueue_dma source(%arg4 : memref<64x128xf32, #tpu.memory_space<hbm>>) target(%dma_start3A_699 : memref<64x128xf32, #tpu.memory_space<vmem_shared>>) target_semaphore(%run_scoped3A_697 : memref<!tpu.dma_semaphore, #tpu.memory_space<semaphore_mem>>)
      %dma_wait3A_700 = arith.constant 0 : i32
      %dma_wait3A_701 = tpu.memref_slice %arg11[%add3A_250, %dma_wait3A_700] : memref<10240x128xf32, #tpu.memory_space<vmem_shared>> -> memref<64x128xf32, #tpu.memory_space<vmem_shared>>
      tpu.wait_dma2 semaphore(%run_scoped3A_697 : memref<!tpu.dma_semaphore, #tpu.memory_space<semaphore_mem>>) src(%arg4 : memref<64x128xf32, #tpu.memory_space<hbm>>) dst(%dma_wait3A_701 : memref<64x128xf32, #tpu.memory_space<vmem_shared>>)
      tpu.yield
    }) : () -> ()
    %mul3A_251 = arith.constant 640 : i32
    %mul3A_252 = arith.muli %arg1, %mul3A_251 : i32
    %add3A_253 = arith.constant 256 : i32
    %add3A_254 = arith.addi %mul3A_252, %add3A_253 : i32
    "tpu.region"() ({
      %run_scoped3A_697 = tpu.sem_alloc : memref<!tpu.dma_semaphore, #tpu.memory_space<semaphore_mem>>
      %dma_start3A_698 = arith.constant 0 : i32
      %dma_start3A_699 = tpu.memref_slice %arg11[%add3A_254, %dma_start3A_698] : memref<10240x128xf32, #tpu.memory_space<vmem_shared>> -> memref<64x128xf32, #tpu.memory_space<vmem_shared>>
      tpu.enqueue_dma source(%arg4 : memref<64x128xf32, #tpu.memory_space<hbm>>) target(%dma_start3A_699 : memref<64x128xf32, #tpu.memory_space<vmem_shared>>) target_semaphore(%run_scoped3A_697 : memref<!tpu.dma_semaphore, #tpu.memory_space<semaphore_mem>>)
      %dma_wait3A_700 = arith.constant 0 : i32
      %dma_wait3A_701 = tpu.memref_slice %arg11[%add3A_254, %dma_wait3A_700] : memref<10240x128xf32, #tpu.memory_space<vmem_shared>> -> memref<64x128xf32, #tpu.memory_space<vmem_shared>>
      tpu.wait_dma2 semaphore(%run_scoped3A_697 : memref<!tpu.dma_semaphore, #tpu.memory_space<semaphore_mem>>) src(%arg4 : memref<64x128xf32, #tpu.memory_space<hbm>>) dst(%dma_wait3A_701 : memref<64x128xf32, #tpu.memory_space<vmem_shared>>)
      tpu.yield
    }) : () -> ()
    %mul3A_255 = arith.constant 640 : i32
    %mul3A_256 = arith.muli %arg1, %mul3A_255 : i32
    %add3A_257 = arith.constant 320 : i32
    %add3A_258 = arith.addi %mul3A_256, %add3A_257 : i32
    "tpu.region"() ({
      %run_scoped3A_697 = tpu.sem_alloc : memref<!tpu.dma_semaphore, #tpu.memory_space<semaphore_mem>>
      %dma_start3A_698 = arith.constant 0 : i32
      %dma_start3A_699 = tpu.memref_slice %arg11[%add3A_258, %dma_start3A_698] : memref<10240x128xf32, #tpu.memory_space<vmem_shared>> -> memref<64x128xf32, #tpu.memory_space<vmem_shared>>
      tpu.enqueue_dma source(%arg4 : memref<64x128xf32, #tpu.memory_space<hbm>>) target(%dma_start3A_699 : memref<64x128xf32, #tpu.memory_space<vmem_shared>>) target_semaphore(%run_scoped3A_697 : memref<!tpu.dma_semaphore, #tpu.memory_space<semaphore_mem>>)
      %dma_wait3A_700 = arith.constant 0 : i32
      %dma_wait3A_701 = tpu.memref_slice %arg11[%add3A_258, %dma_wait3A_700] : memref<10240x128xf32, #tpu.memory_space<vmem_shared>> -> memref<64x128xf32, #tpu.memory_space<vmem_shared>>
      tpu.wait_dma2 semaphore(%run_scoped3A_697 : memref<!tpu.dma_semaphore, #tpu.memory_space<semaphore_mem>>) src(%arg4 : memref<64x128xf32, #tpu.memory_space<hbm>>) dst(%dma_wait3A_701 : memref<64x128xf32, #tpu.memory_space<vmem_shared>>)
      tpu.yield
    }) : () -> ()
    %mul3A_259 = arith.constant 640 : i32
    %mul3A_260 = arith.muli %arg1, %mul3A_259 : i32
    %add3A_261 = arith.constant 384 : i32
    %add3A_262 = arith.addi %mul3A_260, %add3A_261 : i32
    "tpu.region"() ({
      %run_scoped3A_697 = tpu.sem_alloc : memref<!tpu.dma_semaphore, #tpu.memory_space<semaphore_mem>>
      %dma_start3A_698 = arith.constant 0 : i32
      %dma_start3A_699 = tpu.memref_slice %arg11[%add3A_262, %dma_start3A_698] : memref<10240x128xf32, #tpu.memory_space<vmem_shared>> -> memref<64x128xf32, #tpu.memory_space<vmem_shared>>
      tpu.enqueue_dma source(%arg4 : memref<64x128xf32, #tpu.memory_space<hbm>>) target(%dma_start3A_699 : memref<64x128xf32, #tpu.memory_space<vmem_shared>>) target_semaphore(%run_scoped3A_697 : memref<!tpu.dma_semaphore, #tpu.memory_space<semaphore_mem>>)
      %dma_wait3A_700 = arith.constant 0 : i32
      %dma_wait3A_701 = tpu.memref_slice %arg11[%add3A_262, %dma_wait3A_700] : memref<10240x128xf32, #tpu.memory_space<vmem_shared>> -> memref<64x128xf32, #tpu.memory_space<vmem_shared>>
      tpu.wait_dma2 semaphore(%run_scoped3A_697 : memref<!tpu.dma_semaphore, #tpu.memory_space<semaphore_mem>>) src(%arg4 : memref<64x128xf32, #tpu.memory_space<hbm>>) dst(%dma_wait3A_701 : memref<64x128xf32, #tpu.memory_space<vmem_shared>>)
      tpu.yield
    }) : () -> ()
    %mul3A_263 = arith.constant 640 : i32
    %mul3A_264 = arith.muli %arg1, %mul3A_263 : i32
    %add3A_265 = arith.constant 448 : i32
    %add3A_266 = arith.addi %mul3A_264, %add3A_265 : i32
    "tpu.region"() ({
      %run_scoped3A_697 = tpu.sem_alloc : memref<!tpu.dma_semaphore, #tpu.memory_space<semaphore_mem>>
      %dma_start3A_698 = arith.constant 0 : i32
      %dma_start3A_699 = tpu.memref_slice %arg11[%add3A_266, %dma_start3A_698] : memref<10240x128xf32, #tpu.memory_space<vmem_shared>> -> memref<64x128xf32, #tpu.memory_space<vmem_shared>>
      tpu.enqueue_dma source(%arg4 : memref<64x128xf32, #tpu.memory_space<hbm>>) target(%dma_start3A_699 : memref<64x128xf32, #tpu.memory_space<vmem_shared>>) target_semaphore(%run_scoped3A_697 : memref<!tpu.dma_semaphore, #tpu.memory_space<semaphore_mem>>)
      %dma_wait3A_700 = arith.constant 0 : i32
      %dma_wait3A_701 = tpu.memref_slice %arg11[%add3A_266, %dma_wait3A_700] : memref<10240x128xf32, #tpu.memory_space<vmem_shared>> -> memref<64x128xf32, #tpu.memory_space<vmem_shared>>
      tpu.wait_dma2 semaphore(%run_scoped3A_697 : memref<!tpu.dma_semaphore, #tpu.memory_space<semaphore_mem>>) src(%arg4 : memref<64x128xf32, #tpu.memory_space<hbm>>) dst(%dma_wait3A_701 : memref<64x128xf32, #tpu.memory_space<vmem_shared>>)
      tpu.yield
    }) : () -> ()
    %mul3A_267 = arith.constant 640 : i32
    %mul3A_268 = arith.muli %arg1, %mul3A_267 : i32
    %add3A_269 = arith.constant 512 : i32
    %add3A_270 = arith.addi %mul3A_268, %add3A_269 : i32
    "tpu.region"() ({
      %run_scoped3A_697 = tpu.sem_alloc : memref<!tpu.dma_semaphore, #tpu.memory_space<semaphore_mem>>
      %dma_start3A_698 = arith.constant 0 : i32
      %dma_start3A_699 = tpu.memref_slice %arg11[%add3A_270, %dma_start3A_698] : memref<10240x128xf32, #tpu.memory_space<vmem_shared>> -> memref<64x128xf32, #tpu.memory_space<vmem_shared>>
      tpu.enqueue_dma source(%arg4 : memref<64x128xf32, #tpu.memory_space<hbm>>) target(%dma_start3A_699 : memref<64x128xf32, #tpu.memory_space<vmem_shared>>) target_semaphore(%run_scoped3A_697 : memref<!tpu.dma_semaphore, #tpu.memory_space<semaphore_mem>>)
      %dma_wait3A_700 = arith.constant 0 : i32
      %dma_wait3A_701 = tpu.memref_slice %arg11[%add3A_270, %dma_wait3A_700] : memref<10240x128xf32, #tpu.memory_space<vmem_shared>> -> memref<64x128xf32, #tpu.memory_space<vmem_shared>>
      tpu.wait_dma2 semaphore(%run_scoped3A_697 : memref<!tpu.dma_semaphore, #tpu.memory_space<semaphore_mem>>) src(%arg4 : memref<64x128xf32, #tpu.memory_space<hbm>>) dst(%dma_wait3A_701 : memref<64x128xf32, #tpu.memory_space<vmem_shared>>)
      tpu.yield
    }) : () -> ()
    %mul3A_271 = arith.constant 640 : i32
    %mul3A_272 = arith.muli %arg1, %mul3A_271 : i32
    %add3A_273 = arith.constant 576 : i32
    %add3A_274 = arith.addi %mul3A_272, %add3A_273 : i32
    "tpu.region"() ({
      %run_scoped3A_697 = tpu.sem_alloc : memref<!tpu.dma_semaphore, #tpu.memory_space<semaphore_mem>>
      %dma_start3A_698 = arith.constant 0 : i32
      %dma_start3A_699 = tpu.memref_slice %arg11[%add3A_274, %dma_start3A_698] : memref<10240x128xf32, #tpu.memory_space<vmem_shared>> -> memref<64x128xf32, #tpu.memory_space<vmem_shared>>
      tpu.enqueue_dma source(%arg4 : memref<64x128xf32, #tpu.memory_space<hbm>>) target(%dma_start3A_699 : memref<64x128xf32, #tpu.memory_space<vmem_shared>>) target_semaphore(%run_scoped3A_697 : memref<!tpu.dma_semaphore, #tpu.memory_space<semaphore_mem>>)
      %dma_wait3A_700 = arith.constant 0 : i32
      %dma_wait3A_701 = tpu.memref_slice %arg11[%add3A_274, %dma_wait3A_700] : memref<10240x128xf32, #tpu.memory_space<vmem_shared>> -> memref<64x128xf32, #tpu.memory_space<vmem_shared>>
      tpu.wait_dma2 semaphore(%run_scoped3A_697 : memref<!tpu.dma_semaphore, #tpu.memory_space<semaphore_mem>>) src(%arg4 : memref<64x128xf32, #tpu.memory_space<hbm>>) dst(%dma_wait3A_701 : memref<64x128xf32, #tpu.memory_space<vmem_shared>>)
      tpu.yield
    }) : () -> ()
    %barrier3A = arith.constant 0 : index
    tpu.barrier barrier_id(%barrier3A)
    %scan3A = arith.constant 0 : i32
    %scan3A_275 = arith.constant 0 : i32
    %scan3A_276 = arith.constant 38 : i32
    %scan3A_277 = arith.addi %scan3A_275, %scan3A_276 : i32
    %scan3A_278 = arith.constant 1 : i32
    scf.for %scan3A_697 = %scan3A_275 to %scan3A_277 step %scan3A_278  : i32 {
      %mul3A_698 = arith.constant 2 : i32
      %mul3A_699 = arith.muli %mul3A_698, %scan3A_697 : i32
      %dma_wait3A_700 = arith.constant 0 : i32
      %dma_wait3A_701 = arith.constant 0 : i32
      %dma_wait3A_702 = tpu.memref_slice %arg7[%dma_wait3A_700, %dma_wait3A_701] : memref<2x128xi32, #tpu.memory_space<vmem>> -> memref<1x128xi32, #tpu.memory_space<vmem>>
      %dma_wait3A_703 = tpu.memref_squeeze %dma_wait3A_702 : memref<1x128xi32, #tpu.memory_space<vmem>> -> memref<128xi32, #tpu.memory_space<vmem>>
      %dma_wait3A_704 = arith.constant 0 : i32
      %dma_wait3A_705 = arith.constant 0 : i32
      %dma_wait3A_706 = tpu.memref_slice %arg2[%dma_wait3A_704, %dma_wait3A_705] : memref<10240x128xf32, #tpu.memory_space<hbm>> -> memref<10240x128xf32, #tpu.memory_space<hbm>>
      tpu.wait_indirect_dma semaphore(%arg12 : memref<!tpu.dma_semaphore, #tpu.memory_space<semaphore_mem>>) src(%dma_wait3A_706 : memref<10240x128xf32, #tpu.memory_space<hbm>>) dst(%arg9 : memref<128x128xf32, #tpu.memory_space<vmem>>)
      %get3A_707 = arith.index_cast %mul3A_699 : i32 to index
      %get3A_708 = arith.constant 0 : index
      %get3A_709 = tpu.vector_load %arg6[%get3A_707, %get3A_708] {strides = array<i32>} : memref<79x128xi32, #tpu.memory_space<vmem>>, vector<1x16xi32>,
      %get3A_710 = vector.shape_cast %get3A_709 : vector<1x16xi32> to vector<16xi32>
      %shift_right_logical3A_711 = arith.constant 16 : i32
      %shift_right_logical3A_712 = vector.broadcast %shift_right_logical3A_711 : i32 to vector<16xi32>
      %shift_right_logical3A_713 = arith.shrui %get3A_710, %shift_right_logical3A_712 : vector<16xi32>
      %swap3A_714 = arith.constant 0 : index
      %swap3A_715 = tpu.vector_load %arg8[%swap3A_714] {strides = array<i32>} : memref<128xi32, #tpu.memory_space<vmem>>, vector<16xi32>,
      %swap3A_716 = vector.shape_cast %swap3A_715 : vector<16xi32> to vector<16xi32>
      %swap3A_717 = vector.shape_cast %shift_right_logical3A_713 : vector<16xi32> to vector<16xi32>
      tpu.vector_store %arg8[%swap3A_714], %swap3A_717 {strides = array<i32>} : memref<128xi32, #tpu.memory_space<vmem>>, vector<16xi32>,
      %get3A_718 = arith.index_cast %mul3A_699 : i32 to index
      %get3A_719 = arith.constant 16 : index
      %get3A_720 = tpu.vector_load %arg6[%get3A_718, %get3A_719] {strides = array<i32>} : memref<79x128xi32, #tpu.memory_space<vmem>>, vector<1x16xi32>,
      %get3A_721 = vector.shape_cast %get3A_720 : vector<1x16xi32> to vector<16xi32>
      %shift_right_logical3A_722 = arith.constant 16 : i32
      %shift_right_logical3A_723 = vector.broadcast %shift_right_logical3A_722 : i32 to vector<16xi32>
      %shift_right_logical3A_724 = arith.shrui %get3A_721, %shift_right_logical3A_723 : vector<16xi32>
      %swap3A_725 = arith.constant 16 : index
      %swap3A_726 = tpu.vector_load %arg8[%swap3A_725] {strides = array<i32>} : memref<128xi32, #tpu.memory_space<vmem>>, vector<16xi32>,
      %swap3A_727 = vector.shape_cast %swap3A_726 : vector<16xi32> to vector<16xi32>
      %swap3A_728 = vector.shape_cast %shift_right_logical3A_724 : vector<16xi32> to vector<16xi32>
      tpu.vector_store %arg8[%swap3A_725], %swap3A_728 {strides = array<i32>} : memref<128xi32, #tpu.memory_space<vmem>>, vector<16xi32>,
      %get3A_729 = arith.index_cast %mul3A_699 : i32 to index
      %get3A_730 = arith.constant 32 : index
      %get3A_731 = tpu.vector_load %arg6[%get3A_729, %get3A_730] {strides = array<i32>} : memref<79x128xi32, #tpu.memory_space<vmem>>, vector<1x16xi32>,
      %get3A_732 = vector.shape_cast %get3A_731 : vector<1x16xi32> to vector<16xi32>
      %shift_right_logical3A_733 = arith.constant 16 : i32
      %shift_right_logical3A_734 = vector.broadcast %shift_right_logical3A_733 : i32 to vector<16xi32>
      %shift_right_logical3A_735 = arith.shrui %get3A_732, %shift_right_logical3A_734 : vector<16xi32>
      %swap3A_736 = arith.constant 32 : index
      %swap3A_737 = tpu.vector_load %arg8[%swap3A_736] {strides = array<i32>} : memref<128xi32, #tpu.memory_space<vmem>>, vector<16xi32>,
      %swap3A_738 = vector.shape_cast %swap3A_737 : vector<16xi32> to vector<16xi32>
      %swap3A_739 = vector.shape_cast %shift_right_logical3A_735 : vector<16xi32> to vector<16xi32>
      tpu.vector_store %arg8[%swap3A_736], %swap3A_739 {strides = array<i32>} : memref<128xi32, #tpu.memory_space<vmem>>, vector<16xi32>,
      %get3A_740 = arith.index_cast %mul3A_699 : i32 to index
      %get3A_741 = arith.constant 48 : index
      %get3A_742 = tpu.vector_load %arg6[%get3A_740, %get3A_741] {strides = array<i32>} : memref<79x128xi32, #tpu.memory_space<vmem>>, vector<1x16xi32>,
      %get3A_743 = vector.shape_cast %get3A_742 : vector<1x16xi32> to vector<16xi32>
      %shift_right_logical3A_744 = arith.constant 16 : i32
      %shift_right_logical3A_745 = vector.broadcast %shift_right_logical3A_744 : i32 to vector<16xi32>
      %shift_right_logical3A_746 = arith.shrui %get3A_743, %shift_right_logical3A_745 : vector<16xi32>
      %swap3A_747 = arith.constant 48 : index
      %swap3A_748 = tpu.vector_load %arg8[%swap3A_747] {strides = array<i32>} : memref<128xi32, #tpu.memory_space<vmem>>, vector<16xi32>,
      %swap3A_749 = vector.shape_cast %swap3A_748 : vector<16xi32> to vector<16xi32>
      %swap3A_750 = vector.shape_cast %shift_right_logical3A_746 : vector<16xi32> to vector<16xi32>
      tpu.vector_store %arg8[%swap3A_747], %swap3A_750 {strides = array<i32>} : memref<128xi32, #tpu.memory_space<vmem>>, vector<16xi32>,
      %get3A_751 = arith.index_cast %mul3A_699 : i32 to index
      %get3A_752 = arith.constant 64 : index
      %get3A_753 = tpu.vector_load %arg6[%get3A_751, %get3A_752] {strides = array<i32>} : memref<79x128xi32, #tpu.memory_space<vmem>>, vector<1x16xi32>,
      %get3A_754 = vector.shape_cast %get3A_753 : vector<1x16xi32> to vector<16xi32>
      %shift_right_logical3A_755 = arith.constant 16 : i32
      %shift_right_logical3A_756 = vector.broadcast %shift_right_logical3A_755 : i32 to vector<16xi32>
      %shift_right_logical3A_757 = arith.shrui %get3A_754, %shift_right_logical3A_756 : vector<16xi32>
      %swap3A_758 = arith.constant 64 : index
      %swap3A_759 = tpu.vector_load %arg8[%swap3A_758] {strides = array<i32>} : memref<128xi32, #tpu.memory_space<vmem>>, vector<16xi32>,
      %swap3A_760 = vector.shape_cast %swap3A_759 : vector<16xi32> to vector<16xi32>
      %swap3A_761 = vector.shape_cast %shift_right_logical3A_757 : vector<16xi32> to vector<16xi32>
      tpu.vector_store %arg8[%swap3A_758], %swap3A_761 {strides = array<i32>} : memref<128xi32, #tpu.memory_space<vmem>>, vector<16xi32>,
      %get3A_762 = arith.index_cast %mul3A_699 : i32 to index
      %get3A_763 = arith.constant 80 : index
      %get3A_764 = tpu.vector_load %arg6[%get3A_762, %get3A_763] {strides = array<i32>} : memref<79x128xi32, #tpu.memory_space<vmem>>, vector<1x16xi32>,
      %get3A_765 = vector.shape_cast %get3A_764 : vector<1x16xi32> to vector<16xi32>
      %shift_right_logical3A_766 = arith.constant 16 : i32
      %shift_right_logical3A_767 = vector.broadcast %shift_right_logical3A_766 : i32 to vector<16xi32>
      %shift_right_logical3A_768 = arith.shrui %get3A_765, %shift_right_logical3A_767 : vector<16xi32>
      %swap3A_769 = arith.constant 80 : index
      %swap3A_770 = tpu.vector_load %arg8[%swap3A_769] {strides = array<i32>} : memref<128xi32, #tpu.memory_space<vmem>>, vector<16xi32>,
      %swap3A_771 = vector.shape_cast %swap3A_770 : vector<16xi32> to vector<16xi32>
      %swap3A_772 = vector.shape_cast %shift_right_logical3A_768 : vector<16xi32> to vector<16xi32>
      tpu.vector_store %arg8[%swap3A_769], %swap3A_772 {strides = array<i32>} : memref<128xi32, #tpu.memory_space<vmem>>, vector<16xi32>,
      %get3A_773 = arith.index_cast %mul3A_699 : i32 to index
      %get3A_774 = arith.constant 96 : index
      %get3A_775 = tpu.vector_load %arg6[%get3A_773, %get3A_774] {strides = array<i32>} : memref<79x128xi32, #tpu.memory_space<vmem>>, vector<1x16xi32>,
      %get3A_776 = vector.shape_cast %get3A_775 : vector<1x16xi32> to vector<16xi32>
      %shift_right_logical3A_777 = arith.constant 16 : i32
      %shift_right_logical3A_778 = vector.broadcast %shift_right_logical3A_777 : i32 to vector<16xi32>
      %shift_right_logical3A_779 = arith.shrui %get3A_776, %shift_right_logical3A_778 : vector<16xi32>
      %swap3A_780 = arith.constant 96 : index
      %swap3A_781 = tpu.vector_load %arg8[%swap3A_780] {strides = array<i32>} : memref<128xi32, #tpu.memory_space<vmem>>, vector<16xi32>,
      %swap3A_782 = vector.shape_cast %swap3A_781 : vector<16xi32> to vector<16xi32>
      %swap3A_783 = vector.shape_cast %shift_right_logical3A_779 : vector<16xi32> to vector<16xi32>
      tpu.vector_store %arg8[%swap3A_780], %swap3A_783 {strides = array<i32>} : memref<128xi32, #tpu.memory_space<vmem>>, vector<16xi32>,
      %get3A_784 = arith.index_cast %mul3A_699 : i32 to index
      %get3A_785 = arith.constant 112 : index
      %get3A_786 = tpu.vector_load %arg6[%get3A_784, %get3A_785] {strides = array<i32>} : memref<79x128xi32, #tpu.memory_space<vmem>>, vector<1x16xi32>,
      %get3A_787 = vector.shape_cast %get3A_786 : vector<1x16xi32> to vector<16xi32>
      %shift_right_logical3A_788 = arith.constant 16 : i32
      %shift_right_logical3A_789 = vector.broadcast %shift_right_logical3A_788 : i32 to vector<16xi32>
      %shift_right_logical3A_790 = arith.shrui %get3A_787, %shift_right_logical3A_789 : vector<16xi32>
      %swap3A_791 = arith.constant 112 : index
      %swap3A_792 = tpu.vector_load %arg8[%swap3A_791] {strides = array<i32>} : memref<128xi32, #tpu.memory_space<vmem>>, vector<16xi32>,
      %swap3A_793 = vector.shape_cast %swap3A_792 : vector<16xi32> to vector<16xi32>
      %swap3A_794 = vector.shape_cast %shift_right_logical3A_790 : vector<16xi32> to vector<16xi32>
      tpu.vector_store %arg8[%swap3A_791], %swap3A_794 {strides = array<i32>} : memref<128xi32, #tpu.memory_space<vmem>>, vector<16xi32>,
      "tpu.region"() ({
        %run_scoped3A_1118 = tpu.sem_alloc : memref<!tpu.dma_semaphore, #tpu.memory_space<semaphore_mem>>
        %dma_start3A_1119 = arith.constant 0 : i32
        %dma_start3A_1120 = arith.constant 0 : i32
        %dma_start3A_1121 = tpu.memref_slice %arg11[%dma_start3A_1119, %dma_start3A_1120] : memref<10240x128xf32, #tpu.memory_space<vmem_shared>> -> memref<10240x128xf32, #tpu.memory_space<vmem_shared>>
        tpu.enqueue_indirect_dma source(%arg9 : memref<128x128xf32, #tpu.memory_space<vmem>>) target(%dma_start3A_1121 : memref<10240x128xf32, #tpu.memory_space<vmem_shared>>) offsets(%arg8 : memref<128xi32, #tpu.memory_space<vmem>>) semaphore(%run_scoped3A_1118 : memref<!tpu.dma_semaphore, #tpu.memory_space<semaphore_mem>>) {add = true}
        %dma_wait3A_1122 = arith.constant 0 : i32
        %dma_wait3A_1123 = arith.constant 0 : i32
        %dma_wait3A_1124 = tpu.memref_slice %arg11[%dma_wait3A_1122, %dma_wait3A_1123] : memref<10240x128xf32, #tpu.memory_space<vmem_shared>> -> memref<10240x128xf32, #tpu.memory_space<vmem_shared>>
        tpu.wait_indirect_dma semaphore(%run_scoped3A_1118 : memref<!tpu.dma_semaphore, #tpu.memory_space<semaphore_mem>>) src(%arg9 : memref<128x128xf32, #tpu.memory_space<vmem>>) dst(%dma_wait3A_1124 : memref<10240x128xf32, #tpu.memory_space<vmem_shared>>)
        tpu.yield
      }) : () -> ()
      %add3A_795 = arith.constant 2 : i32
      %add3A_796 = arith.addi %mul3A_699, %add3A_795 : i32
      %get3A_797 = arith.index_cast %add3A_796 : i32 to index
      %get3A_798 = arith.constant 0 : index
      %get3A_799 = tpu.vector_load %arg6[%get3A_797, %get3A_798] {strides = array<i32>} : memref<79x128xi32, #tpu.memory_space<vmem>>, vector<1x16xi32>,
      %get3A_800 = vector.shape_cast %get3A_799 : vector<1x16xi32> to vector<16xi32>
      %and3A_801 = arith.constant 65535 : i32
      %and3A_802 = vector.broadcast %and3A_801 : i32 to vector<16xi32>
      %and3A_803 = arith.andi %get3A_800, %and3A_802 : vector<16xi32>
      %swap3A_804 = arith.constant 0 : i32
      %swap3A_805 = arith.index_cast %swap3A_804 : i32 to index
      %swap3A_806 = arith.constant 0 : index
      %swap3A_807 = tpu.vector_load %arg7[%swap3A_805, %swap3A_806] {strides = array<i32>} : memref<2x128xi32, #tpu.memory_space<vmem>>, vector<1x16xi32>,
      %swap3A_808 = vector.shape_cast %swap3A_807 : vector<1x16xi32> to vector<16xi32>
      %swap3A_809 = vector.shape_cast %and3A_803 : vector<16xi32> to vector<1x16xi32>
      tpu.vector_store %arg7[%swap3A_805, %swap3A_806], %swap3A_809 {strides = array<i32>} : memref<2x128xi32, #tpu.memory_space<vmem>>, vector<1x16xi32>,
      %get3A_810 = arith.index_cast %add3A_796 : i32 to index
      %get3A_811 = arith.constant 16 : index
      %get3A_812 = tpu.vector_load %arg6[%get3A_810, %get3A_811] {strides = array<i32>} : memref<79x128xi32, #tpu.memory_space<vmem>>, vector<1x16xi32>,
      %get3A_813 = vector.shape_cast %get3A_812 : vector<1x16xi32> to vector<16xi32>
      %and3A_814 = arith.constant 65535 : i32
      %and3A_815 = vector.broadcast %and3A_814 : i32 to vector<16xi32>
      %and3A_816 = arith.andi %get3A_813, %and3A_815 : vector<16xi32>
      %swap3A_817 = arith.constant 0 : i32
      %swap3A_818 = arith.index_cast %swap3A_817 : i32 to index
      %swap3A_819 = arith.constant 16 : index
      %swap3A_820 = tpu.vector_load %arg7[%swap3A_818, %swap3A_819] {strides = array<i32>} : memref<2x128xi32, #tpu.memory_space<vmem>>, vector<1x16xi32>,
      %swap3A_821 = vector.shape_cast %swap3A_820 : vector<1x16xi32> to vector<16xi32>
      %swap3A_822 = vector.shape_cast %and3A_816 : vector<16xi32> to vector<1x16xi32>
      tpu.vector_store %arg7[%swap3A_818, %swap3A_819], %swap3A_822 {strides = array<i32>} : memref<2x128xi32, #tpu.memory_space<vmem>>, vector<1x16xi32>,
      %get3A_823 = arith.index_cast %add3A_796 : i32 to index
      %get3A_824 = arith.constant 32 : index
      %get3A_825 = tpu.vector_load %arg6[%get3A_823, %get3A_824] {strides = array<i32>} : memref<79x128xi32, #tpu.memory_space<vmem>>, vector<1x16xi32>,
      %get3A_826 = vector.shape_cast %get3A_825 : vector<1x16xi32> to vector<16xi32>
      %and3A_827 = arith.constant 65535 : i32
      %and3A_828 = vector.broadcast %and3A_827 : i32 to vector<16xi32>
      %and3A_829 = arith.andi %get3A_826, %and3A_828 : vector<16xi32>
      %swap3A_830 = arith.constant 0 : i32
      %swap3A_831 = arith.index_cast %swap3A_830 : i32 to index
      %swap3A_832 = arith.constant 32 : index
      %swap3A_833 = tpu.vector_load %arg7[%swap3A_831, %swap3A_832] {strides = array<i32>} : memref<2x128xi32, #tpu.memory_space<vmem>>, vector<1x16xi32>,
      %swap3A_834 = vector.shape_cast %swap3A_833 : vector<1x16xi32> to vector<16xi32>
      %swap3A_835 = vector.shape_cast %and3A_829 : vector<16xi32> to vector<1x16xi32>
      tpu.vector_store %arg7[%swap3A_831, %swap3A_832], %swap3A_835 {strides = array<i32>} : memref<2x128xi32, #tpu.memory_space<vmem>>, vector<1x16xi32>,
      %get3A_836 = arith.index_cast %add3A_796 : i32 to index
      %get3A_837 = arith.constant 48 : index
      %get3A_838 = tpu.vector_load %arg6[%get3A_836, %get3A_837] {strides = array<i32>} : memref<79x128xi32, #tpu.memory_space<vmem>>, vector<1x16xi32>,
      %get3A_839 = vector.shape_cast %get3A_838 : vector<1x16xi32> to vector<16xi32>
      %and3A_840 = arith.constant 65535 : i32
      %and3A_841 = vector.broadcast %and3A_840 : i32 to vector<16xi32>
      %and3A_842 = arith.andi %get3A_839, %and3A_841 : vector<16xi32>
      %swap3A_843 = arith.constant 0 : i32
      %swap3A_844 = arith.index_cast %swap3A_843 : i32 to index
      %swap3A_845 = arith.constant 48 : index
      %swap3A_846 = tpu.vector_load %arg7[%swap3A_844, %swap3A_845] {strides = array<i32>} : memref<2x128xi32, #tpu.memory_space<vmem>>, vector<1x16xi32>,
      %swap3A_847 = vector.shape_cast %swap3A_846 : vector<1x16xi32> to vector<16xi32>
      %swap3A_848 = vector.shape_cast %and3A_842 : vector<16xi32> to vector<1x16xi32>
      tpu.vector_store %arg7[%swap3A_844, %swap3A_845], %swap3A_848 {strides = array<i32>} : memref<2x128xi32, #tpu.memory_space<vmem>>, vector<1x16xi32>,
      %get3A_849 = arith.index_cast %add3A_796 : i32 to index
      %get3A_850 = arith.constant 64 : index
      %get3A_851 = tpu.vector_load %arg6[%get3A_849, %get3A_850] {strides = array<i32>} : memref<79x128xi32, #tpu.memory_space<vmem>>, vector<1x16xi32>,
      %get3A_852 = vector.shape_cast %get3A_851 : vector<1x16xi32> to vector<16xi32>
      %and3A_853 = arith.constant 65535 : i32
      %and3A_854 = vector.broadcast %and3A_853 : i32 to vector<16xi32>
      %and3A_855 = arith.andi %get3A_852, %and3A_854 : vector<16xi32>
      %swap3A_856 = arith.constant 0 : i32
      %swap3A_857 = arith.index_cast %swap3A_856 : i32 to index
      %swap3A_858 = arith.constant 64 : index
      %swap3A_859 = tpu.vector_load %arg7[%swap3A_857, %swap3A_858] {strides = array<i32>} : memref<2x128xi32, #tpu.memory_space<vmem>>, vector<1x16xi32>,
      %swap3A_860 = vector.shape_cast %swap3A_859 : vector<1x16xi32> to vector<16xi32>
      %swap3A_861 = vector.shape_cast %and3A_855 : vector<16xi32> to vector<1x16xi32>
      tpu.vector_store %arg7[%swap3A_857, %swap3A_858], %swap3A_861 {strides = array<i32>} : memref<2x128xi32, #tpu.memory_space<vmem>>, vector<1x16xi32>,
      %get3A_862 = arith.index_cast %add3A_796 : i32 to index
      %get3A_863 = arith.constant 80 : index
      %get3A_864 = tpu.vector_load %arg6[%get3A_862, %get3A_863] {strides = array<i32>} : memref<79x128xi32, #tpu.memory_space<vmem>>, vector<1x16xi32>,
      %get3A_865 = vector.shape_cast %get3A_864 : vector<1x16xi32> to vector<16xi32>
      %and3A_866 = arith.constant 65535 : i32
      %and3A_867 = vector.broadcast %and3A_866 : i32 to vector<16xi32>
      %and3A_868 = arith.andi %get3A_865, %and3A_867 : vector<16xi32>
      %swap3A_869 = arith.constant 0 : i32
      %swap3A_870 = arith.index_cast %swap3A_869 : i32 to index
      %swap3A_871 = arith.constant 80 : index
      %swap3A_872 = tpu.vector_load %arg7[%swap3A_870, %swap3A_871] {strides = array<i32>} : memref<2x128xi32, #tpu.memory_space<vmem>>, vector<1x16xi32>,
      %swap3A_873 = vector.shape_cast %swap3A_872 : vector<1x16xi32> to vector<16xi32>
      %swap3A_874 = vector.shape_cast %and3A_868 : vector<16xi32> to vector<1x16xi32>
      tpu.vector_store %arg7[%swap3A_870, %swap3A_871], %swap3A_874 {strides = array<i32>} : memref<2x128xi32, #tpu.memory_space<vmem>>, vector<1x16xi32>,
      %get3A_875 = arith.index_cast %add3A_796 : i32 to index
      %get3A_876 = arith.constant 96 : index
      %get3A_877 = tpu.vector_load %arg6[%get3A_875, %get3A_876] {strides = array<i32>} : memref<79x128xi32, #tpu.memory_space<vmem>>, vector<1x16xi32>,
      %get3A_878 = vector.shape_cast %get3A_877 : vector<1x16xi32> to vector<16xi32>
      %and3A_879 = arith.constant 65535 : i32
      %and3A_880 = vector.broadcast %and3A_879 : i32 to vector<16xi32>
      %and3A_881 = arith.andi %get3A_878, %and3A_880 : vector<16xi32>
      %swap3A_882 = arith.constant 0 : i32
      %swap3A_883 = arith.index_cast %swap3A_882 : i32 to index
      %swap3A_884 = arith.constant 96 : index
      %swap3A_885 = tpu.vector_load %arg7[%swap3A_883, %swap3A_884] {strides = array<i32>} : memref<2x128xi32, #tpu.memory_space<vmem>>, vector<1x16xi32>,
      %swap3A_886 = vector.shape_cast %swap3A_885 : vector<1x16xi32> to vector<16xi32>
      %swap3A_887 = vector.shape_cast %and3A_881 : vector<16xi32> to vector<1x16xi32>
      tpu.vector_store %arg7[%swap3A_883, %swap3A_884], %swap3A_887 {strides = array<i32>} : memref<2x128xi32, #tpu.memory_space<vmem>>, vector<1x16xi32>,
      %get3A_888 = arith.index_cast %add3A_796 : i32 to index
      %get3A_889 = arith.constant 112 : index
      %get3A_890 = tpu.vector_load %arg6[%get3A_888, %get3A_889] {strides = array<i32>} : memref<79x128xi32, #tpu.memory_space<vmem>>, vector<1x16xi32>,
      %get3A_891 = vector.shape_cast %get3A_890 : vector<1x16xi32> to vector<16xi32>
      %and3A_892 = arith.constant 65535 : i32
      %and3A_893 = vector.broadcast %and3A_892 : i32 to vector<16xi32>
      %and3A_894 = arith.andi %get3A_891, %and3A_893 : vector<16xi32>
      %swap3A_895 = arith.constant 0 : i32
      %swap3A_896 = arith.index_cast %swap3A_895 : i32 to index
      %swap3A_897 = arith.constant 112 : index
      %swap3A_898 = tpu.vector_load %arg7[%swap3A_896, %swap3A_897] {strides = array<i32>} : memref<2x128xi32, #tpu.memory_space<vmem>>, vector<1x16xi32>,
      %swap3A_899 = vector.shape_cast %swap3A_898 : vector<1x16xi32> to vector<16xi32>
      %swap3A_900 = vector.shape_cast %and3A_894 : vector<16xi32> to vector<1x16xi32>
      tpu.vector_store %arg7[%swap3A_896, %swap3A_897], %swap3A_900 {strides = array<i32>} : memref<2x128xi32, #tpu.memory_space<vmem>>, vector<1x16xi32>,
      %dma_start3A_901 = arith.constant 0 : i32
      %dma_start3A_902 = arith.constant 0 : i32
      %dma_start3A_903 = tpu.memref_slice %arg7[%dma_start3A_901, %dma_start3A_902] : memref<2x128xi32, #tpu.memory_space<vmem>> -> memref<1x128xi32, #tpu.memory_space<vmem>>
      %dma_start3A_904 = tpu.memref_squeeze %dma_start3A_903 : memref<1x128xi32, #tpu.memory_space<vmem>> -> memref<128xi32, #tpu.memory_space<vmem>>
      %dma_start3A_905 = arith.constant 0 : i32
      %dma_start3A_906 = arith.constant 0 : i32
      %dma_start3A_907 = tpu.memref_slice %arg2[%dma_start3A_905, %dma_start3A_906] : memref<10240x128xf32, #tpu.memory_space<hbm>> -> memref<10240x128xf32, #tpu.memory_space<hbm>>
      tpu.enqueue_indirect_dma source(%dma_start3A_907 : memref<10240x128xf32, #tpu.memory_space<hbm>>) target(%arg9 : memref<128x128xf32, #tpu.memory_space<vmem>>) offsets(%dma_start3A_904 : memref<128xi32, #tpu.memory_space<vmem>>) semaphore(%arg12 : memref<!tpu.dma_semaphore, #tpu.memory_space<semaphore_mem>>)
      %add3A_908 = arith.constant 1 : i32
      %add3A_909 = arith.addi %mul3A_699, %add3A_908 : i32
      %dma_wait3A_910 = arith.constant 1 : i32
      %dma_wait3A_911 = arith.constant 0 : i32
      %dma_wait3A_912 = tpu.memref_slice %arg7[%dma_wait3A_910, %dma_wait3A_911] : memref<2x128xi32, #tpu.memory_space<vmem>> -> memref<1x128xi32, #tpu.memory_space<vmem>>
      %dma_wait3A_913 = tpu.memref_squeeze %dma_wait3A_912 : memref<1x128xi32, #tpu.memory_space<vmem>> -> memref<128xi32, #tpu.memory_space<vmem>>
      %dma_wait3A_914 = arith.constant 0 : i32
      %dma_wait3A_915 = arith.constant 0 : i32
      %dma_wait3A_916 = tpu.memref_slice %arg2[%dma_wait3A_914, %dma_wait3A_915] : memref<10240x128xf32, #tpu.memory_space<hbm>> -> memref<10240x128xf32, #tpu.memory_space<hbm>>
      tpu.wait_indirect_dma semaphore(%arg13 : memref<!tpu.dma_semaphore, #tpu.memory_space<semaphore_mem>>) src(%dma_wait3A_916 : memref<10240x128xf32, #tpu.memory_space<hbm>>) dst(%arg10 : memref<128x128xf32, #tpu.memory_space<vmem>>)
      %get3A_917 = arith.index_cast %add3A_909 : i32 to index
      %get3A_918 = arith.constant 0 : index
      %get3A_919 = tpu.vector_load %arg6[%get3A_917, %get3A_918] {strides = array<i32>} : memref<79x128xi32, #tpu.memory_space<vmem>>, vector<1x16xi32>,
      %get3A_920 = vector.shape_cast %get3A_919 : vector<1x16xi32> to vector<16xi32>
      %shift_right_logical3A_921 = arith.constant 16 : i32
      %shift_right_logical3A_922 = vector.broadcast %shift_right_logical3A_921 : i32 to vector<16xi32>
      %shift_right_logical3A_923 = arith.shrui %get3A_920, %shift_right_logical3A_922 : vector<16xi32>
      %swap3A_924 = arith.constant 0 : index
      %swap3A_925 = tpu.vector_load %arg8[%swap3A_924] {strides = array<i32>} : memref<128xi32, #tpu.memory_space<vmem>>, vector<16xi32>,
      %swap3A_926 = vector.shape_cast %swap3A_925 : vector<16xi32> to vector<16xi32>
      %swap3A_927 = vector.shape_cast %shift_right_logical3A_923 : vector<16xi32> to vector<16xi32>
      tpu.vector_store %arg8[%swap3A_924], %swap3A_927 {strides = array<i32>} : memref<128xi32, #tpu.memory_space<vmem>>, vector<16xi32>,
      %get3A_928 = arith.index_cast %add3A_909 : i32 to index
      %get3A_929 = arith.constant 16 : index
      %get3A_930 = tpu.vector_load %arg6[%get3A_928, %get3A_929] {strides = array<i32>} : memref<79x128xi32, #tpu.memory_space<vmem>>, vector<1x16xi32>,
      %get3A_931 = vector.shape_cast %get3A_930 : vector<1x16xi32> to vector<16xi32>
      %shift_right_logical3A_932 = arith.constant 16 : i32
      %shift_right_logical3A_933 = vector.broadcast %shift_right_logical3A_932 : i32 to vector<16xi32>
      %shift_right_logical3A_934 = arith.shrui %get3A_931, %shift_right_logical3A_933 : vector<16xi32>
      %swap3A_935 = arith.constant 16 : index
      %swap3A_936 = tpu.vector_load %arg8[%swap3A_935] {strides = array<i32>} : memref<128xi32, #tpu.memory_space<vmem>>, vector<16xi32>,
      %swap3A_937 = vector.shape_cast %swap3A_936 : vector<16xi32> to vector<16xi32>
      %swap3A_938 = vector.shape_cast %shift_right_logical3A_934 : vector<16xi32> to vector<16xi32>
      tpu.vector_store %arg8[%swap3A_935], %swap3A_938 {strides = array<i32>} : memref<128xi32, #tpu.memory_space<vmem>>, vector<16xi32>,
      %get3A_939 = arith.index_cast %add3A_909 : i32 to index
      %get3A_940 = arith.constant 32 : index
      %get3A_941 = tpu.vector_load %arg6[%get3A_939, %get3A_940] {strides = array<i32>} : memref<79x128xi32, #tpu.memory_space<vmem>>, vector<1x16xi32>,
      %get3A_942 = vector.shape_cast %get3A_941 : vector<1x16xi32> to vector<16xi32>
      %shift_right_logical3A_943 = arith.constant 16 : i32
      %shift_right_logical3A_944 = vector.broadcast %shift_right_logical3A_943 : i32 to vector<16xi32>
      %shift_right_logical3A_945 = arith.shrui %get3A_942, %shift_right_logical3A_944 : vector<16xi32>
      %swap3A_946 = arith.constant 32 : index
      %swap3A_947 = tpu.vector_load %arg8[%swap3A_946] {strides = array<i32>} : memref<128xi32, #tpu.memory_space<vmem>>, vector<16xi32>,
      %swap3A_948 = vector.shape_cast %swap3A_947 : vector<16xi32> to vector<16xi32>
      %swap3A_949 = vector.shape_cast %shift_right_logical3A_945 : vector<16xi32> to vector<16xi32>
      tpu.vector_store %arg8[%swap3A_946], %swap3A_949 {strides = array<i32>} : memref<128xi32, #tpu.memory_space<vmem>>, vector<16xi32>,
      %get3A_950 = arith.index_cast %add3A_909 : i32 to index
      %get3A_951 = arith.constant 48 : index
      %get3A_952 = tpu.vector_load %arg6[%get3A_950, %get3A_951] {strides = array<i32>} : memref<79x128xi32, #tpu.memory_space<vmem>>, vector<1x16xi32>,
      %get3A_953 = vector.shape_cast %get3A_952 : vector<1x16xi32> to vector<16xi32>
      %shift_right_logical3A_954 = arith.constant 16 : i32
      %shift_right_logical3A_955 = vector.broadcast %shift_right_logical3A_954 : i32 to vector<16xi32>
      %shift_right_logical3A_956 = arith.shrui %get3A_953, %shift_right_logical3A_955 : vector<16xi32>
      %swap3A_957 = arith.constant 48 : index
      %swap3A_958 = tpu.vector_load %arg8[%swap3A_957] {strides = array<i32>} : memref<128xi32, #tpu.memory_space<vmem>>, vector<16xi32>,
      %swap3A_959 = vector.shape_cast %swap3A_958 : vector<16xi32> to vector<16xi32>
      %swap3A_960 = vector.shape_cast %shift_right_logical3A_956 : vector<16xi32> to vector<16xi32>
      tpu.vector_store %arg8[%swap3A_957], %swap3A_960 {strides = array<i32>} : memref<128xi32, #tpu.memory_space<vmem>>, vector<16xi32>,
      %get3A_961 = arith.index_cast %add3A_909 : i32 to index
      %get3A_962 = arith.constant 64 : index
      %get3A_963 = tpu.vector_load %arg6[%get3A_961, %get3A_962] {strides = array<i32>} : memref<79x128xi32, #tpu.memory_space<vmem>>, vector<1x16xi32>,
      %get3A_964 = vector.shape_cast %get3A_963 : vector<1x16xi32> to vector<16xi32>
      %shift_right_logical3A_965 = arith.constant 16 : i32
      %shift_right_logical3A_966 = vector.broadcast %shift_right_logical3A_965 : i32 to vector<16xi32>
      %shift_right_logical3A_967 = arith.shrui %get3A_964, %shift_right_logical3A_966 : vector<16xi32>
      %swap3A_968 = arith.constant 64 : index
      %swap3A_969 = tpu.vector_load %arg8[%swap3A_968] {strides = array<i32>} : memref<128xi32, #tpu.memory_space<vmem>>, vector<16xi32>,
      %swap3A_970 = vector.shape_cast %swap3A_969 : vector<16xi32> to vector<16xi32>
      %swap3A_971 = vector.shape_cast %shift_right_logical3A_967 : vector<16xi32> to vector<16xi32>
      tpu.vector_store %arg8[%swap3A_968], %swap3A_971 {strides = array<i32>} : memref<128xi32, #tpu.memory_space<vmem>>, vector<16xi32>,
      %get3A_972 = arith.index_cast %add3A_909 : i32 to index
      %get3A_973 = arith.constant 80 : index
      %get3A_974 = tpu.vector_load %arg6[%get3A_972, %get3A_973] {strides = array<i32>} : memref<79x128xi32, #tpu.memory_space<vmem>>, vector<1x16xi32>,
      %get3A_975 = vector.shape_cast %get3A_974 : vector<1x16xi32> to vector<16xi32>
      %shift_right_logical3A_976 = arith.constant 16 : i32
      %shift_right_logical3A_977 = vector.broadcast %shift_right_logical3A_976 : i32 to vector<16xi32>
      %shift_right_logical3A_978 = arith.shrui %get3A_975, %shift_right_logical3A_977 : vector<16xi32>
      %swap3A_979 = arith.constant 80 : index
      %swap3A_980 = tpu.vector_load %arg8[%swap3A_979] {strides = array<i32>} : memref<128xi32, #tpu.memory_space<vmem>>, vector<16xi32>,
      %swap3A_981 = vector.shape_cast %swap3A_980 : vector<16xi32> to vector<16xi32>
      %swap3A_982 = vector.shape_cast %shift_right_logical3A_978 : vector<16xi32> to vector<16xi32>
      tpu.vector_store %arg8[%swap3A_979], %swap3A_982 {strides = array<i32>} : memref<128xi32, #tpu.memory_space<vmem>>, vector<16xi32>,
      %get3A_983 = arith.index_cast %add3A_909 : i32 to index
      %get3A_984 = arith.constant 96 : index
      %get3A_985 = tpu.vector_load %arg6[%get3A_983, %get3A_984] {strides = array<i32>} : memref<79x128xi32, #tpu.memory_space<vmem>>, vector<1x16xi32>,
      %get3A_986 = vector.shape_cast %get3A_985 : vector<1x16xi32> to vector<16xi32>
      %shift_right_logical3A_987 = arith.constant 16 : i32
      %shift_right_logical3A_988 = vector.broadcast %shift_right_logical3A_987 : i32 to vector<16xi32>
      %shift_right_logical3A_989 = arith.shrui %get3A_986, %shift_right_logical3A_988 : vector<16xi32>
      %swap3A_990 = arith.constant 96 : index
      %swap3A_991 = tpu.vector_load %arg8[%swap3A_990] {strides = array<i32>} : memref<128xi32, #tpu.memory_space<vmem>>, vector<16xi32>,
      %swap3A_992 = vector.shape_cast %swap3A_991 : vector<16xi32> to vector<16xi32>
      %swap3A_993 = vector.shape_cast %shift_right_logical3A_989 : vector<16xi32> to vector<16xi32>
      tpu.vector_store %arg8[%swap3A_990], %swap3A_993 {strides = array<i32>} : memref<128xi32, #tpu.memory_space<vmem>>, vector<16xi32>,
      %get3A_994 = arith.index_cast %add3A_909 : i32 to index
      %get3A_995 = arith.constant 112 : index
      %get3A_996 = tpu.vector_load %arg6[%get3A_994, %get3A_995] {strides = array<i32>} : memref<79x128xi32, #tpu.memory_space<vmem>>, vector<1x16xi32>,
      %get3A_997 = vector.shape_cast %get3A_996 : vector<1x16xi32> to vector<16xi32>
      %shift_right_logical3A_998 = arith.constant 16 : i32
      %shift_right_logical3A_999 = vector.broadcast %shift_right_logical3A_998 : i32 to vector<16xi32>
      %shift_right_logical3A_1000 = arith.shrui %get3A_997, %shift_right_logical3A_999 : vector<16xi32>
      %swap3A_1001 = arith.constant 112 : index
      %swap3A_1002 = tpu.vector_load %arg8[%swap3A_1001] {strides = array<i32>} : memref<128xi32, #tpu.memory_space<vmem>>, vector<16xi32>,
      %swap3A_1003 = vector.shape_cast %swap3A_1002 : vector<16xi32> to vector<16xi32>
      %swap3A_1004 = vector.shape_cast %shift_right_logical3A_1000 : vector<16xi32> to vector<16xi32>
      tpu.vector_store %arg8[%swap3A_1001], %swap3A_1004 {strides = array<i32>} : memref<128xi32, #tpu.memory_space<vmem>>, vector<16xi32>,
      "tpu.region"() ({
        %run_scoped3A_1118 = tpu.sem_alloc : memref<!tpu.dma_semaphore, #tpu.memory_space<semaphore_mem>>
        %dma_start3A_1119 = arith.constant 0 : i32
        %dma_start3A_1120 = arith.constant 0 : i32
        %dma_start3A_1121 = tpu.memref_slice %arg11[%dma_start3A_1119, %dma_start3A_1120] : memref<10240x128xf32, #tpu.memory_space<vmem_shared>> -> memref<10240x128xf32, #tpu.memory_space<vmem_shared>>
        tpu.enqueue_indirect_dma source(%arg10 : memref<128x128xf32, #tpu.memory_space<vmem>>) target(%dma_start3A_1121 : memref<10240x128xf32, #tpu.memory_space<vmem_shared>>) offsets(%arg8 : memref<128xi32, #tpu.memory_space<vmem>>) semaphore(%run_scoped3A_1118 : memref<!tpu.dma_semaphore, #tpu.memory_space<semaphore_mem>>) {add = true}
        %dma_wait3A_1122 = arith.constant 0 : i32
        %dma_wait3A_1123 = arith.constant 0 : i32
        %dma_wait3A_1124 = tpu.memref_slice %arg11[%dma_wait3A_1122, %dma_wait3A_1123] : memref<10240x128xf32, #tpu.memory_space<vmem_shared>> -> memref<10240x128xf32, #tpu.memory_space<vmem_shared>>
        tpu.wait_indirect_dma semaphore(%run_scoped3A_1118 : memref<!tpu.dma_semaphore, #tpu.memory_space<semaphore_mem>>) src(%arg10 : memref<128x128xf32, #tpu.memory_space<vmem>>) dst(%dma_wait3A_1124 : memref<10240x128xf32, #tpu.memory_space<vmem_shared>>)
        tpu.yield
      }) : () -> ()
      %add3A_1005 = arith.constant 2 : i32
      %add3A_1006 = arith.addi %add3A_909, %add3A_1005 : i32
      %get3A_1007 = arith.index_cast %add3A_1006 : i32 to index
      %get3A_1008 = arith.constant 0 : index
      %get3A_1009 = tpu.vector_load %arg6[%get3A_1007, %get3A_1008] {strides = array<i32>} : memref<79x128xi32, #tpu.memory_space<vmem>>, vector<1x16xi32>,
      %get3A_1010 = vector.shape_cast %get3A_1009 : vector<1x16xi32> to vector<16xi32>
      %and3A_1011 = arith.constant 65535 : i32
      %and3A_1012 = vector.broadcast %and3A_1011 : i32 to vector<16xi32>
      %and3A_1013 = arith.andi %get3A_1010, %and3A_1012 : vector<16xi32>
      %swap3A_1014 = arith.constant 1 : i32
      %swap3A_1015 = arith.index_cast %swap3A_1014 : i32 to index
      %swap3A_1016 = arith.constant 0 : index
      %swap3A_1017 = tpu.vector_load %arg7[%swap3A_1015, %swap3A_1016] {strides = array<i32>} : memref<2x128xi32, #tpu.memory_space<vmem>>, vector<1x16xi32>,
      %swap3A_1018 = vector.shape_cast %swap3A_1017 : vector<1x16xi32> to vector<16xi32>
      %swap3A_1019 = vector.shape_cast %and3A_1013 : vector<16xi32> to vector<1x16xi32>
      tpu.vector_store %arg7[%swap3A_1015, %swap3A_1016], %swap3A_1019 {strides = array<i32>} : memref<2x128xi32, #tpu.memory_space<vmem>>, vector<1x16xi32>,
      %get3A_1020 = arith.index_cast %add3A_1006 : i32 to index
      %get3A_1021 = arith.constant 16 : index
      %get3A_1022 = tpu.vector_load %arg6[%get3A_1020, %get3A_1021] {strides = array<i32>} : memref<79x128xi32, #tpu.memory_space<vmem>>, vector<1x16xi32>,
      %get3A_1023 = vector.shape_cast %get3A_1022 : vector<1x16xi32> to vector<16xi32>
      %and3A_1024 = arith.constant 65535 : i32
      %and3A_1025 = vector.broadcast %and3A_1024 : i32 to vector<16xi32>
      %and3A_1026 = arith.andi %get3A_1023, %and3A_1025 : vector<16xi32>
      %swap3A_1027 = arith.constant 1 : i32
      %swap3A_1028 = arith.index_cast %swap3A_1027 : i32 to index
      %swap3A_1029 = arith.constant 16 : index
      %swap3A_1030 = tpu.vector_load %arg7[%swap3A_1028, %swap3A_1029] {strides = array<i32>} : memref<2x128xi32, #tpu.memory_space<vmem>>, vector<1x16xi32>,
      %swap3A_1031 = vector.shape_cast %swap3A_1030 : vector<1x16xi32> to vector<16xi32>
      %swap3A_1032 = vector.shape_cast %and3A_1026 : vector<16xi32> to vector<1x16xi32>
      tpu.vector_store %arg7[%swap3A_1028, %swap3A_1029], %swap3A_1032 {strides = array<i32>} : memref<2x128xi32, #tpu.memory_space<vmem>>, vector<1x16xi32>,
      %get3A_1033 = arith.index_cast %add3A_1006 : i32 to index
      %get3A_1034 = arith.constant 32 : index
      %get3A_1035 = tpu.vector_load %arg6[%get3A_1033, %get3A_1034] {strides = array<i32>} : memref<79x128xi32, #tpu.memory_space<vmem>>, vector<1x16xi32>,
      %get3A_1036 = vector.shape_cast %get3A_1035 : vector<1x16xi32> to vector<16xi32>
      %and3A_1037 = arith.constant 65535 : i32
      %and3A_1038 = vector.broadcast %and3A_1037 : i32 to vector<16xi32>
      %and3A_1039 = arith.andi %get3A_1036, %and3A_1038 : vector<16xi32>
      %swap3A_1040 = arith.constant 1 : i32
      %swap3A_1041 = arith.index_cast %swap3A_1040 : i32 to index
      %swap3A_1042 = arith.constant 32 : index
      %swap3A_1043 = tpu.vector_load %arg7[%swap3A_1041, %swap3A_1042] {strides = array<i32>} : memref<2x128xi32, #tpu.memory_space<vmem>>, vector<1x16xi32>,
      %swap3A_1044 = vector.shape_cast %swap3A_1043 : vector<1x16xi32> to vector<16xi32>
      %swap3A_1045 = vector.shape_cast %and3A_1039 : vector<16xi32> to vector<1x16xi32>
      tpu.vector_store %arg7[%swap3A_1041, %swap3A_1042], %swap3A_1045 {strides = array<i32>} : memref<2x128xi32, #tpu.memory_space<vmem>>, vector<1x16xi32>,
      %get3A_1046 = arith.index_cast %add3A_1006 : i32 to index
      %get3A_1047 = arith.constant 48 : index
      %get3A_1048 = tpu.vector_load %arg6[%get3A_1046, %get3A_1047] {strides = array<i32>} : memref<79x128xi32, #tpu.memory_space<vmem>>, vector<1x16xi32>,
      %get3A_1049 = vector.shape_cast %get3A_1048 : vector<1x16xi32> to vector<16xi32>
      %and3A_1050 = arith.constant 65535 : i32
      %and3A_1051 = vector.broadcast %and3A_1050 : i32 to vector<16xi32>
      %and3A_1052 = arith.andi %get3A_1049, %and3A_1051 : vector<16xi32>
      %swap3A_1053 = arith.constant 1 : i32
      %swap3A_1054 = arith.index_cast %swap3A_1053 : i32 to index
      %swap3A_1055 = arith.constant 48 : index
      %swap3A_1056 = tpu.vector_load %arg7[%swap3A_1054, %swap3A_1055] {strides = array<i32>} : memref<2x128xi32, #tpu.memory_space<vmem>>, vector<1x16xi32>,
      %swap3A_1057 = vector.shape_cast %swap3A_1056 : vector<1x16xi32> to vector<16xi32>
      %swap3A_1058 = vector.shape_cast %and3A_1052 : vector<16xi32> to vector<1x16xi32>
      tpu.vector_store %arg7[%swap3A_1054, %swap3A_1055], %swap3A_1058 {strides = array<i32>} : memref<2x128xi32, #tpu.memory_space<vmem>>, vector<1x16xi32>,
      %get3A_1059 = arith.index_cast %add3A_1006 : i32 to index
      %get3A_1060 = arith.constant 64 : index
      %get3A_1061 = tpu.vector_load %arg6[%get3A_1059, %get3A_1060] {strides = array<i32>} : memref<79x128xi32, #tpu.memory_space<vmem>>, vector<1x16xi32>,
      %get3A_1062 = vector.shape_cast %get3A_1061 : vector<1x16xi32> to vector<16xi32>
      %and3A_1063 = arith.constant 65535 : i32
      %and3A_1064 = vector.broadcast %and3A_1063 : i32 to vector<16xi32>
      %and3A_1065 = arith.andi %get3A_1062, %and3A_1064 : vector<16xi32>
      %swap3A_1066 = arith.constant 1 : i32
      %swap3A_1067 = arith.index_cast %swap3A_1066 : i32 to index
      %swap3A_1068 = arith.constant 64 : index
      %swap3A_1069 = tpu.vector_load %arg7[%swap3A_1067, %swap3A_1068] {strides = array<i32>} : memref<2x128xi32, #tpu.memory_space<vmem>>, vector<1x16xi32>,
      %swap3A_1070 = vector.shape_cast %swap3A_1069 : vector<1x16xi32> to vector<16xi32>
      %swap3A_1071 = vector.shape_cast %and3A_1065 : vector<16xi32> to vector<1x16xi32>
      tpu.vector_store %arg7[%swap3A_1067, %swap3A_1068], %swap3A_1071 {strides = array<i32>} : memref<2x128xi32, #tpu.memory_space<vmem>>, vector<1x16xi32>,
      %get3A_1072 = arith.index_cast %add3A_1006 : i32 to index
      %get3A_1073 = arith.constant 80 : index
      %get3A_1074 = tpu.vector_load %arg6[%get3A_1072, %get3A_1073] {strides = array<i32>} : memref<79x128xi32, #tpu.memory_space<vmem>>, vector<1x16xi32>,
      %get3A_1075 = vector.shape_cast %get3A_1074 : vector<1x16xi32> to vector<16xi32>
      %and3A_1076 = arith.constant 65535 : i32
      %and3A_1077 = vector.broadcast %and3A_1076 : i32 to vector<16xi32>
      %and3A_1078 = arith.andi %get3A_1075, %and3A_1077 : vector<16xi32>
      %swap3A_1079 = arith.constant 1 : i32
      %swap3A_1080 = arith.index_cast %swap3A_1079 : i32 to index
      %swap3A_1081 = arith.constant 80 : index
      %swap3A_1082 = tpu.vector_load %arg7[%swap3A_1080, %swap3A_1081] {strides = array<i32>} : memref<2x128xi32, #tpu.memory_space<vmem>>, vector<1x16xi32>,
      %swap3A_1083 = vector.shape_cast %swap3A_1082 : vector<1x16xi32> to vector<16xi32>
      %swap3A_1084 = vector.shape_cast %and3A_1078 : vector<16xi32> to vector<1x16xi32>
      tpu.vector_store %arg7[%swap3A_1080, %swap3A_1081], %swap3A_1084 {strides = array<i32>} : memref<2x128xi32, #tpu.memory_space<vmem>>, vector<1x16xi32>,
      %get3A_1085 = arith.index_cast %add3A_1006 : i32 to index
      %get3A_1086 = arith.constant 96 : index
      %get3A_1087 = tpu.vector_load %arg6[%get3A_1085, %get3A_1086] {strides = array<i32>} : memref<79x128xi32, #tpu.memory_space<vmem>>, vector<1x16xi32>,
      %get3A_1088 = vector.shape_cast %get3A_1087 : vector<1x16xi32> to vector<16xi32>
      %and3A_1089 = arith.constant 65535 : i32
      %and3A_1090 = vector.broadcast %and3A_1089 : i32 to vector<16xi32>
      %and3A_1091 = arith.andi %get3A_1088, %and3A_1090 : vector<16xi32>
      %swap3A_1092 = arith.constant 1 : i32
      %swap3A_1093 = arith.index_cast %swap3A_1092 : i32 to index
      %swap3A_1094 = arith.constant 96 : index
      %swap3A_1095 = tpu.vector_load %arg7[%swap3A_1093, %swap3A_1094] {strides = array<i32>} : memref<2x128xi32, #tpu.memory_space<vmem>>, vector<1x16xi32>,
      %swap3A_1096 = vector.shape_cast %swap3A_1095 : vector<1x16xi32> to vector<16xi32>
      %swap3A_1097 = vector.shape_cast %and3A_1091 : vector<16xi32> to vector<1x16xi32>
      tpu.vector_store %arg7[%swap3A_1093, %swap3A_1094], %swap3A_1097 {strides = array<i32>} : memref<2x128xi32, #tpu.memory_space<vmem>>, vector<1x16xi32>,
      %get3A_1098 = arith.index_cast %add3A_1006 : i32 to index
      %get3A_1099 = arith.constant 112 : index
      %get3A_1100 = tpu.vector_load %arg6[%get3A_1098, %get3A_1099] {strides = array<i32>} : memref<79x128xi32, #tpu.memory_space<vmem>>, vector<1x16xi32>,
      %get3A_1101 = vector.shape_cast %get3A_1100 : vector<1x16xi32> to vector<16xi32>
      %and3A_1102 = arith.constant 65535 : i32
      %and3A_1103 = vector.broadcast %and3A_1102 : i32 to vector<16xi32>
      %and3A_1104 = arith.andi %get3A_1101, %and3A_1103 : vector<16xi32>
      %swap3A_1105 = arith.constant 1 : i32
      %swap3A_1106 = arith.index_cast %swap3A_1105 : i32 to index
      %swap3A_1107 = arith.constant 112 : index
      %swap3A_1108 = tpu.vector_load %arg7[%swap3A_1106, %swap3A_1107] {strides = array<i32>} : memref<2x128xi32, #tpu.memory_space<vmem>>, vector<1x16xi32>,
      %swap3A_1109 = vector.shape_cast %swap3A_1108 : vector<1x16xi32> to vector<16xi32>
      %swap3A_1110 = vector.shape_cast %and3A_1104 : vector<16xi32> to vector<1x16xi32>
      tpu.vector_store %arg7[%swap3A_1106, %swap3A_1107], %swap3A_1110 {strides = array<i32>} : memref<2x128xi32, #tpu.memory_space<vmem>>, vector<1x16xi32>,
      %dma_start3A_1111 = arith.constant 1 : i32
      %dma_start3A_1112 = arith.constant 0 : i32
      %dma_start3A_1113 = tpu.memref_slice %arg7[%dma_start3A_1111, %dma_start3A_1112] : memref<2x128xi32, #tpu.memory_space<vmem>> -> memref<1x128xi32, #tpu.memory_space<vmem>>
      %dma_start3A_1114 = tpu.memref_squeeze %dma_start3A_1113 : memref<1x128xi32, #tpu.memory_space<vmem>> -> memref<128xi32, #tpu.memory_space<vmem>>
      %dma_start3A_1115 = arith.constant 0 : i32
      %dma_start3A_1116 = arith.constant 0 : i32
      %dma_start3A_1117 = tpu.memref_slice %arg2[%dma_start3A_1115, %dma_start3A_1116] : memref<10240x128xf32, #tpu.memory_space<hbm>> -> memref<10240x128xf32, #tpu.memory_space<hbm>>
      tpu.enqueue_indirect_dma source(%dma_start3A_1117 : memref<10240x128xf32, #tpu.memory_space<hbm>>) target(%arg10 : memref<128x128xf32, #tpu.memory_space<vmem>>) offsets(%dma_start3A_1114 : memref<128xi32, #tpu.memory_space<vmem>>) semaphore(%arg13 : memref<!tpu.dma_semaphore, #tpu.memory_space<semaphore_mem>>)
    }
    %scan3A_279 = arith.constant 38 : i32
    %dma_wait3A = arith.constant 0 : i32
    %dma_wait3A_280 = arith.constant 0 : i32
    %dma_wait3A_281 = tpu.memref_slice %arg7[%dma_wait3A, %dma_wait3A_280] : memref<2x128xi32, #tpu.memory_space<vmem>> -> memref<1x128xi32, #tpu.memory_space<vmem>>
    %dma_wait3A_282 = tpu.memref_squeeze %dma_wait3A_281 : memref<1x128xi32, #tpu.memory_space<vmem>> -> memref<128xi32, #tpu.memory_space<vmem>>
    %dma_wait3A_283 = arith.constant 0 : i32
    %dma_wait3A_284 = arith.constant 0 : i32
    %dma_wait3A_285 = tpu.memref_slice %arg2[%dma_wait3A_283, %dma_wait3A_284] : memref<10240x128xf32, #tpu.memory_space<hbm>> -> memref<10240x128xf32, #tpu.memory_space<hbm>>
    tpu.wait_indirect_dma semaphore(%arg12 : memref<!tpu.dma_semaphore, #tpu.memory_space<semaphore_mem>>) src(%dma_wait3A_285 : memref<10240x128xf32, #tpu.memory_space<hbm>>) dst(%arg9 : memref<128x128xf32, #tpu.memory_space<vmem>>)
    %get3A_286 = arith.constant 76 : i32
    %get3A_287 = arith.index_cast %get3A_286 : i32 to index
    %get3A_288 = arith.constant 0 : index
    %get3A_289 = tpu.vector_load %arg6[%get3A_287, %get3A_288] {strides = array<i32>} : memref<79x128xi32, #tpu.memory_space<vmem>>, vector<1x16xi32>,
    %get3A_290 = vector.shape_cast %get3A_289 : vector<1x16xi32> to vector<16xi32>
    %shift_right_logical3A = arith.constant 16 : i32
    %shift_right_logical3A_291 = vector.broadcast %shift_right_logical3A : i32 to vector<16xi32>
    %shift_right_logical3A_292 = arith.shrui %get3A_290, %shift_right_logical3A_291 : vector<16xi32>
    %swap3A_293 = arith.constant 0 : index
    %swap3A_294 = tpu.vector_load %arg8[%swap3A_293] {strides = array<i32>} : memref<128xi32, #tpu.memory_space<vmem>>, vector<16xi32>,
    %swap3A_295 = vector.shape_cast %swap3A_294 : vector<16xi32> to vector<16xi32>
    %swap3A_296 = vector.shape_cast %shift_right_logical3A_292 : vector<16xi32> to vector<16xi32>
    tpu.vector_store %arg8[%swap3A_293], %swap3A_296 {strides = array<i32>} : memref<128xi32, #tpu.memory_space<vmem>>, vector<16xi32>,
    %get3A_297 = arith.constant 76 : i32
    %get3A_298 = arith.index_cast %get3A_297 : i32 to index
    %get3A_299 = arith.constant 16 : index
    %get3A_300 = tpu.vector_load %arg6[%get3A_298, %get3A_299] {strides = array<i32>} : memref<79x128xi32, #tpu.memory_space<vmem>>, vector<1x16xi32>,
    %get3A_301 = vector.shape_cast %get3A_300 : vector<1x16xi32> to vector<16xi32>
    %shift_right_logical3A_302 = arith.constant 16 : i32
    %shift_right_logical3A_303 = vector.broadcast %shift_right_logical3A_302 : i32 to vector<16xi32>
    %shift_right_logical3A_304 = arith.shrui %get3A_301, %shift_right_logical3A_303 : vector<16xi32>
    %swap3A_305 = arith.constant 16 : index
    %swap3A_306 = tpu.vector_load %arg8[%swap3A_305] {strides = array<i32>} : memref<128xi32, #tpu.memory_space<vmem>>, vector<16xi32>,
    %swap3A_307 = vector.shape_cast %swap3A_306 : vector<16xi32> to vector<16xi32>
    %swap3A_308 = vector.shape_cast %shift_right_logical3A_304 : vector<16xi32> to vector<16xi32>
    tpu.vector_store %arg8[%swap3A_305], %swap3A_308 {strides = array<i32>} : memref<128xi32, #tpu.memory_space<vmem>>, vector<16xi32>,
    %get3A_309 = arith.constant 76 : i32
    %get3A_310 = arith.index_cast %get3A_309 : i32 to index
    %get3A_311 = arith.constant 32 : index
    %get3A_312 = tpu.vector_load %arg6[%get3A_310, %get3A_311] {strides = array<i32>} : memref<79x128xi32, #tpu.memory_space<vmem>>, vector<1x16xi32>,
    %get3A_313 = vector.shape_cast %get3A_312 : vector<1x16xi32> to vector<16xi32>
    %shift_right_logical3A_314 = arith.constant 16 : i32
    %shift_right_logical3A_315 = vector.broadcast %shift_right_logical3A_314 : i32 to vector<16xi32>
    %shift_right_logical3A_316 = arith.shrui %get3A_313, %shift_right_logical3A_315 : vector<16xi32>
    %swap3A_317 = arith.constant 32 : index
    %swap3A_318 = tpu.vector_load %arg8[%swap3A_317] {strides = array<i32>} : memref<128xi32, #tpu.memory_space<vmem>>, vector<16xi32>,
    %swap3A_319 = vector.shape_cast %swap3A_318 : vector<16xi32> to vector<16xi32>
    %swap3A_320 = vector.shape_cast %shift_right_logical3A_316 : vector<16xi32> to vector<16xi32>
    tpu.vector_store %arg8[%swap3A_317], %swap3A_320 {strides = array<i32>} : memref<128xi32, #tpu.memory_space<vmem>>, vector<16xi32>,
    %get3A_321 = arith.constant 76 : i32
    %get3A_322 = arith.index_cast %get3A_321 : i32 to index
    %get3A_323 = arith.constant 48 : index
    %get3A_324 = tpu.vector_load %arg6[%get3A_322, %get3A_323] {strides = array<i32>} : memref<79x128xi32, #tpu.memory_space<vmem>>, vector<1x16xi32>,
    %get3A_325 = vector.shape_cast %get3A_324 : vector<1x16xi32> to vector<16xi32>
    %shift_right_logical3A_326 = arith.constant 16 : i32
    %shift_right_logical3A_327 = vector.broadcast %shift_right_logical3A_326 : i32 to vector<16xi32>
    %shift_right_logical3A_328 = arith.shrui %get3A_325, %shift_right_logical3A_327 : vector<16xi32>
    %swap3A_329 = arith.constant 48 : index
    %swap3A_330 = tpu.vector_load %arg8[%swap3A_329] {strides = array<i32>} : memref<128xi32, #tpu.memory_space<vmem>>, vector<16xi32>,
    %swap3A_331 = vector.shape_cast %swap3A_330 : vector<16xi32> to vector<16xi32>
    %swap3A_332 = vector.shape_cast %shift_right_logical3A_328 : vector<16xi32> to vector<16xi32>
    tpu.vector_store %arg8[%swap3A_329], %swap3A_332 {strides = array<i32>} : memref<128xi32, #tpu.memory_space<vmem>>, vector<16xi32>,
    %get3A_333 = arith.constant 76 : i32
    %get3A_334 = arith.index_cast %get3A_333 : i32 to index
    %get3A_335 = arith.constant 64 : index
    %get3A_336 = tpu.vector_load %arg6[%get3A_334, %get3A_335] {strides = array<i32>} : memref<79x128xi32, #tpu.memory_space<vmem>>, vector<1x16xi32>,
    %get3A_337 = vector.shape_cast %get3A_336 : vector<1x16xi32> to vector<16xi32>
    %shift_right_logical3A_338 = arith.constant 16 : i32
    %shift_right_logical3A_339 = vector.broadcast %shift_right_logical3A_338 : i32 to vector<16xi32>
    %shift_right_logical3A_340 = arith.shrui %get3A_337, %shift_right_logical3A_339 : vector<16xi32>
    %swap3A_341 = arith.constant 64 : index
    %swap3A_342 = tpu.vector_load %arg8[%swap3A_341] {strides = array<i32>} : memref<128xi32, #tpu.memory_space<vmem>>, vector<16xi32>,
    %swap3A_343 = vector.shape_cast %swap3A_342 : vector<16xi32> to vector<16xi32>
    %swap3A_344 = vector.shape_cast %shift_right_logical3A_340 : vector<16xi32> to vector<16xi32>
    tpu.vector_store %arg8[%swap3A_341], %swap3A_344 {strides = array<i32>} : memref<128xi32, #tpu.memory_space<vmem>>, vector<16xi32>,
    %get3A_345 = arith.constant 76 : i32
    %get3A_346 = arith.index_cast %get3A_345 : i32 to index
    %get3A_347 = arith.constant 80 : index
    %get3A_348 = tpu.vector_load %arg6[%get3A_346, %get3A_347] {strides = array<i32>} : memref<79x128xi32, #tpu.memory_space<vmem>>, vector<1x16xi32>,
    %get3A_349 = vector.shape_cast %get3A_348 : vector<1x16xi32> to vector<16xi32>
    %shift_right_logical3A_350 = arith.constant 16 : i32
    %shift_right_logical3A_351 = vector.broadcast %shift_right_logical3A_350 : i32 to vector<16xi32>
    %shift_right_logical3A_352 = arith.shrui %get3A_349, %shift_right_logical3A_351 : vector<16xi32>
    %swap3A_353 = arith.constant 80 : index
    %swap3A_354 = tpu.vector_load %arg8[%swap3A_353] {strides = array<i32>} : memref<128xi32, #tpu.memory_space<vmem>>, vector<16xi32>,
    %swap3A_355 = vector.shape_cast %swap3A_354 : vector<16xi32> to vector<16xi32>
    %swap3A_356 = vector.shape_cast %shift_right_logical3A_352 : vector<16xi32> to vector<16xi32>
    tpu.vector_store %arg8[%swap3A_353], %swap3A_356 {strides = array<i32>} : memref<128xi32, #tpu.memory_space<vmem>>, vector<16xi32>,
    %get3A_357 = arith.constant 76 : i32
    %get3A_358 = arith.index_cast %get3A_357 : i32 to index
    %get3A_359 = arith.constant 96 : index
    %get3A_360 = tpu.vector_load %arg6[%get3A_358, %get3A_359] {strides = array<i32>} : memref<79x128xi32, #tpu.memory_space<vmem>>, vector<1x16xi32>,
    %get3A_361 = vector.shape_cast %get3A_360 : vector<1x16xi32> to vector<16xi32>
    %shift_right_logical3A_362 = arith.constant 16 : i32
    %shift_right_logical3A_363 = vector.broadcast %shift_right_logical3A_362 : i32 to vector<16xi32>
    %shift_right_logical3A_364 = arith.shrui %get3A_361, %shift_right_logical3A_363 : vector<16xi32>
    %swap3A_365 = arith.constant 96 : index
    %swap3A_366 = tpu.vector_load %arg8[%swap3A_365] {strides = array<i32>} : memref<128xi32, #tpu.memory_space<vmem>>, vector<16xi32>,
    %swap3A_367 = vector.shape_cast %swap3A_366 : vector<16xi32> to vector<16xi32>
    %swap3A_368 = vector.shape_cast %shift_right_logical3A_364 : vector<16xi32> to vector<16xi32>
    tpu.vector_store %arg8[%swap3A_365], %swap3A_368 {strides = array<i32>} : memref<128xi32, #tpu.memory_space<vmem>>, vector<16xi32>,
    %get3A_369 = arith.constant 76 : i32
    %get3A_370 = arith.index_cast %get3A_369 : i32 to index
    %get3A_371 = arith.constant 112 : index
    %get3A_372 = tpu.vector_load %arg6[%get3A_370, %get3A_371] {strides = array<i32>} : memref<79x128xi32, #tpu.memory_space<vmem>>, vector<1x16xi32>,
    %get3A_373 = vector.shape_cast %get3A_372 : vector<1x16xi32> to vector<16xi32>
    %shift_right_logical3A_374 = arith.constant 16 : i32
    %shift_right_logical3A_375 = vector.broadcast %shift_right_logical3A_374 : i32 to vector<16xi32>
    %shift_right_logical3A_376 = arith.shrui %get3A_373, %shift_right_logical3A_375 : vector<16xi32>
    %swap3A_377 = arith.constant 112 : index
    %swap3A_378 = tpu.vector_load %arg8[%swap3A_377] {strides = array<i32>} : memref<128xi32, #tpu.memory_space<vmem>>, vector<16xi32>,
    %swap3A_379 = vector.shape_cast %swap3A_378 : vector<16xi32> to vector<16xi32>
    %swap3A_380 = vector.shape_cast %shift_right_logical3A_376 : vector<16xi32> to vector<16xi32>
    tpu.vector_store %arg8[%swap3A_377], %swap3A_380 {strides = array<i32>} : memref<128xi32, #tpu.memory_space<vmem>>, vector<16xi32>,
    "tpu.region"() ({
      %run_scoped3A_697 = tpu.sem_alloc : memref<!tpu.dma_semaphore, #tpu.memory_space<semaphore_mem>>
      %dma_start3A_698 = arith.constant 0 : i32
      %dma_start3A_699 = arith.constant 0 : i32
      %dma_start3A_700 = tpu.memref_slice %arg11[%dma_start3A_698, %dma_start3A_699] : memref<10240x128xf32, #tpu.memory_space<vmem_shared>> -> memref<10240x128xf32, #tpu.memory_space<vmem_shared>>
      tpu.enqueue_indirect_dma source(%arg9 : memref<128x128xf32, #tpu.memory_space<vmem>>) target(%dma_start3A_700 : memref<10240x128xf32, #tpu.memory_space<vmem_shared>>) offsets(%arg8 : memref<128xi32, #tpu.memory_space<vmem>>) semaphore(%run_scoped3A_697 : memref<!tpu.dma_semaphore, #tpu.memory_space<semaphore_mem>>) {add = true}
      %dma_wait3A_701 = arith.constant 0 : i32
      %dma_wait3A_702 = arith.constant 0 : i32
      %dma_wait3A_703 = tpu.memref_slice %arg11[%dma_wait3A_701, %dma_wait3A_702] : memref<10240x128xf32, #tpu.memory_space<vmem_shared>> -> memref<10240x128xf32, #tpu.memory_space<vmem_shared>>
      tpu.wait_indirect_dma semaphore(%run_scoped3A_697 : memref<!tpu.dma_semaphore, #tpu.memory_space<semaphore_mem>>) src(%arg9 : memref<128x128xf32, #tpu.memory_space<vmem>>) dst(%dma_wait3A_703 : memref<10240x128xf32, #tpu.memory_space<vmem_shared>>)
      tpu.yield
    }) : () -> ()
    %dma_wait3A_381 = arith.constant 1 : i32
    %dma_wait3A_382 = arith.constant 0 : i32
    %dma_wait3A_383 = tpu.memref_slice %arg7[%dma_wait3A_381, %dma_wait3A_382] : memref<2x128xi32, #tpu.memory_space<vmem>> -> memref<1x128xi32, #tpu.memory_space<vmem>>
    %dma_wait3A_384 = tpu.memref_squeeze %dma_wait3A_383 : memref<1x128xi32, #tpu.memory_space<vmem>> -> memref<128xi32, #tpu.memory_space<vmem>>
    %dma_wait3A_385 = arith.constant 0 : i32
    %dma_wait3A_386 = arith.constant 0 : i32
    %dma_wait3A_387 = tpu.memref_slice %arg2[%dma_wait3A_385, %dma_wait3A_386] : memref<10240x128xf32, #tpu.memory_space<hbm>> -> memref<10240x128xf32, #tpu.memory_space<hbm>>
    tpu.wait_indirect_dma semaphore(%arg13 : memref<!tpu.dma_semaphore, #tpu.memory_space<semaphore_mem>>) src(%dma_wait3A_387 : memref<10240x128xf32, #tpu.memory_space<hbm>>) dst(%arg10 : memref<128x128xf32, #tpu.memory_space<vmem>>)
    %get3A_388 = arith.constant 77 : i32
    %get3A_389 = arith.index_cast %get3A_388 : i32 to index
    %get3A_390 = arith.constant 0 : index
    %get3A_391 = tpu.vector_load %arg6[%get3A_389, %get3A_390] {strides = array<i32>} : memref<79x128xi32, #tpu.memory_space<vmem>>, vector<1x16xi32>,
    %get3A_392 = vector.shape_cast %get3A_391 : vector<1x16xi32> to vector<16xi32>
    %shift_right_logical3A_393 = arith.constant 16 : i32
    %shift_right_logical3A_394 = vector.broadcast %shift_right_logical3A_393 : i32 to vector<16xi32>
    %shift_right_logical3A_395 = arith.shrui %get3A_392, %shift_right_logical3A_394 : vector<16xi32>
    %swap3A_396 = arith.constant 0 : index
    %swap3A_397 = tpu.vector_load %arg8[%swap3A_396] {strides = array<i32>} : memref<128xi32, #tpu.memory_space<vmem>>, vector<16xi32>,
    %swap3A_398 = vector.shape_cast %swap3A_397 : vector<16xi32> to vector<16xi32>
    %swap3A_399 = vector.shape_cast %shift_right_logical3A_395 : vector<16xi32> to vector<16xi32>
    tpu.vector_store %arg8[%swap3A_396], %swap3A_399 {strides = array<i32>} : memref<128xi32, #tpu.memory_space<vmem>>, vector<16xi32>,
    %get3A_400 = arith.constant 77 : i32
    %get3A_401 = arith.index_cast %get3A_400 : i32 to index
    %get3A_402 = arith.constant 16 : index
    %get3A_403 = tpu.vector_load %arg6[%get3A_401, %get3A_402] {strides = array<i32>} : memref<79x128xi32, #tpu.memory_space<vmem>>, vector<1x16xi32>,
    %get3A_404 = vector.shape_cast %get3A_403 : vector<1x16xi32> to vector<16xi32>
    %shift_right_logical3A_405 = arith.constant 16 : i32
    %shift_right_logical3A_406 = vector.broadcast %shift_right_logical3A_405 : i32 to vector<16xi32>
    %shift_right_logical3A_407 = arith.shrui %get3A_404, %shift_right_logical3A_406 : vector<16xi32>
    %swap3A_408 = arith.constant 16 : index
    %swap3A_409 = tpu.vector_load %arg8[%swap3A_408] {strides = array<i32>} : memref<128xi32, #tpu.memory_space<vmem>>, vector<16xi32>,
    %swap3A_410 = vector.shape_cast %swap3A_409 : vector<16xi32> to vector<16xi32>
    %swap3A_411 = vector.shape_cast %shift_right_logical3A_407 : vector<16xi32> to vector<16xi32>
    tpu.vector_store %arg8[%swap3A_408], %swap3A_411 {strides = array<i32>} : memref<128xi32, #tpu.memory_space<vmem>>, vector<16xi32>,
    %get3A_412 = arith.constant 77 : i32
    %get3A_413 = arith.index_cast %get3A_412 : i32 to index
    %get3A_414 = arith.constant 32 : index
    %get3A_415 = tpu.vector_load %arg6[%get3A_413, %get3A_414] {strides = array<i32>} : memref<79x128xi32, #tpu.memory_space<vmem>>, vector<1x16xi32>,
    %get3A_416 = vector.shape_cast %get3A_415 : vector<1x16xi32> to vector<16xi32>
    %shift_right_logical3A_417 = arith.constant 16 : i32
    %shift_right_logical3A_418 = vector.broadcast %shift_right_logical3A_417 : i32 to vector<16xi32>
    %shift_right_logical3A_419 = arith.shrui %get3A_416, %shift_right_logical3A_418 : vector<16xi32>
    %swap3A_420 = arith.constant 32 : index
    %swap3A_421 = tpu.vector_load %arg8[%swap3A_420] {strides = array<i32>} : memref<128xi32, #tpu.memory_space<vmem>>, vector<16xi32>,
    %swap3A_422 = vector.shape_cast %swap3A_421 : vector<16xi32> to vector<16xi32>
    %swap3A_423 = vector.shape_cast %shift_right_logical3A_419 : vector<16xi32> to vector<16xi32>
    tpu.vector_store %arg8[%swap3A_420], %swap3A_423 {strides = array<i32>} : memref<128xi32, #tpu.memory_space<vmem>>, vector<16xi32>,
    %get3A_424 = arith.constant 77 : i32
    %get3A_425 = arith.index_cast %get3A_424 : i32 to index
    %get3A_426 = arith.constant 48 : index
    %get3A_427 = tpu.vector_load %arg6[%get3A_425, %get3A_426] {strides = array<i32>} : memref<79x128xi32, #tpu.memory_space<vmem>>, vector<1x16xi32>,
    %get3A_428 = vector.shape_cast %get3A_427 : vector<1x16xi32> to vector<16xi32>
    %shift_right_logical3A_429 = arith.constant 16 : i32
    %shift_right_logical3A_430 = vector.broadcast %shift_right_logical3A_429 : i32 to vector<16xi32>
    %shift_right_logical3A_431 = arith.shrui %get3A_428, %shift_right_logical3A_430 : vector<16xi32>
    %swap3A_432 = arith.constant 48 : index
    %swap3A_433 = tpu.vector_load %arg8[%swap3A_432] {strides = array<i32>} : memref<128xi32, #tpu.memory_space<vmem>>, vector<16xi32>,
    %swap3A_434 = vector.shape_cast %swap3A_433 : vector<16xi32> to vector<16xi32>
    %swap3A_435 = vector.shape_cast %shift_right_logical3A_431 : vector<16xi32> to vector<16xi32>
    tpu.vector_store %arg8[%swap3A_432], %swap3A_435 {strides = array<i32>} : memref<128xi32, #tpu.memory_space<vmem>>, vector<16xi32>,
    %get3A_436 = arith.constant 77 : i32
    %get3A_437 = arith.index_cast %get3A_436 : i32 to index
    %get3A_438 = arith.constant 64 : index
    %get3A_439 = tpu.vector_load %arg6[%get3A_437, %get3A_438] {strides = array<i32>} : memref<79x128xi32, #tpu.memory_space<vmem>>, vector<1x16xi32>,
    %get3A_440 = vector.shape_cast %get3A_439 : vector<1x16xi32> to vector<16xi32>
    %shift_right_logical3A_441 = arith.constant 16 : i32
    %shift_right_logical3A_442 = vector.broadcast %shift_right_logical3A_441 : i32 to vector<16xi32>
    %shift_right_logical3A_443 = arith.shrui %get3A_440, %shift_right_logical3A_442 : vector<16xi32>
    %swap3A_444 = arith.constant 64 : index
    %swap3A_445 = tpu.vector_load %arg8[%swap3A_444] {strides = array<i32>} : memref<128xi32, #tpu.memory_space<vmem>>, vector<16xi32>,
    %swap3A_446 = vector.shape_cast %swap3A_445 : vector<16xi32> to vector<16xi32>
    %swap3A_447 = vector.shape_cast %shift_right_logical3A_443 : vector<16xi32> to vector<16xi32>
    tpu.vector_store %arg8[%swap3A_444], %swap3A_447 {strides = array<i32>} : memref<128xi32, #tpu.memory_space<vmem>>, vector<16xi32>,
    %get3A_448 = arith.constant 77 : i32
    %get3A_449 = arith.index_cast %get3A_448 : i32 to index
    %get3A_450 = arith.constant 80 : index
    %get3A_451 = tpu.vector_load %arg6[%get3A_449, %get3A_450] {strides = array<i32>} : memref<79x128xi32, #tpu.memory_space<vmem>>, vector<1x16xi32>,
    %get3A_452 = vector.shape_cast %get3A_451 : vector<1x16xi32> to vector<16xi32>
    %shift_right_logical3A_453 = arith.constant 16 : i32
    %shift_right_logical3A_454 = vector.broadcast %shift_right_logical3A_453 : i32 to vector<16xi32>
    %shift_right_logical3A_455 = arith.shrui %get3A_452, %shift_right_logical3A_454 : vector<16xi32>
    %swap3A_456 = arith.constant 80 : index
    %swap3A_457 = tpu.vector_load %arg8[%swap3A_456] {strides = array<i32>} : memref<128xi32, #tpu.memory_space<vmem>>, vector<16xi32>,
    %swap3A_458 = vector.shape_cast %swap3A_457 : vector<16xi32> to vector<16xi32>
    %swap3A_459 = vector.shape_cast %shift_right_logical3A_455 : vector<16xi32> to vector<16xi32>
    tpu.vector_store %arg8[%swap3A_456], %swap3A_459 {strides = array<i32>} : memref<128xi32, #tpu.memory_space<vmem>>, vector<16xi32>,
    %get3A_460 = arith.constant 77 : i32
    %get3A_461 = arith.index_cast %get3A_460 : i32 to index
    %get3A_462 = arith.constant 96 : index
    %get3A_463 = tpu.vector_load %arg6[%get3A_461, %get3A_462] {strides = array<i32>} : memref<79x128xi32, #tpu.memory_space<vmem>>, vector<1x16xi32>,
    %get3A_464 = vector.shape_cast %get3A_463 : vector<1x16xi32> to vector<16xi32>
    %shift_right_logical3A_465 = arith.constant 16 : i32
    %shift_right_logical3A_466 = vector.broadcast %shift_right_logical3A_465 : i32 to vector<16xi32>
    %shift_right_logical3A_467 = arith.shrui %get3A_464, %shift_right_logical3A_466 : vector<16xi32>
    %swap3A_468 = arith.constant 96 : index
    %swap3A_469 = tpu.vector_load %arg8[%swap3A_468] {strides = array<i32>} : memref<128xi32, #tpu.memory_space<vmem>>, vector<16xi32>,
    %swap3A_470 = vector.shape_cast %swap3A_469 : vector<16xi32> to vector<16xi32>
    %swap3A_471 = vector.shape_cast %shift_right_logical3A_467 : vector<16xi32> to vector<16xi32>
    tpu.vector_store %arg8[%swap3A_468], %swap3A_471 {strides = array<i32>} : memref<128xi32, #tpu.memory_space<vmem>>, vector<16xi32>,
    %get3A_472 = arith.constant 77 : i32
    %get3A_473 = arith.index_cast %get3A_472 : i32 to index
    %get3A_474 = arith.constant 112 : index
    %get3A_475 = tpu.vector_load %arg6[%get3A_473, %get3A_474] {strides = array<i32>} : memref<79x128xi32, #tpu.memory_space<vmem>>, vector<1x16xi32>,
    %get3A_476 = vector.shape_cast %get3A_475 : vector<1x16xi32> to vector<16xi32>
    %shift_right_logical3A_477 = arith.constant 16 : i32
    %shift_right_logical3A_478 = vector.broadcast %shift_right_logical3A_477 : i32 to vector<16xi32>
    %shift_right_logical3A_479 = arith.shrui %get3A_476, %shift_right_logical3A_478 : vector<16xi32>
    %swap3A_480 = arith.constant 112 : index
    %swap3A_481 = tpu.vector_load %arg8[%swap3A_480] {strides = array<i32>} : memref<128xi32, #tpu.memory_space<vmem>>, vector<16xi32>,
    %swap3A_482 = vector.shape_cast %swap3A_481 : vector<16xi32> to vector<16xi32>
    %swap3A_483 = vector.shape_cast %shift_right_logical3A_479 : vector<16xi32> to vector<16xi32>
    tpu.vector_store %arg8[%swap3A_480], %swap3A_483 {strides = array<i32>} : memref<128xi32, #tpu.memory_space<vmem>>, vector<16xi32>,
    "tpu.region"() ({
      %run_scoped3A_697 = tpu.sem_alloc : memref<!tpu.dma_semaphore, #tpu.memory_space<semaphore_mem>>
      %dma_start3A_698 = arith.constant 0 : i32
      %dma_start3A_699 = arith.constant 0 : i32
      %dma_start3A_700 = tpu.memref_slice %arg11[%dma_start3A_698, %dma_start3A_699] : memref<10240x128xf32, #tpu.memory_space<vmem_shared>> -> memref<10240x128xf32, #tpu.memory_space<vmem_shared>>
      tpu.enqueue_indirect_dma source(%arg10 : memref<128x128xf32, #tpu.memory_space<vmem>>) target(%dma_start3A_700 : memref<10240x128xf32, #tpu.memory_space<vmem_shared>>) offsets(%arg8 : memref<128xi32, #tpu.memory_space<vmem>>) semaphore(%run_scoped3A_697 : memref<!tpu.dma_semaphore, #tpu.memory_space<semaphore_mem>>) {add = true}
      %dma_wait3A_701 = arith.constant 0 : i32
      %dma_wait3A_702 = arith.constant 0 : i32
      %dma_wait3A_703 = tpu.memref_slice %arg11[%dma_wait3A_701, %dma_wait3A_702] : memref<10240x128xf32, #tpu.memory_space<vmem_shared>> -> memref<10240x128xf32, #tpu.memory_space<vmem_shared>>
      tpu.wait_indirect_dma semaphore(%run_scoped3A_697 : memref<!tpu.dma_semaphore, #tpu.memory_space<semaphore_mem>>) src(%arg10 : memref<128x128xf32, #tpu.memory_space<vmem>>) dst(%dma_wait3A_703 : memref<10240x128xf32, #tpu.memory_space<vmem_shared>>)
      tpu.yield
    }) : () -> ()
    %get3A_484 = arith.constant 78 : i32
    %get3A_485 = arith.index_cast %get3A_484 : i32 to index
    %get3A_486 = arith.constant 0 : index
    %get3A_487 = tpu.vector_load %arg6[%get3A_485, %get3A_486] {strides = array<i32>} : memref<79x128xi32, #tpu.memory_space<vmem>>, vector<1x16xi32>,
    %get3A_488 = vector.shape_cast %get3A_487 : vector<1x16xi32> to vector<16xi32>
    %and3A_489 = arith.constant 65535 : i32
    %and3A_490 = vector.broadcast %and3A_489 : i32 to vector<16xi32>
    %and3A_491 = arith.andi %get3A_488, %and3A_490 : vector<16xi32>
    %swap3A_492 = arith.constant 0 : i32
    %swap3A_493 = arith.index_cast %swap3A_492 : i32 to index
    %swap3A_494 = arith.constant 0 : index
    %swap3A_495 = tpu.vector_load %arg7[%swap3A_493, %swap3A_494] {strides = array<i32>} : memref<2x128xi32, #tpu.memory_space<vmem>>, vector<1x16xi32>,
    %swap3A_496 = vector.shape_cast %swap3A_495 : vector<1x16xi32> to vector<16xi32>
    %swap3A_497 = vector.shape_cast %and3A_491 : vector<16xi32> to vector<1x16xi32>
    tpu.vector_store %arg7[%swap3A_493, %swap3A_494], %swap3A_497 {strides = array<i32>} : memref<2x128xi32, #tpu.memory_space<vmem>>, vector<1x16xi32>,
    %get3A_498 = arith.constant 78 : i32
    %get3A_499 = arith.index_cast %get3A_498 : i32 to index
    %get3A_500 = arith.constant 16 : index
    %get3A_501 = tpu.vector_load %arg6[%get3A_499, %get3A_500] {strides = array<i32>} : memref<79x128xi32, #tpu.memory_space<vmem>>, vector<1x16xi32>,
    %get3A_502 = vector.shape_cast %get3A_501 : vector<1x16xi32> to vector<16xi32>
    %and3A_503 = arith.constant 65535 : i32
    %and3A_504 = vector.broadcast %and3A_503 : i32 to vector<16xi32>
    %and3A_505 = arith.andi %get3A_502, %and3A_504 : vector<16xi32>
    %swap3A_506 = arith.constant 0 : i32
    %swap3A_507 = arith.index_cast %swap3A_506 : i32 to index
    %swap3A_508 = arith.constant 16 : index
    %swap3A_509 = tpu.vector_load %arg7[%swap3A_507, %swap3A_508] {strides = array<i32>} : memref<2x128xi32, #tpu.memory_space<vmem>>, vector<1x16xi32>,
    %swap3A_510 = vector.shape_cast %swap3A_509 : vector<1x16xi32> to vector<16xi32>
    %swap3A_511 = vector.shape_cast %and3A_505 : vector<16xi32> to vector<1x16xi32>
    tpu.vector_store %arg7[%swap3A_507, %swap3A_508], %swap3A_511 {strides = array<i32>} : memref<2x128xi32, #tpu.memory_space<vmem>>, vector<1x16xi32>,
    %get3A_512 = arith.constant 78 : i32
    %get3A_513 = arith.index_cast %get3A_512 : i32 to index
    %get3A_514 = arith.constant 32 : index
    %get3A_515 = tpu.vector_load %arg6[%get3A_513, %get3A_514] {strides = array<i32>} : memref<79x128xi32, #tpu.memory_space<vmem>>, vector<1x16xi32>,
    %get3A_516 = vector.shape_cast %get3A_515 : vector<1x16xi32> to vector<16xi32>
    %and3A_517 = arith.constant 65535 : i32
    %and3A_518 = vector.broadcast %and3A_517 : i32 to vector<16xi32>
    %and3A_519 = arith.andi %get3A_516, %and3A_518 : vector<16xi32>
    %swap3A_520 = arith.constant 0 : i32
    %swap3A_521 = arith.index_cast %swap3A_520 : i32 to index
    %swap3A_522 = arith.constant 32 : index
    %swap3A_523 = tpu.vector_load %arg7[%swap3A_521, %swap3A_522] {strides = array<i32>} : memref<2x128xi32, #tpu.memory_space<vmem>>, vector<1x16xi32>,
    %swap3A_524 = vector.shape_cast %swap3A_523 : vector<1x16xi32> to vector<16xi32>
    %swap3A_525 = vector.shape_cast %and3A_519 : vector<16xi32> to vector<1x16xi32>
    tpu.vector_store %arg7[%swap3A_521, %swap3A_522], %swap3A_525 {strides = array<i32>} : memref<2x128xi32, #tpu.memory_space<vmem>>, vector<1x16xi32>,
    %get3A_526 = arith.constant 78 : i32
    %get3A_527 = arith.index_cast %get3A_526 : i32 to index
    %get3A_528 = arith.constant 48 : index
    %get3A_529 = tpu.vector_load %arg6[%get3A_527, %get3A_528] {strides = array<i32>} : memref<79x128xi32, #tpu.memory_space<vmem>>, vector<1x16xi32>,
    %get3A_530 = vector.shape_cast %get3A_529 : vector<1x16xi32> to vector<16xi32>
    %and3A_531 = arith.constant 65535 : i32
    %and3A_532 = vector.broadcast %and3A_531 : i32 to vector<16xi32>
    %and3A_533 = arith.andi %get3A_530, %and3A_532 : vector<16xi32>
    %swap3A_534 = arith.constant 0 : i32
    %swap3A_535 = arith.index_cast %swap3A_534 : i32 to index
    %swap3A_536 = arith.constant 48 : index
    %swap3A_537 = tpu.vector_load %arg7[%swap3A_535, %swap3A_536] {strides = array<i32>} : memref<2x128xi32, #tpu.memory_space<vmem>>, vector<1x16xi32>,
    %swap3A_538 = vector.shape_cast %swap3A_537 : vector<1x16xi32> to vector<16xi32>
    %swap3A_539 = vector.shape_cast %and3A_533 : vector<16xi32> to vector<1x16xi32>
    tpu.vector_store %arg7[%swap3A_535, %swap3A_536], %swap3A_539 {strides = array<i32>} : memref<2x128xi32, #tpu.memory_space<vmem>>, vector<1x16xi32>,
    %get3A_540 = arith.constant 78 : i32
    %get3A_541 = arith.index_cast %get3A_540 : i32 to index
    %get3A_542 = arith.constant 64 : index
    %get3A_543 = tpu.vector_load %arg6[%get3A_541, %get3A_542] {strides = array<i32>} : memref<79x128xi32, #tpu.memory_space<vmem>>, vector<1x16xi32>,
    %get3A_544 = vector.shape_cast %get3A_543 : vector<1x16xi32> to vector<16xi32>
    %and3A_545 = arith.constant 65535 : i32
    %and3A_546 = vector.broadcast %and3A_545 : i32 to vector<16xi32>
    %and3A_547 = arith.andi %get3A_544, %and3A_546 : vector<16xi32>
    %swap3A_548 = arith.constant 0 : i32
    %swap3A_549 = arith.index_cast %swap3A_548 : i32 to index
    %swap3A_550 = arith.constant 64 : index
    %swap3A_551 = tpu.vector_load %arg7[%swap3A_549, %swap3A_550] {strides = array<i32>} : memref<2x128xi32, #tpu.memory_space<vmem>>, vector<1x16xi32>,
    %swap3A_552 = vector.shape_cast %swap3A_551 : vector<1x16xi32> to vector<16xi32>
    %swap3A_553 = vector.shape_cast %and3A_547 : vector<16xi32> to vector<1x16xi32>
    tpu.vector_store %arg7[%swap3A_549, %swap3A_550], %swap3A_553 {strides = array<i32>} : memref<2x128xi32, #tpu.memory_space<vmem>>, vector<1x16xi32>,
    %get3A_554 = arith.constant 78 : i32
    %get3A_555 = arith.index_cast %get3A_554 : i32 to index
    %get3A_556 = arith.constant 80 : index
    %get3A_557 = tpu.vector_load %arg6[%get3A_555, %get3A_556] {strides = array<i32>} : memref<79x128xi32, #tpu.memory_space<vmem>>, vector<1x16xi32>,
    %get3A_558 = vector.shape_cast %get3A_557 : vector<1x16xi32> to vector<16xi32>
    %and3A_559 = arith.constant 65535 : i32
    %and3A_560 = vector.broadcast %and3A_559 : i32 to vector<16xi32>
    %and3A_561 = arith.andi %get3A_558, %and3A_560 : vector<16xi32>
    %swap3A_562 = arith.constant 0 : i32
    %swap3A_563 = arith.index_cast %swap3A_562 : i32 to index
    %swap3A_564 = arith.constant 80 : index
    %swap3A_565 = tpu.vector_load %arg7[%swap3A_563, %swap3A_564] {strides = array<i32>} : memref<2x128xi32, #tpu.memory_space<vmem>>, vector<1x16xi32>,
    %swap3A_566 = vector.shape_cast %swap3A_565 : vector<1x16xi32> to vector<16xi32>
    %swap3A_567 = vector.shape_cast %and3A_561 : vector<16xi32> to vector<1x16xi32>
    tpu.vector_store %arg7[%swap3A_563, %swap3A_564], %swap3A_567 {strides = array<i32>} : memref<2x128xi32, #tpu.memory_space<vmem>>, vector<1x16xi32>,
    %get3A_568 = arith.constant 78 : i32
    %get3A_569 = arith.index_cast %get3A_568 : i32 to index
    %get3A_570 = arith.constant 96 : index
    %get3A_571 = tpu.vector_load %arg6[%get3A_569, %get3A_570] {strides = array<i32>} : memref<79x128xi32, #tpu.memory_space<vmem>>, vector<1x16xi32>,
    %get3A_572 = vector.shape_cast %get3A_571 : vector<1x16xi32> to vector<16xi32>
    %and3A_573 = arith.constant 65535 : i32
    %and3A_574 = vector.broadcast %and3A_573 : i32 to vector<16xi32>
    %and3A_575 = arith.andi %get3A_572, %and3A_574 : vector<16xi32>
    %swap3A_576 = arith.constant 0 : i32
    %swap3A_577 = arith.index_cast %swap3A_576 : i32 to index
    %swap3A_578 = arith.constant 96 : index
    %swap3A_579 = tpu.vector_load %arg7[%swap3A_577, %swap3A_578] {strides = array<i32>} : memref<2x128xi32, #tpu.memory_space<vmem>>, vector<1x16xi32>,
    %swap3A_580 = vector.shape_cast %swap3A_579 : vector<1x16xi32> to vector<16xi32>
    %swap3A_581 = vector.shape_cast %and3A_575 : vector<16xi32> to vector<1x16xi32>
    tpu.vector_store %arg7[%swap3A_577, %swap3A_578], %swap3A_581 {strides = array<i32>} : memref<2x128xi32, #tpu.memory_space<vmem>>, vector<1x16xi32>,
    %get3A_582 = arith.constant 78 : i32
    %get3A_583 = arith.index_cast %get3A_582 : i32 to index
    %get3A_584 = arith.constant 112 : index
    %get3A_585 = tpu.vector_load %arg6[%get3A_583, %get3A_584] {strides = array<i32>} : memref<79x128xi32, #tpu.memory_space<vmem>>, vector<1x16xi32>,
    %get3A_586 = vector.shape_cast %get3A_585 : vector<1x16xi32> to vector<16xi32>
    %and3A_587 = arith.constant 65535 : i32
    %and3A_588 = vector.broadcast %and3A_587 : i32 to vector<16xi32>
    %and3A_589 = arith.andi %get3A_586, %and3A_588 : vector<16xi32>
    %swap3A_590 = arith.constant 0 : i32
    %swap3A_591 = arith.index_cast %swap3A_590 : i32 to index
    %swap3A_592 = arith.constant 112 : index
    %swap3A_593 = tpu.vector_load %arg7[%swap3A_591, %swap3A_592] {strides = array<i32>} : memref<2x128xi32, #tpu.memory_space<vmem>>, vector<1x16xi32>,
    %swap3A_594 = vector.shape_cast %swap3A_593 : vector<1x16xi32> to vector<16xi32>
    %swap3A_595 = vector.shape_cast %and3A_589 : vector<16xi32> to vector<1x16xi32>
    tpu.vector_store %arg7[%swap3A_591, %swap3A_592], %swap3A_595 {strides = array<i32>} : memref<2x128xi32, #tpu.memory_space<vmem>>, vector<1x16xi32>,
    %run_scoped3A = arith.constant 0 : i32
    "tpu.region"() ({
      %run_scoped3A_697 = tpu.sem_alloc : memref<!tpu.dma_semaphore, #tpu.memory_space<semaphore_mem>>
      %dma_start3A_698 = arith.constant 0 : i32
      %dma_start3A_699 = tpu.memref_slice %arg7[%run_scoped3A, %dma_start3A_698] : memref<2x128xi32, #tpu.memory_space<vmem>> -> memref<1x128xi32, #tpu.memory_space<vmem>>
      %dma_start3A_700 = tpu.memref_squeeze %dma_start3A_699 : memref<1x128xi32, #tpu.memory_space<vmem>> -> memref<128xi32, #tpu.memory_space<vmem>>
      %dma_start3A_701 = arith.constant 0 : i32
      %dma_start3A_702 = arith.constant 0 : i32
      %dma_start3A_703 = tpu.memref_slice %arg2[%dma_start3A_701, %dma_start3A_702] : memref<10240x128xf32, #tpu.memory_space<hbm>> -> memref<10240x128xf32, #tpu.memory_space<hbm>>
      tpu.enqueue_indirect_dma source(%dma_start3A_703 : memref<10240x128xf32, #tpu.memory_space<hbm>>) target(%arg9 : memref<128x128xf32, #tpu.memory_space<vmem>>) offsets(%dma_start3A_700 : memref<128xi32, #tpu.memory_space<vmem>>) semaphore(%run_scoped3A_697 : memref<!tpu.dma_semaphore, #tpu.memory_space<semaphore_mem>>)
      %dma_wait3A_704 = arith.constant 0 : i32
      %dma_wait3A_705 = tpu.memref_slice %arg7[%run_scoped3A, %dma_wait3A_704] : memref<2x128xi32, #tpu.memory_space<vmem>> -> memref<1x128xi32, #tpu.memory_space<vmem>>
      %dma_wait3A_706 = tpu.memref_squeeze %dma_wait3A_705 : memref<1x128xi32, #tpu.memory_space<vmem>> -> memref<128xi32, #tpu.memory_space<vmem>>
      %dma_wait3A_707 = arith.constant 0 : i32
      %dma_wait3A_708 = arith.constant 0 : i32
      %dma_wait3A_709 = tpu.memref_slice %arg2[%dma_wait3A_707, %dma_wait3A_708] : memref<10240x128xf32, #tpu.memory_space<hbm>> -> memref<10240x128xf32, #tpu.memory_space<hbm>>
      tpu.wait_indirect_dma semaphore(%run_scoped3A_697 : memref<!tpu.dma_semaphore, #tpu.memory_space<semaphore_mem>>) src(%dma_wait3A_709 : memref<10240x128xf32, #tpu.memory_space<hbm>>) dst(%arg9 : memref<128x128xf32, #tpu.memory_space<vmem>>)
      tpu.yield
    }) : () -> ()
    %get3A_596 = arith.constant 78 : i32
    %get3A_597 = arith.index_cast %get3A_596 : i32 to index
    %get3A_598 = arith.constant 0 : index
    %get3A_599 = tpu.vector_load %arg6[%get3A_597, %get3A_598] {strides = array<i32>} : memref<79x128xi32, #tpu.memory_space<vmem>>, vector<1x16xi32>,
    %get3A_600 = vector.shape_cast %get3A_599 : vector<1x16xi32> to vector<16xi32>
    %shift_right_logical3A_601 = arith.constant 16 : i32
    %shift_right_logical3A_602 = vector.broadcast %shift_right_logical3A_601 : i32 to vector<16xi32>
    %shift_right_logical3A_603 = arith.shrui %get3A_600, %shift_right_logical3A_602 : vector<16xi32>
    %swap3A_604 = arith.constant 0 : index
    %swap3A_605 = tpu.vector_load %arg8[%swap3A_604] {strides = array<i32>} : memref<128xi32, #tpu.memory_space<vmem>>, vector<16xi32>,
    %swap3A_606 = vector.shape_cast %swap3A_605 : vector<16xi32> to vector<16xi32>
    %swap3A_607 = vector.shape_cast %shift_right_logical3A_603 : vector<16xi32> to vector<16xi32>
    tpu.vector_store %arg8[%swap3A_604], %swap3A_607 {strides = array<i32>} : memref<128xi32, #tpu.memory_space<vmem>>, vector<16xi32>,
    %get3A_608 = arith.constant 78 : i32
    %get3A_609 = arith.index_cast %get3A_608 : i32 to index
    %get3A_610 = arith.constant 16 : index
    %get3A_611 = tpu.vector_load %arg6[%get3A_609, %get3A_610] {strides = array<i32>} : memref<79x128xi32, #tpu.memory_space<vmem>>, vector<1x16xi32>,
    %get3A_612 = vector.shape_cast %get3A_611 : vector<1x16xi32> to vector<16xi32>
    %shift_right_logical3A_613 = arith.constant 16 : i32
    %shift_right_logical3A_614 = vector.broadcast %shift_right_logical3A_613 : i32 to vector<16xi32>
    %shift_right_logical3A_615 = arith.shrui %get3A_612, %shift_right_logical3A_614 : vector<16xi32>
    %swap3A_616 = arith.constant 16 : index
    %swap3A_617 = tpu.vector_load %arg8[%swap3A_616] {strides = array<i32>} : memref<128xi32, #tpu.memory_space<vmem>>, vector<16xi32>,
    %swap3A_618 = vector.shape_cast %swap3A_617 : vector<16xi32> to vector<16xi32>
    %swap3A_619 = vector.shape_cast %shift_right_logical3A_615 : vector<16xi32> to vector<16xi32>
    tpu.vector_store %arg8[%swap3A_616], %swap3A_619 {strides = array<i32>} : memref<128xi32, #tpu.memory_space<vmem>>, vector<16xi32>,
    %get3A_620 = arith.constant 78 : i32
    %get3A_621 = arith.index_cast %get3A_620 : i32 to index
    %get3A_622 = arith.constant 32 : index
    %get3A_623 = tpu.vector_load %arg6[%get3A_621, %get3A_622] {strides = array<i32>} : memref<79x128xi32, #tpu.memory_space<vmem>>, vector<1x16xi32>,
    %get3A_624 = vector.shape_cast %get3A_623 : vector<1x16xi32> to vector<16xi32>
    %shift_right_logical3A_625 = arith.constant 16 : i32
    %shift_right_logical3A_626 = vector.broadcast %shift_right_logical3A_625 : i32 to vector<16xi32>
    %shift_right_logical3A_627 = arith.shrui %get3A_624, %shift_right_logical3A_626 : vector<16xi32>
    %swap3A_628 = arith.constant 32 : index
    %swap3A_629 = tpu.vector_load %arg8[%swap3A_628] {strides = array<i32>} : memref<128xi32, #tpu.memory_space<vmem>>, vector<16xi32>,
    %swap3A_630 = vector.shape_cast %swap3A_629 : vector<16xi32> to vector<16xi32>
    %swap3A_631 = vector.shape_cast %shift_right_logical3A_627 : vector<16xi32> to vector<16xi32>
    tpu.vector_store %arg8[%swap3A_628], %swap3A_631 {strides = array<i32>} : memref<128xi32, #tpu.memory_space<vmem>>, vector<16xi32>,
    %get3A_632 = arith.constant 78 : i32
    %get3A_633 = arith.index_cast %get3A_632 : i32 to index
    %get3A_634 = arith.constant 48 : index
    %get3A_635 = tpu.vector_load %arg6[%get3A_633, %get3A_634] {strides = array<i32>} : memref<79x128xi32, #tpu.memory_space<vmem>>, vector<1x16xi32>,
    %get3A_636 = vector.shape_cast %get3A_635 : vector<1x16xi32> to vector<16xi32>
    %shift_right_logical3A_637 = arith.constant 16 : i32
    %shift_right_logical3A_638 = vector.broadcast %shift_right_logical3A_637 : i32 to vector<16xi32>
    %shift_right_logical3A_639 = arith.shrui %get3A_636, %shift_right_logical3A_638 : vector<16xi32>
    %swap3A_640 = arith.constant 48 : index
    %swap3A_641 = tpu.vector_load %arg8[%swap3A_640] {strides = array<i32>} : memref<128xi32, #tpu.memory_space<vmem>>, vector<16xi32>,
    %swap3A_642 = vector.shape_cast %swap3A_641 : vector<16xi32> to vector<16xi32>
    %swap3A_643 = vector.shape_cast %shift_right_logical3A_639 : vector<16xi32> to vector<16xi32>
    tpu.vector_store %arg8[%swap3A_640], %swap3A_643 {strides = array<i32>} : memref<128xi32, #tpu.memory_space<vmem>>, vector<16xi32>,
    %get3A_644 = arith.constant 78 : i32
    %get3A_645 = arith.index_cast %get3A_644 : i32 to index
    %get3A_646 = arith.constant 64 : index
    %get3A_647 = tpu.vector_load %arg6[%get3A_645, %get3A_646] {strides = array<i32>} : memref<79x128xi32, #tpu.memory_space<vmem>>, vector<1x16xi32>,
    %get3A_648 = vector.shape_cast %get3A_647 : vector<1x16xi32> to vector<16xi32>
    %shift_right_logical3A_649 = arith.constant 16 : i32
    %shift_right_logical3A_650 = vector.broadcast %shift_right_logical3A_649 : i32 to vector<16xi32>
    %shift_right_logical3A_651 = arith.shrui %get3A_648, %shift_right_logical3A_650 : vector<16xi32>
    %swap3A_652 = arith.constant 64 : index
    %swap3A_653 = tpu.vector_load %arg8[%swap3A_652] {strides = array<i32>} : memref<128xi32, #tpu.memory_space<vmem>>, vector<16xi32>,
    %swap3A_654 = vector.shape_cast %swap3A_653 : vector<16xi32> to vector<16xi32>
    %swap3A_655 = vector.shape_cast %shift_right_logical3A_651 : vector<16xi32> to vector<16xi32>
    tpu.vector_store %arg8[%swap3A_652], %swap3A_655 {strides = array<i32>} : memref<128xi32, #tpu.memory_space<vmem>>, vector<16xi32>,
    %get3A_656 = arith.constant 78 : i32
    %get3A_657 = arith.index_cast %get3A_656 : i32 to index
    %get3A_658 = arith.constant 80 : index
    %get3A_659 = tpu.vector_load %arg6[%get3A_657, %get3A_658] {strides = array<i32>} : memref<79x128xi32, #tpu.memory_space<vmem>>, vector<1x16xi32>,
    %get3A_660 = vector.shape_cast %get3A_659 : vector<1x16xi32> to vector<16xi32>
    %shift_right_logical3A_661 = arith.constant 16 : i32
    %shift_right_logical3A_662 = vector.broadcast %shift_right_logical3A_661 : i32 to vector<16xi32>
    %shift_right_logical3A_663 = arith.shrui %get3A_660, %shift_right_logical3A_662 : vector<16xi32>
    %swap3A_664 = arith.constant 80 : index
    %swap3A_665 = tpu.vector_load %arg8[%swap3A_664] {strides = array<i32>} : memref<128xi32, #tpu.memory_space<vmem>>, vector<16xi32>,
    %swap3A_666 = vector.shape_cast %swap3A_665 : vector<16xi32> to vector<16xi32>
    %swap3A_667 = vector.shape_cast %shift_right_logical3A_663 : vector<16xi32> to vector<16xi32>
    tpu.vector_store %arg8[%swap3A_664], %swap3A_667 {strides = array<i32>} : memref<128xi32, #tpu.memory_space<vmem>>, vector<16xi32>,
    %get3A_668 = arith.constant 78 : i32
    %get3A_669 = arith.index_cast %get3A_668 : i32 to index
    %get3A_670 = arith.constant 96 : index
    %get3A_671 = tpu.vector_load %arg6[%get3A_669, %get3A_670] {strides = array<i32>} : memref<79x128xi32, #tpu.memory_space<vmem>>, vector<1x16xi32>,
    %get3A_672 = vector.shape_cast %get3A_671 : vector<1x16xi32> to vector<16xi32>
    %shift_right_logical3A_673 = arith.constant 16 : i32
    %shift_right_logical3A_674 = vector.broadcast %shift_right_logical3A_673 : i32 to vector<16xi32>
    %shift_right_logical3A_675 = arith.shrui %get3A_672, %shift_right_logical3A_674 : vector<16xi32>
    %swap3A_676 = arith.constant 96 : index
    %swap3A_677 = tpu.vector_load %arg8[%swap3A_676] {strides = array<i32>} : memref<128xi32, #tpu.memory_space<vmem>>, vector<16xi32>,
    %swap3A_678 = vector.shape_cast %swap3A_677 : vector<16xi32> to vector<16xi32>
    %swap3A_679 = vector.shape_cast %shift_right_logical3A_675 : vector<16xi32> to vector<16xi32>
    tpu.vector_store %arg8[%swap3A_676], %swap3A_679 {strides = array<i32>} : memref<128xi32, #tpu.memory_space<vmem>>, vector<16xi32>,
    %get3A_680 = arith.constant 78 : i32
    %get3A_681 = arith.index_cast %get3A_680 : i32 to index
    %get3A_682 = arith.constant 112 : index
    %get3A_683 = tpu.vector_load %arg6[%get3A_681, %get3A_682] {strides = array<i32>} : memref<79x128xi32, #tpu.memory_space<vmem>>, vector<1x16xi32>,
    %get3A_684 = vector.shape_cast %get3A_683 : vector<1x16xi32> to vector<16xi32>
    %shift_right_logical3A_685 = arith.constant 16 : i32
    %shift_right_logical3A_686 = vector.broadcast %shift_right_logical3A_685 : i32 to vector<16xi32>
    %shift_right_logical3A_687 = arith.shrui %get3A_684, %shift_right_logical3A_686 : vector<16xi32>
    %swap3A_688 = arith.constant 112 : index
    %swap3A_689 = tpu.vector_load %arg8[%swap3A_688] {strides = array<i32>} : memref<128xi32, #tpu.memory_space<vmem>>, vector<16xi32>,
    %swap3A_690 = vector.shape_cast %swap3A_689 : vector<16xi32> to vector<16xi32>
    %swap3A_691 = vector.shape_cast %shift_right_logical3A_687 : vector<16xi32> to vector<16xi32>
    tpu.vector_store %arg8[%swap3A_688], %swap3A_691 {strides = array<i32>} : memref<128xi32, #tpu.memory_space<vmem>>, vector<16xi32>,
    "tpu.region"() ({
      %run_scoped3A_697 = tpu.sem_alloc : memref<!tpu.dma_semaphore, #tpu.memory_space<semaphore_mem>>
      %dma_start3A_698 = arith.constant 0 : i32
      %dma_start3A_699 = arith.constant 0 : i32
      %dma_start3A_700 = tpu.memref_slice %arg11[%dma_start3A_698, %dma_start3A_699] : memref<10240x128xf32, #tpu.memory_space<vmem_shared>> -> memref<10240x128xf32, #tpu.memory_space<vmem_shared>>
      tpu.enqueue_indirect_dma source(%arg9 : memref<128x128xf32, #tpu.memory_space<vmem>>) target(%dma_start3A_700 : memref<10240x128xf32, #tpu.memory_space<vmem_shared>>) offsets(%arg8 : memref<128xi32, #tpu.memory_space<vmem>>) semaphore(%run_scoped3A_697 : memref<!tpu.dma_semaphore, #tpu.memory_space<semaphore_mem>>) {add = true}
      %dma_wait3A_701 = arith.constant 0 : i32
      %dma_wait3A_702 = arith.constant 0 : i32
      %dma_wait3A_703 = tpu.memref_slice %arg11[%dma_wait3A_701, %dma_wait3A_702] : memref<10240x128xf32, #tpu.memory_space<vmem_shared>> -> memref<10240x128xf32, #tpu.memory_space<vmem_shared>>
      tpu.wait_indirect_dma semaphore(%run_scoped3A_697 : memref<!tpu.dma_semaphore, #tpu.memory_space<semaphore_mem>>) src(%arg9 : memref<128x128xf32, #tpu.memory_space<vmem>>) dst(%dma_wait3A_703 : memref<10240x128xf32, #tpu.memory_space<vmem_shared>>)
      tpu.yield
    }) : () -> ()
    %barrier3A_692 = arith.constant 0 : index
    tpu.barrier barrier_id(%barrier3A_692)
    %mul3A_693 = arith.constant 640 : i32
    %mul3A_694 = arith.muli %arg1, %mul3A_693 : i32
    %mul3A_695 = arith.constant 640 : i32
    %mul3A_696 = arith.muli %arg1, %mul3A_695 : i32
    "tpu.region"() ({
      %run_scoped3A_697 = tpu.sem_alloc : memref<!tpu.dma_semaphore, #tpu.memory_space<semaphore_mem>>
      %dma_start3A_698 = arith.constant 0 : i32
      %dma_start3A_699 = tpu.memref_slice %arg5[%arg0, %mul3A_696, %dma_start3A_698] : memref<2x10240x128xf32, #tpu.memory_space<hbm>> -> memref<1x640x128xf32, #tpu.memory_space<hbm>>
      %dma_start3A_700 = tpu.memref_squeeze %dma_start3A_699 : memref<1x640x128xf32, #tpu.memory_space<hbm>> -> memref<640x128xf32, #tpu.memory_space<hbm>>
      %dma_start3A_701 = arith.constant 0 : i32
      %dma_start3A_702 = tpu.memref_slice %arg11[%mul3A_694, %dma_start3A_701] : memref<10240x128xf32, #tpu.memory_space<vmem_shared>> -> memref<640x128xf32, #tpu.memory_space<vmem_shared>>
      tpu.enqueue_dma source(%dma_start3A_702 : memref<640x128xf32, #tpu.memory_space<vmem_shared>>) target(%dma_start3A_700 : memref<640x128xf32, #tpu.memory_space<hbm>>) target_semaphore(%run_scoped3A_697 : memref<!tpu.dma_semaphore, #tpu.memory_space<semaphore_mem>>)
      %dma_wait3A_703 = arith.constant 0 : i32
      %dma_wait3A_704 = tpu.memref_slice %arg5[%arg0, %mul3A_696, %dma_wait3A_703] : memref<2x10240x128xf32, #tpu.memory_space<hbm>> -> memref<1x640x128xf32, #tpu.memory_space<hbm>>
      %dma_wait3A_705 = tpu.memref_squeeze %dma_wait3A_704 : memref<1x640x128xf32, #tpu.memory_space<hbm>> -> memref<640x128xf32, #tpu.memory_space<hbm>>
      %dma_wait3A_706 = arith.constant 0 : i32
      %dma_wait3A_707 = tpu.memref_slice %arg11[%mul3A_694, %dma_wait3A_706] : memref<10240x128xf32, #tpu.memory_space<vmem_shared>> -> memref<640x128xf32, #tpu.memory_space<vmem_shared>>
      tpu.wait_dma2 semaphore(%run_scoped3A_697 : memref<!tpu.dma_semaphore, #tpu.memory_space<semaphore_mem>>) src(%dma_wait3A_707 : memref<640x128xf32, #tpu.memory_space<vmem_shared>>) dst(%dma_wait3A_705 : memref<640x128xf32, #tpu.memory_space<hbm>>)
      tpu.yield
    }) : () -> ()
    return
  }
}

#map = affine_map<(d0, d1) -> (0, 0, 0)>
#map1 = affine_map<(d0, d1) -> (0)>
#map2 = affine_map<(d0, d1) -> (0, 0)>
module attributes {stable_mosaic.version = 14 : i64} {
  func.func @k(%arg0: i32, %arg1: i32, %arg2: memref<32x79x128xi32, #tpu.memory_space<hbm>>, %arg3: memref<32x79x128xi32, #tpu.memory_space<hbm>>, %arg4: memref<10240xf32, #tpu.memory_space<hbm>>, %arg5: memref<2x10240xf32, #tpu.memory_space<hbm>>, %arg6: memref<32x79x128xi32, #tpu.memory_space<hbm>>, %arg7: memref<79x128xi32, #tpu.memory_space<vmem>>, %arg8: memref<79x128xi32, #tpu.memory_space<vmem>>, %arg9: memref<79x128xf32, #tpu.memory_space<vmem>>, %arg10: memref<10240xf32, #tpu.memory_space<vmem_shared>>) attributes {dimension_semantics = [#tpu.dimension_semantics<core_parallel>, #tpu.dimension_semantics<subcore_parallel>], iteration_bounds = array<i64: 2, 16>, scalar_prefetch = 0 : i64, scratch_operands = 4 : i64, tpu.core_type = #tpu.core_type<sc_vector_subcore>, window_params = [{transform_indices = #map}, {transform_indices = #map}, {transform_indices = #map1}, {transform_indices = #map2}, {transform_indices = #map}]} {
    %mul3A = arith.constant 2 : i32
    %mul3A_0 = arith.muli %arg1, %mul3A : i32
    %add3A = arith.addi %mul3A_0, %arg0 : i32
    "tpu.region"() ({
      %run_scoped3A = tpu.sem_alloc : memref<!tpu.dma_semaphore, #tpu.memory_space<semaphore_mem>>
      %dma_start3A = arith.constant 0 : i32
      %dma_start3A_15 = arith.constant 0 : i32
      %dma_start3A_16 = tpu.memref_slice %arg2[%add3A, %dma_start3A, %dma_start3A_15] : memref<32x79x128xi32, #tpu.memory_space<hbm>> -> memref<1x79x128xi32, #tpu.memory_space<hbm>>
      %dma_start3A_17 = tpu.memref_squeeze %dma_start3A_16 : memref<1x79x128xi32, #tpu.memory_space<hbm>> -> memref<79x128xi32, #tpu.memory_space<hbm>>
      %dma_start3A_18 = arith.constant 0 : i32
      %dma_start3A_19 = arith.constant 0 : i32
      %dma_start3A_20 = tpu.memref_slice %arg2[%add3A, %dma_start3A_18, %dma_start3A_19] : memref<32x79x128xi32, #tpu.memory_space<hbm>> -> memref<1x79x128xi32, #tpu.memory_space<hbm>>
      %dma_start3A_21 = tpu.memref_squeeze %dma_start3A_20 : memref<1x79x128xi32, #tpu.memory_space<hbm>> -> memref<79x128xi32, #tpu.memory_space<hbm>>
      tpu.enqueue_dma source(%dma_start3A_21 : memref<79x128xi32, #tpu.memory_space<hbm>>) target(%arg7 : memref<79x128xi32, #tpu.memory_space<vmem>>) target_semaphore(%run_scoped3A : memref<!tpu.dma_semaphore, #tpu.memory_space<semaphore_mem>>)
      %dma_wait3A = arith.constant 0 : i32
      %dma_wait3A_22 = arith.constant 0 : i32
      %dma_wait3A_23 = tpu.memref_slice %arg2[%add3A, %dma_wait3A, %dma_wait3A_22] : memref<32x79x128xi32, #tpu.memory_space<hbm>> -> memref<1x79x128xi32, #tpu.memory_space<hbm>>
      %dma_wait3A_24 = tpu.memref_squeeze %dma_wait3A_23 : memref<1x79x128xi32, #tpu.memory_space<hbm>> -> memref<79x128xi32, #tpu.memory_space<hbm>>
      %dma_wait3A_25 = arith.constant 0 : i32
      %dma_wait3A_26 = arith.constant 0 : i32
      %dma_wait3A_27 = tpu.memref_slice %arg2[%add3A, %dma_wait3A_25, %dma_wait3A_26] : memref<32x79x128xi32, #tpu.memory_space<hbm>> -> memref<1x79x128xi32, #tpu.memory_space<hbm>>
      %dma_wait3A_28 = tpu.memref_squeeze %dma_wait3A_27 : memref<1x79x128xi32, #tpu.memory_space<hbm>> -> memref<79x128xi32, #tpu.memory_space<hbm>>
      tpu.wait_dma2 semaphore(%run_scoped3A : memref<!tpu.dma_semaphore, #tpu.memory_space<semaphore_mem>>) src(%dma_wait3A_28 : memref<79x128xi32, #tpu.memory_space<hbm>>) dst(%arg7 : memref<79x128xi32, #tpu.memory_space<vmem>>)
      tpu.yield
    }) : () -> ()
    "tpu.region"() ({
      %run_scoped3A = tpu.sem_alloc : memref<!tpu.dma_semaphore, #tpu.memory_space<semaphore_mem>>
      %dma_start3A = arith.constant 0 : i32
      %dma_start3A_15 = arith.constant 0 : i32
      %dma_start3A_16 = tpu.memref_slice %arg3[%add3A, %dma_start3A, %dma_start3A_15] : memref<32x79x128xi32, #tpu.memory_space<hbm>> -> memref<1x79x128xi32, #tpu.memory_space<hbm>>
      %dma_start3A_17 = tpu.memref_squeeze %dma_start3A_16 : memref<1x79x128xi32, #tpu.memory_space<hbm>> -> memref<79x128xi32, #tpu.memory_space<hbm>>
      %dma_start3A_18 = arith.constant 0 : i32
      %dma_start3A_19 = arith.constant 0 : i32
      %dma_start3A_20 = tpu.memref_slice %arg3[%add3A, %dma_start3A_18, %dma_start3A_19] : memref<32x79x128xi32, #tpu.memory_space<hbm>> -> memref<1x79x128xi32, #tpu.memory_space<hbm>>
      %dma_start3A_21 = tpu.memref_squeeze %dma_start3A_20 : memref<1x79x128xi32, #tpu.memory_space<hbm>> -> memref<79x128xi32, #tpu.memory_space<hbm>>
      tpu.enqueue_dma source(%dma_start3A_21 : memref<79x128xi32, #tpu.memory_space<hbm>>) target(%arg8 : memref<79x128xi32, #tpu.memory_space<vmem>>) target_semaphore(%run_scoped3A : memref<!tpu.dma_semaphore, #tpu.memory_space<semaphore_mem>>)
      %dma_wait3A = arith.constant 0 : i32
      %dma_wait3A_22 = arith.constant 0 : i32
      %dma_wait3A_23 = tpu.memref_slice %arg3[%add3A, %dma_wait3A, %dma_wait3A_22] : memref<32x79x128xi32, #tpu.memory_space<hbm>> -> memref<1x79x128xi32, #tpu.memory_space<hbm>>
      %dma_wait3A_24 = tpu.memref_squeeze %dma_wait3A_23 : memref<1x79x128xi32, #tpu.memory_space<hbm>> -> memref<79x128xi32, #tpu.memory_space<hbm>>
      %dma_wait3A_25 = arith.constant 0 : i32
      %dma_wait3A_26 = arith.constant 0 : i32
      %dma_wait3A_27 = tpu.memref_slice %arg3[%add3A, %dma_wait3A_25, %dma_wait3A_26] : memref<32x79x128xi32, #tpu.memory_space<hbm>> -> memref<1x79x128xi32, #tpu.memory_space<hbm>>
      %dma_wait3A_28 = tpu.memref_squeeze %dma_wait3A_27 : memref<1x79x128xi32, #tpu.memory_space<hbm>> -> memref<79x128xi32, #tpu.memory_space<hbm>>
      tpu.wait_dma2 semaphore(%run_scoped3A : memref<!tpu.dma_semaphore, #tpu.memory_space<semaphore_mem>>) src(%dma_wait3A_28 : memref<79x128xi32, #tpu.memory_space<hbm>>) dst(%arg8 : memref<79x128xi32, #tpu.memory_space<vmem>>)
      tpu.yield
    }) : () -> ()
    %mul3A_1 = arith.constant 640 : i32
    %mul3A_2 = arith.muli %arg1, %mul3A_1 : i32
    %mul3A_3 = arith.constant 640 : i32
    %mul3A_4 = arith.muli %arg1, %mul3A_3 : i32
    "tpu.region"() ({
      %run_scoped3A = tpu.sem_alloc : memref<!tpu.dma_semaphore, #tpu.memory_space<semaphore_mem>>
      %dma_start3A = tpu.memref_slice %arg10[%mul3A_4] : memref<10240xf32, #tpu.memory_space<vmem_shared>> -> memref<640xf32, #tpu.memory_space<vmem_shared>>
      %dma_start3A_15 = tpu.memref_slice %arg4[%mul3A_2] : memref<10240xf32, #tpu.memory_space<hbm>> -> memref<640xf32, #tpu.memory_space<hbm>>
      tpu.enqueue_dma source(%dma_start3A_15 : memref<640xf32, #tpu.memory_space<hbm>>) target(%dma_start3A : memref<640xf32, #tpu.memory_space<vmem_shared>>) target_semaphore(%run_scoped3A : memref<!tpu.dma_semaphore, #tpu.memory_space<semaphore_mem>>)
      %dma_wait3A = tpu.memref_slice %arg10[%mul3A_4] : memref<10240xf32, #tpu.memory_space<vmem_shared>> -> memref<640xf32, #tpu.memory_space<vmem_shared>>
      %dma_wait3A_16 = tpu.memref_slice %arg4[%mul3A_2] : memref<10240xf32, #tpu.memory_space<hbm>> -> memref<640xf32, #tpu.memory_space<hbm>>
      tpu.wait_dma2 semaphore(%run_scoped3A : memref<!tpu.dma_semaphore, #tpu.memory_space<semaphore_mem>>) src(%dma_wait3A_16 : memref<640xf32, #tpu.memory_space<hbm>>) dst(%dma_wait3A : memref<640xf32, #tpu.memory_space<vmem_shared>>)
      tpu.yield
    }) : () -> ()
    %barrier3A = arith.constant 0 : index
    tpu.barrier barrier_id(%barrier3A)
    %scan3A = arith.constant 0 : i32
    %scan3A_5 = arith.constant 0 : i32
    %scan3A_6 = arith.constant 79 : i32
    %scan3A_7 = arith.addi %scan3A_5, %scan3A_6 : i32
    %scan3A_8 = arith.constant 1 : i32
    scf.for %scan3A_15 = %scan3A_5 to %scan3A_7 step %scan3A_8  : i32 {
      %get3A = arith.index_cast %scan3A_15 : i32 to index
      %get3A_16 = arith.constant 0 : index
      %get3A_17 = tpu.vector_load %arg7[%get3A, %get3A_16] {strides = array<i32>} : memref<79x128xi32, #tpu.memory_space<vmem>>, vector<1x16xi32>,
      %get3A_18 = vector.shape_cast %get3A_17 : vector<1x16xi32> to vector<16xi32>
      %get3A_19 = arith.index_cast %scan3A_15 : i32 to index
      %get3A_20 = arith.constant 0 : index
      %get3A_21 = tpu.vector_load %arg8[%get3A_19, %get3A_20] {strides = array<i32>} : memref<79x128xi32, #tpu.memory_space<vmem>>, vector<1x16xi32>,
      %get3A_22 = vector.shape_cast %get3A_21 : vector<1x16xi32> to vector<16xi32>
      %eq3A = arith.cmpi eq, %get3A_18, %get3A_22 : vector<16xi32>
      %jit3A = arith.constant 0.000000e+00 : f32
      %jit3A_23 = arith.constant 1.000000e+00 : f32
      %broadcast_in_dim3A = vector.broadcast %jit3A : f32 to vector<16xf32>
      %broadcast_in_dim3A_24 = vector.broadcast %jit3A_23 : f32 to vector<16xf32>
      %select_n3A = arith.select %eq3A, %broadcast_in_dim3A, %broadcast_in_dim3A_24 : vector<16xi1>, vector<16xf32>
      %swap3A = arith.index_cast %scan3A_15 : i32 to index
      %swap3A_25 = arith.constant 0 : index
      %swap3A_26 = tpu.vector_load %arg9[%swap3A, %swap3A_25] {strides = array<i32>} : memref<79x128xf32, #tpu.memory_space<vmem>>, vector<1x16xf32>,
      %swap3A_27 = vector.shape_cast %swap3A_26 : vector<1x16xf32> to vector<16xf32>
      %swap3A_28 = vector.shape_cast %select_n3A : vector<16xf32> to vector<1x16xf32>
      tpu.vector_store %arg9[%swap3A, %swap3A_25], %swap3A_28 {strides = array<i32>} : memref<79x128xf32, #tpu.memory_space<vmem>>, vector<1x16xf32>,
      %and3A = arith.constant 127 : i32
      %and3A_29 = vector.broadcast %and3A : i32 to vector<16xi32>
      %and3A_30 = arith.andi %get3A_18, %and3A_29 : vector<16xi32>
      %add3A_31 = arith.constant 10000 : i32
      %add3A_32 = vector.broadcast %add3A_31 : i32 to vector<16xi32>
      %add3A_33 = arith.addi %add3A_32, %and3A_30 : vector<16xi32>
      %select_n3A_34 = arith.select %eq3A, %add3A_33, %get3A_22 : vector<16xi1>, vector<16xi32>
      %shift_left3A = arith.constant 16 : i32
      %shift_left3A_35 = vector.broadcast %shift_left3A : i32 to vector<16xi32>
      %shift_left3A_36 = arith.shli %select_n3A_34, %shift_left3A_35 : vector<16xi32>
      %or3A = arith.ori %get3A_18, %shift_left3A_36 : vector<16xi32>
      %swap3A_37 = arith.index_cast %scan3A_15 : i32 to index
      %swap3A_38 = arith.constant 0 : index
      %swap3A_39 = tpu.vector_load %arg8[%swap3A_37, %swap3A_38] {strides = array<i32>} : memref<79x128xi32, #tpu.memory_space<vmem>>, vector<1x16xi32>,
      %swap3A_40 = vector.shape_cast %swap3A_39 : vector<1x16xi32> to vector<16xi32>
      %swap3A_41 = vector.shape_cast %or3A : vector<16xi32> to vector<1x16xi32>
      tpu.vector_store %arg8[%swap3A_37, %swap3A_38], %swap3A_41 {strides = array<i32>} : memref<79x128xi32, #tpu.memory_space<vmem>>, vector<1x16xi32>,
      %get3A_42 = arith.index_cast %scan3A_15 : i32 to index
      %get3A_43 = arith.constant 16 : index
      %get3A_44 = tpu.vector_load %arg7[%get3A_42, %get3A_43] {strides = array<i32>} : memref<79x128xi32, #tpu.memory_space<vmem>>, vector<1x16xi32>,
      %get3A_45 = vector.shape_cast %get3A_44 : vector<1x16xi32> to vector<16xi32>
      %get3A_46 = arith.index_cast %scan3A_15 : i32 to index
      %get3A_47 = arith.constant 16 : index
      %get3A_48 = tpu.vector_load %arg8[%get3A_46, %get3A_47] {strides = array<i32>} : memref<79x128xi32, #tpu.memory_space<vmem>>, vector<1x16xi32>,
      %get3A_49 = vector.shape_cast %get3A_48 : vector<1x16xi32> to vector<16xi32>
      %eq3A_50 = arith.cmpi eq, %get3A_45, %get3A_49 : vector<16xi32>
      %jit3A_51 = arith.constant 0.000000e+00 : f32
      %jit3A_52 = arith.constant 1.000000e+00 : f32
      %broadcast_in_dim3A_53 = vector.broadcast %jit3A_51 : f32 to vector<16xf32>
      %broadcast_in_dim3A_54 = vector.broadcast %jit3A_52 : f32 to vector<16xf32>
      %select_n3A_55 = arith.select %eq3A_50, %broadcast_in_dim3A_53, %broadcast_in_dim3A_54 : vector<16xi1>, vector<16xf32>
      %swap3A_56 = arith.index_cast %scan3A_15 : i32 to index
      %swap3A_57 = arith.constant 16 : index
      %swap3A_58 = tpu.vector_load %arg9[%swap3A_56, %swap3A_57] {strides = array<i32>} : memref<79x128xf32, #tpu.memory_space<vmem>>, vector<1x16xf32>,
      %swap3A_59 = vector.shape_cast %swap3A_58 : vector<1x16xf32> to vector<16xf32>
      %swap3A_60 = vector.shape_cast %select_n3A_55 : vector<16xf32> to vector<1x16xf32>
      tpu.vector_store %arg9[%swap3A_56, %swap3A_57], %swap3A_60 {strides = array<i32>} : memref<79x128xf32, #tpu.memory_space<vmem>>, vector<1x16xf32>,
      %and3A_61 = arith.constant 127 : i32
      %and3A_62 = vector.broadcast %and3A_61 : i32 to vector<16xi32>
      %and3A_63 = arith.andi %get3A_45, %and3A_62 : vector<16xi32>
      %add3A_64 = arith.constant 10000 : i32
      %add3A_65 = vector.broadcast %add3A_64 : i32 to vector<16xi32>
      %add3A_66 = arith.addi %add3A_65, %and3A_63 : vector<16xi32>
      %select_n3A_67 = arith.select %eq3A_50, %add3A_66, %get3A_49 : vector<16xi1>, vector<16xi32>
      %shift_left3A_68 = arith.constant 16 : i32
      %shift_left3A_69 = vector.broadcast %shift_left3A_68 : i32 to vector<16xi32>
      %shift_left3A_70 = arith.shli %select_n3A_67, %shift_left3A_69 : vector<16xi32>
      %or3A_71 = arith.ori %get3A_45, %shift_left3A_70 : vector<16xi32>
      %swap3A_72 = arith.index_cast %scan3A_15 : i32 to index
      %swap3A_73 = arith.constant 16 : index
      %swap3A_74 = tpu.vector_load %arg8[%swap3A_72, %swap3A_73] {strides = array<i32>} : memref<79x128xi32, #tpu.memory_space<vmem>>, vector<1x16xi32>,
      %swap3A_75 = vector.shape_cast %swap3A_74 : vector<1x16xi32> to vector<16xi32>
      %swap3A_76 = vector.shape_cast %or3A_71 : vector<16xi32> to vector<1x16xi32>
      tpu.vector_store %arg8[%swap3A_72, %swap3A_73], %swap3A_76 {strides = array<i32>} : memref<79x128xi32, #tpu.memory_space<vmem>>, vector<1x16xi32>,
      %get3A_77 = arith.index_cast %scan3A_15 : i32 to index
      %get3A_78 = arith.constant 32 : index
      %get3A_79 = tpu.vector_load %arg7[%get3A_77, %get3A_78] {strides = array<i32>} : memref<79x128xi32, #tpu.memory_space<vmem>>, vector<1x16xi32>,
      %get3A_80 = vector.shape_cast %get3A_79 : vector<1x16xi32> to vector<16xi32>
      %get3A_81 = arith.index_cast %scan3A_15 : i32 to index
      %get3A_82 = arith.constant 32 : index
      %get3A_83 = tpu.vector_load %arg8[%get3A_81, %get3A_82] {strides = array<i32>} : memref<79x128xi32, #tpu.memory_space<vmem>>, vector<1x16xi32>,
      %get3A_84 = vector.shape_cast %get3A_83 : vector<1x16xi32> to vector<16xi32>
      %eq3A_85 = arith.cmpi eq, %get3A_80, %get3A_84 : vector<16xi32>
      %jit3A_86 = arith.constant 0.000000e+00 : f32
      %jit3A_87 = arith.constant 1.000000e+00 : f32
      %broadcast_in_dim3A_88 = vector.broadcast %jit3A_86 : f32 to vector<16xf32>
      %broadcast_in_dim3A_89 = vector.broadcast %jit3A_87 : f32 to vector<16xf32>
      %select_n3A_90 = arith.select %eq3A_85, %broadcast_in_dim3A_88, %broadcast_in_dim3A_89 : vector<16xi1>, vector<16xf32>
      %swap3A_91 = arith.index_cast %scan3A_15 : i32 to index
      %swap3A_92 = arith.constant 32 : index
      %swap3A_93 = tpu.vector_load %arg9[%swap3A_91, %swap3A_92] {strides = array<i32>} : memref<79x128xf32, #tpu.memory_space<vmem>>, vector<1x16xf32>,
      %swap3A_94 = vector.shape_cast %swap3A_93 : vector<1x16xf32> to vector<16xf32>
      %swap3A_95 = vector.shape_cast %select_n3A_90 : vector<16xf32> to vector<1x16xf32>
      tpu.vector_store %arg9[%swap3A_91, %swap3A_92], %swap3A_95 {strides = array<i32>} : memref<79x128xf32, #tpu.memory_space<vmem>>, vector<1x16xf32>,
      %and3A_96 = arith.constant 127 : i32
      %and3A_97 = vector.broadcast %and3A_96 : i32 to vector<16xi32>
      %and3A_98 = arith.andi %get3A_80, %and3A_97 : vector<16xi32>
      %add3A_99 = arith.constant 10000 : i32
      %add3A_100 = vector.broadcast %add3A_99 : i32 to vector<16xi32>
      %add3A_101 = arith.addi %add3A_100, %and3A_98 : vector<16xi32>
      %select_n3A_102 = arith.select %eq3A_85, %add3A_101, %get3A_84 : vector<16xi1>, vector<16xi32>
      %shift_left3A_103 = arith.constant 16 : i32
      %shift_left3A_104 = vector.broadcast %shift_left3A_103 : i32 to vector<16xi32>
      %shift_left3A_105 = arith.shli %select_n3A_102, %shift_left3A_104 : vector<16xi32>
      %or3A_106 = arith.ori %get3A_80, %shift_left3A_105 : vector<16xi32>
      %swap3A_107 = arith.index_cast %scan3A_15 : i32 to index
      %swap3A_108 = arith.constant 32 : index
      %swap3A_109 = tpu.vector_load %arg8[%swap3A_107, %swap3A_108] {strides = array<i32>} : memref<79x128xi32, #tpu.memory_space<vmem>>, vector<1x16xi32>,
      %swap3A_110 = vector.shape_cast %swap3A_109 : vector<1x16xi32> to vector<16xi32>
      %swap3A_111 = vector.shape_cast %or3A_106 : vector<16xi32> to vector<1x16xi32>
      tpu.vector_store %arg8[%swap3A_107, %swap3A_108], %swap3A_111 {strides = array<i32>} : memref<79x128xi32, #tpu.memory_space<vmem>>, vector<1x16xi32>,
      %get3A_112 = arith.index_cast %scan3A_15 : i32 to index
      %get3A_113 = arith.constant 48 : index
      %get3A_114 = tpu.vector_load %arg7[%get3A_112, %get3A_113] {strides = array<i32>} : memref<79x128xi32, #tpu.memory_space<vmem>>, vector<1x16xi32>,
      %get3A_115 = vector.shape_cast %get3A_114 : vector<1x16xi32> to vector<16xi32>
      %get3A_116 = arith.index_cast %scan3A_15 : i32 to index
      %get3A_117 = arith.constant 48 : index
      %get3A_118 = tpu.vector_load %arg8[%get3A_116, %get3A_117] {strides = array<i32>} : memref<79x128xi32, #tpu.memory_space<vmem>>, vector<1x16xi32>,
      %get3A_119 = vector.shape_cast %get3A_118 : vector<1x16xi32> to vector<16xi32>
      %eq3A_120 = arith.cmpi eq, %get3A_115, %get3A_119 : vector<16xi32>
      %jit3A_121 = arith.constant 0.000000e+00 : f32
      %jit3A_122 = arith.constant 1.000000e+00 : f32
      %broadcast_in_dim3A_123 = vector.broadcast %jit3A_121 : f32 to vector<16xf32>
      %broadcast_in_dim3A_124 = vector.broadcast %jit3A_122 : f32 to vector<16xf32>
      %select_n3A_125 = arith.select %eq3A_120, %broadcast_in_dim3A_123, %broadcast_in_dim3A_124 : vector<16xi1>, vector<16xf32>
      %swap3A_126 = arith.index_cast %scan3A_15 : i32 to index
      %swap3A_127 = arith.constant 48 : index
      %swap3A_128 = tpu.vector_load %arg9[%swap3A_126, %swap3A_127] {strides = array<i32>} : memref<79x128xf32, #tpu.memory_space<vmem>>, vector<1x16xf32>,
      %swap3A_129 = vector.shape_cast %swap3A_128 : vector<1x16xf32> to vector<16xf32>
      %swap3A_130 = vector.shape_cast %select_n3A_125 : vector<16xf32> to vector<1x16xf32>
      tpu.vector_store %arg9[%swap3A_126, %swap3A_127], %swap3A_130 {strides = array<i32>} : memref<79x128xf32, #tpu.memory_space<vmem>>, vector<1x16xf32>,
      %and3A_131 = arith.constant 127 : i32
      %and3A_132 = vector.broadcast %and3A_131 : i32 to vector<16xi32>
      %and3A_133 = arith.andi %get3A_115, %and3A_132 : vector<16xi32>
      %add3A_134 = arith.constant 10000 : i32
      %add3A_135 = vector.broadcast %add3A_134 : i32 to vector<16xi32>
      %add3A_136 = arith.addi %add3A_135, %and3A_133 : vector<16xi32>
      %select_n3A_137 = arith.select %eq3A_120, %add3A_136, %get3A_119 : vector<16xi1>, vector<16xi32>
      %shift_left3A_138 = arith.constant 16 : i32
      %shift_left3A_139 = vector.broadcast %shift_left3A_138 : i32 to vector<16xi32>
      %shift_left3A_140 = arith.shli %select_n3A_137, %shift_left3A_139 : vector<16xi32>
      %or3A_141 = arith.ori %get3A_115, %shift_left3A_140 : vector<16xi32>
      %swap3A_142 = arith.index_cast %scan3A_15 : i32 to index
      %swap3A_143 = arith.constant 48 : index
      %swap3A_144 = tpu.vector_load %arg8[%swap3A_142, %swap3A_143] {strides = array<i32>} : memref<79x128xi32, #tpu.memory_space<vmem>>, vector<1x16xi32>,
      %swap3A_145 = vector.shape_cast %swap3A_144 : vector<1x16xi32> to vector<16xi32>
      %swap3A_146 = vector.shape_cast %or3A_141 : vector<16xi32> to vector<1x16xi32>
      tpu.vector_store %arg8[%swap3A_142, %swap3A_143], %swap3A_146 {strides = array<i32>} : memref<79x128xi32, #tpu.memory_space<vmem>>, vector<1x16xi32>,
      %get3A_147 = arith.index_cast %scan3A_15 : i32 to index
      %get3A_148 = arith.constant 64 : index
      %get3A_149 = tpu.vector_load %arg7[%get3A_147, %get3A_148] {strides = array<i32>} : memref<79x128xi32, #tpu.memory_space<vmem>>, vector<1x16xi32>,
      %get3A_150 = vector.shape_cast %get3A_149 : vector<1x16xi32> to vector<16xi32>
      %get3A_151 = arith.index_cast %scan3A_15 : i32 to index
      %get3A_152 = arith.constant 64 : index
      %get3A_153 = tpu.vector_load %arg8[%get3A_151, %get3A_152] {strides = array<i32>} : memref<79x128xi32, #tpu.memory_space<vmem>>, vector<1x16xi32>,
      %get3A_154 = vector.shape_cast %get3A_153 : vector<1x16xi32> to vector<16xi32>
      %eq3A_155 = arith.cmpi eq, %get3A_150, %get3A_154 : vector<16xi32>
      %jit3A_156 = arith.constant 0.000000e+00 : f32
      %jit3A_157 = arith.constant 1.000000e+00 : f32
      %broadcast_in_dim3A_158 = vector.broadcast %jit3A_156 : f32 to vector<16xf32>
      %broadcast_in_dim3A_159 = vector.broadcast %jit3A_157 : f32 to vector<16xf32>
      %select_n3A_160 = arith.select %eq3A_155, %broadcast_in_dim3A_158, %broadcast_in_dim3A_159 : vector<16xi1>, vector<16xf32>
      %swap3A_161 = arith.index_cast %scan3A_15 : i32 to index
      %swap3A_162 = arith.constant 64 : index
      %swap3A_163 = tpu.vector_load %arg9[%swap3A_161, %swap3A_162] {strides = array<i32>} : memref<79x128xf32, #tpu.memory_space<vmem>>, vector<1x16xf32>,
      %swap3A_164 = vector.shape_cast %swap3A_163 : vector<1x16xf32> to vector<16xf32>
      %swap3A_165 = vector.shape_cast %select_n3A_160 : vector<16xf32> to vector<1x16xf32>
      tpu.vector_store %arg9[%swap3A_161, %swap3A_162], %swap3A_165 {strides = array<i32>} : memref<79x128xf32, #tpu.memory_space<vmem>>, vector<1x16xf32>,
      %and3A_166 = arith.constant 127 : i32
      %and3A_167 = vector.broadcast %and3A_166 : i32 to vector<16xi32>
      %and3A_168 = arith.andi %get3A_150, %and3A_167 : vector<16xi32>
      %add3A_169 = arith.constant 10000 : i32
      %add3A_170 = vector.broadcast %add3A_169 : i32 to vector<16xi32>
      %add3A_171 = arith.addi %add3A_170, %and3A_168 : vector<16xi32>
      %select_n3A_172 = arith.select %eq3A_155, %add3A_171, %get3A_154 : vector<16xi1>, vector<16xi32>
      %shift_left3A_173 = arith.constant 16 : i32
      %shift_left3A_174 = vector.broadcast %shift_left3A_173 : i32 to vector<16xi32>
      %shift_left3A_175 = arith.shli %select_n3A_172, %shift_left3A_174 : vector<16xi32>
      %or3A_176 = arith.ori %get3A_150, %shift_left3A_175 : vector<16xi32>
      %swap3A_177 = arith.index_cast %scan3A_15 : i32 to index
      %swap3A_178 = arith.constant 64 : index
      %swap3A_179 = tpu.vector_load %arg8[%swap3A_177, %swap3A_178] {strides = array<i32>} : memref<79x128xi32, #tpu.memory_space<vmem>>, vector<1x16xi32>,
      %swap3A_180 = vector.shape_cast %swap3A_179 : vector<1x16xi32> to vector<16xi32>
      %swap3A_181 = vector.shape_cast %or3A_176 : vector<16xi32> to vector<1x16xi32>
      tpu.vector_store %arg8[%swap3A_177, %swap3A_178], %swap3A_181 {strides = array<i32>} : memref<79x128xi32, #tpu.memory_space<vmem>>, vector<1x16xi32>,
      %get3A_182 = arith.index_cast %scan3A_15 : i32 to index
      %get3A_183 = arith.constant 80 : index
      %get3A_184 = tpu.vector_load %arg7[%get3A_182, %get3A_183] {strides = array<i32>} : memref<79x128xi32, #tpu.memory_space<vmem>>, vector<1x16xi32>,
      %get3A_185 = vector.shape_cast %get3A_184 : vector<1x16xi32> to vector<16xi32>
      %get3A_186 = arith.index_cast %scan3A_15 : i32 to index
      %get3A_187 = arith.constant 80 : index
      %get3A_188 = tpu.vector_load %arg8[%get3A_186, %get3A_187] {strides = array<i32>} : memref<79x128xi32, #tpu.memory_space<vmem>>, vector<1x16xi32>,
      %get3A_189 = vector.shape_cast %get3A_188 : vector<1x16xi32> to vector<16xi32>
      %eq3A_190 = arith.cmpi eq, %get3A_185, %get3A_189 : vector<16xi32>
      %jit3A_191 = arith.constant 0.000000e+00 : f32
      %jit3A_192 = arith.constant 1.000000e+00 : f32
      %broadcast_in_dim3A_193 = vector.broadcast %jit3A_191 : f32 to vector<16xf32>
      %broadcast_in_dim3A_194 = vector.broadcast %jit3A_192 : f32 to vector<16xf32>
      %select_n3A_195 = arith.select %eq3A_190, %broadcast_in_dim3A_193, %broadcast_in_dim3A_194 : vector<16xi1>, vector<16xf32>
      %swap3A_196 = arith.index_cast %scan3A_15 : i32 to index
      %swap3A_197 = arith.constant 80 : index
      %swap3A_198 = tpu.vector_load %arg9[%swap3A_196, %swap3A_197] {strides = array<i32>} : memref<79x128xf32, #tpu.memory_space<vmem>>, vector<1x16xf32>,
      %swap3A_199 = vector.shape_cast %swap3A_198 : vector<1x16xf32> to vector<16xf32>
      %swap3A_200 = vector.shape_cast %select_n3A_195 : vector<16xf32> to vector<1x16xf32>
      tpu.vector_store %arg9[%swap3A_196, %swap3A_197], %swap3A_200 {strides = array<i32>} : memref<79x128xf32, #tpu.memory_space<vmem>>, vector<1x16xf32>,
      %and3A_201 = arith.constant 127 : i32
      %and3A_202 = vector.broadcast %and3A_201 : i32 to vector<16xi32>
      %and3A_203 = arith.andi %get3A_185, %and3A_202 : vector<16xi32>
      %add3A_204 = arith.constant 10000 : i32
      %add3A_205 = vector.broadcast %add3A_204 : i32 to vector<16xi32>
      %add3A_206 = arith.addi %add3A_205, %and3A_203 : vector<16xi32>
      %select_n3A_207 = arith.select %eq3A_190, %add3A_206, %get3A_189 : vector<16xi1>, vector<16xi32>
      %shift_left3A_208 = arith.constant 16 : i32
      %shift_left3A_209 = vector.broadcast %shift_left3A_208 : i32 to vector<16xi32>
      %shift_left3A_210 = arith.shli %select_n3A_207, %shift_left3A_209 : vector<16xi32>
      %or3A_211 = arith.ori %get3A_185, %shift_left3A_210 : vector<16xi32>
      %swap3A_212 = arith.index_cast %scan3A_15 : i32 to index
      %swap3A_213 = arith.constant 80 : index
      %swap3A_214 = tpu.vector_load %arg8[%swap3A_212, %swap3A_213] {strides = array<i32>} : memref<79x128xi32, #tpu.memory_space<vmem>>, vector<1x16xi32>,
      %swap3A_215 = vector.shape_cast %swap3A_214 : vector<1x16xi32> to vector<16xi32>
      %swap3A_216 = vector.shape_cast %or3A_211 : vector<16xi32> to vector<1x16xi32>
      tpu.vector_store %arg8[%swap3A_212, %swap3A_213], %swap3A_216 {strides = array<i32>} : memref<79x128xi32, #tpu.memory_space<vmem>>, vector<1x16xi32>,
      %get3A_217 = arith.index_cast %scan3A_15 : i32 to index
      %get3A_218 = arith.constant 96 : index
      %get3A_219 = tpu.vector_load %arg7[%get3A_217, %get3A_218] {strides = array<i32>} : memref<79x128xi32, #tpu.memory_space<vmem>>, vector<1x16xi32>,
      %get3A_220 = vector.shape_cast %get3A_219 : vector<1x16xi32> to vector<16xi32>
      %get3A_221 = arith.index_cast %scan3A_15 : i32 to index
      %get3A_222 = arith.constant 96 : index
      %get3A_223 = tpu.vector_load %arg8[%get3A_221, %get3A_222] {strides = array<i32>} : memref<79x128xi32, #tpu.memory_space<vmem>>, vector<1x16xi32>,
      %get3A_224 = vector.shape_cast %get3A_223 : vector<1x16xi32> to vector<16xi32>
      %eq3A_225 = arith.cmpi eq, %get3A_220, %get3A_224 : vector<16xi32>
      %jit3A_226 = arith.constant 0.000000e+00 : f32
      %jit3A_227 = arith.constant 1.000000e+00 : f32
      %broadcast_in_dim3A_228 = vector.broadcast %jit3A_226 : f32 to vector<16xf32>
      %broadcast_in_dim3A_229 = vector.broadcast %jit3A_227 : f32 to vector<16xf32>
      %select_n3A_230 = arith.select %eq3A_225, %broadcast_in_dim3A_228, %broadcast_in_dim3A_229 : vector<16xi1>, vector<16xf32>
      %swap3A_231 = arith.index_cast %scan3A_15 : i32 to index
      %swap3A_232 = arith.constant 96 : index
      %swap3A_233 = tpu.vector_load %arg9[%swap3A_231, %swap3A_232] {strides = array<i32>} : memref<79x128xf32, #tpu.memory_space<vmem>>, vector<1x16xf32>,
      %swap3A_234 = vector.shape_cast %swap3A_233 : vector<1x16xf32> to vector<16xf32>
      %swap3A_235 = vector.shape_cast %select_n3A_230 : vector<16xf32> to vector<1x16xf32>
      tpu.vector_store %arg9[%swap3A_231, %swap3A_232], %swap3A_235 {strides = array<i32>} : memref<79x128xf32, #tpu.memory_space<vmem>>, vector<1x16xf32>,
      %and3A_236 = arith.constant 127 : i32
      %and3A_237 = vector.broadcast %and3A_236 : i32 to vector<16xi32>
      %and3A_238 = arith.andi %get3A_220, %and3A_237 : vector<16xi32>
      %add3A_239 = arith.constant 10000 : i32
      %add3A_240 = vector.broadcast %add3A_239 : i32 to vector<16xi32>
      %add3A_241 = arith.addi %add3A_240, %and3A_238 : vector<16xi32>
      %select_n3A_242 = arith.select %eq3A_225, %add3A_241, %get3A_224 : vector<16xi1>, vector<16xi32>
      %shift_left3A_243 = arith.constant 16 : i32
      %shift_left3A_244 = vector.broadcast %shift_left3A_243 : i32 to vector<16xi32>
      %shift_left3A_245 = arith.shli %select_n3A_242, %shift_left3A_244 : vector<16xi32>
      %or3A_246 = arith.ori %get3A_220, %shift_left3A_245 : vector<16xi32>
      %swap3A_247 = arith.index_cast %scan3A_15 : i32 to index
      %swap3A_248 = arith.constant 96 : index
      %swap3A_249 = tpu.vector_load %arg8[%swap3A_247, %swap3A_248] {strides = array<i32>} : memref<79x128xi32, #tpu.memory_space<vmem>>, vector<1x16xi32>,
      %swap3A_250 = vector.shape_cast %swap3A_249 : vector<1x16xi32> to vector<16xi32>
      %swap3A_251 = vector.shape_cast %or3A_246 : vector<16xi32> to vector<1x16xi32>
      tpu.vector_store %arg8[%swap3A_247, %swap3A_248], %swap3A_251 {strides = array<i32>} : memref<79x128xi32, #tpu.memory_space<vmem>>, vector<1x16xi32>,
      %get3A_252 = arith.index_cast %scan3A_15 : i32 to index
      %get3A_253 = arith.constant 112 : index
      %get3A_254 = tpu.vector_load %arg7[%get3A_252, %get3A_253] {strides = array<i32>} : memref<79x128xi32, #tpu.memory_space<vmem>>, vector<1x16xi32>,
      %get3A_255 = vector.shape_cast %get3A_254 : vector<1x16xi32> to vector<16xi32>
      %get3A_256 = arith.index_cast %scan3A_15 : i32 to index
      %get3A_257 = arith.constant 112 : index
      %get3A_258 = tpu.vector_load %arg8[%get3A_256, %get3A_257] {strides = array<i32>} : memref<79x128xi32, #tpu.memory_space<vmem>>, vector<1x16xi32>,
      %get3A_259 = vector.shape_cast %get3A_258 : vector<1x16xi32> to vector<16xi32>
      %eq3A_260 = arith.cmpi eq, %get3A_255, %get3A_259 : vector<16xi32>
      %jit3A_261 = arith.constant 0.000000e+00 : f32
      %jit3A_262 = arith.constant 1.000000e+00 : f32
      %broadcast_in_dim3A_263 = vector.broadcast %jit3A_261 : f32 to vector<16xf32>
      %broadcast_in_dim3A_264 = vector.broadcast %jit3A_262 : f32 to vector<16xf32>
      %select_n3A_265 = arith.select %eq3A_260, %broadcast_in_dim3A_263, %broadcast_in_dim3A_264 : vector<16xi1>, vector<16xf32>
      %swap3A_266 = arith.index_cast %scan3A_15 : i32 to index
      %swap3A_267 = arith.constant 112 : index
      %swap3A_268 = tpu.vector_load %arg9[%swap3A_266, %swap3A_267] {strides = array<i32>} : memref<79x128xf32, #tpu.memory_space<vmem>>, vector<1x16xf32>,
      %swap3A_269 = vector.shape_cast %swap3A_268 : vector<1x16xf32> to vector<16xf32>
      %swap3A_270 = vector.shape_cast %select_n3A_265 : vector<16xf32> to vector<1x16xf32>
      tpu.vector_store %arg9[%swap3A_266, %swap3A_267], %swap3A_270 {strides = array<i32>} : memref<79x128xf32, #tpu.memory_space<vmem>>, vector<1x16xf32>,
      %and3A_271 = arith.constant 127 : i32
      %and3A_272 = vector.broadcast %and3A_271 : i32 to vector<16xi32>
      %and3A_273 = arith.andi %get3A_255, %and3A_272 : vector<16xi32>
      %add3A_274 = arith.constant 10000 : i32
      %add3A_275 = vector.broadcast %add3A_274 : i32 to vector<16xi32>
      %add3A_276 = arith.addi %add3A_275, %and3A_273 : vector<16xi32>
      %select_n3A_277 = arith.select %eq3A_260, %add3A_276, %get3A_259 : vector<16xi1>, vector<16xi32>
      %shift_left3A_278 = arith.constant 16 : i32
      %shift_left3A_279 = vector.broadcast %shift_left3A_278 : i32 to vector<16xi32>
      %shift_left3A_280 = arith.shli %select_n3A_277, %shift_left3A_279 : vector<16xi32>
      %or3A_281 = arith.ori %get3A_255, %shift_left3A_280 : vector<16xi32>
      %swap3A_282 = arith.index_cast %scan3A_15 : i32 to index
      %swap3A_283 = arith.constant 112 : index
      %swap3A_284 = tpu.vector_load %arg8[%swap3A_282, %swap3A_283] {strides = array<i32>} : memref<79x128xi32, #tpu.memory_space<vmem>>, vector<1x16xi32>,
      %swap3A_285 = vector.shape_cast %swap3A_284 : vector<1x16xi32> to vector<16xi32>
      %swap3A_286 = vector.shape_cast %or3A_281 : vector<16xi32> to vector<1x16xi32>
      tpu.vector_store %arg8[%swap3A_282, %swap3A_283], %swap3A_286 {strides = array<i32>} : memref<79x128xi32, #tpu.memory_space<vmem>>, vector<1x16xi32>,
      "tpu.region"() ({
        %run_scoped3A = tpu.sem_alloc : memref<!tpu.dma_semaphore, #tpu.memory_space<semaphore_mem>>
        %dma_start3A = arith.constant 0 : i32
        %dma_start3A_287 = tpu.memref_slice %arg9[%scan3A_15, %dma_start3A] : memref<79x128xf32, #tpu.memory_space<vmem>> -> memref<1x128xf32, #tpu.memory_space<vmem>>
        %dma_start3A_288 = tpu.memref_squeeze %dma_start3A_287 : memref<1x128xf32, #tpu.memory_space<vmem>> -> memref<128xf32, #tpu.memory_space<vmem>>
        %dma_start3A_289 = arith.constant 0 : i32
        %dma_start3A_290 = tpu.memref_slice %arg7[%scan3A_15, %dma_start3A_289] : memref<79x128xi32, #tpu.memory_space<vmem>> -> memref<1x128xi32, #tpu.memory_space<vmem>>
        %dma_start3A_291 = tpu.memref_squeeze %dma_start3A_290 : memref<1x128xi32, #tpu.memory_space<vmem>> -> memref<128xi32, #tpu.memory_space<vmem>>
        %dma_start3A_292 = arith.constant 0 : i32
        %dma_start3A_293 = tpu.memref_slice %arg10[%dma_start3A_292] : memref<10240xf32, #tpu.memory_space<vmem_shared>> -> memref<10240xf32, #tpu.memory_space<vmem_shared>>
        tpu.enqueue_indirect_dma source(%dma_start3A_288 : memref<128xf32, #tpu.memory_space<vmem>>) target(%dma_start3A_293 : memref<10240xf32, #tpu.memory_space<vmem_shared>>) offsets(%dma_start3A_291 : memref<128xi32, #tpu.memory_space<vmem>>) semaphore(%run_scoped3A : memref<!tpu.dma_semaphore, #tpu.memory_space<semaphore_mem>>) {add = true}
        %dma_wait3A = arith.constant 0 : i32
        %dma_wait3A_294 = tpu.memref_slice %arg9[%scan3A_15, %dma_wait3A] : memref<79x128xf32, #tpu.memory_space<vmem>> -> memref<1x128xf32, #tpu.memory_space<vmem>>
        %dma_wait3A_295 = tpu.memref_squeeze %dma_wait3A_294 : memref<1x128xf32, #tpu.memory_space<vmem>> -> memref<128xf32, #tpu.memory_space<vmem>>
        %dma_wait3A_296 = arith.constant 0 : i32
        %dma_wait3A_297 = tpu.memref_slice %arg7[%scan3A_15, %dma_wait3A_296] : memref<79x128xi32, #tpu.memory_space<vmem>> -> memref<1x128xi32, #tpu.memory_space<vmem>>
        %dma_wait3A_298 = tpu.memref_squeeze %dma_wait3A_297 : memref<1x128xi32, #tpu.memory_space<vmem>> -> memref<128xi32, #tpu.memory_space<vmem>>
        %dma_wait3A_299 = arith.constant 0 : i32
        %dma_wait3A_300 = tpu.memref_slice %arg10[%dma_wait3A_299] : memref<10240xf32, #tpu.memory_space<vmem_shared>> -> memref<10240xf32, #tpu.memory_space<vmem_shared>>
        tpu.wait_indirect_dma semaphore(%run_scoped3A : memref<!tpu.dma_semaphore, #tpu.memory_space<semaphore_mem>>) src(%dma_wait3A_295 : memref<128xf32, #tpu.memory_space<vmem>>) dst(%dma_wait3A_300 : memref<10240xf32, #tpu.memory_space<vmem_shared>>)
        tpu.yield
      }) : () -> ()
    }
    %scan3A_9 = arith.constant 79 : i32
    %barrier3A_10 = arith.constant 0 : index
    tpu.barrier barrier_id(%barrier3A_10)
    %mul3A_11 = arith.constant 640 : i32
    %mul3A_12 = arith.muli %arg1, %mul3A_11 : i32
    %mul3A_13 = arith.constant 640 : i32
    %mul3A_14 = arith.muli %arg1, %mul3A_13 : i32
    "tpu.region"() ({
      %run_scoped3A = tpu.sem_alloc : memref<!tpu.dma_semaphore, #tpu.memory_space<semaphore_mem>>
      %dma_start3A = tpu.memref_slice %arg5[%arg0, %mul3A_14] : memref<2x10240xf32, #tpu.memory_space<hbm>> -> memref<1x640xf32, #tpu.memory_space<hbm>>
      %dma_start3A_15 = tpu.memref_squeeze %dma_start3A : memref<1x640xf32, #tpu.memory_space<hbm>> -> memref<640xf32, #tpu.memory_space<hbm>>
      %dma_start3A_16 = tpu.memref_slice %arg10[%mul3A_12] : memref<10240xf32, #tpu.memory_space<vmem_shared>> -> memref<640xf32, #tpu.memory_space<vmem_shared>>
      tpu.enqueue_dma source(%dma_start3A_16 : memref<640xf32, #tpu.memory_space<vmem_shared>>) target(%dma_start3A_15 : memref<640xf32, #tpu.memory_space<hbm>>) target_semaphore(%run_scoped3A : memref<!tpu.dma_semaphore, #tpu.memory_space<semaphore_mem>>)
      %dma_wait3A = tpu.memref_slice %arg5[%arg0, %mul3A_14] : memref<2x10240xf32, #tpu.memory_space<hbm>> -> memref<1x640xf32, #tpu.memory_space<hbm>>
      %dma_wait3A_17 = tpu.memref_squeeze %dma_wait3A : memref<1x640xf32, #tpu.memory_space<hbm>> -> memref<640xf32, #tpu.memory_space<hbm>>
      %dma_wait3A_18 = tpu.memref_slice %arg10[%mul3A_12] : memref<10240xf32, #tpu.memory_space<vmem_shared>> -> memref<640xf32, #tpu.memory_space<vmem_shared>>
      tpu.wait_dma2 semaphore(%run_scoped3A : memref<!tpu.dma_semaphore, #tpu.memory_space<semaphore_mem>>) src(%dma_wait3A_18 : memref<640xf32, #tpu.memory_space<vmem_shared>>) dst(%dma_wait3A_17 : memref<640xf32, #tpu.memory_space<hbm>>)
      tpu.yield
    }) : () -> ()
    "tpu.region"() ({
      %run_scoped3A = tpu.sem_alloc : memref<!tpu.dma_semaphore, #tpu.memory_space<semaphore_mem>>
      %dma_start3A = arith.constant 0 : i32
      %dma_start3A_15 = arith.constant 0 : i32
      %dma_start3A_16 = tpu.memref_slice %arg6[%add3A, %dma_start3A, %dma_start3A_15] : memref<32x79x128xi32, #tpu.memory_space<hbm>> -> memref<1x79x128xi32, #tpu.memory_space<hbm>>
      %dma_start3A_17 = tpu.memref_squeeze %dma_start3A_16 : memref<1x79x128xi32, #tpu.memory_space<hbm>> -> memref<79x128xi32, #tpu.memory_space<hbm>>
      %dma_start3A_18 = arith.constant 0 : i32
      %dma_start3A_19 = arith.constant 0 : i32
      %dma_start3A_20 = tpu.memref_slice %arg6[%add3A, %dma_start3A_18, %dma_start3A_19] : memref<32x79x128xi32, #tpu.memory_space<hbm>> -> memref<1x79x128xi32, #tpu.memory_space<hbm>>
      %dma_start3A_21 = tpu.memref_squeeze %dma_start3A_20 : memref<1x79x128xi32, #tpu.memory_space<hbm>> -> memref<79x128xi32, #tpu.memory_space<hbm>>
      tpu.enqueue_dma source(%arg8 : memref<79x128xi32, #tpu.memory_space<vmem>>) target(%dma_start3A_21 : memref<79x128xi32, #tpu.memory_space<hbm>>) target_semaphore(%run_scoped3A : memref<!tpu.dma_semaphore, #tpu.memory_space<semaphore_mem>>)
      %dma_wait3A = arith.constant 0 : i32
      %dma_wait3A_22 = arith.constant 0 : i32
      %dma_wait3A_23 = tpu.memref_slice %arg6[%add3A, %dma_wait3A, %dma_wait3A_22] : memref<32x79x128xi32, #tpu.memory_space<hbm>> -> memref<1x79x128xi32, #tpu.memory_space<hbm>>
      %dma_wait3A_24 = tpu.memref_squeeze %dma_wait3A_23 : memref<1x79x128xi32, #tpu.memory_space<hbm>> -> memref<79x128xi32, #tpu.memory_space<hbm>>
      %dma_wait3A_25 = arith.constant 0 : i32
      %dma_wait3A_26 = arith.constant 0 : i32
      %dma_wait3A_27 = tpu.memref_slice %arg6[%add3A, %dma_wait3A_25, %dma_wait3A_26] : memref<32x79x128xi32, #tpu.memory_space<hbm>> -> memref<1x79x128xi32, #tpu.memory_space<hbm>>
      %dma_wait3A_28 = tpu.memref_squeeze %dma_wait3A_27 : memref<1x79x128xi32, #tpu.memory_space<hbm>> -> memref<79x128xi32, #tpu.memory_space<hbm>>
      tpu.wait_dma2 semaphore(%run_scoped3A : memref<!tpu.dma_semaphore, #tpu.memory_space<semaphore_mem>>) src(%arg8 : memref<79x128xi32, #tpu.memory_space<vmem>>) dst(%dma_wait3A_28 : memref<79x128xi32, #tpu.memory_space<hbm>>)
      tpu.yield
    }) : () -> ()
    return
  }
}

#map = affine_map<(d0, d1) -> (0, 0)>
#map1 = affine_map<(d0, d1) -> (0, 0, 0)>
module attributes {stable_mosaic.version = 14 : i64} {
  func.func @k(%arg0: i32, %arg1: i32, %arg2: memref<10240x128xf32, #tpu.memory_space<hbm>>, %arg3: memref<32x79x128xi32, #tpu.memory_space<hbm>>, %arg4: memref<64x128xf32, #tpu.memory_space<hbm>>, %arg5: memref<2x10240x128xf32, #tpu.memory_space<hbm>>, %arg6: memref<79x128xi32, #tpu.memory_space<vmem>>, %arg7: memref<2x128xi32, #tpu.memory_space<vmem>>, %arg8: memref<128xi32, #tpu.memory_space<vmem>>, %arg9: memref<128x128xf32, #tpu.memory_space<vmem>>, %arg10: memref<128x128xf32, #tpu.memory_space<vmem>>, %arg11: memref<10240x128xf32, #tpu.memory_space<vmem_shared>>, %arg12: memref<!tpu.dma_semaphore, #tpu.memory_space<semaphore_mem>>, %arg13: memref<!tpu.dma_semaphore, #tpu.memory_space<semaphore_mem>>) attributes {dimension_semantics = [#tpu.dimension_semantics<core_parallel>, #tpu.dimension_semantics<subcore_parallel>], iteration_bounds = array<i64: 2, 16>, scalar_prefetch = 0 : i64, scratch_operands = 8 : i64, tpu.core_type = #tpu.core_type<sc_vector_subcore>, window_params = [{transform_indices = #map}, {transform_indices = #map1}, {transform_indices = #map}, {transform_indices = #map1}]} {
    %mul3A = arith.constant 2 : i32
    %mul3A_0 = arith.muli %arg1, %mul3A : i32
    %add3A = arith.addi %mul3A_0, %arg0 : i32
    "tpu.region"() ({
      %run_scoped3A_697 = tpu.sem_alloc : memref<!tpu.dma_semaphore, #tpu.memory_space<semaphore_mem>>
      %dma_start3A_698 = arith.constant 0 : i32
      %dma_start3A_699 = arith.constant 0 : i32
      %dma_start3A_700 = tpu.memref_slice %arg3[%add3A, %dma_start3A_698, %dma_start3A_699] : memref<32x79x128xi32, #tpu.memory_space<hbm>> -> memref<1x79x128xi32, #tpu.memory_space<hbm>>
      %dma_start3A_701 = tpu.memref_squeeze %dma_start3A_700 : memref<1x79x128xi32, #tpu.memory_space<hbm>> -> memref<79x128xi32, #tpu.memory_space<hbm>>
      %dma_start3A_702 = arith.constant 0 : i32
      %dma_start3A_703 = arith.constant 0 : i32
      %dma_start3A_704 = tpu.memref_slice %arg3[%add3A, %dma_start3A_702, %dma_start3A_703] : memref<32x79x128xi32, #tpu.memory_space<hbm>> -> memref<1x79x128xi32, #tpu.memory_space<hbm>>
      %dma_start3A_705 = tpu.memref_squeeze %dma_start3A_704 : memref<1x79x128xi32, #tpu.memory_space<hbm>> -> memref<79x128xi32, #tpu.memory_space<hbm>>
      tpu.enqueue_dma source(%dma_start3A_705 : memref<79x128xi32, #tpu.memory_space<hbm>>) target(%arg6 : memref<79x128xi32, #tpu.memory_space<vmem>>) target_semaphore(%run_scoped3A_697 : memref<!tpu.dma_semaphore, #tpu.memory_space<semaphore_mem>>)
      %dma_wait3A_706 = arith.constant 0 : i32
      %dma_wait3A_707 = arith.constant 0 : i32
      %dma_wait3A_708 = tpu.memref_slice %arg3[%add3A, %dma_wait3A_706, %dma_wait3A_707] : memref<32x79x128xi32, #tpu.memory_space<hbm>> -> memref<1x79x128xi32, #tpu.memory_space<hbm>>
      %dma_wait3A_709 = tpu.memref_squeeze %dma_wait3A_708 : memref<1x79x128xi32, #tpu.memory_space<hbm>> -> memref<79x128xi32, #tpu.memory_space<hbm>>
      %dma_wait3A_710 = arith.constant 0 : i32
      %dma_wait3A_711 = arith.constant 0 : i32
      %dma_wait3A_712 = tpu.memref_slice %arg3[%add3A, %dma_wait3A_710, %dma_wait3A_711] : memref<32x79x128xi32, #tpu.memory_space<hbm>> -> memref<1x79x128xi32, #tpu.memory_space<hbm>>
      %dma_wait3A_713 = tpu.memref_squeeze %dma_wait3A_712 : memref<1x79x128xi32, #tpu.memory_space<hbm>> -> memref<79x128xi32, #tpu.memory_space<hbm>>
      tpu.wait_dma2 semaphore(%run_scoped3A_697 : memref<!tpu.dma_semaphore, #tpu.memory_space<semaphore_mem>>) src(%dma_wait3A_713 : memref<79x128xi32, #tpu.memory_space<hbm>>) dst(%arg6 : memref<79x128xi32, #tpu.memory_space<vmem>>)
      tpu.yield
    }) : () -> ()
    %get3A = arith.constant 0 : i32
    %get3A_1 = arith.index_cast %get3A : i32 to index
    %get3A_2 = arith.constant 0 : index
    %get3A_3 = tpu.vector_load %arg6[%get3A_1, %get3A_2] {strides = array<i32>} : memref<79x128xi32, #tpu.memory_space<vmem>>, vector<1x16xi32>,
    %get3A_4 = vector.shape_cast %get3A_3 : vector<1x16xi32> to vector<16xi32>
    %and3A = arith.constant 65535 : i32
    %and3A_5 = vector.broadcast %and3A : i32 to vector<16xi32>
    %and3A_6 = arith.andi %get3A_4, %and3A_5 : vector<16xi32>
    %swap3A = arith.constant 0 : i32
    %swap3A_7 = arith.index_cast %swap3A : i32 to index
    %swap3A_8 = arith.constant 0 : index
    %swap3A_9 = tpu.vector_load %arg7[%swap3A_7, %swap3A_8] {strides = array<i32>} : memref<2x128xi32, #tpu.memory_space<vmem>>, vector<1x16xi32>,
    %swap3A_10 = vector.shape_cast %swap3A_9 : vector<1x16xi32> to vector<16xi32>
    %swap3A_11 = vector.shape_cast %and3A_6 : vector<16xi32> to vector<1x16xi32>
    tpu.vector_store %arg7[%swap3A_7, %swap3A_8], %swap3A_11 {strides = array<i32>} : memref<2x128xi32, #tpu.memory_space<vmem>>, vector<1x16xi32>,
    %get3A_12 = arith.constant 0 : i32
    %get3A_13 = arith.index_cast %get3A_12 : i32 to index
    %get3A_14 = arith.constant 16 : index
    %get3A_15 = tpu.vector_load %arg6[%get3A_13, %get3A_14] {strides = array<i32>} : memref<79x128xi32, #tpu.memory_space<vmem>>, vector<1x16xi32>,
    %get3A_16 = vector.shape_cast %get3A_15 : vector<1x16xi32> to vector<16xi32>
    %and3A_17 = arith.constant 65535 : i32
    %and3A_18 = vector.broadcast %and3A_17 : i32 to vector<16xi32>
    %and3A_19 = arith.andi %get3A_16, %and3A_18 : vector<16xi32>
    %swap3A_20 = arith.constant 0 : i32
    %swap3A_21 = arith.index_cast %swap3A_20 : i32 to index
    %swap3A_22 = arith.constant 16 : index
    %swap3A_23 = tpu.vector_load %arg7[%swap3A_21, %swap3A_22] {strides = array<i32>} : memref<2x128xi32, #tpu.memory_space<vmem>>, vector<1x16xi32>,
    %swap3A_24 = vector.shape_cast %swap3A_23 : vector<1x16xi32> to vector<16xi32>
    %swap3A_25 = vector.shape_cast %and3A_19 : vector<16xi32> to vector<1x16xi32>
    tpu.vector_store %arg7[%swap3A_21, %swap3A_22], %swap3A_25 {strides = array<i32>} : memref<2x128xi32, #tpu.memory_space<vmem>>, vector<1x16xi32>,
    %get3A_26 = arith.constant 0 : i32
    %get3A_27 = arith.index_cast %get3A_26 : i32 to index
    %get3A_28 = arith.constant 32 : index
    %get3A_29 = tpu.vector_load %arg6[%get3A_27, %get3A_28] {strides = array<i32>} : memref<79x128xi32, #tpu.memory_space<vmem>>, vector<1x16xi32>,
    %get3A_30 = vector.shape_cast %get3A_29 : vector<1x16xi32> to vector<16xi32>
    %and3A_31 = arith.constant 65535 : i32
    %and3A_32 = vector.broadcast %and3A_31 : i32 to vector<16xi32>
    %and3A_33 = arith.andi %get3A_30, %and3A_32 : vector<16xi32>
    %swap3A_34 = arith.constant 0 : i32
    %swap3A_35 = arith.index_cast %swap3A_34 : i32 to index
    %swap3A_36 = arith.constant 32 : index
    %swap3A_37 = tpu.vector_load %arg7[%swap3A_35, %swap3A_36] {strides = array<i32>} : memref<2x128xi32, #tpu.memory_space<vmem>>, vector<1x16xi32>,
    %swap3A_38 = vector.shape_cast %swap3A_37 : vector<1x16xi32> to vector<16xi32>
    %swap3A_39 = vector.shape_cast %and3A_33 : vector<16xi32> to vector<1x16xi32>
    tpu.vector_store %arg7[%swap3A_35, %swap3A_36], %swap3A_39 {strides = array<i32>} : memref<2x128xi32, #tpu.memory_space<vmem>>, vector<1x16xi32>,
    %get3A_40 = arith.constant 0 : i32
    %get3A_41 = arith.index_cast %get3A_40 : i32 to index
    %get3A_42 = arith.constant 48 : index
    %get3A_43 = tpu.vector_load %arg6[%get3A_41, %get3A_42] {strides = array<i32>} : memref<79x128xi32, #tpu.memory_space<vmem>>, vector<1x16xi32>,
    %get3A_44 = vector.shape_cast %get3A_43 : vector<1x16xi32> to vector<16xi32>
    %and3A_45 = arith.constant 65535 : i32
    %and3A_46 = vector.broadcast %and3A_45 : i32 to vector<16xi32>
    %and3A_47 = arith.andi %get3A_44, %and3A_46 : vector<16xi32>
    %swap3A_48 = arith.constant 0 : i32
    %swap3A_49 = arith.index_cast %swap3A_48 : i32 to index
    %swap3A_50 = arith.constant 48 : index
    %swap3A_51 = tpu.vector_load %arg7[%swap3A_49, %swap3A_50] {strides = array<i32>} : memref<2x128xi32, #tpu.memory_space<vmem>>, vector<1x16xi32>,
    %swap3A_52 = vector.shape_cast %swap3A_51 : vector<1x16xi32> to vector<16xi32>
    %swap3A_53 = vector.shape_cast %and3A_47 : vector<16xi32> to vector<1x16xi32>
    tpu.vector_store %arg7[%swap3A_49, %swap3A_50], %swap3A_53 {strides = array<i32>} : memref<2x128xi32, #tpu.memory_space<vmem>>, vector<1x16xi32>,
    %get3A_54 = arith.constant 0 : i32
    %get3A_55 = arith.index_cast %get3A_54 : i32 to index
    %get3A_56 = arith.constant 64 : index
    %get3A_57 = tpu.vector_load %arg6[%get3A_55, %get3A_56] {strides = array<i32>} : memref<79x128xi32, #tpu.memory_space<vmem>>, vector<1x16xi32>,
    %get3A_58 = vector.shape_cast %get3A_57 : vector<1x16xi32> to vector<16xi32>
    %and3A_59 = arith.constant 65535 : i32
    %and3A_60 = vector.broadcast %and3A_59 : i32 to vector<16xi32>
    %and3A_61 = arith.andi %get3A_58, %and3A_60 : vector<16xi32>
    %swap3A_62 = arith.constant 0 : i32
    %swap3A_63 = arith.index_cast %swap3A_62 : i32 to index
    %swap3A_64 = arith.constant 64 : index
    %swap3A_65 = tpu.vector_load %arg7[%swap3A_63, %swap3A_64] {strides = array<i32>} : memref<2x128xi32, #tpu.memory_space<vmem>>, vector<1x16xi32>,
    %swap3A_66 = vector.shape_cast %swap3A_65 : vector<1x16xi32> to vector<16xi32>
    %swap3A_67 = vector.shape_cast %and3A_61 : vector<16xi32> to vector<1x16xi32>
    tpu.vector_store %arg7[%swap3A_63, %swap3A_64], %swap3A_67 {strides = array<i32>} : memref<2x128xi32, #tpu.memory_space<vmem>>, vector<1x16xi32>,
    %get3A_68 = arith.constant 0 : i32
    %get3A_69 = arith.index_cast %get3A_68 : i32 to index
    %get3A_70 = arith.constant 80 : index
    %get3A_71 = tpu.vector_load %arg6[%get3A_69, %get3A_70] {strides = array<i32>} : memref<79x128xi32, #tpu.memory_space<vmem>>, vector<1x16xi32>,
    %get3A_72 = vector.shape_cast %get3A_71 : vector<1x16xi32> to vector<16xi32>
    %and3A_73 = arith.constant 65535 : i32
    %and3A_74 = vector.broadcast %and3A_73 : i32 to vector<16xi32>
    %and3A_75 = arith.andi %get3A_72, %and3A_74 : vector<16xi32>
    %swap3A_76 = arith.constant 0 : i32
    %swap3A_77 = arith.index_cast %swap3A_76 : i32 to index
    %swap3A_78 = arith.constant 80 : index
    %swap3A_79 = tpu.vector_load %arg7[%swap3A_77, %swap3A_78] {strides = array<i32>} : memref<2x128xi32, #tpu.memory_space<vmem>>, vector<1x16xi32>,
    %swap3A_80 = vector.shape_cast %swap3A_79 : vector<1x16xi32> to vector<16xi32>
    %swap3A_81 = vector.shape_cast %and3A_75 : vector<16xi32> to vector<1x16xi32>
    tpu.vector_store %arg7[%swap3A_77, %swap3A_78], %swap3A_81 {strides = array<i32>} : memref<2x128xi32, #tpu.memory_space<vmem>>, vector<1x16xi32>,
    %get3A_82 = arith.constant 0 : i32
    %get3A_83 = arith.index_cast %get3A_82 : i32 to index
    %get3A_84 = arith.constant 96 : index
    %get3A_85 = tpu.vector_load %arg6[%get3A_83, %get3A_84] {strides = array<i32>} : memref<79x128xi32, #tpu.memory_space<vmem>>, vector<1x16xi32>,
    %get3A_86 = vector.shape_cast %get3A_85 : vector<1x16xi32> to vector<16xi32>
    %and3A_87 = arith.constant 65535 : i32
    %and3A_88 = vector.broadcast %and3A_87 : i32 to vector<16xi32>
    %and3A_89 = arith.andi %get3A_86, %and3A_88 : vector<16xi32>
    %swap3A_90 = arith.constant 0 : i32
    %swap3A_91 = arith.index_cast %swap3A_90 : i32 to index
    %swap3A_92 = arith.constant 96 : index
    %swap3A_93 = tpu.vector_load %arg7[%swap3A_91, %swap3A_92] {strides = array<i32>} : memref<2x128xi32, #tpu.memory_space<vmem>>, vector<1x16xi32>,
    %swap3A_94 = vector.shape_cast %swap3A_93 : vector<1x16xi32> to vector<16xi32>
    %swap3A_95 = vector.shape_cast %and3A_89 : vector<16xi32> to vector<1x16xi32>
    tpu.vector_store %arg7[%swap3A_91, %swap3A_92], %swap3A_95 {strides = array<i32>} : memref<2x128xi32, #tpu.memory_space<vmem>>, vector<1x16xi32>,
    %get3A_96 = arith.constant 0 : i32
    %get3A_97 = arith.index_cast %get3A_96 : i32 to index
    %get3A_98 = arith.constant 112 : index
    %get3A_99 = tpu.vector_load %arg6[%get3A_97, %get3A_98] {strides = array<i32>} : memref<79x128xi32, #tpu.memory_space<vmem>>, vector<1x16xi32>,
    %get3A_100 = vector.shape_cast %get3A_99 : vector<1x16xi32> to vector<16xi32>
    %and3A_101 = arith.constant 65535 : i32
    %and3A_102 = vector.broadcast %and3A_101 : i32 to vector<16xi32>
    %and3A_103 = arith.andi %get3A_100, %and3A_102 : vector<16xi32>
    %swap3A_104 = arith.constant 0 : i32
    %swap3A_105 = arith.index_cast %swap3A_104 : i32 to index
    %swap3A_106 = arith.constant 112 : index
    %swap3A_107 = tpu.vector_load %arg7[%swap3A_105, %swap3A_106] {strides = array<i32>} : memref<2x128xi32, #tpu.memory_space<vmem>>, vector<1x16xi32>,
    %swap3A_108 = vector.shape_cast %swap3A_107 : vector<1x16xi32> to vector<16xi32>
    %swap3A_109 = vector.shape_cast %and3A_103 : vector<16xi32> to vector<1x16xi32>
    tpu.vector_store %arg7[%swap3A_105, %swap3A_106], %swap3A_109 {strides = array<i32>} : memref<2x128xi32, #tpu.memory_space<vmem>>, vector<1x16xi32>,
    %dma_start3A = arith.constant 0 : i32
    %dma_start3A_110 = arith.constant 0 : i32
    %dma_start3A_111 = tpu.memref_slice %arg7[%dma_start3A, %dma_start3A_110] : memref<2x128xi32, #tpu.memory_space<vmem>> -> memref<1x128xi32, #tpu.memory_space<vmem>>
    %dma_start3A_112 = tpu.memref_squeeze %dma_start3A_111 : memref<1x128xi32, #tpu.memory_space<vmem>> -> memref<128xi32, #tpu.memory_space<vmem>>
    %dma_start3A_113 = arith.constant 0 : i32
    %dma_start3A_114 = arith.constant 0 : i32
    %dma_start3A_115 = tpu.memref_slice %arg2[%dma_start3A_113, %dma_start3A_114] : memref<10240x128xf32, #tpu.memory_space<hbm>> -> memref<10240x128xf32, #tpu.memory_space<hbm>>
    tpu.enqueue_indirect_dma source(%dma_start3A_115 : memref<10240x128xf32, #tpu.memory_space<hbm>>) target(%arg9 : memref<128x128xf32, #tpu.memory_space<vmem>>) offsets(%dma_start3A_112 : memref<128xi32, #tpu.memory_space<vmem>>) semaphore(%arg12 : memref<!tpu.dma_semaphore, #tpu.memory_space<semaphore_mem>>)
    %get3A_116 = arith.constant 1 : i32
    %get3A_117 = arith.index_cast %get3A_116 : i32 to index
    %get3A_118 = arith.constant 0 : index
    %get3A_119 = tpu.vector_load %arg6[%get3A_117, %get3A_118] {strides = array<i32>} : memref<79x128xi32, #tpu.memory_space<vmem>>, vector<1x16xi32>,
    %get3A_120 = vector.shape_cast %get3A_119 : vector<1x16xi32> to vector<16xi32>
    %and3A_121 = arith.constant 65535 : i32
    %and3A_122 = vector.broadcast %and3A_121 : i32 to vector<16xi32>
    %and3A_123 = arith.andi %get3A_120, %and3A_122 : vector<16xi32>
    %swap3A_124 = arith.constant 1 : i32
    %swap3A_125 = arith.index_cast %swap3A_124 : i32 to index
    %swap3A_126 = arith.constant 0 : index
    %swap3A_127 = tpu.vector_load %arg7[%swap3A_125, %swap3A_126] {strides = array<i32>} : memref<2x128xi32, #tpu.memory_space<vmem>>, vector<1x16xi32>,
    %swap3A_128 = vector.shape_cast %swap3A_127 : vector<1x16xi32> to vector<16xi32>
    %swap3A_129 = vector.shape_cast %and3A_123 : vector<16xi32> to vector<1x16xi32>
    tpu.vector_store %arg7[%swap3A_125, %swap3A_126], %swap3A_129 {strides = array<i32>} : memref<2x128xi32, #tpu.memory_space<vmem>>, vector<1x16xi32>,
    %get3A_130 = arith.constant 1 : i32
    %get3A_131 = arith.index_cast %get3A_130 : i32 to index
    %get3A_132 = arith.constant 16 : index
    %get3A_133 = tpu.vector_load %arg6[%get3A_131, %get3A_132] {strides = array<i32>} : memref<79x128xi32, #tpu.memory_space<vmem>>, vector<1x16xi32>,
    %get3A_134 = vector.shape_cast %get3A_133 : vector<1x16xi32> to vector<16xi32>
    %and3A_135 = arith.constant 65535 : i32
    %and3A_136 = vector.broadcast %and3A_135 : i32 to vector<16xi32>
    %and3A_137 = arith.andi %get3A_134, %and3A_136 : vector<16xi32>
    %swap3A_138 = arith.constant 1 : i32
    %swap3A_139 = arith.index_cast %swap3A_138 : i32 to index
    %swap3A_140 = arith.constant 16 : index
    %swap3A_141 = tpu.vector_load %arg7[%swap3A_139, %swap3A_140] {strides = array<i32>} : memref<2x128xi32, #tpu.memory_space<vmem>>, vector<1x16xi32>,
    %swap3A_142 = vector.shape_cast %swap3A_141 : vector<1x16xi32> to vector<16xi32>
    %swap3A_143 = vector.shape_cast %and3A_137 : vector<16xi32> to vector<1x16xi32>
    tpu.vector_store %arg7[%swap3A_139, %swap3A_140], %swap3A_143 {strides = array<i32>} : memref<2x128xi32, #tpu.memory_space<vmem>>, vector<1x16xi32>,
    %get3A_144 = arith.constant 1 : i32
    %get3A_145 = arith.index_cast %get3A_144 : i32 to index
    %get3A_146 = arith.constant 32 : index
    %get3A_147 = tpu.vector_load %arg6[%get3A_145, %get3A_146] {strides = array<i32>} : memref<79x128xi32, #tpu.memory_space<vmem>>, vector<1x16xi32>,
    %get3A_148 = vector.shape_cast %get3A_147 : vector<1x16xi32> to vector<16xi32>
    %and3A_149 = arith.constant 65535 : i32
    %and3A_150 = vector.broadcast %and3A_149 : i32 to vector<16xi32>
    %and3A_151 = arith.andi %get3A_148, %and3A_150 : vector<16xi32>
    %swap3A_152 = arith.constant 1 : i32
    %swap3A_153 = arith.index_cast %swap3A_152 : i32 to index
    %swap3A_154 = arith.constant 32 : index
    %swap3A_155 = tpu.vector_load %arg7[%swap3A_153, %swap3A_154] {strides = array<i32>} : memref<2x128xi32, #tpu.memory_space<vmem>>, vector<1x16xi32>,
    %swap3A_156 = vector.shape_cast %swap3A_155 : vector<1x16xi32> to vector<16xi32>
    %swap3A_157 = vector.shape_cast %and3A_151 : vector<16xi32> to vector<1x16xi32>
    tpu.vector_store %arg7[%swap3A_153, %swap3A_154], %swap3A_157 {strides = array<i32>} : memref<2x128xi32, #tpu.memory_space<vmem>>, vector<1x16xi32>,
    %get3A_158 = arith.constant 1 : i32
    %get3A_159 = arith.index_cast %get3A_158 : i32 to index
    %get3A_160 = arith.constant 48 : index
    %get3A_161 = tpu.vector_load %arg6[%get3A_159, %get3A_160] {strides = array<i32>} : memref<79x128xi32, #tpu.memory_space<vmem>>, vector<1x16xi32>,
    %get3A_162 = vector.shape_cast %get3A_161 : vector<1x16xi32> to vector<16xi32>
    %and3A_163 = arith.constant 65535 : i32
    %and3A_164 = vector.broadcast %and3A_163 : i32 to vector<16xi32>
    %and3A_165 = arith.andi %get3A_162, %and3A_164 : vector<16xi32>
    %swap3A_166 = arith.constant 1 : i32
    %swap3A_167 = arith.index_cast %swap3A_166 : i32 to index
    %swap3A_168 = arith.constant 48 : index
    %swap3A_169 = tpu.vector_load %arg7[%swap3A_167, %swap3A_168] {strides = array<i32>} : memref<2x128xi32, #tpu.memory_space<vmem>>, vector<1x16xi32>,
    %swap3A_170 = vector.shape_cast %swap3A_169 : vector<1x16xi32> to vector<16xi32>
    %swap3A_171 = vector.shape_cast %and3A_165 : vector<16xi32> to vector<1x16xi32>
    tpu.vector_store %arg7[%swap3A_167, %swap3A_168], %swap3A_171 {strides = array<i32>} : memref<2x128xi32, #tpu.memory_space<vmem>>, vector<1x16xi32>,
    %get3A_172 = arith.constant 1 : i32
    %get3A_173 = arith.index_cast %get3A_172 : i32 to index
    %get3A_174 = arith.constant 64 : index
    %get3A_175 = tpu.vector_load %arg6[%get3A_173, %get3A_174] {strides = array<i32>} : memref<79x128xi32, #tpu.memory_space<vmem>>, vector<1x16xi32>,
    %get3A_176 = vector.shape_cast %get3A_175 : vector<1x16xi32> to vector<16xi32>
    %and3A_177 = arith.constant 65535 : i32
    %and3A_178 = vector.broadcast %and3A_177 : i32 to vector<16xi32>
    %and3A_179 = arith.andi %get3A_176, %and3A_178 : vector<16xi32>
    %swap3A_180 = arith.constant 1 : i32
    %swap3A_181 = arith.index_cast %swap3A_180 : i32 to index
    %swap3A_182 = arith.constant 64 : index
    %swap3A_183 = tpu.vector_load %arg7[%swap3A_181, %swap3A_182] {strides = array<i32>} : memref<2x128xi32, #tpu.memory_space<vmem>>, vector<1x16xi32>,
    %swap3A_184 = vector.shape_cast %swap3A_183 : vector<1x16xi32> to vector<16xi32>
    %swap3A_185 = vector.shape_cast %and3A_179 : vector<16xi32> to vector<1x16xi32>
    tpu.vector_store %arg7[%swap3A_181, %swap3A_182], %swap3A_185 {strides = array<i32>} : memref<2x128xi32, #tpu.memory_space<vmem>>, vector<1x16xi32>,
    %get3A_186 = arith.constant 1 : i32
    %get3A_187 = arith.index_cast %get3A_186 : i32 to index
    %get3A_188 = arith.constant 80 : index
    %get3A_189 = tpu.vector_load %arg6[%get3A_187, %get3A_188] {strides = array<i32>} : memref<79x128xi32, #tpu.memory_space<vmem>>, vector<1x16xi32>,
    %get3A_190 = vector.shape_cast %get3A_189 : vector<1x16xi32> to vector<16xi32>
    %and3A_191 = arith.constant 65535 : i32
    %and3A_192 = vector.broadcast %and3A_191 : i32 to vector<16xi32>
    %and3A_193 = arith.andi %get3A_190, %and3A_192 : vector<16xi32>
    %swap3A_194 = arith.constant 1 : i32
    %swap3A_195 = arith.index_cast %swap3A_194 : i32 to index
    %swap3A_196 = arith.constant 80 : index
    %swap3A_197 = tpu.vector_load %arg7[%swap3A_195, %swap3A_196] {strides = array<i32>} : memref<2x128xi32, #tpu.memory_space<vmem>>, vector<1x16xi32>,
    %swap3A_198 = vector.shape_cast %swap3A_197 : vector<1x16xi32> to vector<16xi32>
    %swap3A_199 = vector.shape_cast %and3A_193 : vector<16xi32> to vector<1x16xi32>
    tpu.vector_store %arg7[%swap3A_195, %swap3A_196], %swap3A_199 {strides = array<i32>} : memref<2x128xi32, #tpu.memory_space<vmem>>, vector<1x16xi32>,
    %get3A_200 = arith.constant 1 : i32
    %get3A_201 = arith.index_cast %get3A_200 : i32 to index
    %get3A_202 = arith.constant 96 : index
    %get3A_203 = tpu.vector_load %arg6[%get3A_201, %get3A_202] {strides = array<i32>} : memref<79x128xi32, #tpu.memory_space<vmem>>, vector<1x16xi32>,
    %get3A_204 = vector.shape_cast %get3A_203 : vector<1x16xi32> to vector<16xi32>
    %and3A_205 = arith.constant 65535 : i32
    %and3A_206 = vector.broadcast %and3A_205 : i32 to vector<16xi32>
    %and3A_207 = arith.andi %get3A_204, %and3A_206 : vector<16xi32>
    %swap3A_208 = arith.constant 1 : i32
    %swap3A_209 = arith.index_cast %swap3A_208 : i32 to index
    %swap3A_210 = arith.constant 96 : index
    %swap3A_211 = tpu.vector_load %arg7[%swap3A_209, %swap3A_210] {strides = array<i32>} : memref<2x128xi32, #tpu.memory_space<vmem>>, vector<1x16xi32>,
    %swap3A_212 = vector.shape_cast %swap3A_211 : vector<1x16xi32> to vector<16xi32>
    %swap3A_213 = vector.shape_cast %and3A_207 : vector<16xi32> to vector<1x16xi32>
    tpu.vector_store %arg7[%swap3A_209, %swap3A_210], %swap3A_213 {strides = array<i32>} : memref<2x128xi32, #tpu.memory_space<vmem>>, vector<1x16xi32>,
    %get3A_214 = arith.constant 1 : i32
    %get3A_215 = arith.index_cast %get3A_214 : i32 to index
    %get3A_216 = arith.constant 112 : index
    %get3A_217 = tpu.vector_load %arg6[%get3A_215, %get3A_216] {strides = array<i32>} : memref<79x128xi32, #tpu.memory_space<vmem>>, vector<1x16xi32>,
    %get3A_218 = vector.shape_cast %get3A_217 : vector<1x16xi32> to vector<16xi32>
    %and3A_219 = arith.constant 65535 : i32
    %and3A_220 = vector.broadcast %and3A_219 : i32 to vector<16xi32>
    %and3A_221 = arith.andi %get3A_218, %and3A_220 : vector<16xi32>
    %swap3A_222 = arith.constant 1 : i32
    %swap3A_223 = arith.index_cast %swap3A_222 : i32 to index
    %swap3A_224 = arith.constant 112 : index
    %swap3A_225 = tpu.vector_load %arg7[%swap3A_223, %swap3A_224] {strides = array<i32>} : memref<2x128xi32, #tpu.memory_space<vmem>>, vector<1x16xi32>,
    %swap3A_226 = vector.shape_cast %swap3A_225 : vector<1x16xi32> to vector<16xi32>
    %swap3A_227 = vector.shape_cast %and3A_221 : vector<16xi32> to vector<1x16xi32>
    tpu.vector_store %arg7[%swap3A_223, %swap3A_224], %swap3A_227 {strides = array<i32>} : memref<2x128xi32, #tpu.memory_space<vmem>>, vector<1x16xi32>,
    %dma_start3A_228 = arith.constant 1 : i32
    %dma_start3A_229 = arith.constant 0 : i32
    %dma_start3A_230 = tpu.memref_slice %arg7[%dma_start3A_228, %dma_start3A_229] : memref<2x128xi32, #tpu.memory_space<vmem>> -> memref<1x128xi32, #tpu.memory_space<vmem>>
    %dma_start3A_231 = tpu.memref_squeeze %dma_start3A_230 : memref<1x128xi32, #tpu.memory_space<vmem>> -> memref<128xi32, #tpu.memory_space<vmem>>
    %dma_start3A_232 = arith.constant 0 : i32
    %dma_start3A_233 = arith.constant 0 : i32
    %dma_start3A_234 = tpu.memref_slice %arg2[%dma_start3A_232, %dma_start3A_233] : memref<10240x128xf32, #tpu.memory_space<hbm>> -> memref<10240x128xf32, #tpu.memory_space<hbm>>
    tpu.enqueue_indirect_dma source(%dma_start3A_234 : memref<10240x128xf32, #tpu.memory_space<hbm>>) target(%arg10 : memref<128x128xf32, #tpu.memory_space<vmem>>) offsets(%dma_start3A_231 : memref<128xi32, #tpu.memory_space<vmem>>) semaphore(%arg13 : memref<!tpu.dma_semaphore, #tpu.memory_space<semaphore_mem>>)
    %mul3A_235 = arith.constant 640 : i32
    %mul3A_236 = arith.muli %arg1, %mul3A_235 : i32
    %add3A_237 = arith.constant 0 : i32
    %add3A_238 = arith.addi %mul3A_236, %add3A_237 : i32
    "tpu.region"() ({
      %run_scoped3A_697 = tpu.sem_alloc : memref<!tpu.dma_semaphore, #tpu.memory_space<semaphore_mem>>
      %dma_start3A_698 = arith.constant 0 : i32
      %dma_start3A_699 = tpu.memref_slice %arg11[%add3A_238, %dma_start3A_698] : memref<10240x128xf32, #tpu.memory_space<vmem_shared>> -> memref<64x128xf32, #tpu.memory_space<vmem_shared>>
      tpu.enqueue_dma source(%arg4 : memref<64x128xf32, #tpu.memory_space<hbm>>) target(%dma_start3A_699 : memref<64x128xf32, #tpu.memory_space<vmem_shared>>) target_semaphore(%run_scoped3A_697 : memref<!tpu.dma_semaphore, #tpu.memory_space<semaphore_mem>>)
      %dma_wait3A_700 = arith.constant 0 : i32
      %dma_wait3A_701 = tpu.memref_slice %arg11[%add3A_238, %dma_wait3A_700] : memref<10240x128xf32, #tpu.memory_space<vmem_shared>> -> memref<64x128xf32, #tpu.memory_space<vmem_shared>>
      tpu.wait_dma2 semaphore(%run_scoped3A_697 : memref<!tpu.dma_semaphore, #tpu.memory_space<semaphore_mem>>) src(%arg4 : memref<64x128xf32, #tpu.memory_space<hbm>>) dst(%dma_wait3A_701 : memref<64x128xf32, #tpu.memory_space<vmem_shared>>)
      tpu.yield
    }) : () -> ()
    %mul3A_239 = arith.constant 640 : i32
    %mul3A_240 = arith.muli %arg1, %mul3A_239 : i32
    %add3A_241 = arith.constant 64 : i32
    %add3A_242 = arith.addi %mul3A_240, %add3A_241 : i32
    "tpu.region"() ({
      %run_scoped3A_697 = tpu.sem_alloc : memref<!tpu.dma_semaphore, #tpu.memory_space<semaphore_mem>>
      %dma_start3A_698 = arith.constant 0 : i32
      %dma_start3A_699 = tpu.memref_slice %arg11[%add3A_242, %dma_start3A_698] : memref<10240x128xf32, #tpu.memory_space<vmem_shared>> -> memref<64x128xf32, #tpu.memory_space<vmem_shared>>
      tpu.enqueue_dma source(%arg4 : memref<64x128xf32, #tpu.memory_space<hbm>>) target(%dma_start3A_699 : memref<64x128xf32, #tpu.memory_space<vmem_shared>>) target_semaphore(%run_scoped3A_697 : memref<!tpu.dma_semaphore, #tpu.memory_space<semaphore_mem>>)
      %dma_wait3A_700 = arith.constant 0 : i32
      %dma_wait3A_701 = tpu.memref_slice %arg11[%add3A_242, %dma_wait3A_700] : memref<10240x128xf32, #tpu.memory_space<vmem_shared>> -> memref<64x128xf32, #tpu.memory_space<vmem_shared>>
      tpu.wait_dma2 semaphore(%run_scoped3A_697 : memref<!tpu.dma_semaphore, #tpu.memory_space<semaphore_mem>>) src(%arg4 : memref<64x128xf32, #tpu.memory_space<hbm>>) dst(%dma_wait3A_701 : memref<64x128xf32, #tpu.memory_space<vmem_shared>>)
      tpu.yield
    }) : () -> ()
    %mul3A_243 = arith.constant 640 : i32
    %mul3A_244 = arith.muli %arg1, %mul3A_243 : i32
    %add3A_245 = arith.constant 128 : i32
    %add3A_246 = arith.addi %mul3A_244, %add3A_245 : i32
    "tpu.region"() ({
      %run_scoped3A_697 = tpu.sem_alloc : memref<!tpu.dma_semaphore, #tpu.memory_space<semaphore_mem>>
      %dma_start3A_698 = arith.constant 0 : i32
      %dma_start3A_699 = tpu.memref_slice %arg11[%add3A_246, %dma_start3A_698] : memref<10240x128xf32, #tpu.memory_space<vmem_shared>> -> memref<64x128xf32, #tpu.memory_space<vmem_shared>>
      tpu.enqueue_dma source(%arg4 : memref<64x128xf32, #tpu.memory_space<hbm>>) target(%dma_start3A_699 : memref<64x128xf32, #tpu.memory_space<vmem_shared>>) target_semaphore(%run_scoped3A_697 : memref<!tpu.dma_semaphore, #tpu.memory_space<semaphore_mem>>)
      %dma_wait3A_700 = arith.constant 0 : i32
      %dma_wait3A_701 = tpu.memref_slice %arg11[%add3A_246, %dma_wait3A_700] : memref<10240x128xf32, #tpu.memory_space<vmem_shared>> -> memref<64x128xf32, #tpu.memory_space<vmem_shared>>
      tpu.wait_dma2 semaphore(%run_scoped3A_697 : memref<!tpu.dma_semaphore, #tpu.memory_space<semaphore_mem>>) src(%arg4 : memref<64x128xf32, #tpu.memory_space<hbm>>) dst(%dma_wait3A_701 : memref<64x128xf32, #tpu.memory_space<vmem_shared>>)
      tpu.yield
    }) : () -> ()
    %mul3A_247 = arith.constant 640 : i32
    %mul3A_248 = arith.muli %arg1, %mul3A_247 : i32
    %add3A_249 = arith.constant 192 : i32
    %add3A_250 = arith.addi %mul3A_248, %add3A_249 : i32
    "tpu.region"() ({
      %run_scoped3A_697 = tpu.sem_alloc : memref<!tpu.dma_semaphore, #tpu.memory_space<semaphore_mem>>
      %dma_start3A_698 = arith.constant 0 : i32
      %dma_start3A_699 = tpu.memref_slice %arg11[%add3A_250, %dma_start3A_698] : memref<10240x128xf32, #tpu.memory_space<vmem_shared>> -> memref<64x128xf32, #tpu.memory_space<vmem_shared>>
      tpu.enqueue_dma source(%arg4 : memref<64x128xf32, #tpu.memory_space<hbm>>) target(%dma_start3A_699 : memref<64x128xf32, #tpu.memory_space<vmem_shared>>) target_semaphore(%run_scoped3A_697 : memref<!tpu.dma_semaphore, #tpu.memory_space<semaphore_mem>>)
      %dma_wait3A_700 = arith.constant 0 : i32
      %dma_wait3A_701 = tpu.memref_slice %arg11[%add3A_250, %dma_wait3A_700] : memref<10240x128xf32, #tpu.memory_space<vmem_shared>> -> memref<64x128xf32, #tpu.memory_space<vmem_shared>>
      tpu.wait_dma2 semaphore(%run_scoped3A_697 : memref<!tpu.dma_semaphore, #tpu.memory_space<semaphore_mem>>) src(%arg4 : memref<64x128xf32, #tpu.memory_space<hbm>>) dst(%dma_wait3A_701 : memref<64x128xf32, #tpu.memory_space<vmem_shared>>)
      tpu.yield
    }) : () -> ()
    %mul3A_251 = arith.constant 640 : i32
    %mul3A_252 = arith.muli %arg1, %mul3A_251 : i32
    %add3A_253 = arith.constant 256 : i32
    %add3A_254 = arith.addi %mul3A_252, %add3A_253 : i32
    "tpu.region"() ({
      %run_scoped3A_697 = tpu.sem_alloc : memref<!tpu.dma_semaphore, #tpu.memory_space<semaphore_mem>>
      %dma_start3A_698 = arith.constant 0 : i32
      %dma_start3A_699 = tpu.memref_slice %arg11[%add3A_254, %dma_start3A_698] : memref<10240x128xf32, #tpu.memory_space<vmem_shared>> -> memref<64x128xf32, #tpu.memory_space<vmem_shared>>
      tpu.enqueue_dma source(%arg4 : memref<64x128xf32, #tpu.memory_space<hbm>>) target(%dma_start3A_699 : memref<64x128xf32, #tpu.memory_space<vmem_shared>>) target_semaphore(%run_scoped3A_697 : memref<!tpu.dma_semaphore, #tpu.memory_space<semaphore_mem>>)
      %dma_wait3A_700 = arith.constant 0 : i32
      %dma_wait3A_701 = tpu.memref_slice %arg11[%add3A_254, %dma_wait3A_700] : memref<10240x128xf32, #tpu.memory_space<vmem_shared>> -> memref<64x128xf32, #tpu.memory_space<vmem_shared>>
      tpu.wait_dma2 semaphore(%run_scoped3A_697 : memref<!tpu.dma_semaphore, #tpu.memory_space<semaphore_mem>>) src(%arg4 : memref<64x128xf32, #tpu.memory_space<hbm>>) dst(%dma_wait3A_701 : memref<64x128xf32, #tpu.memory_space<vmem_shared>>)
      tpu.yield
    }) : () -> ()
    %mul3A_255 = arith.constant 640 : i32
    %mul3A_256 = arith.muli %arg1, %mul3A_255 : i32
    %add3A_257 = arith.constant 320 : i32
    %add3A_258 = arith.addi %mul3A_256, %add3A_257 : i32
    "tpu.region"() ({
      %run_scoped3A_697 = tpu.sem_alloc : memref<!tpu.dma_semaphore, #tpu.memory_space<semaphore_mem>>
      %dma_start3A_698 = arith.constant 0 : i32
      %dma_start3A_699 = tpu.memref_slice %arg11[%add3A_258, %dma_start3A_698] : memref<10240x128xf32, #tpu.memory_space<vmem_shared>> -> memref<64x128xf32, #tpu.memory_space<vmem_shared>>
      tpu.enqueue_dma source(%arg4 : memref<64x128xf32, #tpu.memory_space<hbm>>) target(%dma_start3A_699 : memref<64x128xf32, #tpu.memory_space<vmem_shared>>) target_semaphore(%run_scoped3A_697 : memref<!tpu.dma_semaphore, #tpu.memory_space<semaphore_mem>>)
      %dma_wait3A_700 = arith.constant 0 : i32
      %dma_wait3A_701 = tpu.memref_slice %arg11[%add3A_258, %dma_wait3A_700] : memref<10240x128xf32, #tpu.memory_space<vmem_shared>> -> memref<64x128xf32, #tpu.memory_space<vmem_shared>>
      tpu.wait_dma2 semaphore(%run_scoped3A_697 : memref<!tpu.dma_semaphore, #tpu.memory_space<semaphore_mem>>) src(%arg4 : memref<64x128xf32, #tpu.memory_space<hbm>>) dst(%dma_wait3A_701 : memref<64x128xf32, #tpu.memory_space<vmem_shared>>)
      tpu.yield
    }) : () -> ()
    %mul3A_259 = arith.constant 640 : i32
    %mul3A_260 = arith.muli %arg1, %mul3A_259 : i32
    %add3A_261 = arith.constant 384 : i32
    %add3A_262 = arith.addi %mul3A_260, %add3A_261 : i32
    "tpu.region"() ({
      %run_scoped3A_697 = tpu.sem_alloc : memref<!tpu.dma_semaphore, #tpu.memory_space<semaphore_mem>>
      %dma_start3A_698 = arith.constant 0 : i32
      %dma_start3A_699 = tpu.memref_slice %arg11[%add3A_262, %dma_start3A_698] : memref<10240x128xf32, #tpu.memory_space<vmem_shared>> -> memref<64x128xf32, #tpu.memory_space<vmem_shared>>
      tpu.enqueue_dma source(%arg4 : memref<64x128xf32, #tpu.memory_space<hbm>>) target(%dma_start3A_699 : memref<64x128xf32, #tpu.memory_space<vmem_shared>>) target_semaphore(%run_scoped3A_697 : memref<!tpu.dma_semaphore, #tpu.memory_space<semaphore_mem>>)
      %dma_wait3A_700 = arith.constant 0 : i32
      %dma_wait3A_701 = tpu.memref_slice %arg11[%add3A_262, %dma_wait3A_700] : memref<10240x128xf32, #tpu.memory_space<vmem_shared>> -> memref<64x128xf32, #tpu.memory_space<vmem_shared>>
      tpu.wait_dma2 semaphore(%run_scoped3A_697 : memref<!tpu.dma_semaphore, #tpu.memory_space<semaphore_mem>>) src(%arg4 : memref<64x128xf32, #tpu.memory_space<hbm>>) dst(%dma_wait3A_701 : memref<64x128xf32, #tpu.memory_space<vmem_shared>>)
      tpu.yield
    }) : () -> ()
    %mul3A_263 = arith.constant 640 : i32
    %mul3A_264 = arith.muli %arg1, %mul3A_263 : i32
    %add3A_265 = arith.constant 448 : i32
    %add3A_266 = arith.addi %mul3A_264, %add3A_265 : i32
    "tpu.region"() ({
      %run_scoped3A_697 = tpu.sem_alloc : memref<!tpu.dma_semaphore, #tpu.memory_space<semaphore_mem>>
      %dma_start3A_698 = arith.constant 0 : i32
      %dma_start3A_699 = tpu.memref_slice %arg11[%add3A_266, %dma_start3A_698] : memref<10240x128xf32, #tpu.memory_space<vmem_shared>> -> memref<64x128xf32, #tpu.memory_space<vmem_shared>>
      tpu.enqueue_dma source(%arg4 : memref<64x128xf32, #tpu.memory_space<hbm>>) target(%dma_start3A_699 : memref<64x128xf32, #tpu.memory_space<vmem_shared>>) target_semaphore(%run_scoped3A_697 : memref<!tpu.dma_semaphore, #tpu.memory_space<semaphore_mem>>)
      %dma_wait3A_700 = arith.constant 0 : i32
      %dma_wait3A_701 = tpu.memref_slice %arg11[%add3A_266, %dma_wait3A_700] : memref<10240x128xf32, #tpu.memory_space<vmem_shared>> -> memref<64x128xf32, #tpu.memory_space<vmem_shared>>
      tpu.wait_dma2 semaphore(%run_scoped3A_697 : memref<!tpu.dma_semaphore, #tpu.memory_space<semaphore_mem>>) src(%arg4 : memref<64x128xf32, #tpu.memory_space<hbm>>) dst(%dma_wait3A_701 : memref<64x128xf32, #tpu.memory_space<vmem_shared>>)
      tpu.yield
    }) : () -> ()
    %mul3A_267 = arith.constant 640 : i32
    %mul3A_268 = arith.muli %arg1, %mul3A_267 : i32
    %add3A_269 = arith.constant 512 : i32
    %add3A_270 = arith.addi %mul3A_268, %add3A_269 : i32
    "tpu.region"() ({
      %run_scoped3A_697 = tpu.sem_alloc : memref<!tpu.dma_semaphore, #tpu.memory_space<semaphore_mem>>
      %dma_start3A_698 = arith.constant 0 : i32
      %dma_start3A_699 = tpu.memref_slice %arg11[%add3A_270, %dma_start3A_698] : memref<10240x128xf32, #tpu.memory_space<vmem_shared>> -> memref<64x128xf32, #tpu.memory_space<vmem_shared>>
      tpu.enqueue_dma source(%arg4 : memref<64x128xf32, #tpu.memory_space<hbm>>) target(%dma_start3A_699 : memref<64x128xf32, #tpu.memory_space<vmem_shared>>) target_semaphore(%run_scoped3A_697 : memref<!tpu.dma_semaphore, #tpu.memory_space<semaphore_mem>>)
      %dma_wait3A_700 = arith.constant 0 : i32
      %dma_wait3A_701 = tpu.memref_slice %arg11[%add3A_270, %dma_wait3A_700] : memref<10240x128xf32, #tpu.memory_space<vmem_shared>> -> memref<64x128xf32, #tpu.memory_space<vmem_shared>>
      tpu.wait_dma2 semaphore(%run_scoped3A_697 : memref<!tpu.dma_semaphore, #tpu.memory_space<semaphore_mem>>) src(%arg4 : memref<64x128xf32, #tpu.memory_space<hbm>>) dst(%dma_wait3A_701 : memref<64x128xf32, #tpu.memory_space<vmem_shared>>)
      tpu.yield
    }) : () -> ()
    %mul3A_271 = arith.constant 640 : i32
    %mul3A_272 = arith.muli %arg1, %mul3A_271 : i32
    %add3A_273 = arith.constant 576 : i32
    %add3A_274 = arith.addi %mul3A_272, %add3A_273 : i32
    "tpu.region"() ({
      %run_scoped3A_697 = tpu.sem_alloc : memref<!tpu.dma_semaphore, #tpu.memory_space<semaphore_mem>>
      %dma_start3A_698 = arith.constant 0 : i32
      %dma_start3A_699 = tpu.memref_slice %arg11[%add3A_274, %dma_start3A_698] : memref<10240x128xf32, #tpu.memory_space<vmem_shared>> -> memref<64x128xf32, #tpu.memory_space<vmem_shared>>
      tpu.enqueue_dma source(%arg4 : memref<64x128xf32, #tpu.memory_space<hbm>>) target(%dma_start3A_699 : memref<64x128xf32, #tpu.memory_space<vmem_shared>>) target_semaphore(%run_scoped3A_697 : memref<!tpu.dma_semaphore, #tpu.memory_space<semaphore_mem>>)
      %dma_wait3A_700 = arith.constant 0 : i32
      %dma_wait3A_701 = tpu.memref_slice %arg11[%add3A_274, %dma_wait3A_700] : memref<10240x128xf32, #tpu.memory_space<vmem_shared>> -> memref<64x128xf32, #tpu.memory_space<vmem_shared>>
      tpu.wait_dma2 semaphore(%run_scoped3A_697 : memref<!tpu.dma_semaphore, #tpu.memory_space<semaphore_mem>>) src(%arg4 : memref<64x128xf32, #tpu.memory_space<hbm>>) dst(%dma_wait3A_701 : memref<64x128xf32, #tpu.memory_space<vmem_shared>>)
      tpu.yield
    }) : () -> ()
    %barrier3A = arith.constant 0 : index
    tpu.barrier barrier_id(%barrier3A)
    %scan3A = arith.constant 0 : i32
    %scan3A_275 = arith.constant 0 : i32
    %scan3A_276 = arith.constant 38 : i32
    %scan3A_277 = arith.addi %scan3A_275, %scan3A_276 : i32
    %scan3A_278 = arith.constant 1 : i32
    scf.for %scan3A_697 = %scan3A_275 to %scan3A_277 step %scan3A_278  : i32 {
      %mul3A_698 = arith.constant 2 : i32
      %mul3A_699 = arith.muli %mul3A_698, %scan3A_697 : i32
      %dma_wait3A_700 = arith.constant 0 : i32
      %dma_wait3A_701 = arith.constant 0 : i32
      %dma_wait3A_702 = tpu.memref_slice %arg7[%dma_wait3A_700, %dma_wait3A_701] : memref<2x128xi32, #tpu.memory_space<vmem>> -> memref<1x128xi32, #tpu.memory_space<vmem>>
      %dma_wait3A_703 = tpu.memref_squeeze %dma_wait3A_702 : memref<1x128xi32, #tpu.memory_space<vmem>> -> memref<128xi32, #tpu.memory_space<vmem>>
      %dma_wait3A_704 = arith.constant 0 : i32
      %dma_wait3A_705 = arith.constant 0 : i32
      %dma_wait3A_706 = tpu.memref_slice %arg2[%dma_wait3A_704, %dma_wait3A_705] : memref<10240x128xf32, #tpu.memory_space<hbm>> -> memref<10240x128xf32, #tpu.memory_space<hbm>>
      tpu.wait_indirect_dma semaphore(%arg12 : memref<!tpu.dma_semaphore, #tpu.memory_space<semaphore_mem>>) src(%dma_wait3A_706 : memref<10240x128xf32, #tpu.memory_space<hbm>>) dst(%arg9 : memref<128x128xf32, #tpu.memory_space<vmem>>)
      %get3A_707 = arith.index_cast %mul3A_699 : i32 to index
      %get3A_708 = arith.constant 0 : index
      %get3A_709 = tpu.vector_load %arg6[%get3A_707, %get3A_708] {strides = array<i32>} : memref<79x128xi32, #tpu.memory_space<vmem>>, vector<1x16xi32>,
      %get3A_710 = vector.shape_cast %get3A_709 : vector<1x16xi32> to vector<16xi32>
      %shift_right_logical3A_711 = arith.constant 16 : i32
      %shift_right_logical3A_712 = vector.broadcast %shift_right_logical3A_711 : i32 to vector<16xi32>
      %shift_right_logical3A_713 = arith.shrui %get3A_710, %shift_right_logical3A_712 : vector<16xi32>
      %swap3A_714 = arith.constant 0 : index
      %swap3A_715 = tpu.vector_load %arg8[%swap3A_714] {strides = array<i32>} : memref<128xi32, #tpu.memory_space<vmem>>, vector<16xi32>,
      %swap3A_716 = vector.shape_cast %swap3A_715 : vector<16xi32> to vector<16xi32>
      %swap3A_717 = vector.shape_cast %shift_right_logical3A_713 : vector<16xi32> to vector<16xi32>
      tpu.vector_store %arg8[%swap3A_714], %swap3A_717 {strides = array<i32>} : memref<128xi32, #tpu.memory_space<vmem>>, vector<16xi32>,
      %get3A_718 = arith.index_cast %mul3A_699 : i32 to index
      %get3A_719 = arith.constant 16 : index
      %get3A_720 = tpu.vector_load %arg6[%get3A_718, %get3A_719] {strides = array<i32>} : memref<79x128xi32, #tpu.memory_space<vmem>>, vector<1x16xi32>,
      %get3A_721 = vector.shape_cast %get3A_720 : vector<1x16xi32> to vector<16xi32>
      %shift_right_logical3A_722 = arith.constant 16 : i32
      %shift_right_logical3A_723 = vector.broadcast %shift_right_logical3A_722 : i32 to vector<16xi32>
      %shift_right_logical3A_724 = arith.shrui %get3A_721, %shift_right_logical3A_723 : vector<16xi32>
      %swap3A_725 = arith.constant 16 : index
      %swap3A_726 = tpu.vector_load %arg8[%swap3A_725] {strides = array<i32>} : memref<128xi32, #tpu.memory_space<vmem>>, vector<16xi32>,
      %swap3A_727 = vector.shape_cast %swap3A_726 : vector<16xi32> to vector<16xi32>
      %swap3A_728 = vector.shape_cast %shift_right_logical3A_724 : vector<16xi32> to vector<16xi32>
      tpu.vector_store %arg8[%swap3A_725], %swap3A_728 {strides = array<i32>} : memref<128xi32, #tpu.memory_space<vmem>>, vector<16xi32>,
      %get3A_729 = arith.index_cast %mul3A_699 : i32 to index
      %get3A_730 = arith.constant 32 : index
      %get3A_731 = tpu.vector_load %arg6[%get3A_729, %get3A_730] {strides = array<i32>} : memref<79x128xi32, #tpu.memory_space<vmem>>, vector<1x16xi32>,
      %get3A_732 = vector.shape_cast %get3A_731 : vector<1x16xi32> to vector<16xi32>
      %shift_right_logical3A_733 = arith.constant 16 : i32
      %shift_right_logical3A_734 = vector.broadcast %shift_right_logical3A_733 : i32 to vector<16xi32>
      %shift_right_logical3A_735 = arith.shrui %get3A_732, %shift_right_logical3A_734 : vector<16xi32>
      %swap3A_736 = arith.constant 32 : index
      %swap3A_737 = tpu.vector_load %arg8[%swap3A_736] {strides = array<i32>} : memref<128xi32, #tpu.memory_space<vmem>>, vector<16xi32>,
      %swap3A_738 = vector.shape_cast %swap3A_737 : vector<16xi32> to vector<16xi32>
      %swap3A_739 = vector.shape_cast %shift_right_logical3A_735 : vector<16xi32> to vector<16xi32>
      tpu.vector_store %arg8[%swap3A_736], %swap3A_739 {strides = array<i32>} : memref<128xi32, #tpu.memory_space<vmem>>, vector<16xi32>,
      %get3A_740 = arith.index_cast %mul3A_699 : i32 to index
      %get3A_741 = arith.constant 48 : index
      %get3A_742 = tpu.vector_load %arg6[%get3A_740, %get3A_741] {strides = array<i32>} : memref<79x128xi32, #tpu.memory_space<vmem>>, vector<1x16xi32>,
      %get3A_743 = vector.shape_cast %get3A_742 : vector<1x16xi32> to vector<16xi32>
      %shift_right_logical3A_744 = arith.constant 16 : i32
      %shift_right_logical3A_745 = vector.broadcast %shift_right_logical3A_744 : i32 to vector<16xi32>
      %shift_right_logical3A_746 = arith.shrui %get3A_743, %shift_right_logical3A_745 : vector<16xi32>
      %swap3A_747 = arith.constant 48 : index
      %swap3A_748 = tpu.vector_load %arg8[%swap3A_747] {strides = array<i32>} : memref<128xi32, #tpu.memory_space<vmem>>, vector<16xi32>,
      %swap3A_749 = vector.shape_cast %swap3A_748 : vector<16xi32> to vector<16xi32>
      %swap3A_750 = vector.shape_cast %shift_right_logical3A_746 : vector<16xi32> to vector<16xi32>
      tpu.vector_store %arg8[%swap3A_747], %swap3A_750 {strides = array<i32>} : memref<128xi32, #tpu.memory_space<vmem>>, vector<16xi32>,
      %get3A_751 = arith.index_cast %mul3A_699 : i32 to index
      %get3A_752 = arith.constant 64 : index
      %get3A_753 = tpu.vector_load %arg6[%get3A_751, %get3A_752] {strides = array<i32>} : memref<79x128xi32, #tpu.memory_space<vmem>>, vector<1x16xi32>,
      %get3A_754 = vector.shape_cast %get3A_753 : vector<1x16xi32> to vector<16xi32>
      %shift_right_logical3A_755 = arith.constant 16 : i32
      %shift_right_logical3A_756 = vector.broadcast %shift_right_logical3A_755 : i32 to vector<16xi32>
      %shift_right_logical3A_757 = arith.shrui %get3A_754, %shift_right_logical3A_756 : vector<16xi32>
      %swap3A_758 = arith.constant 64 : index
      %swap3A_759 = tpu.vector_load %arg8[%swap3A_758] {strides = array<i32>} : memref<128xi32, #tpu.memory_space<vmem>>, vector<16xi32>,
      %swap3A_760 = vector.shape_cast %swap3A_759 : vector<16xi32> to vector<16xi32>
      %swap3A_761 = vector.shape_cast %shift_right_logical3A_757 : vector<16xi32> to vector<16xi32>
      tpu.vector_store %arg8[%swap3A_758], %swap3A_761 {strides = array<i32>} : memref<128xi32, #tpu.memory_space<vmem>>, vector<16xi32>,
      %get3A_762 = arith.index_cast %mul3A_699 : i32 to index
      %get3A_763 = arith.constant 80 : index
      %get3A_764 = tpu.vector_load %arg6[%get3A_762, %get3A_763] {strides = array<i32>} : memref<79x128xi32, #tpu.memory_space<vmem>>, vector<1x16xi32>,
      %get3A_765 = vector.shape_cast %get3A_764 : vector<1x16xi32> to vector<16xi32>
      %shift_right_logical3A_766 = arith.constant 16 : i32
      %shift_right_logical3A_767 = vector.broadcast %shift_right_logical3A_766 : i32 to vector<16xi32>
      %shift_right_logical3A_768 = arith.shrui %get3A_765, %shift_right_logical3A_767 : vector<16xi32>
      %swap3A_769 = arith.constant 80 : index
      %swap3A_770 = tpu.vector_load %arg8[%swap3A_769] {strides = array<i32>} : memref<128xi32, #tpu.memory_space<vmem>>, vector<16xi32>,
      %swap3A_771 = vector.shape_cast %swap3A_770 : vector<16xi32> to vector<16xi32>
      %swap3A_772 = vector.shape_cast %shift_right_logical3A_768 : vector<16xi32> to vector<16xi32>
      tpu.vector_store %arg8[%swap3A_769], %swap3A_772 {strides = array<i32>} : memref<128xi32, #tpu.memory_space<vmem>>, vector<16xi32>,
      %get3A_773 = arith.index_cast %mul3A_699 : i32 to index
      %get3A_774 = arith.constant 96 : index
      %get3A_775 = tpu.vector_load %arg6[%get3A_773, %get3A_774] {strides = array<i32>} : memref<79x128xi32, #tpu.memory_space<vmem>>, vector<1x16xi32>,
      %get3A_776 = vector.shape_cast %get3A_775 : vector<1x16xi32> to vector<16xi32>
      %shift_right_logical3A_777 = arith.constant 16 : i32
      %shift_right_logical3A_778 = vector.broadcast %shift_right_logical3A_777 : i32 to vector<16xi32>
      %shift_right_logical3A_779 = arith.shrui %get3A_776, %shift_right_logical3A_778 : vector<16xi32>
      %swap3A_780 = arith.constant 96 : index
      %swap3A_781 = tpu.vector_load %arg8[%swap3A_780] {strides = array<i32>} : memref<128xi32, #tpu.memory_space<vmem>>, vector<16xi32>,
      %swap3A_782 = vector.shape_cast %swap3A_781 : vector<16xi32> to vector<16xi32>
      %swap3A_783 = vector.shape_cast %shift_right_logical3A_779 : vector<16xi32> to vector<16xi32>
      tpu.vector_store %arg8[%swap3A_780], %swap3A_783 {strides = array<i32>} : memref<128xi32, #tpu.memory_space<vmem>>, vector<16xi32>,
      %get3A_784 = arith.index_cast %mul3A_699 : i32 to index
      %get3A_785 = arith.constant 112 : index
      %get3A_786 = tpu.vector_load %arg6[%get3A_784, %get3A_785] {strides = array<i32>} : memref<79x128xi32, #tpu.memory_space<vmem>>, vector<1x16xi32>,
      %get3A_787 = vector.shape_cast %get3A_786 : vector<1x16xi32> to vector<16xi32>
      %shift_right_logical3A_788 = arith.constant 16 : i32
      %shift_right_logical3A_789 = vector.broadcast %shift_right_logical3A_788 : i32 to vector<16xi32>
      %shift_right_logical3A_790 = arith.shrui %get3A_787, %shift_right_logical3A_789 : vector<16xi32>
      %swap3A_791 = arith.constant 112 : index
      %swap3A_792 = tpu.vector_load %arg8[%swap3A_791] {strides = array<i32>} : memref<128xi32, #tpu.memory_space<vmem>>, vector<16xi32>,
      %swap3A_793 = vector.shape_cast %swap3A_792 : vector<16xi32> to vector<16xi32>
      %swap3A_794 = vector.shape_cast %shift_right_logical3A_790 : vector<16xi32> to vector<16xi32>
      tpu.vector_store %arg8[%swap3A_791], %swap3A_794 {strides = array<i32>} : memref<128xi32, #tpu.memory_space<vmem>>, vector<16xi32>,
      "tpu.region"() ({
        %run_scoped3A_1118 = tpu.sem_alloc : memref<!tpu.dma_semaphore, #tpu.memory_space<semaphore_mem>>
        %dma_start3A_1119 = arith.constant 0 : i32
        %dma_start3A_1120 = arith.constant 0 : i32
        %dma_start3A_1121 = tpu.memref_slice %arg11[%dma_start3A_1119, %dma_start3A_1120] : memref<10240x128xf32, #tpu.memory_space<vmem_shared>> -> memref<10240x128xf32, #tpu.memory_space<vmem_shared>>
        tpu.enqueue_indirect_dma source(%arg9 : memref<128x128xf32, #tpu.memory_space<vmem>>) target(%dma_start3A_1121 : memref<10240x128xf32, #tpu.memory_space<vmem_shared>>) offsets(%arg8 : memref<128xi32, #tpu.memory_space<vmem>>) semaphore(%run_scoped3A_1118 : memref<!tpu.dma_semaphore, #tpu.memory_space<semaphore_mem>>) {add = true}
        %dma_wait3A_1122 = arith.constant 0 : i32
        %dma_wait3A_1123 = arith.constant 0 : i32
        %dma_wait3A_1124 = tpu.memref_slice %arg11[%dma_wait3A_1122, %dma_wait3A_1123] : memref<10240x128xf32, #tpu.memory_space<vmem_shared>> -> memref<10240x128xf32, #tpu.memory_space<vmem_shared>>
        tpu.wait_indirect_dma semaphore(%run_scoped3A_1118 : memref<!tpu.dma_semaphore, #tpu.memory_space<semaphore_mem>>) src(%arg9 : memref<128x128xf32, #tpu.memory_space<vmem>>) dst(%dma_wait3A_1124 : memref<10240x128xf32, #tpu.memory_space<vmem_shared>>)
        tpu.yield
      }) : () -> ()
      %add3A_795 = arith.constant 2 : i32
      %add3A_796 = arith.addi %mul3A_699, %add3A_795 : i32
      %get3A_797 = arith.index_cast %add3A_796 : i32 to index
      %get3A_798 = arith.constant 0 : index
      %get3A_799 = tpu.vector_load %arg6[%get3A_797, %get3A_798] {strides = array<i32>} : memref<79x128xi32, #tpu.memory_space<vmem>>, vector<1x16xi32>,
      %get3A_800 = vector.shape_cast %get3A_799 : vector<1x16xi32> to vector<16xi32>
      %and3A_801 = arith.constant 65535 : i32
      %and3A_802 = vector.broadcast %and3A_801 : i32 to vector<16xi32>
      %and3A_803 = arith.andi %get3A_800, %and3A_802 : vector<16xi32>
      %swap3A_804 = arith.constant 0 : i32
      %swap3A_805 = arith.index_cast %swap3A_804 : i32 to index
      %swap3A_806 = arith.constant 0 : index
      %swap3A_807 = tpu.vector_load %arg7[%swap3A_805, %swap3A_806] {strides = array<i32>} : memref<2x128xi32, #tpu.memory_space<vmem>>, vector<1x16xi32>,
      %swap3A_808 = vector.shape_cast %swap3A_807 : vector<1x16xi32> to vector<16xi32>
      %swap3A_809 = vector.shape_cast %and3A_803 : vector<16xi32> to vector<1x16xi32>
      tpu.vector_store %arg7[%swap3A_805, %swap3A_806], %swap3A_809 {strides = array<i32>} : memref<2x128xi32, #tpu.memory_space<vmem>>, vector<1x16xi32>,
      %get3A_810 = arith.index_cast %add3A_796 : i32 to index
      %get3A_811 = arith.constant 16 : index
      %get3A_812 = tpu.vector_load %arg6[%get3A_810, %get3A_811] {strides = array<i32>} : memref<79x128xi32, #tpu.memory_space<vmem>>, vector<1x16xi32>,
      %get3A_813 = vector.shape_cast %get3A_812 : vector<1x16xi32> to vector<16xi32>
      %and3A_814 = arith.constant 65535 : i32
      %and3A_815 = vector.broadcast %and3A_814 : i32 to vector<16xi32>
      %and3A_816 = arith.andi %get3A_813, %and3A_815 : vector<16xi32>
      %swap3A_817 = arith.constant 0 : i32
      %swap3A_818 = arith.index_cast %swap3A_817 : i32 to index
      %swap3A_819 = arith.constant 16 : index
      %swap3A_820 = tpu.vector_load %arg7[%swap3A_818, %swap3A_819] {strides = array<i32>} : memref<2x128xi32, #tpu.memory_space<vmem>>, vector<1x16xi32>,
      %swap3A_821 = vector.shape_cast %swap3A_820 : vector<1x16xi32> to vector<16xi32>
      %swap3A_822 = vector.shape_cast %and3A_816 : vector<16xi32> to vector<1x16xi32>
      tpu.vector_store %arg7[%swap3A_818, %swap3A_819], %swap3A_822 {strides = array<i32>} : memref<2x128xi32, #tpu.memory_space<vmem>>, vector<1x16xi32>,
      %get3A_823 = arith.index_cast %add3A_796 : i32 to index
      %get3A_824 = arith.constant 32 : index
      %get3A_825 = tpu.vector_load %arg6[%get3A_823, %get3A_824] {strides = array<i32>} : memref<79x128xi32, #tpu.memory_space<vmem>>, vector<1x16xi32>,
      %get3A_826 = vector.shape_cast %get3A_825 : vector<1x16xi32> to vector<16xi32>
      %and3A_827 = arith.constant 65535 : i32
      %and3A_828 = vector.broadcast %and3A_827 : i32 to vector<16xi32>
      %and3A_829 = arith.andi %get3A_826, %and3A_828 : vector<16xi32>
      %swap3A_830 = arith.constant 0 : i32
      %swap3A_831 = arith.index_cast %swap3A_830 : i32 to index
      %swap3A_832 = arith.constant 32 : index
      %swap3A_833 = tpu.vector_load %arg7[%swap3A_831, %swap3A_832] {strides = array<i32>} : memref<2x128xi32, #tpu.memory_space<vmem>>, vector<1x16xi32>,
      %swap3A_834 = vector.shape_cast %swap3A_833 : vector<1x16xi32> to vector<16xi32>
      %swap3A_835 = vector.shape_cast %and3A_829 : vector<16xi32> to vector<1x16xi32>
      tpu.vector_store %arg7[%swap3A_831, %swap3A_832], %swap3A_835 {strides = array<i32>} : memref<2x128xi32, #tpu.memory_space<vmem>>, vector<1x16xi32>,
      %get3A_836 = arith.index_cast %add3A_796 : i32 to index
      %get3A_837 = arith.constant 48 : index
      %get3A_838 = tpu.vector_load %arg6[%get3A_836, %get3A_837] {strides = array<i32>} : memref<79x128xi32, #tpu.memory_space<vmem>>, vector<1x16xi32>,
      %get3A_839 = vector.shape_cast %get3A_838 : vector<1x16xi32> to vector<16xi32>
      %and3A_840 = arith.constant 65535 : i32
      %and3A_841 = vector.broadcast %and3A_840 : i32 to vector<16xi32>
      %and3A_842 = arith.andi %get3A_839, %and3A_841 : vector<16xi32>
      %swap3A_843 = arith.constant 0 : i32
      %swap3A_844 = arith.index_cast %swap3A_843 : i32 to index
      %swap3A_845 = arith.constant 48 : index
      %swap3A_846 = tpu.vector_load %arg7[%swap3A_844, %swap3A_845] {strides = array<i32>} : memref<2x128xi32, #tpu.memory_space<vmem>>, vector<1x16xi32>,
      %swap3A_847 = vector.shape_cast %swap3A_846 : vector<1x16xi32> to vector<16xi32>
      %swap3A_848 = vector.shape_cast %and3A_842 : vector<16xi32> to vector<1x16xi32>
      tpu.vector_store %arg7[%swap3A_844, %swap3A_845], %swap3A_848 {strides = array<i32>} : memref<2x128xi32, #tpu.memory_space<vmem>>, vector<1x16xi32>,
      %get3A_849 = arith.index_cast %add3A_796 : i32 to index
      %get3A_850 = arith.constant 64 : index
      %get3A_851 = tpu.vector_load %arg6[%get3A_849, %get3A_850] {strides = array<i32>} : memref<79x128xi32, #tpu.memory_space<vmem>>, vector<1x16xi32>,
      %get3A_852 = vector.shape_cast %get3A_851 : vector<1x16xi32> to vector<16xi32>
      %and3A_853 = arith.constant 65535 : i32
      %and3A_854 = vector.broadcast %and3A_853 : i32 to vector<16xi32>
      %and3A_855 = arith.andi %get3A_852, %and3A_854 : vector<16xi32>
      %swap3A_856 = arith.constant 0 : i32
      %swap3A_857 = arith.index_cast %swap3A_856 : i32 to index
      %swap3A_858 = arith.constant 64 : index
      %swap3A_859 = tpu.vector_load %arg7[%swap3A_857, %swap3A_858] {strides = array<i32>} : memref<2x128xi32, #tpu.memory_space<vmem>>, vector<1x16xi32>,
      %swap3A_860 = vector.shape_cast %swap3A_859 : vector<1x16xi32> to vector<16xi32>
      %swap3A_861 = vector.shape_cast %and3A_855 : vector<16xi32> to vector<1x16xi32>
      tpu.vector_store %arg7[%swap3A_857, %swap3A_858], %swap3A_861 {strides = array<i32>} : memref<2x128xi32, #tpu.memory_space<vmem>>, vector<1x16xi32>,
      %get3A_862 = arith.index_cast %add3A_796 : i32 to index
      %get3A_863 = arith.constant 80 : index
      %get3A_864 = tpu.vector_load %arg6[%get3A_862, %get3A_863] {strides = array<i32>} : memref<79x128xi32, #tpu.memory_space<vmem>>, vector<1x16xi32>,
      %get3A_865 = vector.shape_cast %get3A_864 : vector<1x16xi32> to vector<16xi32>
      %and3A_866 = arith.constant 65535 : i32
      %and3A_867 = vector.broadcast %and3A_866 : i32 to vector<16xi32>
      %and3A_868 = arith.andi %get3A_865, %and3A_867 : vector<16xi32>
      %swap3A_869 = arith.constant 0 : i32
      %swap3A_870 = arith.index_cast %swap3A_869 : i32 to index
      %swap3A_871 = arith.constant 80 : index
      %swap3A_872 = tpu.vector_load %arg7[%swap3A_870, %swap3A_871] {strides = array<i32>} : memref<2x128xi32, #tpu.memory_space<vmem>>, vector<1x16xi32>,
      %swap3A_873 = vector.shape_cast %swap3A_872 : vector<1x16xi32> to vector<16xi32>
      %swap3A_874 = vector.shape_cast %and3A_868 : vector<16xi32> to vector<1x16xi32>
      tpu.vector_store %arg7[%swap3A_870, %swap3A_871], %swap3A_874 {strides = array<i32>} : memref<2x128xi32, #tpu.memory_space<vmem>>, vector<1x16xi32>,
      %get3A_875 = arith.index_cast %add3A_796 : i32 to index
      %get3A_876 = arith.constant 96 : index
      %get3A_877 = tpu.vector_load %arg6[%get3A_875, %get3A_876] {strides = array<i32>} : memref<79x128xi32, #tpu.memory_space<vmem>>, vector<1x16xi32>,
      %get3A_878 = vector.shape_cast %get3A_877 : vector<1x16xi32> to vector<16xi32>
      %and3A_879 = arith.constant 65535 : i32
      %and3A_880 = vector.broadcast %and3A_879 : i32 to vector<16xi32>
      %and3A_881 = arith.andi %get3A_878, %and3A_880 : vector<16xi32>
      %swap3A_882 = arith.constant 0 : i32
      %swap3A_883 = arith.index_cast %swap3A_882 : i32 to index
      %swap3A_884 = arith.constant 96 : index
      %swap3A_885 = tpu.vector_load %arg7[%swap3A_883, %swap3A_884] {strides = array<i32>} : memref<2x128xi32, #tpu.memory_space<vmem>>, vector<1x16xi32>,
      %swap3A_886 = vector.shape_cast %swap3A_885 : vector<1x16xi32> to vector<16xi32>
      %swap3A_887 = vector.shape_cast %and3A_881 : vector<16xi32> to vector<1x16xi32>
      tpu.vector_store %arg7[%swap3A_883, %swap3A_884], %swap3A_887 {strides = array<i32>} : memref<2x128xi32, #tpu.memory_space<vmem>>, vector<1x16xi32>,
      %get3A_888 = arith.index_cast %add3A_796 : i32 to index
      %get3A_889 = arith.constant 112 : index
      %get3A_890 = tpu.vector_load %arg6[%get3A_888, %get3A_889] {strides = array<i32>} : memref<79x128xi32, #tpu.memory_space<vmem>>, vector<1x16xi32>,
      %get3A_891 = vector.shape_cast %get3A_890 : vector<1x16xi32> to vector<16xi32>
      %and3A_892 = arith.constant 65535 : i32
      %and3A_893 = vector.broadcast %and3A_892 : i32 to vector<16xi32>
      %and3A_894 = arith.andi %get3A_891, %and3A_893 : vector<16xi32>
      %swap3A_895 = arith.constant 0 : i32
      %swap3A_896 = arith.index_cast %swap3A_895 : i32 to index
      %swap3A_897 = arith.constant 112 : index
      %swap3A_898 = tpu.vector_load %arg7[%swap3A_896, %swap3A_897] {strides = array<i32>} : memref<2x128xi32, #tpu.memory_space<vmem>>, vector<1x16xi32>,
      %swap3A_899 = vector.shape_cast %swap3A_898 : vector<1x16xi32> to vector<16xi32>
      %swap3A_900 = vector.shape_cast %and3A_894 : vector<16xi32> to vector<1x16xi32>
      tpu.vector_store %arg7[%swap3A_896, %swap3A_897], %swap3A_900 {strides = array<i32>} : memref<2x128xi32, #tpu.memory_space<vmem>>, vector<1x16xi32>,
      %dma_start3A_901 = arith.constant 0 : i32
      %dma_start3A_902 = arith.constant 0 : i32
      %dma_start3A_903 = tpu.memref_slice %arg7[%dma_start3A_901, %dma_start3A_902] : memref<2x128xi32, #tpu.memory_space<vmem>> -> memref<1x128xi32, #tpu.memory_space<vmem>>
      %dma_start3A_904 = tpu.memref_squeeze %dma_start3A_903 : memref<1x128xi32, #tpu.memory_space<vmem>> -> memref<128xi32, #tpu.memory_space<vmem>>
      %dma_start3A_905 = arith.constant 0 : i32
      %dma_start3A_906 = arith.constant 0 : i32
      %dma_start3A_907 = tpu.memref_slice %arg2[%dma_start3A_905, %dma_start3A_906] : memref<10240x128xf32, #tpu.memory_space<hbm>> -> memref<10240x128xf32, #tpu.memory_space<hbm>>
      tpu.enqueue_indirect_dma source(%dma_start3A_907 : memref<10240x128xf32, #tpu.memory_space<hbm>>) target(%arg9 : memref<128x128xf32, #tpu.memory_space<vmem>>) offsets(%dma_start3A_904 : memref<128xi32, #tpu.memory_space<vmem>>) semaphore(%arg12 : memref<!tpu.dma_semaphore, #tpu.memory_space<semaphore_mem>>)
      %add3A_908 = arith.constant 1 : i32
      %add3A_909 = arith.addi %mul3A_699, %add3A_908 : i32
      %dma_wait3A_910 = arith.constant 1 : i32
      %dma_wait3A_911 = arith.constant 0 : i32
      %dma_wait3A_912 = tpu.memref_slice %arg7[%dma_wait3A_910, %dma_wait3A_911] : memref<2x128xi32, #tpu.memory_space<vmem>> -> memref<1x128xi32, #tpu.memory_space<vmem>>
      %dma_wait3A_913 = tpu.memref_squeeze %dma_wait3A_912 : memref<1x128xi32, #tpu.memory_space<vmem>> -> memref<128xi32, #tpu.memory_space<vmem>>
      %dma_wait3A_914 = arith.constant 0 : i32
      %dma_wait3A_915 = arith.constant 0 : i32
      %dma_wait3A_916 = tpu.memref_slice %arg2[%dma_wait3A_914, %dma_wait3A_915] : memref<10240x128xf32, #tpu.memory_space<hbm>> -> memref<10240x128xf32, #tpu.memory_space<hbm>>
      tpu.wait_indirect_dma semaphore(%arg13 : memref<!tpu.dma_semaphore, #tpu.memory_space<semaphore_mem>>) src(%dma_wait3A_916 : memref<10240x128xf32, #tpu.memory_space<hbm>>) dst(%arg10 : memref<128x128xf32, #tpu.memory_space<vmem>>)
      %get3A_917 = arith.index_cast %add3A_909 : i32 to index
      %get3A_918 = arith.constant 0 : index
      %get3A_919 = tpu.vector_load %arg6[%get3A_917, %get3A_918] {strides = array<i32>} : memref<79x128xi32, #tpu.memory_space<vmem>>, vector<1x16xi32>,
      %get3A_920 = vector.shape_cast %get3A_919 : vector<1x16xi32> to vector<16xi32>
      %shift_right_logical3A_921 = arith.constant 16 : i32
      %shift_right_logical3A_922 = vector.broadcast %shift_right_logical3A_921 : i32 to vector<16xi32>
      %shift_right_logical3A_923 = arith.shrui %get3A_920, %shift_right_logical3A_922 : vector<16xi32>
      %swap3A_924 = arith.constant 0 : index
      %swap3A_925 = tpu.vector_load %arg8[%swap3A_924] {strides = array<i32>} : memref<128xi32, #tpu.memory_space<vmem>>, vector<16xi32>,
      %swap3A_926 = vector.shape_cast %swap3A_925 : vector<16xi32> to vector<16xi32>
      %swap3A_927 = vector.shape_cast %shift_right_logical3A_923 : vector<16xi32> to vector<16xi32>
      tpu.vector_store %arg8[%swap3A_924], %swap3A_927 {strides = array<i32>} : memref<128xi32, #tpu.memory_space<vmem>>, vector<16xi32>,
      %get3A_928 = arith.index_cast %add3A_909 : i32 to index
      %get3A_929 = arith.constant 16 : index
      %get3A_930 = tpu.vector_load %arg6[%get3A_928, %get3A_929] {strides = array<i32>} : memref<79x128xi32, #tpu.memory_space<vmem>>, vector<1x16xi32>,
      %get3A_931 = vector.shape_cast %get3A_930 : vector<1x16xi32> to vector<16xi32>
      %shift_right_logical3A_932 = arith.constant 16 : i32
      %shift_right_logical3A_933 = vector.broadcast %shift_right_logical3A_932 : i32 to vector<16xi32>
      %shift_right_logical3A_934 = arith.shrui %get3A_931, %shift_right_logical3A_933 : vector<16xi32>
      %swap3A_935 = arith.constant 16 : index
      %swap3A_936 = tpu.vector_load %arg8[%swap3A_935] {strides = array<i32>} : memref<128xi32, #tpu.memory_space<vmem>>, vector<16xi32>,
      %swap3A_937 = vector.shape_cast %swap3A_936 : vector<16xi32> to vector<16xi32>
      %swap3A_938 = vector.shape_cast %shift_right_logical3A_934 : vector<16xi32> to vector<16xi32>
      tpu.vector_store %arg8[%swap3A_935], %swap3A_938 {strides = array<i32>} : memref<128xi32, #tpu.memory_space<vmem>>, vector<16xi32>,
      %get3A_939 = arith.index_cast %add3A_909 : i32 to index
      %get3A_940 = arith.constant 32 : index
      %get3A_941 = tpu.vector_load %arg6[%get3A_939, %get3A_940] {strides = array<i32>} : memref<79x128xi32, #tpu.memory_space<vmem>>, vector<1x16xi32>,
      %get3A_942 = vector.shape_cast %get3A_941 : vector<1x16xi32> to vector<16xi32>
      %shift_right_logical3A_943 = arith.constant 16 : i32
      %shift_right_logical3A_944 = vector.broadcast %shift_right_logical3A_943 : i32 to vector<16xi32>
      %shift_right_logical3A_945 = arith.shrui %get3A_942, %shift_right_logical3A_944 : vector<16xi32>
      %swap3A_946 = arith.constant 32 : index
      %swap3A_947 = tpu.vector_load %arg8[%swap3A_946] {strides = array<i32>} : memref<128xi32, #tpu.memory_space<vmem>>, vector<16xi32>,
      %swap3A_948 = vector.shape_cast %swap3A_947 : vector<16xi32> to vector<16xi32>
      %swap3A_949 = vector.shape_cast %shift_right_logical3A_945 : vector<16xi32> to vector<16xi32>
      tpu.vector_store %arg8[%swap3A_946], %swap3A_949 {strides = array<i32>} : memref<128xi32, #tpu.memory_space<vmem>>, vector<16xi32>,
      %get3A_950 = arith.index_cast %add3A_909 : i32 to index
      %get3A_951 = arith.constant 48 : index
      %get3A_952 = tpu.vector_load %arg6[%get3A_950, %get3A_951] {strides = array<i32>} : memref<79x128xi32, #tpu.memory_space<vmem>>, vector<1x16xi32>,
      %get3A_953 = vector.shape_cast %get3A_952 : vector<1x16xi32> to vector<16xi32>
      %shift_right_logical3A_954 = arith.constant 16 : i32
      %shift_right_logical3A_955 = vector.broadcast %shift_right_logical3A_954 : i32 to vector<16xi32>
      %shift_right_logical3A_956 = arith.shrui %get3A_953, %shift_right_logical3A_955 : vector<16xi32>
      %swap3A_957 = arith.constant 48 : index
      %swap3A_958 = tpu.vector_load %arg8[%swap3A_957] {strides = array<i32>} : memref<128xi32, #tpu.memory_space<vmem>>, vector<16xi32>,
      %swap3A_959 = vector.shape_cast %swap3A_958 : vector<16xi32> to vector<16xi32>
      %swap3A_960 = vector.shape_cast %shift_right_logical3A_956 : vector<16xi32> to vector<16xi32>
      tpu.vector_store %arg8[%swap3A_957], %swap3A_960 {strides = array<i32>} : memref<128xi32, #tpu.memory_space<vmem>>, vector<16xi32>,
      %get3A_961 = arith.index_cast %add3A_909 : i32 to index
      %get3A_962 = arith.constant 64 : index
      %get3A_963 = tpu.vector_load %arg6[%get3A_961, %get3A_962] {strides = array<i32>} : memref<79x128xi32, #tpu.memory_space<vmem>>, vector<1x16xi32>,
      %get3A_964 = vector.shape_cast %get3A_963 : vector<1x16xi32> to vector<16xi32>
      %shift_right_logical3A_965 = arith.constant 16 : i32
      %shift_right_logical3A_966 = vector.broadcast %shift_right_logical3A_965 : i32 to vector<16xi32>
      %shift_right_logical3A_967 = arith.shrui %get3A_964, %shift_right_logical3A_966 : vector<16xi32>
      %swap3A_968 = arith.constant 64 : index
      %swap3A_969 = tpu.vector_load %arg8[%swap3A_968] {strides = array<i32>} : memref<128xi32, #tpu.memory_space<vmem>>, vector<16xi32>,
      %swap3A_970 = vector.shape_cast %swap3A_969 : vector<16xi32> to vector<16xi32>
      %swap3A_971 = vector.shape_cast %shift_right_logical3A_967 : vector<16xi32> to vector<16xi32>
      tpu.vector_store %arg8[%swap3A_968], %swap3A_971 {strides = array<i32>} : memref<128xi32, #tpu.memory_space<vmem>>, vector<16xi32>,
      %get3A_972 = arith.index_cast %add3A_909 : i32 to index
      %get3A_973 = arith.constant 80 : index
      %get3A_974 = tpu.vector_load %arg6[%get3A_972, %get3A_973] {strides = array<i32>} : memref<79x128xi32, #tpu.memory_space<vmem>>, vector<1x16xi32>,
      %get3A_975 = vector.shape_cast %get3A_974 : vector<1x16xi32> to vector<16xi32>
      %shift_right_logical3A_976 = arith.constant 16 : i32
      %shift_right_logical3A_977 = vector.broadcast %shift_right_logical3A_976 : i32 to vector<16xi32>
      %shift_right_logical3A_978 = arith.shrui %get3A_975, %shift_right_logical3A_977 : vector<16xi32>
      %swap3A_979 = arith.constant 80 : index
      %swap3A_980 = tpu.vector_load %arg8[%swap3A_979] {strides = array<i32>} : memref<128xi32, #tpu.memory_space<vmem>>, vector<16xi32>,
      %swap3A_981 = vector.shape_cast %swap3A_980 : vector<16xi32> to vector<16xi32>
      %swap3A_982 = vector.shape_cast %shift_right_logical3A_978 : vector<16xi32> to vector<16xi32>
      tpu.vector_store %arg8[%swap3A_979], %swap3A_982 {strides = array<i32>} : memref<128xi32, #tpu.memory_space<vmem>>, vector<16xi32>,
      %get3A_983 = arith.index_cast %add3A_909 : i32 to index
      %get3A_984 = arith.constant 96 : index
      %get3A_985 = tpu.vector_load %arg6[%get3A_983, %get3A_984] {strides = array<i32>} : memref<79x128xi32, #tpu.memory_space<vmem>>, vector<1x16xi32>,
      %get3A_986 = vector.shape_cast %get3A_985 : vector<1x16xi32> to vector<16xi32>
      %shift_right_logical3A_987 = arith.constant 16 : i32
      %shift_right_logical3A_988 = vector.broadcast %shift_right_logical3A_987 : i32 to vector<16xi32>
      %shift_right_logical3A_989 = arith.shrui %get3A_986, %shift_right_logical3A_988 : vector<16xi32>
      %swap3A_990 = arith.constant 96 : index
      %swap3A_991 = tpu.vector_load %arg8[%swap3A_990] {strides = array<i32>} : memref<128xi32, #tpu.memory_space<vmem>>, vector<16xi32>,
      %swap3A_992 = vector.shape_cast %swap3A_991 : vector<16xi32> to vector<16xi32>
      %swap3A_993 = vector.shape_cast %shift_right_logical3A_989 : vector<16xi32> to vector<16xi32>
      tpu.vector_store %arg8[%swap3A_990], %swap3A_993 {strides = array<i32>} : memref<128xi32, #tpu.memory_space<vmem>>, vector<16xi32>,
      %get3A_994 = arith.index_cast %add3A_909 : i32 to index
      %get3A_995 = arith.constant 112 : index
      %get3A_996 = tpu.vector_load %arg6[%get3A_994, %get3A_995] {strides = array<i32>} : memref<79x128xi32, #tpu.memory_space<vmem>>, vector<1x16xi32>,
      %get3A_997 = vector.shape_cast %get3A_996 : vector<1x16xi32> to vector<16xi32>
      %shift_right_logical3A_998 = arith.constant 16 : i32
      %shift_right_logical3A_999 = vector.broadcast %shift_right_logical3A_998 : i32 to vector<16xi32>
      %shift_right_logical3A_1000 = arith.shrui %get3A_997, %shift_right_logical3A_999 : vector<16xi32>
      %swap3A_1001 = arith.constant 112 : index
      %swap3A_1002 = tpu.vector_load %arg8[%swap3A_1001] {strides = array<i32>} : memref<128xi32, #tpu.memory_space<vmem>>, vector<16xi32>,
      %swap3A_1003 = vector.shape_cast %swap3A_1002 : vector<16xi32> to vector<16xi32>
      %swap3A_1004 = vector.shape_cast %shift_right_logical3A_1000 : vector<16xi32> to vector<16xi32>
      tpu.vector_store %arg8[%swap3A_1001], %swap3A_1004 {strides = array<i32>} : memref<128xi32, #tpu.memory_space<vmem>>, vector<16xi32>,
      "tpu.region"() ({
        %run_scoped3A_1118 = tpu.sem_alloc : memref<!tpu.dma_semaphore, #tpu.memory_space<semaphore_mem>>
        %dma_start3A_1119 = arith.constant 0 : i32
        %dma_start3A_1120 = arith.constant 0 : i32
        %dma_start3A_1121 = tpu.memref_slice %arg11[%dma_start3A_1119, %dma_start3A_1120] : memref<10240x128xf32, #tpu.memory_space<vmem_shared>> -> memref<10240x128xf32, #tpu.memory_space<vmem_shared>>
        tpu.enqueue_indirect_dma source(%arg10 : memref<128x128xf32, #tpu.memory_space<vmem>>) target(%dma_start3A_1121 : memref<10240x128xf32, #tpu.memory_space<vmem_shared>>) offsets(%arg8 : memref<128xi32, #tpu.memory_space<vmem>>) semaphore(%run_scoped3A_1118 : memref<!tpu.dma_semaphore, #tpu.memory_space<semaphore_mem>>) {add = true}
        %dma_wait3A_1122 = arith.constant 0 : i32
        %dma_wait3A_1123 = arith.constant 0 : i32
        %dma_wait3A_1124 = tpu.memref_slice %arg11[%dma_wait3A_1122, %dma_wait3A_1123] : memref<10240x128xf32, #tpu.memory_space<vmem_shared>> -> memref<10240x128xf32, #tpu.memory_space<vmem_shared>>
        tpu.wait_indirect_dma semaphore(%run_scoped3A_1118 : memref<!tpu.dma_semaphore, #tpu.memory_space<semaphore_mem>>) src(%arg10 : memref<128x128xf32, #tpu.memory_space<vmem>>) dst(%dma_wait3A_1124 : memref<10240x128xf32, #tpu.memory_space<vmem_shared>>)
        tpu.yield
      }) : () -> ()
      %add3A_1005 = arith.constant 2 : i32
      %add3A_1006 = arith.addi %add3A_909, %add3A_1005 : i32
      %get3A_1007 = arith.index_cast %add3A_1006 : i32 to index
      %get3A_1008 = arith.constant 0 : index
      %get3A_1009 = tpu.vector_load %arg6[%get3A_1007, %get3A_1008] {strides = array<i32>} : memref<79x128xi32, #tpu.memory_space<vmem>>, vector<1x16xi32>,
      %get3A_1010 = vector.shape_cast %get3A_1009 : vector<1x16xi32> to vector<16xi32>
      %and3A_1011 = arith.constant 65535 : i32
      %and3A_1012 = vector.broadcast %and3A_1011 : i32 to vector<16xi32>
      %and3A_1013 = arith.andi %get3A_1010, %and3A_1012 : vector<16xi32>
      %swap3A_1014 = arith.constant 1 : i32
      %swap3A_1015 = arith.index_cast %swap3A_1014 : i32 to index
      %swap3A_1016 = arith.constant 0 : index
      %swap3A_1017 = tpu.vector_load %arg7[%swap3A_1015, %swap3A_1016] {strides = array<i32>} : memref<2x128xi32, #tpu.memory_space<vmem>>, vector<1x16xi32>,
      %swap3A_1018 = vector.shape_cast %swap3A_1017 : vector<1x16xi32> to vector<16xi32>
      %swap3A_1019 = vector.shape_cast %and3A_1013 : vector<16xi32> to vector<1x16xi32>
      tpu.vector_store %arg7[%swap3A_1015, %swap3A_1016], %swap3A_1019 {strides = array<i32>} : memref<2x128xi32, #tpu.memory_space<vmem>>, vector<1x16xi32>,
      %get3A_1020 = arith.index_cast %add3A_1006 : i32 to index
      %get3A_1021 = arith.constant 16 : index
      %get3A_1022 = tpu.vector_load %arg6[%get3A_1020, %get3A_1021] {strides = array<i32>} : memref<79x128xi32, #tpu.memory_space<vmem>>, vector<1x16xi32>,
      %get3A_1023 = vector.shape_cast %get3A_1022 : vector<1x16xi32> to vector<16xi32>
      %and3A_1024 = arith.constant 65535 : i32
      %and3A_1025 = vector.broadcast %and3A_1024 : i32 to vector<16xi32>
      %and3A_1026 = arith.andi %get3A_1023, %and3A_1025 : vector<16xi32>
      %swap3A_1027 = arith.constant 1 : i32
      %swap3A_1028 = arith.index_cast %swap3A_1027 : i32 to index
      %swap3A_1029 = arith.constant 16 : index
      %swap3A_1030 = tpu.vector_load %arg7[%swap3A_1028, %swap3A_1029] {strides = array<i32>} : memref<2x128xi32, #tpu.memory_space<vmem>>, vector<1x16xi32>,
      %swap3A_1031 = vector.shape_cast %swap3A_1030 : vector<1x16xi32> to vector<16xi32>
      %swap3A_1032 = vector.shape_cast %and3A_1026 : vector<16xi32> to vector<1x16xi32>
      tpu.vector_store %arg7[%swap3A_1028, %swap3A_1029], %swap3A_1032 {strides = array<i32>} : memref<2x128xi32, #tpu.memory_space<vmem>>, vector<1x16xi32>,
      %get3A_1033 = arith.index_cast %add3A_1006 : i32 to index
      %get3A_1034 = arith.constant 32 : index
      %get3A_1035 = tpu.vector_load %arg6[%get3A_1033, %get3A_1034] {strides = array<i32>} : memref<79x128xi32, #tpu.memory_space<vmem>>, vector<1x16xi32>,
      %get3A_1036 = vector.shape_cast %get3A_1035 : vector<1x16xi32> to vector<16xi32>
      %and3A_1037 = arith.constant 65535 : i32
      %and3A_1038 = vector.broadcast %and3A_1037 : i32 to vector<16xi32>
      %and3A_1039 = arith.andi %get3A_1036, %and3A_1038 : vector<16xi32>
      %swap3A_1040 = arith.constant 1 : i32
      %swap3A_1041 = arith.index_cast %swap3A_1040 : i32 to index
      %swap3A_1042 = arith.constant 32 : index
      %swap3A_1043 = tpu.vector_load %arg7[%swap3A_1041, %swap3A_1042] {strides = array<i32>} : memref<2x128xi32, #tpu.memory_space<vmem>>, vector<1x16xi32>,
      %swap3A_1044 = vector.shape_cast %swap3A_1043 : vector<1x16xi32> to vector<16xi32>
      %swap3A_1045 = vector.shape_cast %and3A_1039 : vector<16xi32> to vector<1x16xi32>
      tpu.vector_store %arg7[%swap3A_1041, %swap3A_1042], %swap3A_1045 {strides = array<i32>} : memref<2x128xi32, #tpu.memory_space<vmem>>, vector<1x16xi32>,
      %get3A_1046 = arith.index_cast %add3A_1006 : i32 to index
      %get3A_1047 = arith.constant 48 : index
      %get3A_1048 = tpu.vector_load %arg6[%get3A_1046, %get3A_1047] {strides = array<i32>} : memref<79x128xi32, #tpu.memory_space<vmem>>, vector<1x16xi32>,
      %get3A_1049 = vector.shape_cast %get3A_1048 : vector<1x16xi32> to vector<16xi32>
      %and3A_1050 = arith.constant 65535 : i32
      %and3A_1051 = vector.broadcast %and3A_1050 : i32 to vector<16xi32>
      %and3A_1052 = arith.andi %get3A_1049, %and3A_1051 : vector<16xi32>
      %swap3A_1053 = arith.constant 1 : i32
      %swap3A_1054 = arith.index_cast %swap3A_1053 : i32 to index
      %swap3A_1055 = arith.constant 48 : index
      %swap3A_1056 = tpu.vector_load %arg7[%swap3A_1054, %swap3A_1055] {strides = array<i32>} : memref<2x128xi32, #tpu.memory_space<vmem>>, vector<1x16xi32>,
      %swap3A_1057 = vector.shape_cast %swap3A_1056 : vector<1x16xi32> to vector<16xi32>
      %swap3A_1058 = vector.shape_cast %and3A_1052 : vector<16xi32> to vector<1x16xi32>
      tpu.vector_store %arg7[%swap3A_1054, %swap3A_1055], %swap3A_1058 {strides = array<i32>} : memref<2x128xi32, #tpu.memory_space<vmem>>, vector<1x16xi32>,
      %get3A_1059 = arith.index_cast %add3A_1006 : i32 to index
      %get3A_1060 = arith.constant 64 : index
      %get3A_1061 = tpu.vector_load %arg6[%get3A_1059, %get3A_1060] {strides = array<i32>} : memref<79x128xi32, #tpu.memory_space<vmem>>, vector<1x16xi32>,
      %get3A_1062 = vector.shape_cast %get3A_1061 : vector<1x16xi32> to vector<16xi32>
      %and3A_1063 = arith.constant 65535 : i32
      %and3A_1064 = vector.broadcast %and3A_1063 : i32 to vector<16xi32>
      %and3A_1065 = arith.andi %get3A_1062, %and3A_1064 : vector<16xi32>
      %swap3A_1066 = arith.constant 1 : i32
      %swap3A_1067 = arith.index_cast %swap3A_1066 : i32 to index
      %swap3A_1068 = arith.constant 64 : index
      %swap3A_1069 = tpu.vector_load %arg7[%swap3A_1067, %swap3A_1068] {strides = array<i32>} : memref<2x128xi32, #tpu.memory_space<vmem>>, vector<1x16xi32>,
      %swap3A_1070 = vector.shape_cast %swap3A_1069 : vector<1x16xi32> to vector<16xi32>
      %swap3A_1071 = vector.shape_cast %and3A_1065 : vector<16xi32> to vector<1x16xi32>
      tpu.vector_store %arg7[%swap3A_1067, %swap3A_1068], %swap3A_1071 {strides = array<i32>} : memref<2x128xi32, #tpu.memory_space<vmem>>, vector<1x16xi32>,
      %get3A_1072 = arith.index_cast %add3A_1006 : i32 to index
      %get3A_1073 = arith.constant 80 : index
      %get3A_1074 = tpu.vector_load %arg6[%get3A_1072, %get3A_1073] {strides = array<i32>} : memref<79x128xi32, #tpu.memory_space<vmem>>, vector<1x16xi32>,
      %get3A_1075 = vector.shape_cast %get3A_1074 : vector<1x16xi32> to vector<16xi32>
      %and3A_1076 = arith.constant 65535 : i32
      %and3A_1077 = vector.broadcast %and3A_1076 : i32 to vector<16xi32>
      %and3A_1078 = arith.andi %get3A_1075, %and3A_1077 : vector<16xi32>
      %swap3A_1079 = arith.constant 1 : i32
      %swap3A_1080 = arith.index_cast %swap3A_1079 : i32 to index
      %swap3A_1081 = arith.constant 80 : index
      %swap3A_1082 = tpu.vector_load %arg7[%swap3A_1080, %swap3A_1081] {strides = array<i32>} : memref<2x128xi32, #tpu.memory_space<vmem>>, vector<1x16xi32>,
      %swap3A_1083 = vector.shape_cast %swap3A_1082 : vector<1x16xi32> to vector<16xi32>
      %swap3A_1084 = vector.shape_cast %and3A_1078 : vector<16xi32> to vector<1x16xi32>
      tpu.vector_store %arg7[%swap3A_1080, %swap3A_1081], %swap3A_1084 {strides = array<i32>} : memref<2x128xi32, #tpu.memory_space<vmem>>, vector<1x16xi32>,
      %get3A_1085 = arith.index_cast %add3A_1006 : i32 to index
      %get3A_1086 = arith.constant 96 : index
      %get3A_1087 = tpu.vector_load %arg6[%get3A_1085, %get3A_1086] {strides = array<i32>} : memref<79x128xi32, #tpu.memory_space<vmem>>, vector<1x16xi32>,
      %get3A_1088 = vector.shape_cast %get3A_1087 : vector<1x16xi32> to vector<16xi32>
      %and3A_1089 = arith.constant 65535 : i32
      %and3A_1090 = vector.broadcast %and3A_1089 : i32 to vector<16xi32>
      %and3A_1091 = arith.andi %get3A_1088, %and3A_1090 : vector<16xi32>
      %swap3A_1092 = arith.constant 1 : i32
      %swap3A_1093 = arith.index_cast %swap3A_1092 : i32 to index
      %swap3A_1094 = arith.constant 96 : index
      %swap3A_1095 = tpu.vector_load %arg7[%swap3A_1093, %swap3A_1094] {strides = array<i32>} : memref<2x128xi32, #tpu.memory_space<vmem>>, vector<1x16xi32>,
      %swap3A_1096 = vector.shape_cast %swap3A_1095 : vector<1x16xi32> to vector<16xi32>
      %swap3A_1097 = vector.shape_cast %and3A_1091 : vector<16xi32> to vector<1x16xi32>
      tpu.vector_store %arg7[%swap3A_1093, %swap3A_1094], %swap3A_1097 {strides = array<i32>} : memref<2x128xi32, #tpu.memory_space<vmem>>, vector<1x16xi32>,
      %get3A_1098 = arith.index_cast %add3A_1006 : i32 to index
      %get3A_1099 = arith.constant 112 : index
      %get3A_1100 = tpu.vector_load %arg6[%get3A_1098, %get3A_1099] {strides = array<i32>} : memref<79x128xi32, #tpu.memory_space<vmem>>, vector<1x16xi32>,
      %get3A_1101 = vector.shape_cast %get3A_1100 : vector<1x16xi32> to vector<16xi32>
      %and3A_1102 = arith.constant 65535 : i32
      %and3A_1103 = vector.broadcast %and3A_1102 : i32 to vector<16xi32>
      %and3A_1104 = arith.andi %get3A_1101, %and3A_1103 : vector<16xi32>
      %swap3A_1105 = arith.constant 1 : i32
      %swap3A_1106 = arith.index_cast %swap3A_1105 : i32 to index
      %swap3A_1107 = arith.constant 112 : index
      %swap3A_1108 = tpu.vector_load %arg7[%swap3A_1106, %swap3A_1107] {strides = array<i32>} : memref<2x128xi32, #tpu.memory_space<vmem>>, vector<1x16xi32>,
      %swap3A_1109 = vector.shape_cast %swap3A_1108 : vector<1x16xi32> to vector<16xi32>
      %swap3A_1110 = vector.shape_cast %and3A_1104 : vector<16xi32> to vector<1x16xi32>
      tpu.vector_store %arg7[%swap3A_1106, %swap3A_1107], %swap3A_1110 {strides = array<i32>} : memref<2x128xi32, #tpu.memory_space<vmem>>, vector<1x16xi32>,
      %dma_start3A_1111 = arith.constant 1 : i32
      %dma_start3A_1112 = arith.constant 0 : i32
      %dma_start3A_1113 = tpu.memref_slice %arg7[%dma_start3A_1111, %dma_start3A_1112] : memref<2x128xi32, #tpu.memory_space<vmem>> -> memref<1x128xi32, #tpu.memory_space<vmem>>
      %dma_start3A_1114 = tpu.memref_squeeze %dma_start3A_1113 : memref<1x128xi32, #tpu.memory_space<vmem>> -> memref<128xi32, #tpu.memory_space<vmem>>
      %dma_start3A_1115 = arith.constant 0 : i32
      %dma_start3A_1116 = arith.constant 0 : i32
      %dma_start3A_1117 = tpu.memref_slice %arg2[%dma_start3A_1115, %dma_start3A_1116] : memref<10240x128xf32, #tpu.memory_space<hbm>> -> memref<10240x128xf32, #tpu.memory_space<hbm>>
      tpu.enqueue_indirect_dma source(%dma_start3A_1117 : memref<10240x128xf32, #tpu.memory_space<hbm>>) target(%arg10 : memref<128x128xf32, #tpu.memory_space<vmem>>) offsets(%dma_start3A_1114 : memref<128xi32, #tpu.memory_space<vmem>>) semaphore(%arg13 : memref<!tpu.dma_semaphore, #tpu.memory_space<semaphore_mem>>)
    }
    %scan3A_279 = arith.constant 38 : i32
    %dma_wait3A = arith.constant 0 : i32
    %dma_wait3A_280 = arith.constant 0 : i32
    %dma_wait3A_281 = tpu.memref_slice %arg7[%dma_wait3A, %dma_wait3A_280] : memref<2x128xi32, #tpu.memory_space<vmem>> -> memref<1x128xi32, #tpu.memory_space<vmem>>
    %dma_wait3A_282 = tpu.memref_squeeze %dma_wait3A_281 : memref<1x128xi32, #tpu.memory_space<vmem>> -> memref<128xi32, #tpu.memory_space<vmem>>
    %dma_wait3A_283 = arith.constant 0 : i32
    %dma_wait3A_284 = arith.constant 0 : i32
    %dma_wait3A_285 = tpu.memref_slice %arg2[%dma_wait3A_283, %dma_wait3A_284] : memref<10240x128xf32, #tpu.memory_space<hbm>> -> memref<10240x128xf32, #tpu.memory_space<hbm>>
    tpu.wait_indirect_dma semaphore(%arg12 : memref<!tpu.dma_semaphore, #tpu.memory_space<semaphore_mem>>) src(%dma_wait3A_285 : memref<10240x128xf32, #tpu.memory_space<hbm>>) dst(%arg9 : memref<128x128xf32, #tpu.memory_space<vmem>>)
    %get3A_286 = arith.constant 76 : i32
    %get3A_287 = arith.index_cast %get3A_286 : i32 to index
    %get3A_288 = arith.constant 0 : index
    %get3A_289 = tpu.vector_load %arg6[%get3A_287, %get3A_288] {strides = array<i32>} : memref<79x128xi32, #tpu.memory_space<vmem>>, vector<1x16xi32>,
    %get3A_290 = vector.shape_cast %get3A_289 : vector<1x16xi32> to vector<16xi32>
    %shift_right_logical3A = arith.constant 16 : i32
    %shift_right_logical3A_291 = vector.broadcast %shift_right_logical3A : i32 to vector<16xi32>
    %shift_right_logical3A_292 = arith.shrui %get3A_290, %shift_right_logical3A_291 : vector<16xi32>
    %swap3A_293 = arith.constant 0 : index
    %swap3A_294 = tpu.vector_load %arg8[%swap3A_293] {strides = array<i32>} : memref<128xi32, #tpu.memory_space<vmem>>, vector<16xi32>,
    %swap3A_295 = vector.shape_cast %swap3A_294 : vector<16xi32> to vector<16xi32>
    %swap3A_296 = vector.shape_cast %shift_right_logical3A_292 : vector<16xi32> to vector<16xi32>
    tpu.vector_store %arg8[%swap3A_293], %swap3A_296 {strides = array<i32>} : memref<128xi32, #tpu.memory_space<vmem>>, vector<16xi32>,
    %get3A_297 = arith.constant 76 : i32
    %get3A_298 = arith.index_cast %get3A_297 : i32 to index
    %get3A_299 = arith.constant 16 : index
    %get3A_300 = tpu.vector_load %arg6[%get3A_298, %get3A_299] {strides = array<i32>} : memref<79x128xi32, #tpu.memory_space<vmem>>, vector<1x16xi32>,
    %get3A_301 = vector.shape_cast %get3A_300 : vector<1x16xi32> to vector<16xi32>
    %shift_right_logical3A_302 = arith.constant 16 : i32
    %shift_right_logical3A_303 = vector.broadcast %shift_right_logical3A_302 : i32 to vector<16xi32>
    %shift_right_logical3A_304 = arith.shrui %get3A_301, %shift_right_logical3A_303 : vector<16xi32>
    %swap3A_305 = arith.constant 16 : index
    %swap3A_306 = tpu.vector_load %arg8[%swap3A_305] {strides = array<i32>} : memref<128xi32, #tpu.memory_space<vmem>>, vector<16xi32>,
    %swap3A_307 = vector.shape_cast %swap3A_306 : vector<16xi32> to vector<16xi32>
    %swap3A_308 = vector.shape_cast %shift_right_logical3A_304 : vector<16xi32> to vector<16xi32>
    tpu.vector_store %arg8[%swap3A_305], %swap3A_308 {strides = array<i32>} : memref<128xi32, #tpu.memory_space<vmem>>, vector<16xi32>,
    %get3A_309 = arith.constant 76 : i32
    %get3A_310 = arith.index_cast %get3A_309 : i32 to index
    %get3A_311 = arith.constant 32 : index
    %get3A_312 = tpu.vector_load %arg6[%get3A_310, %get3A_311] {strides = array<i32>} : memref<79x128xi32, #tpu.memory_space<vmem>>, vector<1x16xi32>,
    %get3A_313 = vector.shape_cast %get3A_312 : vector<1x16xi32> to vector<16xi32>
    %shift_right_logical3A_314 = arith.constant 16 : i32
    %shift_right_logical3A_315 = vector.broadcast %shift_right_logical3A_314 : i32 to vector<16xi32>
    %shift_right_logical3A_316 = arith.shrui %get3A_313, %shift_right_logical3A_315 : vector<16xi32>
    %swap3A_317 = arith.constant 32 : index
    %swap3A_318 = tpu.vector_load %arg8[%swap3A_317] {strides = array<i32>} : memref<128xi32, #tpu.memory_space<vmem>>, vector<16xi32>,
    %swap3A_319 = vector.shape_cast %swap3A_318 : vector<16xi32> to vector<16xi32>
    %swap3A_320 = vector.shape_cast %shift_right_logical3A_316 : vector<16xi32> to vector<16xi32>
    tpu.vector_store %arg8[%swap3A_317], %swap3A_320 {strides = array<i32>} : memref<128xi32, #tpu.memory_space<vmem>>, vector<16xi32>,
    %get3A_321 = arith.constant 76 : i32
    %get3A_322 = arith.index_cast %get3A_321 : i32 to index
    %get3A_323 = arith.constant 48 : index
    %get3A_324 = tpu.vector_load %arg6[%get3A_322, %get3A_323] {strides = array<i32>} : memref<79x128xi32, #tpu.memory_space<vmem>>, vector<1x16xi32>,
    %get3A_325 = vector.shape_cast %get3A_324 : vector<1x16xi32> to vector<16xi32>
    %shift_right_logical3A_326 = arith.constant 16 : i32
    %shift_right_logical3A_327 = vector.broadcast %shift_right_logical3A_326 : i32 to vector<16xi32>
    %shift_right_logical3A_328 = arith.shrui %get3A_325, %shift_right_logical3A_327 : vector<16xi32>
    %swap3A_329 = arith.constant 48 : index
    %swap3A_330 = tpu.vector_load %arg8[%swap3A_329] {strides = array<i32>} : memref<128xi32, #tpu.memory_space<vmem>>, vector<16xi32>,
    %swap3A_331 = vector.shape_cast %swap3A_330 : vector<16xi32> to vector<16xi32>
    %swap3A_332 = vector.shape_cast %shift_right_logical3A_328 : vector<16xi32> to vector<16xi32>
    tpu.vector_store %arg8[%swap3A_329], %swap3A_332 {strides = array<i32>} : memref<128xi32, #tpu.memory_space<vmem>>, vector<16xi32>,
    %get3A_333 = arith.constant 76 : i32
    %get3A_334 = arith.index_cast %get3A_333 : i32 to index
    %get3A_335 = arith.constant 64 : index
    %get3A_336 = tpu.vector_load %arg6[%get3A_334, %get3A_335] {strides = array<i32>} : memref<79x128xi32, #tpu.memory_space<vmem>>, vector<1x16xi32>,
    %get3A_337 = vector.shape_cast %get3A_336 : vector<1x16xi32> to vector<16xi32>
    %shift_right_logical3A_338 = arith.constant 16 : i32
    %shift_right_logical3A_339 = vector.broadcast %shift_right_logical3A_338 : i32 to vector<16xi32>
    %shift_right_logical3A_340 = arith.shrui %get3A_337, %shift_right_logical3A_339 : vector<16xi32>
    %swap3A_341 = arith.constant 64 : index
    %swap3A_342 = tpu.vector_load %arg8[%swap3A_341] {strides = array<i32>} : memref<128xi32, #tpu.memory_space<vmem>>, vector<16xi32>,
    %swap3A_343 = vector.shape_cast %swap3A_342 : vector<16xi32> to vector<16xi32>
    %swap3A_344 = vector.shape_cast %shift_right_logical3A_340 : vector<16xi32> to vector<16xi32>
    tpu.vector_store %arg8[%swap3A_341], %swap3A_344 {strides = array<i32>} : memref<128xi32, #tpu.memory_space<vmem>>, vector<16xi32>,
    %get3A_345 = arith.constant 76 : i32
    %get3A_346 = arith.index_cast %get3A_345 : i32 to index
    %get3A_347 = arith.constant 80 : index
    %get3A_348 = tpu.vector_load %arg6[%get3A_346, %get3A_347] {strides = array<i32>} : memref<79x128xi32, #tpu.memory_space<vmem>>, vector<1x16xi32>,
    %get3A_349 = vector.shape_cast %get3A_348 : vector<1x16xi32> to vector<16xi32>
    %shift_right_logical3A_350 = arith.constant 16 : i32
    %shift_right_logical3A_351 = vector.broadcast %shift_right_logical3A_350 : i32 to vector<16xi32>
    %shift_right_logical3A_352 = arith.shrui %get3A_349, %shift_right_logical3A_351 : vector<16xi32>
    %swap3A_353 = arith.constant 80 : index
    %swap3A_354 = tpu.vector_load %arg8[%swap3A_353] {strides = array<i32>} : memref<128xi32, #tpu.memory_space<vmem>>, vector<16xi32>,
    %swap3A_355 = vector.shape_cast %swap3A_354 : vector<16xi32> to vector<16xi32>
    %swap3A_356 = vector.shape_cast %shift_right_logical3A_352 : vector<16xi32> to vector<16xi32>
    tpu.vector_store %arg8[%swap3A_353], %swap3A_356 {strides = array<i32>} : memref<128xi32, #tpu.memory_space<vmem>>, vector<16xi32>,
    %get3A_357 = arith.constant 76 : i32
    %get3A_358 = arith.index_cast %get3A_357 : i32 to index
    %get3A_359 = arith.constant 96 : index
    %get3A_360 = tpu.vector_load %arg6[%get3A_358, %get3A_359] {strides = array<i32>} : memref<79x128xi32, #tpu.memory_space<vmem>>, vector<1x16xi32>,
    %get3A_361 = vector.shape_cast %get3A_360 : vector<1x16xi32> to vector<16xi32>
    %shift_right_logical3A_362 = arith.constant 16 : i32
    %shift_right_logical3A_363 = vector.broadcast %shift_right_logical3A_362 : i32 to vector<16xi32>
    %shift_right_logical3A_364 = arith.shrui %get3A_361, %shift_right_logical3A_363 : vector<16xi32>
    %swap3A_365 = arith.constant 96 : index
    %swap3A_366 = tpu.vector_load %arg8[%swap3A_365] {strides = array<i32>} : memref<128xi32, #tpu.memory_space<vmem>>, vector<16xi32>,
    %swap3A_367 = vector.shape_cast %swap3A_366 : vector<16xi32> to vector<16xi32>
    %swap3A_368 = vector.shape_cast %shift_right_logical3A_364 : vector<16xi32> to vector<16xi32>
    tpu.vector_store %arg8[%swap3A_365], %swap3A_368 {strides = array<i32>} : memref<128xi32, #tpu.memory_space<vmem>>, vector<16xi32>,
    %get3A_369 = arith.constant 76 : i32
    %get3A_370 = arith.index_cast %get3A_369 : i32 to index
    %get3A_371 = arith.constant 112 : index
    %get3A_372 = tpu.vector_load %arg6[%get3A_370, %get3A_371] {strides = array<i32>} : memref<79x128xi32, #tpu.memory_space<vmem>>, vector<1x16xi32>,
    %get3A_373 = vector.shape_cast %get3A_372 : vector<1x16xi32> to vector<16xi32>
    %shift_right_logical3A_374 = arith.constant 16 : i32
    %shift_right_logical3A_375 = vector.broadcast %shift_right_logical3A_374 : i32 to vector<16xi32>
    %shift_right_logical3A_376 = arith.shrui %get3A_373, %shift_right_logical3A_375 : vector<16xi32>
    %swap3A_377 = arith.constant 112 : index
    %swap3A_378 = tpu.vector_load %arg8[%swap3A_377] {strides = array<i32>} : memref<128xi32, #tpu.memory_space<vmem>>, vector<16xi32>,
    %swap3A_379 = vector.shape_cast %swap3A_378 : vector<16xi32> to vector<16xi32>
    %swap3A_380 = vector.shape_cast %shift_right_logical3A_376 : vector<16xi32> to vector<16xi32>
    tpu.vector_store %arg8[%swap3A_377], %swap3A_380 {strides = array<i32>} : memref<128xi32, #tpu.memory_space<vmem>>, vector<16xi32>,
    "tpu.region"() ({
      %run_scoped3A_697 = tpu.sem_alloc : memref<!tpu.dma_semaphore, #tpu.memory_space<semaphore_mem>>
      %dma_start3A_698 = arith.constant 0 : i32
      %dma_start3A_699 = arith.constant 0 : i32
      %dma_start3A_700 = tpu.memref_slice %arg11[%dma_start3A_698, %dma_start3A_699] : memref<10240x128xf32, #tpu.memory_space<vmem_shared>> -> memref<10240x128xf32, #tpu.memory_space<vmem_shared>>
      tpu.enqueue_indirect_dma source(%arg9 : memref<128x128xf32, #tpu.memory_space<vmem>>) target(%dma_start3A_700 : memref<10240x128xf32, #tpu.memory_space<vmem_shared>>) offsets(%arg8 : memref<128xi32, #tpu.memory_space<vmem>>) semaphore(%run_scoped3A_697 : memref<!tpu.dma_semaphore, #tpu.memory_space<semaphore_mem>>) {add = true}
      %dma_wait3A_701 = arith.constant 0 : i32
      %dma_wait3A_702 = arith.constant 0 : i32
      %dma_wait3A_703 = tpu.memref_slice %arg11[%dma_wait3A_701, %dma_wait3A_702] : memref<10240x128xf32, #tpu.memory_space<vmem_shared>> -> memref<10240x128xf32, #tpu.memory_space<vmem_shared>>
      tpu.wait_indirect_dma semaphore(%run_scoped3A_697 : memref<!tpu.dma_semaphore, #tpu.memory_space<semaphore_mem>>) src(%arg9 : memref<128x128xf32, #tpu.memory_space<vmem>>) dst(%dma_wait3A_703 : memref<10240x128xf32, #tpu.memory_space<vmem_shared>>)
      tpu.yield
    }) : () -> ()
    %dma_wait3A_381 = arith.constant 1 : i32
    %dma_wait3A_382 = arith.constant 0 : i32
    %dma_wait3A_383 = tpu.memref_slice %arg7[%dma_wait3A_381, %dma_wait3A_382] : memref<2x128xi32, #tpu.memory_space<vmem>> -> memref<1x128xi32, #tpu.memory_space<vmem>>
    %dma_wait3A_384 = tpu.memref_squeeze %dma_wait3A_383 : memref<1x128xi32, #tpu.memory_space<vmem>> -> memref<128xi32, #tpu.memory_space<vmem>>
    %dma_wait3A_385 = arith.constant 0 : i32
    %dma_wait3A_386 = arith.constant 0 : i32
    %dma_wait3A_387 = tpu.memref_slice %arg2[%dma_wait3A_385, %dma_wait3A_386] : memref<10240x128xf32, #tpu.memory_space<hbm>> -> memref<10240x128xf32, #tpu.memory_space<hbm>>
    tpu.wait_indirect_dma semaphore(%arg13 : memref<!tpu.dma_semaphore, #tpu.memory_space<semaphore_mem>>) src(%dma_wait3A_387 : memref<10240x128xf32, #tpu.memory_space<hbm>>) dst(%arg10 : memref<128x128xf32, #tpu.memory_space<vmem>>)
    %get3A_388 = arith.constant 77 : i32
    %get3A_389 = arith.index_cast %get3A_388 : i32 to index
    %get3A_390 = arith.constant 0 : index
    %get3A_391 = tpu.vector_load %arg6[%get3A_389, %get3A_390] {strides = array<i32>} : memref<79x128xi32, #tpu.memory_space<vmem>>, vector<1x16xi32>,
    %get3A_392 = vector.shape_cast %get3A_391 : vector<1x16xi32> to vector<16xi32>
    %shift_right_logical3A_393 = arith.constant 16 : i32
    %shift_right_logical3A_394 = vector.broadcast %shift_right_logical3A_393 : i32 to vector<16xi32>
    %shift_right_logical3A_395 = arith.shrui %get3A_392, %shift_right_logical3A_394 : vector<16xi32>
    %swap3A_396 = arith.constant 0 : index
    %swap3A_397 = tpu.vector_load %arg8[%swap3A_396] {strides = array<i32>} : memref<128xi32, #tpu.memory_space<vmem>>, vector<16xi32>,
    %swap3A_398 = vector.shape_cast %swap3A_397 : vector<16xi32> to vector<16xi32>
    %swap3A_399 = vector.shape_cast %shift_right_logical3A_395 : vector<16xi32> to vector<16xi32>
    tpu.vector_store %arg8[%swap3A_396], %swap3A_399 {strides = array<i32>} : memref<128xi32, #tpu.memory_space<vmem>>, vector<16xi32>,
    %get3A_400 = arith.constant 77 : i32
    %get3A_401 = arith.index_cast %get3A_400 : i32 to index
    %get3A_402 = arith.constant 16 : index
    %get3A_403 = tpu.vector_load %arg6[%get3A_401, %get3A_402] {strides = array<i32>} : memref<79x128xi32, #tpu.memory_space<vmem>>, vector<1x16xi32>,
    %get3A_404 = vector.shape_cast %get3A_403 : vector<1x16xi32> to vector<16xi32>
    %shift_right_logical3A_405 = arith.constant 16 : i32
    %shift_right_logical3A_406 = vector.broadcast %shift_right_logical3A_405 : i32 to vector<16xi32>
    %shift_right_logical3A_407 = arith.shrui %get3A_404, %shift_right_logical3A_406 : vector<16xi32>
    %swap3A_408 = arith.constant 16 : index
    %swap3A_409 = tpu.vector_load %arg8[%swap3A_408] {strides = array<i32>} : memref<128xi32, #tpu.memory_space<vmem>>, vector<16xi32>,
    %swap3A_410 = vector.shape_cast %swap3A_409 : vector<16xi32> to vector<16xi32>
    %swap3A_411 = vector.shape_cast %shift_right_logical3A_407 : vector<16xi32> to vector<16xi32>
    tpu.vector_store %arg8[%swap3A_408], %swap3A_411 {strides = array<i32>} : memref<128xi32, #tpu.memory_space<vmem>>, vector<16xi32>,
    %get3A_412 = arith.constant 77 : i32
    %get3A_413 = arith.index_cast %get3A_412 : i32 to index
    %get3A_414 = arith.constant 32 : index
    %get3A_415 = tpu.vector_load %arg6[%get3A_413, %get3A_414] {strides = array<i32>} : memref<79x128xi32, #tpu.memory_space<vmem>>, vector<1x16xi32>,
    %get3A_416 = vector.shape_cast %get3A_415 : vector<1x16xi32> to vector<16xi32>
    %shift_right_logical3A_417 = arith.constant 16 : i32
    %shift_right_logical3A_418 = vector.broadcast %shift_right_logical3A_417 : i32 to vector<16xi32>
    %shift_right_logical3A_419 = arith.shrui %get3A_416, %shift_right_logical3A_418 : vector<16xi32>
    %swap3A_420 = arith.constant 32 : index
    %swap3A_421 = tpu.vector_load %arg8[%swap3A_420] {strides = array<i32>} : memref<128xi32, #tpu.memory_space<vmem>>, vector<16xi32>,
    %swap3A_422 = vector.shape_cast %swap3A_421 : vector<16xi32> to vector<16xi32>
    %swap3A_423 = vector.shape_cast %shift_right_logical3A_419 : vector<16xi32> to vector<16xi32>
    tpu.vector_store %arg8[%swap3A_420], %swap3A_423 {strides = array<i32>} : memref<128xi32, #tpu.memory_space<vmem>>, vector<16xi32>,
    %get3A_424 = arith.constant 77 : i32
    %get3A_425 = arith.index_cast %get3A_424 : i32 to index
    %get3A_426 = arith.constant 48 : index
    %get3A_427 = tpu.vector_load %arg6[%get3A_425, %get3A_426] {strides = array<i32>} : memref<79x128xi32, #tpu.memory_space<vmem>>, vector<1x16xi32>,
    %get3A_428 = vector.shape_cast %get3A_427 : vector<1x16xi32> to vector<16xi32>
    %shift_right_logical3A_429 = arith.constant 16 : i32
    %shift_right_logical3A_430 = vector.broadcast %shift_right_logical3A_429 : i32 to vector<16xi32>
    %shift_right_logical3A_431 = arith.shrui %get3A_428, %shift_right_logical3A_430 : vector<16xi32>
    %swap3A_432 = arith.constant 48 : index
    %swap3A_433 = tpu.vector_load %arg8[%swap3A_432] {strides = array<i32>} : memref<128xi32, #tpu.memory_space<vmem>>, vector<16xi32>,
    %swap3A_434 = vector.shape_cast %swap3A_433 : vector<16xi32> to vector<16xi32>
    %swap3A_435 = vector.shape_cast %shift_right_logical3A_431 : vector<16xi32> to vector<16xi32>
    tpu.vector_store %arg8[%swap3A_432], %swap3A_435 {strides = array<i32>} : memref<128xi32, #tpu.memory_space<vmem>>, vector<16xi32>,
    %get3A_436 = arith.constant 77 : i32
    %get3A_437 = arith.index_cast %get3A_436 : i32 to index
    %get3A_438 = arith.constant 64 : index
    %get3A_439 = tpu.vector_load %arg6[%get3A_437, %get3A_438] {strides = array<i32>} : memref<79x128xi32, #tpu.memory_space<vmem>>, vector<1x16xi32>,
    %get3A_440 = vector.shape_cast %get3A_439 : vector<1x16xi32> to vector<16xi32>
    %shift_right_logical3A_441 = arith.constant 16 : i32
    %shift_right_logical3A_442 = vector.broadcast %shift_right_logical3A_441 : i32 to vector<16xi32>
    %shift_right_logical3A_443 = arith.shrui %get3A_440, %shift_right_logical3A_442 : vector<16xi32>
    %swap3A_444 = arith.constant 64 : index
    %swap3A_445 = tpu.vector_load %arg8[%swap3A_444] {strides = array<i32>} : memref<128xi32, #tpu.memory_space<vmem>>, vector<16xi32>,
    %swap3A_446 = vector.shape_cast %swap3A_445 : vector<16xi32> to vector<16xi32>
    %swap3A_447 = vector.shape_cast %shift_right_logical3A_443 : vector<16xi32> to vector<16xi32>
    tpu.vector_store %arg8[%swap3A_444], %swap3A_447 {strides = array<i32>} : memref<128xi32, #tpu.memory_space<vmem>>, vector<16xi32>,
    %get3A_448 = arith.constant 77 : i32
    %get3A_449 = arith.index_cast %get3A_448 : i32 to index
    %get3A_450 = arith.constant 80 : index
    %get3A_451 = tpu.vector_load %arg6[%get3A_449, %get3A_450] {strides = array<i32>} : memref<79x128xi32, #tpu.memory_space<vmem>>, vector<1x16xi32>,
    %get3A_452 = vector.shape_cast %get3A_451 : vector<1x16xi32> to vector<16xi32>
    %shift_right_logical3A_453 = arith.constant 16 : i32
    %shift_right_logical3A_454 = vector.broadcast %shift_right_logical3A_453 : i32 to vector<16xi32>
    %shift_right_logical3A_455 = arith.shrui %get3A_452, %shift_right_logical3A_454 : vector<16xi32>
    %swap3A_456 = arith.constant 80 : index
    %swap3A_457 = tpu.vector_load %arg8[%swap3A_456] {strides = array<i32>} : memref<128xi32, #tpu.memory_space<vmem>>, vector<16xi32>,
    %swap3A_458 = vector.shape_cast %swap3A_457 : vector<16xi32> to vector<16xi32>
    %swap3A_459 = vector.shape_cast %shift_right_logical3A_455 : vector<16xi32> to vector<16xi32>
    tpu.vector_store %arg8[%swap3A_456], %swap3A_459 {strides = array<i32>} : memref<128xi32, #tpu.memory_space<vmem>>, vector<16xi32>,
    %get3A_460 = arith.constant 77 : i32
    %get3A_461 = arith.index_cast %get3A_460 : i32 to index
    %get3A_462 = arith.constant 96 : index
    %get3A_463 = tpu.vector_load %arg6[%get3A_461, %get3A_462] {strides = array<i32>} : memref<79x128xi32, #tpu.memory_space<vmem>>, vector<1x16xi32>,
    %get3A_464 = vector.shape_cast %get3A_463 : vector<1x16xi32> to vector<16xi32>
    %shift_right_logical3A_465 = arith.constant 16 : i32
    %shift_right_logical3A_466 = vector.broadcast %shift_right_logical3A_465 : i32 to vector<16xi32>
    %shift_right_logical3A_467 = arith.shrui %get3A_464, %shift_right_logical3A_466 : vector<16xi32>
    %swap3A_468 = arith.constant 96 : index
    %swap3A_469 = tpu.vector_load %arg8[%swap3A_468] {strides = array<i32>} : memref<128xi32, #tpu.memory_space<vmem>>, vector<16xi32>,
    %swap3A_470 = vector.shape_cast %swap3A_469 : vector<16xi32> to vector<16xi32>
    %swap3A_471 = vector.shape_cast %shift_right_logical3A_467 : vector<16xi32> to vector<16xi32>
    tpu.vector_store %arg8[%swap3A_468], %swap3A_471 {strides = array<i32>} : memref<128xi32, #tpu.memory_space<vmem>>, vector<16xi32>,
    %get3A_472 = arith.constant 77 : i32
    %get3A_473 = arith.index_cast %get3A_472 : i32 to index
    %get3A_474 = arith.constant 112 : index
    %get3A_475 = tpu.vector_load %arg6[%get3A_473, %get3A_474] {strides = array<i32>} : memref<79x128xi32, #tpu.memory_space<vmem>>, vector<1x16xi32>,
    %get3A_476 = vector.shape_cast %get3A_475 : vector<1x16xi32> to vector<16xi32>
    %shift_right_logical3A_477 = arith.constant 16 : i32
    %shift_right_logical3A_478 = vector.broadcast %shift_right_logical3A_477 : i32 to vector<16xi32>
    %shift_right_logical3A_479 = arith.shrui %get3A_476, %shift_right_logical3A_478 : vector<16xi32>
    %swap3A_480 = arith.constant 112 : index
    %swap3A_481 = tpu.vector_load %arg8[%swap3A_480] {strides = array<i32>} : memref<128xi32, #tpu.memory_space<vmem>>, vector<16xi32>,
    %swap3A_482 = vector.shape_cast %swap3A_481 : vector<16xi32> to vector<16xi32>
    %swap3A_483 = vector.shape_cast %shift_right_logical3A_479 : vector<16xi32> to vector<16xi32>
    tpu.vector_store %arg8[%swap3A_480], %swap3A_483 {strides = array<i32>} : memref<128xi32, #tpu.memory_space<vmem>>, vector<16xi32>,
    "tpu.region"() ({
      %run_scoped3A_697 = tpu.sem_alloc : memref<!tpu.dma_semaphore, #tpu.memory_space<semaphore_mem>>
      %dma_start3A_698 = arith.constant 0 : i32
      %dma_start3A_699 = arith.constant 0 : i32
      %dma_start3A_700 = tpu.memref_slice %arg11[%dma_start3A_698, %dma_start3A_699] : memref<10240x128xf32, #tpu.memory_space<vmem_shared>> -> memref<10240x128xf32, #tpu.memory_space<vmem_shared>>
      tpu.enqueue_indirect_dma source(%arg10 : memref<128x128xf32, #tpu.memory_space<vmem>>) target(%dma_start3A_700 : memref<10240x128xf32, #tpu.memory_space<vmem_shared>>) offsets(%arg8 : memref<128xi32, #tpu.memory_space<vmem>>) semaphore(%run_scoped3A_697 : memref<!tpu.dma_semaphore, #tpu.memory_space<semaphore_mem>>) {add = true}
      %dma_wait3A_701 = arith.constant 0 : i32
      %dma_wait3A_702 = arith.constant 0 : i32
      %dma_wait3A_703 = tpu.memref_slice %arg11[%dma_wait3A_701, %dma_wait3A_702] : memref<10240x128xf32, #tpu.memory_space<vmem_shared>> -> memref<10240x128xf32, #tpu.memory_space<vmem_shared>>
      tpu.wait_indirect_dma semaphore(%run_scoped3A_697 : memref<!tpu.dma_semaphore, #tpu.memory_space<semaphore_mem>>) src(%arg10 : memref<128x128xf32, #tpu.memory_space<vmem>>) dst(%dma_wait3A_703 : memref<10240x128xf32, #tpu.memory_space<vmem_shared>>)
      tpu.yield
    }) : () -> ()
    %get3A_484 = arith.constant 78 : i32
    %get3A_485 = arith.index_cast %get3A_484 : i32 to index
    %get3A_486 = arith.constant 0 : index
    %get3A_487 = tpu.vector_load %arg6[%get3A_485, %get3A_486] {strides = array<i32>} : memref<79x128xi32, #tpu.memory_space<vmem>>, vector<1x16xi32>,
    %get3A_488 = vector.shape_cast %get3A_487 : vector<1x16xi32> to vector<16xi32>
    %and3A_489 = arith.constant 65535 : i32
    %and3A_490 = vector.broadcast %and3A_489 : i32 to vector<16xi32>
    %and3A_491 = arith.andi %get3A_488, %and3A_490 : vector<16xi32>
    %swap3A_492 = arith.constant 0 : i32
    %swap3A_493 = arith.index_cast %swap3A_492 : i32 to index
    %swap3A_494 = arith.constant 0 : index
    %swap3A_495 = tpu.vector_load %arg7[%swap3A_493, %swap3A_494] {strides = array<i32>} : memref<2x128xi32, #tpu.memory_space<vmem>>, vector<1x16xi32>,
    %swap3A_496 = vector.shape_cast %swap3A_495 : vector<1x16xi32> to vector<16xi32>
    %swap3A_497 = vector.shape_cast %and3A_491 : vector<16xi32> to vector<1x16xi32>
    tpu.vector_store %arg7[%swap3A_493, %swap3A_494], %swap3A_497 {strides = array<i32>} : memref<2x128xi32, #tpu.memory_space<vmem>>, vector<1x16xi32>,
    %get3A_498 = arith.constant 78 : i32
    %get3A_499 = arith.index_cast %get3A_498 : i32 to index
    %get3A_500 = arith.constant 16 : index
    %get3A_501 = tpu.vector_load %arg6[%get3A_499, %get3A_500] {strides = array<i32>} : memref<79x128xi32, #tpu.memory_space<vmem>>, vector<1x16xi32>,
    %get3A_502 = vector.shape_cast %get3A_501 : vector<1x16xi32> to vector<16xi32>
    %and3A_503 = arith.constant 65535 : i32
    %and3A_504 = vector.broadcast %and3A_503 : i32 to vector<16xi32>
    %and3A_505 = arith.andi %get3A_502, %and3A_504 : vector<16xi32>
    %swap3A_506 = arith.constant 0 : i32
    %swap3A_507 = arith.index_cast %swap3A_506 : i32 to index
    %swap3A_508 = arith.constant 16 : index
    %swap3A_509 = tpu.vector_load %arg7[%swap3A_507, %swap3A_508] {strides = array<i32>} : memref<2x128xi32, #tpu.memory_space<vmem>>, vector<1x16xi32>,
    %swap3A_510 = vector.shape_cast %swap3A_509 : vector<1x16xi32> to vector<16xi32>
    %swap3A_511 = vector.shape_cast %and3A_505 : vector<16xi32> to vector<1x16xi32>
    tpu.vector_store %arg7[%swap3A_507, %swap3A_508], %swap3A_511 {strides = array<i32>} : memref<2x128xi32, #tpu.memory_space<vmem>>, vector<1x16xi32>,
    %get3A_512 = arith.constant 78 : i32
    %get3A_513 = arith.index_cast %get3A_512 : i32 to index
    %get3A_514 = arith.constant 32 : index
    %get3A_515 = tpu.vector_load %arg6[%get3A_513, %get3A_514] {strides = array<i32>} : memref<79x128xi32, #tpu.memory_space<vmem>>, vector<1x16xi32>,
    %get3A_516 = vector.shape_cast %get3A_515 : vector<1x16xi32> to vector<16xi32>
    %and3A_517 = arith.constant 65535 : i32
    %and3A_518 = vector.broadcast %and3A_517 : i32 to vector<16xi32>
    %and3A_519 = arith.andi %get3A_516, %and3A_518 : vector<16xi32>
    %swap3A_520 = arith.constant 0 : i32
    %swap3A_521 = arith.index_cast %swap3A_520 : i32 to index
    %swap3A_522 = arith.constant 32 : index
    %swap3A_523 = tpu.vector_load %arg7[%swap3A_521, %swap3A_522] {strides = array<i32>} : memref<2x128xi32, #tpu.memory_space<vmem>>, vector<1x16xi32>,
    %swap3A_524 = vector.shape_cast %swap3A_523 : vector<1x16xi32> to vector<16xi32>
    %swap3A_525 = vector.shape_cast %and3A_519 : vector<16xi32> to vector<1x16xi32>
    tpu.vector_store %arg7[%swap3A_521, %swap3A_522], %swap3A_525 {strides = array<i32>} : memref<2x128xi32, #tpu.memory_space<vmem>>, vector<1x16xi32>,
    %get3A_526 = arith.constant 78 : i32
    %get3A_527 = arith.index_cast %get3A_526 : i32 to index
    %get3A_528 = arith.constant 48 : index
    %get3A_529 = tpu.vector_load %arg6[%get3A_527, %get3A_528] {strides = array<i32>} : memref<79x128xi32, #tpu.memory_space<vmem>>, vector<1x16xi32>,
    %get3A_530 = vector.shape_cast %get3A_529 : vector<1x16xi32> to vector<16xi32>
    %and3A_531 = arith.constant 65535 : i32
    %and3A_532 = vector.broadcast %and3A_531 : i32 to vector<16xi32>
    %and3A_533 = arith.andi %get3A_530, %and3A_532 : vector<16xi32>
    %swap3A_534 = arith.constant 0 : i32
    %swap3A_535 = arith.index_cast %swap3A_534 : i32 to index
    %swap3A_536 = arith.constant 48 : index
    %swap3A_537 = tpu.vector_load %arg7[%swap3A_535, %swap3A_536] {strides = array<i32>} : memref<2x128xi32, #tpu.memory_space<vmem>>, vector<1x16xi32>,
    %swap3A_538 = vector.shape_cast %swap3A_537 : vector<1x16xi32> to vector<16xi32>
    %swap3A_539 = vector.shape_cast %and3A_533 : vector<16xi32> to vector<1x16xi32>
    tpu.vector_store %arg7[%swap3A_535, %swap3A_536], %swap3A_539 {strides = array<i32>} : memref<2x128xi32, #tpu.memory_space<vmem>>, vector<1x16xi32>,
    %get3A_540 = arith.constant 78 : i32
    %get3A_541 = arith.index_cast %get3A_540 : i32 to index
    %get3A_542 = arith.constant 64 : index
    %get3A_543 = tpu.vector_load %arg6[%get3A_541, %get3A_542] {strides = array<i32>} : memref<79x128xi32, #tpu.memory_space<vmem>>, vector<1x16xi32>,
    %get3A_544 = vector.shape_cast %get3A_543 : vector<1x16xi32> to vector<16xi32>
    %and3A_545 = arith.constant 65535 : i32
    %and3A_546 = vector.broadcast %and3A_545 : i32 to vector<16xi32>
    %and3A_547 = arith.andi %get3A_544, %and3A_546 : vector<16xi32>
    %swap3A_548 = arith.constant 0 : i32
    %swap3A_549 = arith.index_cast %swap3A_548 : i32 to index
    %swap3A_550 = arith.constant 64 : index
    %swap3A_551 = tpu.vector_load %arg7[%swap3A_549, %swap3A_550] {strides = array<i32>} : memref<2x128xi32, #tpu.memory_space<vmem>>, vector<1x16xi32>,
    %swap3A_552 = vector.shape_cast %swap3A_551 : vector<1x16xi32> to vector<16xi32>
    %swap3A_553 = vector.shape_cast %and3A_547 : vector<16xi32> to vector<1x16xi32>
    tpu.vector_store %arg7[%swap3A_549, %swap3A_550], %swap3A_553 {strides = array<i32>} : memref<2x128xi32, #tpu.memory_space<vmem>>, vector<1x16xi32>,
    %get3A_554 = arith.constant 78 : i32
    %get3A_555 = arith.index_cast %get3A_554 : i32 to index
    %get3A_556 = arith.constant 80 : index
    %get3A_557 = tpu.vector_load %arg6[%get3A_555, %get3A_556] {strides = array<i32>} : memref<79x128xi32, #tpu.memory_space<vmem>>, vector<1x16xi32>,
    %get3A_558 = vector.shape_cast %get3A_557 : vector<1x16xi32> to vector<16xi32>
    %and3A_559 = arith.constant 65535 : i32
    %and3A_560 = vector.broadcast %and3A_559 : i32 to vector<16xi32>
    %and3A_561 = arith.andi %get3A_558, %and3A_560 : vector<16xi32>
    %swap3A_562 = arith.constant 0 : i32
    %swap3A_563 = arith.index_cast %swap3A_562 : i32 to index
    %swap3A_564 = arith.constant 80 : index
    %swap3A_565 = tpu.vector_load %arg7[%swap3A_563, %swap3A_564] {strides = array<i32>} : memref<2x128xi32, #tpu.memory_space<vmem>>, vector<1x16xi32>,
    %swap3A_566 = vector.shape_cast %swap3A_565 : vector<1x16xi32> to vector<16xi32>
    %swap3A_567 = vector.shape_cast %and3A_561 : vector<16xi32> to vector<1x16xi32>
    tpu.vector_store %arg7[%swap3A_563, %swap3A_564], %swap3A_567 {strides = array<i32>} : memref<2x128xi32, #tpu.memory_space<vmem>>, vector<1x16xi32>,
    %get3A_568 = arith.constant 78 : i32
    %get3A_569 = arith.index_cast %get3A_568 : i32 to index
    %get3A_570 = arith.constant 96 : index
    %get3A_571 = tpu.vector_load %arg6[%get3A_569, %get3A_570] {strides = array<i32>} : memref<79x128xi32, #tpu.memory_space<vmem>>, vector<1x16xi32>,
    %get3A_572 = vector.shape_cast %get3A_571 : vector<1x16xi32> to vector<16xi32>
    %and3A_573 = arith.constant 65535 : i32
    %and3A_574 = vector.broadcast %and3A_573 : i32 to vector<16xi32>
    %and3A_575 = arith.andi %get3A_572, %and3A_574 : vector<16xi32>
    %swap3A_576 = arith.constant 0 : i32
    %swap3A_577 = arith.index_cast %swap3A_576 : i32 to index
    %swap3A_578 = arith.constant 96 : index
    %swap3A_579 = tpu.vector_load %arg7[%swap3A_577, %swap3A_578] {strides = array<i32>} : memref<2x128xi32, #tpu.memory_space<vmem>>, vector<1x16xi32>,
    %swap3A_580 = vector.shape_cast %swap3A_579 : vector<1x16xi32> to vector<16xi32>
    %swap3A_581 = vector.shape_cast %and3A_575 : vector<16xi32> to vector<1x16xi32>
    tpu.vector_store %arg7[%swap3A_577, %swap3A_578], %swap3A_581 {strides = array<i32>} : memref<2x128xi32, #tpu.memory_space<vmem>>, vector<1x16xi32>,
    %get3A_582 = arith.constant 78 : i32
    %get3A_583 = arith.index_cast %get3A_582 : i32 to index
    %get3A_584 = arith.constant 112 : index
    %get3A_585 = tpu.vector_load %arg6[%get3A_583, %get3A_584] {strides = array<i32>} : memref<79x128xi32, #tpu.memory_space<vmem>>, vector<1x16xi32>,
    %get3A_586 = vector.shape_cast %get3A_585 : vector<1x16xi32> to vector<16xi32>
    %and3A_587 = arith.constant 65535 : i32
    %and3A_588 = vector.broadcast %and3A_587 : i32 to vector<16xi32>
    %and3A_589 = arith.andi %get3A_586, %and3A_588 : vector<16xi32>
    %swap3A_590 = arith.constant 0 : i32
    %swap3A_591 = arith.index_cast %swap3A_590 : i32 to index
    %swap3A_592 = arith.constant 112 : index
    %swap3A_593 = tpu.vector_load %arg7[%swap3A_591, %swap3A_592] {strides = array<i32>} : memref<2x128xi32, #tpu.memory_space<vmem>>, vector<1x16xi32>,
    %swap3A_594 = vector.shape_cast %swap3A_593 : vector<1x16xi32> to vector<16xi32>
    %swap3A_595 = vector.shape_cast %and3A_589 : vector<16xi32> to vector<1x16xi32>
    tpu.vector_store %arg7[%swap3A_591, %swap3A_592], %swap3A_595 {strides = array<i32>} : memref<2x128xi32, #tpu.memory_space<vmem>>, vector<1x16xi32>,
    %run_scoped3A = arith.constant 0 : i32
    "tpu.region"() ({
      %run_scoped3A_697 = tpu.sem_alloc : memref<!tpu.dma_semaphore, #tpu.memory_space<semaphore_mem>>
      %dma_start3A_698 = arith.constant 0 : i32
      %dma_start3A_699 = tpu.memref_slice %arg7[%run_scoped3A, %dma_start3A_698] : memref<2x128xi32, #tpu.memory_space<vmem>> -> memref<1x128xi32, #tpu.memory_space<vmem>>
      %dma_start3A_700 = tpu.memref_squeeze %dma_start3A_699 : memref<1x128xi32, #tpu.memory_space<vmem>> -> memref<128xi32, #tpu.memory_space<vmem>>
      %dma_start3A_701 = arith.constant 0 : i32
      %dma_start3A_702 = arith.constant 0 : i32
      %dma_start3A_703 = tpu.memref_slice %arg2[%dma_start3A_701, %dma_start3A_702] : memref<10240x128xf32, #tpu.memory_space<hbm>> -> memref<10240x128xf32, #tpu.memory_space<hbm>>
      tpu.enqueue_indirect_dma source(%dma_start3A_703 : memref<10240x128xf32, #tpu.memory_space<hbm>>) target(%arg9 : memref<128x128xf32, #tpu.memory_space<vmem>>) offsets(%dma_start3A_700 : memref<128xi32, #tpu.memory_space<vmem>>) semaphore(%run_scoped3A_697 : memref<!tpu.dma_semaphore, #tpu.memory_space<semaphore_mem>>)
      %dma_wait3A_704 = arith.constant 0 : i32
      %dma_wait3A_705 = tpu.memref_slice %arg7[%run_scoped3A, %dma_wait3A_704] : memref<2x128xi32, #tpu.memory_space<vmem>> -> memref<1x128xi32, #tpu.memory_space<vmem>>
      %dma_wait3A_706 = tpu.memref_squeeze %dma_wait3A_705 : memref<1x128xi32, #tpu.memory_space<vmem>> -> memref<128xi32, #tpu.memory_space<vmem>>
      %dma_wait3A_707 = arith.constant 0 : i32
      %dma_wait3A_708 = arith.constant 0 : i32
      %dma_wait3A_709 = tpu.memref_slice %arg2[%dma_wait3A_707, %dma_wait3A_708] : memref<10240x128xf32, #tpu.memory_space<hbm>> -> memref<10240x128xf32, #tpu.memory_space<hbm>>
      tpu.wait_indirect_dma semaphore(%run_scoped3A_697 : memref<!tpu.dma_semaphore, #tpu.memory_space<semaphore_mem>>) src(%dma_wait3A_709 : memref<10240x128xf32, #tpu.memory_space<hbm>>) dst(%arg9 : memref<128x128xf32, #tpu.memory_space<vmem>>)
      tpu.yield
    }) : () -> ()
    %get3A_596 = arith.constant 78 : i32
    %get3A_597 = arith.index_cast %get3A_596 : i32 to index
    %get3A_598 = arith.constant 0 : index
    %get3A_599 = tpu.vector_load %arg6[%get3A_597, %get3A_598] {strides = array<i32>} : memref<79x128xi32, #tpu.memory_space<vmem>>, vector<1x16xi32>,
    %get3A_600 = vector.shape_cast %get3A_599 : vector<1x16xi32> to vector<16xi32>
    %shift_right_logical3A_601 = arith.constant 16 : i32
    %shift_right_logical3A_602 = vector.broadcast %shift_right_logical3A_601 : i32 to vector<16xi32>
    %shift_right_logical3A_603 = arith.shrui %get3A_600, %shift_right_logical3A_602 : vector<16xi32>
    %swap3A_604 = arith.constant 0 : index
    %swap3A_605 = tpu.vector_load %arg8[%swap3A_604] {strides = array<i32>} : memref<128xi32, #tpu.memory_space<vmem>>, vector<16xi32>,
    %swap3A_606 = vector.shape_cast %swap3A_605 : vector<16xi32> to vector<16xi32>
    %swap3A_607 = vector.shape_cast %shift_right_logical3A_603 : vector<16xi32> to vector<16xi32>
    tpu.vector_store %arg8[%swap3A_604], %swap3A_607 {strides = array<i32>} : memref<128xi32, #tpu.memory_space<vmem>>, vector<16xi32>,
    %get3A_608 = arith.constant 78 : i32
    %get3A_609 = arith.index_cast %get3A_608 : i32 to index
    %get3A_610 = arith.constant 16 : index
    %get3A_611 = tpu.vector_load %arg6[%get3A_609, %get3A_610] {strides = array<i32>} : memref<79x128xi32, #tpu.memory_space<vmem>>, vector<1x16xi32>,
    %get3A_612 = vector.shape_cast %get3A_611 : vector<1x16xi32> to vector<16xi32>
    %shift_right_logical3A_613 = arith.constant 16 : i32
    %shift_right_logical3A_614 = vector.broadcast %shift_right_logical3A_613 : i32 to vector<16xi32>
    %shift_right_logical3A_615 = arith.shrui %get3A_612, %shift_right_logical3A_614 : vector<16xi32>
    %swap3A_616 = arith.constant 16 : index
    %swap3A_617 = tpu.vector_load %arg8[%swap3A_616] {strides = array<i32>} : memref<128xi32, #tpu.memory_space<vmem>>, vector<16xi32>,
    %swap3A_618 = vector.shape_cast %swap3A_617 : vector<16xi32> to vector<16xi32>
    %swap3A_619 = vector.shape_cast %shift_right_logical3A_615 : vector<16xi32> to vector<16xi32>
    tpu.vector_store %arg8[%swap3A_616], %swap3A_619 {strides = array<i32>} : memref<128xi32, #tpu.memory_space<vmem>>, vector<16xi32>,
    %get3A_620 = arith.constant 78 : i32
    %get3A_621 = arith.index_cast %get3A_620 : i32 to index
    %get3A_622 = arith.constant 32 : index
    %get3A_623 = tpu.vector_load %arg6[%get3A_621, %get3A_622] {strides = array<i32>} : memref<79x128xi32, #tpu.memory_space<vmem>>, vector<1x16xi32>,
    %get3A_624 = vector.shape_cast %get3A_623 : vector<1x16xi32> to vector<16xi32>
    %shift_right_logical3A_625 = arith.constant 16 : i32
    %shift_right_logical3A_626 = vector.broadcast %shift_right_logical3A_625 : i32 to vector<16xi32>
    %shift_right_logical3A_627 = arith.shrui %get3A_624, %shift_right_logical3A_626 : vector<16xi32>
    %swap3A_628 = arith.constant 32 : index
    %swap3A_629 = tpu.vector_load %arg8[%swap3A_628] {strides = array<i32>} : memref<128xi32, #tpu.memory_space<vmem>>, vector<16xi32>,
    %swap3A_630 = vector.shape_cast %swap3A_629 : vector<16xi32> to vector<16xi32>
    %swap3A_631 = vector.shape_cast %shift_right_logical3A_627 : vector<16xi32> to vector<16xi32>
    tpu.vector_store %arg8[%swap3A_628], %swap3A_631 {strides = array<i32>} : memref<128xi32, #tpu.memory_space<vmem>>, vector<16xi32>,
    %get3A_632 = arith.constant 78 : i32
    %get3A_633 = arith.index_cast %get3A_632 : i32 to index
    %get3A_634 = arith.constant 48 : index
    %get3A_635 = tpu.vector_load %arg6[%get3A_633, %get3A_634] {strides = array<i32>} : memref<79x128xi32, #tpu.memory_space<vmem>>, vector<1x16xi32>,
    %get3A_636 = vector.shape_cast %get3A_635 : vector<1x16xi32> to vector<16xi32>
    %shift_right_logical3A_637 = arith.constant 16 : i32
    %shift_right_logical3A_638 = vector.broadcast %shift_right_logical3A_637 : i32 to vector<16xi32>
    %shift_right_logical3A_639 = arith.shrui %get3A_636, %shift_right_logical3A_638 : vector<16xi32>
    %swap3A_640 = arith.constant 48 : index
    %swap3A_641 = tpu.vector_load %arg8[%swap3A_640] {strides = array<i32>} : memref<128xi32, #tpu.memory_space<vmem>>, vector<16xi32>,
    %swap3A_642 = vector.shape_cast %swap3A_641 : vector<16xi32> to vector<16xi32>
    %swap3A_643 = vector.shape_cast %shift_right_logical3A_639 : vector<16xi32> to vector<16xi32>
    tpu.vector_store %arg8[%swap3A_640], %swap3A_643 {strides = array<i32>} : memref<128xi32, #tpu.memory_space<vmem>>, vector<16xi32>,
    %get3A_644 = arith.constant 78 : i32
    %get3A_645 = arith.index_cast %get3A_644 : i32 to index
    %get3A_646 = arith.constant 64 : index
    %get3A_647 = tpu.vector_load %arg6[%get3A_645, %get3A_646] {strides = array<i32>} : memref<79x128xi32, #tpu.memory_space<vmem>>, vector<1x16xi32>,
    %get3A_648 = vector.shape_cast %get3A_647 : vector<1x16xi32> to vector<16xi32>
    %shift_right_logical3A_649 = arith.constant 16 : i32
    %shift_right_logical3A_650 = vector.broadcast %shift_right_logical3A_649 : i32 to vector<16xi32>
    %shift_right_logical3A_651 = arith.shrui %get3A_648, %shift_right_logical3A_650 : vector<16xi32>
    %swap3A_652 = arith.constant 64 : index
    %swap3A_653 = tpu.vector_load %arg8[%swap3A_652] {strides = array<i32>} : memref<128xi32, #tpu.memory_space<vmem>>, vector<16xi32>,
    %swap3A_654 = vector.shape_cast %swap3A_653 : vector<16xi32> to vector<16xi32>
    %swap3A_655 = vector.shape_cast %shift_right_logical3A_651 : vector<16xi32> to vector<16xi32>
    tpu.vector_store %arg8[%swap3A_652], %swap3A_655 {strides = array<i32>} : memref<128xi32, #tpu.memory_space<vmem>>, vector<16xi32>,
    %get3A_656 = arith.constant 78 : i32
    %get3A_657 = arith.index_cast %get3A_656 : i32 to index
    %get3A_658 = arith.constant 80 : index
    %get3A_659 = tpu.vector_load %arg6[%get3A_657, %get3A_658] {strides = array<i32>} : memref<79x128xi32, #tpu.memory_space<vmem>>, vector<1x16xi32>,
    %get3A_660 = vector.shape_cast %get3A_659 : vector<1x16xi32> to vector<16xi32>
    %shift_right_logical3A_661 = arith.constant 16 : i32
    %shift_right_logical3A_662 = vector.broadcast %shift_right_logical3A_661 : i32 to vector<16xi32>
    %shift_right_logical3A_663 = arith.shrui %get3A_660, %shift_right_logical3A_662 : vector<16xi32>
    %swap3A_664 = arith.constant 80 : index
    %swap3A_665 = tpu.vector_load %arg8[%swap3A_664] {strides = array<i32>} : memref<128xi32, #tpu.memory_space<vmem>>, vector<16xi32>,
    %swap3A_666 = vector.shape_cast %swap3A_665 : vector<16xi32> to vector<16xi32>
    %swap3A_667 = vector.shape_cast %shift_right_logical3A_663 : vector<16xi32> to vector<16xi32>
    tpu.vector_store %arg8[%swap3A_664], %swap3A_667 {strides = array<i32>} : memref<128xi32, #tpu.memory_space<vmem>>, vector<16xi32>,
    %get3A_668 = arith.constant 78 : i32
    %get3A_669 = arith.index_cast %get3A_668 : i32 to index
    %get3A_670 = arith.constant 96 : index
    %get3A_671 = tpu.vector_load %arg6[%get3A_669, %get3A_670] {strides = array<i32>} : memref<79x128xi32, #tpu.memory_space<vmem>>, vector<1x16xi32>,
    %get3A_672 = vector.shape_cast %get3A_671 : vector<1x16xi32> to vector<16xi32>
    %shift_right_logical3A_673 = arith.constant 16 : i32
    %shift_right_logical3A_674 = vector.broadcast %shift_right_logical3A_673 : i32 to vector<16xi32>
    %shift_right_logical3A_675 = arith.shrui %get3A_672, %shift_right_logical3A_674 : vector<16xi32>
    %swap3A_676 = arith.constant 96 : index
    %swap3A_677 = tpu.vector_load %arg8[%swap3A_676] {strides = array<i32>} : memref<128xi32, #tpu.memory_space<vmem>>, vector<16xi32>,
    %swap3A_678 = vector.shape_cast %swap3A_677 : vector<16xi32> to vector<16xi32>
    %swap3A_679 = vector.shape_cast %shift_right_logical3A_675 : vector<16xi32> to vector<16xi32>
    tpu.vector_store %arg8[%swap3A_676], %swap3A_679 {strides = array<i32>} : memref<128xi32, #tpu.memory_space<vmem>>, vector<16xi32>,
    %get3A_680 = arith.constant 78 : i32
    %get3A_681 = arith.index_cast %get3A_680 : i32 to index
    %get3A_682 = arith.constant 112 : index
    %get3A_683 = tpu.vector_load %arg6[%get3A_681, %get3A_682] {strides = array<i32>} : memref<79x128xi32, #tpu.memory_space<vmem>>, vector<1x16xi32>,
    %get3A_684 = vector.shape_cast %get3A_683 : vector<1x16xi32> to vector<16xi32>
    %shift_right_logical3A_685 = arith.constant 16 : i32
    %shift_right_logical3A_686 = vector.broadcast %shift_right_logical3A_685 : i32 to vector<16xi32>
    %shift_right_logical3A_687 = arith.shrui %get3A_684, %shift_right_logical3A_686 : vector<16xi32>
    %swap3A_688 = arith.constant 112 : index
    %swap3A_689 = tpu.vector_load %arg8[%swap3A_688] {strides = array<i32>} : memref<128xi32, #tpu.memory_space<vmem>>, vector<16xi32>,
    %swap3A_690 = vector.shape_cast %swap3A_689 : vector<16xi32> to vector<16xi32>
    %swap3A_691 = vector.shape_cast %shift_right_logical3A_687 : vector<16xi32> to vector<16xi32>
    tpu.vector_store %arg8[%swap3A_688], %swap3A_691 {strides = array<i32>} : memref<128xi32, #tpu.memory_space<vmem>>, vector<16xi32>,
    "tpu.region"() ({
      %run_scoped3A_697 = tpu.sem_alloc : memref<!tpu.dma_semaphore, #tpu.memory_space<semaphore_mem>>
      %dma_start3A_698 = arith.constant 0 : i32
      %dma_start3A_699 = arith.constant 0 : i32
      %dma_start3A_700 = tpu.memref_slice %arg11[%dma_start3A_698, %dma_start3A_699] : memref<10240x128xf32, #tpu.memory_space<vmem_shared>> -> memref<10240x128xf32, #tpu.memory_space<vmem_shared>>
      tpu.enqueue_indirect_dma source(%arg9 : memref<128x128xf32, #tpu.memory_space<vmem>>) target(%dma_start3A_700 : memref<10240x128xf32, #tpu.memory_space<vmem_shared>>) offsets(%arg8 : memref<128xi32, #tpu.memory_space<vmem>>) semaphore(%run_scoped3A_697 : memref<!tpu.dma_semaphore, #tpu.memory_space<semaphore_mem>>) {add = true}
      %dma_wait3A_701 = arith.constant 0 : i32
      %dma_wait3A_702 = arith.constant 0 : i32
      %dma_wait3A_703 = tpu.memref_slice %arg11[%dma_wait3A_701, %dma_wait3A_702] : memref<10240x128xf32, #tpu.memory_space<vmem_shared>> -> memref<10240x128xf32, #tpu.memory_space<vmem_shared>>
      tpu.wait_indirect_dma semaphore(%run_scoped3A_697 : memref<!tpu.dma_semaphore, #tpu.memory_space<semaphore_mem>>) src(%arg9 : memref<128x128xf32, #tpu.memory_space<vmem>>) dst(%dma_wait3A_703 : memref<10240x128xf32, #tpu.memory_space<vmem_shared>>)
      tpu.yield
    }) : () -> ()
    %barrier3A_692 = arith.constant 0 : index
    tpu.barrier barrier_id(%barrier3A_692)
    %mul3A_693 = arith.constant 640 : i32
    %mul3A_694 = arith.muli %arg1, %mul3A_693 : i32
    %mul3A_695 = arith.constant 640 : i32
    %mul3A_696 = arith.muli %arg1, %mul3A_695 : i32
    "tpu.region"() ({
      %run_scoped3A_697 = tpu.sem_alloc : memref<!tpu.dma_semaphore, #tpu.memory_space<semaphore_mem>>
      %dma_start3A_698 = arith.constant 0 : i32
      %dma_start3A_699 = tpu.memref_slice %arg5[%arg0, %mul3A_696, %dma_start3A_698] : memref<2x10240x128xf32, #tpu.memory_space<hbm>> -> memref<1x640x128xf32, #tpu.memory_space<hbm>>
      %dma_start3A_700 = tpu.memref_squeeze %dma_start3A_699 : memref<1x640x128xf32, #tpu.memory_space<hbm>> -> memref<640x128xf32, #tpu.memory_space<hbm>>
      %dma_start3A_701 = arith.constant 0 : i32
      %dma_start3A_702 = tpu.memref_slice %arg11[%mul3A_694, %dma_start3A_701] : memref<10240x128xf32, #tpu.memory_space<vmem_shared>> -> memref<640x128xf32, #tpu.memory_space<vmem_shared>>
      tpu.enqueue_dma source(%dma_start3A_702 : memref<640x128xf32, #tpu.memory_space<vmem_shared>>) target(%dma_start3A_700 : memref<640x128xf32, #tpu.memory_space<hbm>>) target_semaphore(%run_scoped3A_697 : memref<!tpu.dma_semaphore, #tpu.memory_space<semaphore_mem>>)
      %dma_wait3A_703 = arith.constant 0 : i32
      %dma_wait3A_704 = tpu.memref_slice %arg5[%arg0, %mul3A_696, %dma_wait3A_703] : memref<2x10240x128xf32, #tpu.memory_space<hbm>> -> memref<1x640x128xf32, #tpu.memory_space<hbm>>
      %dma_wait3A_705 = tpu.memref_squeeze %dma_wait3A_704 : memref<1x640x128xf32, #tpu.memory_space<hbm>> -> memref<640x128xf32, #tpu.memory_space<hbm>>
      %dma_wait3A_706 = arith.constant 0 : i32
      %dma_wait3A_707 = tpu.memref_slice %arg11[%mul3A_694, %dma_wait3A_706] : memref<10240x128xf32, #tpu.memory_space<vmem_shared>> -> memref<640x128xf32, #tpu.memory_space<vmem_shared>>
      tpu.wait_dma2 semaphore(%run_scoped3A_697 : memref<!tpu.dma_semaphore, #tpu.memory_space<semaphore_mem>>) src(%dma_wait3A_707 : memref<640x128xf32, #tpu.memory_space<vmem_shared>>) dst(%dma_wait3A_705 : memref<640x128xf32, #tpu.memory_space<hbm>>)
      tpu.yield
    }) : () -> ()
    return
  }
}

module attributes {stable_mosaic.version = 14 : i64} {
  func.func @body(%arg0: i32, %arg1: memref<2x512x1xf32, #tpu.memory_space<vmem>>, %arg2: memref<512x128xf32, #tpu.memory_space<vmem>>, %arg3: memref<512x1xf32, #tpu.memory_space<vmem>>, %arg4: memref<512x128xf32, #tpu.memory_space<vmem>>) attributes {dimension_semantics = [#tpu.dimension_semantics<arbitrary>], iteration_bounds = array<i64: 20>, scalar_prefetch = 0 : i64, scratch_operands = 0 : i64, tpu.core_type = #tpu.core_type<tc>, window_params = [{transform_indices = @transform_0, window_bounds = array<i64: 2, 512, 1>}, {transform_indices = @transform_1, window_bounds = array<i64: 512, 128>}, {transform_indices = @transform_2, window_bounds = array<i64: 512, 1>}, {transform_indices = @transform_3, window_bounds = array<i64: 512, 128>}]} {
    %get3A = arith.constant 0 : index
    %get3A_0 = arith.constant 0 : index
    %get3A_1 = arith.constant 0 : index
    %get3A_2 = vector.load %arg1[%get3A, %get3A_0, %get3A_1] : memref<2x512x1xf32, #tpu.memory_space<vmem>>, vector<1x512x1xf32>
    %get3A_3 = vector.shape_cast %get3A_2 : vector<1x512x1xf32> to vector<512x1xf32>
    %get3A_4 = arith.constant 1 : index
    %get3A_5 = arith.constant 0 : index
    %get3A_6 = arith.constant 0 : index
    %get3A_7 = vector.load %arg1[%get3A_4, %get3A_5, %get3A_6] : memref<2x512x1xf32, #tpu.memory_space<vmem>>, vector<1x512x1xf32>
    %get3A_8 = vector.shape_cast %get3A_7 : vector<1x512x1xf32> to vector<512x1xf32>
    %add3A = arith.addf %get3A_3, %get3A_8 : vector<512x1xf32>
    %add3A_9 = arith.constant 1.000000e+00 : f32
    %add3A_10 = vector.broadcast %add3A_9 : f32 to vector<512x1xf32>
    %add3A_11 = arith.addf %add3A, %add3A_10 : vector<512x1xf32>
    %rsqrt3A = math.rsqrt %add3A_11 : vector<512x1xf32>
    %swap3A = arith.constant 0 : index
    %swap3A_12 = arith.constant 0 : index
    %swap3A_13 = vector.load %arg3[%swap3A, %swap3A_12] : memref<512x1xf32, #tpu.memory_space<vmem>>, vector<512x1xf32>
    tpu.vector_store %arg3[%swap3A, %swap3A_12], %rsqrt3A {strides = array<i32>} : memref<512x1xf32, #tpu.memory_space<vmem>>, vector<512x1xf32>,
    %get3A_14 = arith.constant 0 : index
    %get3A_15 = arith.constant 0 : index
    %get3A_16 = vector.load %arg2[%get3A_14, %get3A_15] : memref<512x128xf32, #tpu.memory_space<vmem>>, vector<512x128xf32>
    %mul3A = vector.broadcast %rsqrt3A : vector<512x1xf32> to vector<512x128xf32>
    %mul3A_17 = arith.mulf %get3A_16, %mul3A : vector<512x128xf32>
    %swap3A_18 = arith.constant 0 : index
    %swap3A_19 = arith.constant 0 : index
    %swap3A_20 = vector.load %arg4[%swap3A_18, %swap3A_19] : memref<512x128xf32, #tpu.memory_space<vmem>>, vector<512x128xf32>
    tpu.vector_store %arg4[%swap3A_18, %swap3A_19], %mul3A_17 {strides = array<i32>} : memref<512x128xf32, #tpu.memory_space<vmem>>, vector<512x128xf32>,
    return
  }
  func.func @transform_0(%arg0: i32) -> (i32, i32, i32) {
    %c0_i32 = arith.constant 0 : i32
    %c0_i32_0 = arith.constant 0 : i32
    %c0_i32_1 = arith.constant 0 : i32
    return %c0_i32, %arg0, %c0_i32_0 : i32, i32, i32
  }
  func.func @transform_1(%arg0: i32) -> (i32, i32) {
    %c0_i32 = arith.constant 0 : i32
    %c0_i32_0 = arith.constant 0 : i32
    return %arg0, %c0_i32 : i32, i32
  }
  func.func @transform_2(%arg0: i32) -> (i32, i32) {
    %c0_i32 = arith.constant 0 : i32
    %c0_i32_0 = arith.constant 0 : i32
    return %arg0, %c0_i32 : i32, i32
  }
  func.func @transform_3(%arg0: i32) -> (i32, i32) {
    %c0_i32 = arith.constant 0 : i32
    %c0_i32_0 = arith.constant 0 : i32
    return %arg0, %c0_i32 : i32, i32
  }
}

module attributes {stable_mosaic.version = 14 : i64} {
  func.func @body(%arg0: i32, %arg1: memref<2x512x128xf32, #tpu.memory_space<vmem>>, %arg2: memref<512x128xf32, #tpu.memory_space<vmem>>, %arg3: memref<512x1xf32, #tpu.memory_space<vmem>>, %arg4: memref<512x128xf32, #tpu.memory_space<vmem>>, %arg5: memref<512x128xf32, #tpu.memory_space<vmem>>) attributes {dimension_semantics = [#tpu.dimension_semantics<arbitrary>], iteration_bounds = array<i64: 20>, scalar_prefetch = 0 : i64, scratch_operands = 0 : i64, tpu.core_type = #tpu.core_type<tc>, window_params = [{transform_indices = @transform_0, window_bounds = array<i64: 2, 512, 128>}, {transform_indices = @transform_1, window_bounds = array<i64: 512, 128>}, {transform_indices = @transform_2, window_bounds = array<i64: 512, 1>}, {transform_indices = @transform_3, window_bounds = array<i64: 512, 128>}, {transform_indices = @transform_4, window_bounds = array<i64: 512, 128>}]} {
    %get3A = arith.constant 0 : index
    %get3A_0 = arith.constant 0 : index
    %get3A_1 = vector.load %arg3[%get3A, %get3A_0] : memref<512x1xf32, #tpu.memory_space<vmem>>, vector<512x1xf32>
    %get3A_2 = arith.constant 0 : index
    %get3A_3 = arith.constant 0 : index
    %get3A_4 = arith.constant 0 : index
    %get3A_5 = vector.load %arg1[%get3A_2, %get3A_3, %get3A_4] : memref<2x512x128xf32, #tpu.memory_space<vmem>>, vector<1x512x128xf32>
    %get3A_6 = vector.shape_cast %get3A_5 : vector<1x512x128xf32> to vector<512x128xf32>
    %get3A_7 = arith.constant 1 : index
    %get3A_8 = arith.constant 0 : index
    %get3A_9 = arith.constant 0 : index
    %get3A_10 = vector.load %arg1[%get3A_7, %get3A_8, %get3A_9] : memref<2x512x128xf32, #tpu.memory_space<vmem>>, vector<1x512x128xf32>
    %get3A_11 = vector.shape_cast %get3A_10 : vector<1x512x128xf32> to vector<512x128xf32>
    %add3A = arith.addf %get3A_6, %get3A_11 : vector<512x128xf32>
    %get3A_12 = arith.constant 0 : index
    %get3A_13 = arith.constant 0 : index
    %get3A_14 = vector.load %arg2[%get3A_12, %get3A_13] : memref<512x128xf32, #tpu.memory_space<vmem>>, vector<512x128xf32>
    %add3A_15 = arith.addf %add3A, %get3A_14 : vector<512x128xf32>
    %mul3A = vector.broadcast %get3A_1 : vector<512x1xf32> to vector<512x128xf32>
    %mul3A_16 = arith.mulf %add3A_15, %mul3A : vector<512x128xf32>
    %swap3A = arith.constant 0 : index
    %swap3A_17 = arith.constant 0 : index
    %swap3A_18 = vector.load %arg4[%swap3A, %swap3A_17] : memref<512x128xf32, #tpu.memory_space<vmem>>, vector<512x128xf32>
    tpu.vector_store %arg4[%swap3A, %swap3A_17], %mul3A_16 {strides = array<i32>} : memref<512x128xf32, #tpu.memory_space<vmem>>, vector<512x128xf32>,
    %mul3A_19 = vector.broadcast %get3A_1 : vector<512x1xf32> to vector<512x128xf32>
    %mul3A_20 = arith.mulf %mul3A_16, %mul3A_19 : vector<512x128xf32>
    %swap3A_21 = arith.constant 0 : index
    %swap3A_22 = arith.constant 0 : index
    %swap3A_23 = vector.load %arg5[%swap3A_21, %swap3A_22] : memref<512x128xf32, #tpu.memory_space<vmem>>, vector<512x128xf32>
    tpu.vector_store %arg5[%swap3A_21, %swap3A_22], %mul3A_20 {strides = array<i32>} : memref<512x128xf32, #tpu.memory_space<vmem>>, vector<512x128xf32>,
    return
  }
  func.func @transform_0(%arg0: i32) -> (i32, i32, i32) {
    %c0_i32 = arith.constant 0 : i32
    %c0_i32_0 = arith.constant 0 : i32
    %c0_i32_1 = arith.constant 0 : i32
    return %c0_i32, %arg0, %c0_i32_0 : i32, i32, i32
  }
  func.func @transform_1(%arg0: i32) -> (i32, i32) {
    %c0_i32 = arith.constant 0 : i32
    %c0_i32_0 = arith.constant 0 : i32
    return %arg0, %c0_i32 : i32, i32
  }
  func.func @transform_2(%arg0: i32) -> (i32, i32) {
    %c0_i32 = arith.constant 0 : i32
    %c0_i32_0 = arith.constant 0 : i32
    return %arg0, %c0_i32 : i32, i32
  }
  func.func @transform_3(%arg0: i32) -> (i32, i32) {
    %c0_i32 = arith.constant 0 : i32
    %c0_i32_0 = arith.constant 0 : i32
    return %arg0, %c0_i32 : i32, i32
  }
  func.func @transform_4(%arg0: i32) -> (i32, i32) {
    %c0_i32 = arith.constant 0 : i32
    %c0_i32_0 = arith.constant 0 : i32
    return %arg0, %c0_i32 : i32, i32
  }
}

module attributes {stable_mosaic.version = 14 : i64} {
  func.func @body(%arg0: i32, %arg1: memref<2x400x128xf32, #tpu.memory_space<vmem>>, %arg2: memref<400x128xf32, #tpu.memory_space<vmem>>, %arg3: memref<400x1xf32, #tpu.memory_space<vmem>>, %arg4: memref<400x128xf32, #tpu.memory_space<vmem>>, %arg5: memref<400x128xf32, #tpu.memory_space<vmem>>, %arg6: memref<384x128xf32, #tpu.memory_space<vmem>>, %arg7: memref<1x128xf32, #tpu.memory_space<vmem>>, %arg8: memref<1x1xf32, #tpu.memory_space<vmem>>, %arg9: memref<400x128xf32, #tpu.memory_space<vmem>>) attributes {dimension_semantics = [#tpu.dimension_semantics<arbitrary>], iteration_bounds = array<i64: 25>, scalar_prefetch = 0 : i64, scratch_operands = 0 : i64, tpu.core_type = #tpu.core_type<tc>, window_params = [{transform_indices = @transform_0, window_bounds = array<i64: 2, 400, 128>}, {transform_indices = @transform_1, window_bounds = array<i64: 400, 128>}, {transform_indices = @transform_2, window_bounds = array<i64: 400, 1>}, {transform_indices = @transform_3, window_bounds = array<i64: 400, 128>}, {transform_indices = @transform_4, window_bounds = array<i64: 400, 128>}, {pipeline_mode = #tpu.pipeline_mode<synchronous>, transform_indices = @transform_5, window_bounds = array<i64: 384, 128>}, {pipeline_mode = #tpu.pipeline_mode<synchronous>, transform_indices = @transform_6, window_bounds = array<i64: 1, 128>}, {pipeline_mode = #tpu.pipeline_mode<synchronous>, transform_indices = @transform_7, window_bounds = array<i64: 1, 1>}, {transform_indices = @transform_8, window_bounds = array<i64: 400, 128>}]} {
    %get3A = arith.constant 0 : index
    %get3A_0 = arith.constant 0 : index
    %get3A_1 = arith.constant 0 : index
    %get3A_2 = vector.load %arg1[%get3A, %get3A_0, %get3A_1] : memref<2x400x128xf32, #tpu.memory_space<vmem>>, vector<1x400x128xf32>
    %get3A_3 = vector.shape_cast %get3A_2 : vector<1x400x128xf32> to vector<400x128xf32>
    %get3A_4 = arith.constant 1 : index
    %get3A_5 = arith.constant 0 : index
    %get3A_6 = arith.constant 0 : index
    %get3A_7 = vector.load %arg1[%get3A_4, %get3A_5, %get3A_6] : memref<2x400x128xf32, #tpu.memory_space<vmem>>, vector<1x400x128xf32>
    %get3A_8 = vector.shape_cast %get3A_7 : vector<1x400x128xf32> to vector<400x128xf32>
    %add3A = arith.addf %get3A_3, %get3A_8 : vector<400x128xf32>
    %get3A_9 = arith.constant 0 : index
    %get3A_10 = arith.constant 0 : index
    %get3A_11 = vector.load %arg2[%get3A_9, %get3A_10] : memref<400x128xf32, #tpu.memory_space<vmem>>, vector<400x128xf32>
    %add3A_12 = arith.addf %add3A, %get3A_11 : vector<400x128xf32>
    %get3A_13 = arith.constant 0 : index
    %get3A_14 = arith.constant 0 : index
    %get3A_15 = vector.load %arg3[%get3A_13, %get3A_14] : memref<400x1xf32, #tpu.memory_space<vmem>>, vector<400x1xf32>
    %mul3A = vector.broadcast %get3A_15 : vector<400x1xf32> to vector<400x128xf32>
    %mul3A_16 = arith.mulf %add3A_12, %mul3A : vector<400x128xf32>
    %get3A_17 = arith.constant 0 : index
    %get3A_18 = arith.constant 0 : index
    %get3A_19 = vector.load %arg4[%get3A_17, %get3A_18] : memref<400x128xf32, #tpu.memory_space<vmem>>, vector<400x128xf32>
    %get3A_20 = arith.constant 0 : index
    %get3A_21 = arith.constant 0 : index
    %get3A_22 = vector.load %arg6[%get3A_20, %get3A_21] : memref<384x128xf32, #tpu.memory_space<vmem>>, vector<128x128xf32>
    %dot_general3A = arith.constant dense<0.000000e+00> : vector<400x128xf32>
    %dot_general3A_23 = tpu.matmul %get3A_19, %get3A_22, %dot_general3A {dimension_numbers = #tpu.dot_dimension_numbers<[1], [0], [0], [1], [0, 0, 1, 1], [], []>, transpose_lhs_hint = false} : vector<400x128xf32>, vector<128x128xf32>, vector<400x128xf32> -> vector<400x128xf32>
    %get3A_24 = arith.constant 0 : index
    %get3A_25 = arith.constant 0 : index
    %get3A_26 = vector.load %arg5[%get3A_24, %get3A_25] : memref<400x128xf32, #tpu.memory_space<vmem>>, vector<400x128xf32>
    %get3A_27 = arith.constant 128 : index
    %get3A_28 = arith.constant 0 : index
    %get3A_29 = vector.load %arg6[%get3A_27, %get3A_28] : memref<384x128xf32, #tpu.memory_space<vmem>>, vector<128x128xf32>
    %dot_general3A_30 = arith.constant dense<0.000000e+00> : vector<400x128xf32>
    %dot_general3A_31 = tpu.matmul %get3A_26, %get3A_29, %dot_general3A_30 {dimension_numbers = #tpu.dot_dimension_numbers<[1], [0], [0], [1], [0, 0, 1, 1], [], []>, transpose_lhs_hint = false} : vector<400x128xf32>, vector<128x128xf32>, vector<400x128xf32> -> vector<400x128xf32>
    %add3A_32 = arith.addf %dot_general3A_23, %dot_general3A_31 : vector<400x128xf32>
    %get3A_33 = arith.constant 256 : index
    %get3A_34 = arith.constant 0 : index
    %get3A_35 = vector.load %arg6[%get3A_33, %get3A_34] : memref<384x128xf32, #tpu.memory_space<vmem>>, vector<128x128xf32>
    %dot_general3A_36 = arith.constant dense<0.000000e+00> : vector<400x128xf32>
    %dot_general3A_37 = tpu.matmul %mul3A_16, %get3A_35, %dot_general3A_36 {dimension_numbers = #tpu.dot_dimension_numbers<[1], [0], [0], [1], [0, 0, 1, 1], [], []>, transpose_lhs_hint = false} : vector<400x128xf32>, vector<128x128xf32>, vector<400x128xf32> -> vector<400x128xf32>
    %add3A_38 = arith.addf %add3A_32, %dot_general3A_37 : vector<400x128xf32>
    %get3A_39 = arith.constant 0 : index
    %get3A_40 = arith.constant 0 : index
    %get3A_41 = vector.load %arg7[%get3A_39, %get3A_40] : memref<1x128xf32, #tpu.memory_space<vmem>>, vector<1x128xf32>
    %add3A_42 = vector.broadcast %get3A_41 : vector<1x128xf32> to vector<400x128xf32>
    %add3A_43 = arith.addf %add3A_38, %add3A_42 : vector<400x128xf32>
    %get3A_44 = arith.constant 0 : index
    %get3A_45 = arith.constant 0 : index
    %get3A_46 = vector.load %arg8[%get3A_44, %get3A_45] : memref<1x1xf32, #tpu.memory_space<vmem>>, vector<1x1xf32>
    %get3A_47 = vector.extract %get3A_46[0, 0] : f32 from vector<1x1xf32>
    %gt3A = arith.constant 0.000000e+00 : f32
    %gt3A_48 = vector.broadcast %gt3A : f32 to vector<400x128xf32>
    %gt3A_49 = arith.cmpf ogt, %add3A_43, %gt3A_48 : vector<400x128xf32>
    %mul3A_50 = vector.broadcast %get3A_47 : f32 to vector<400x128xf32>
    %mul3A_51 = arith.mulf %mul3A_50, %add3A_43 : vector<400x128xf32>
    %select_n3A = arith.select %gt3A_49, %add3A_43, %mul3A_51 : vector<400x128xi1>, vector<400x128xf32>
    %swap3A = arith.constant 0 : index
    %swap3A_52 = arith.constant 0 : index
    %swap3A_53 = vector.load %arg9[%swap3A, %swap3A_52] : memref<400x128xf32, #tpu.memory_space<vmem>>, vector<400x128xf32>
    tpu.vector_store %arg9[%swap3A, %swap3A_52], %select_n3A {strides = array<i32>} : memref<400x128xf32, #tpu.memory_space<vmem>>, vector<400x128xf32>,
    return
  }
  func.func @transform_0(%arg0: i32) -> (i32, i32, i32) {
    %c0_i32 = arith.constant 0 : i32
    %c0_i32_0 = arith.constant 0 : i32
    %c0_i32_1 = arith.constant 0 : i32
    return %c0_i32, %arg0, %c0_i32_0 : i32, i32, i32
  }
  func.func @transform_1(%arg0: i32) -> (i32, i32) {
    %c0_i32 = arith.constant 0 : i32
    %c0_i32_0 = arith.constant 0 : i32
    return %arg0, %c0_i32 : i32, i32
  }
  func.func @transform_2(%arg0: i32) -> (i32, i32) {
    %c0_i32 = arith.constant 0 : i32
    %c0_i32_0 = arith.constant 0 : i32
    return %arg0, %c0_i32 : i32, i32
  }
  func.func @transform_3(%arg0: i32) -> (i32, i32) {
    %c0_i32 = arith.constant 0 : i32
    %c0_i32_0 = arith.constant 0 : i32
    return %arg0, %c0_i32 : i32, i32
  }
  func.func @transform_4(%arg0: i32) -> (i32, i32) {
    %c0_i32 = arith.constant 0 : i32
    %c0_i32_0 = arith.constant 0 : i32
    return %arg0, %c0_i32 : i32, i32
  }
  func.func @transform_5(%arg0: i32) -> (i32, i32) {
    %c0_i32 = arith.constant 0 : i32
    %c0_i32_0 = arith.constant 0 : i32
    %c0_i32_1 = arith.constant 0 : i32
    return %c0_i32, %c0_i32_0 : i32, i32
  }
  func.func @transform_6(%arg0: i32) -> (i32, i32) {
    %c0_i32 = arith.constant 0 : i32
    %c0_i32_0 = arith.constant 0 : i32
    %c0_i32_1 = arith.constant 0 : i32
    return %c0_i32, %c0_i32_0 : i32, i32
  }
  func.func @transform_7(%arg0: i32) -> (i32, i32) {
    %c0_i32 = arith.constant 0 : i32
    %c0_i32_0 = arith.constant 0 : i32
    %c0_i32_1 = arith.constant 0 : i32
    return %c0_i32, %c0_i32_0 : i32, i32
  }
  func.func @transform_8(%arg0: i32) -> (i32, i32) {
    %c0_i32 = arith.constant 0 : i32
    %c0_i32_0 = arith.constant 0 : i32
    return %arg0, %c0_i32 : i32, i32
  }
}

</mosaic_0001>

<sc_bundles>
// kernel: kernel.11.cloned.1.call-start
scs
__scs_entry_jumppad:
0x0: {  	(pc) =	sbr.rel $0x88, $3  }
0x1: {  	(tag) =	ssettag $0x0;
	lr =	simm.s32 $0x1  }
0x2: {  	[smem:$0x3F9C] =	sst lr;
	_ =	strace $0xD0000000  }
0x3: {  	_ = 	snop  }
0x4: {  	_ = 	snop  }
0x5: {  	_ = 	snop  }
0x6: {  	_ = 	snop  }
0x7: {  	_ = 	snop  }
__scs_overlays_trampoline_lowered:
0x8: {  	[smem:$0x3FAB] =	sst s0  }
0x9: {  	[smem:$0x3FAC] =	sst s1  }
0xa: {  	[smem:$0x3FAD] =	sst s2  }
0xb: {  	[smem:$0x3FAE] =	sst s3  }
0xc: {  	[smem:$0x3FAF] =	sst s4  }
0xd: {  	[smem:$0x3FB0] =	sst s5  }
0xe: {  	[smem:$0x3FB1] =	sst s6  }
0xf: {  	[smem:$0x3FB2] =	sst s7  }
0x10: {  	[smem:$0x3FB3] =	sst s8  }
0x11: {  	[smem:$0x3FB4] =	sst s9;
	s0 =	simm.s32 @!p0 $0x0  }
0x12: {  	s1 =	sld [smem:$0x3F9A];
	s0 =	simm.s32 @p0 $0x1  }
0x13: {  	[smem:$0x3FB5] =	sst s0;
	s0 =	simm.s32 @!p1 $0x0  }
0x14: {  	s2 =	sld [smem:$0x3F99];
	s0 =	simm.s32 @p1 $0x1  }
0x15: {  	[smem:$0x3FB6] =	sst s0;
	s0 =	simm.s32 @!p2 $0x0  }
0x16: {  	s3 =	sld [smem:$0x3FDB];
	s0 =	simm.s32 @p2 $0x1  }
0x17: {  	s4 =	simm.s32 $0x1BF5;
	[smem:$0x3FB8] =	sst s0  }
0x18: {  	s0 =	sld [smem:$0x3F9B];
	_ =	swait.ge [sflag:s4], $0x0  }
0x19: {  	s7 =	sld [smem:$0x3F9C]  }
0x1a: {  	s8 =	sadd.s32 $0xFFFFE003, lr  }
0x1b: {  	s9 =	sadd.s32 $0xFFFFFEF7, lr;
	s5 =	simm.s32 $0xFFFFFFFF;
	p2 =	slt.u32 s8, $0xFFFFF086  }
0x1c: {  	p1 =	slt.u32 s9, $0xF7A;
	s5 =	simm.s32 @!p2 $0x0  }
0x1d: {  	s5 =	simm.s32 @p1 $0x1;
	p0 =	seq.s32 s7, s2  }
0x1e: {  	s7 =	smul.u32 @!p0 $0xF7A, s2;
	p2 =	seq.s32 @!p0 s5, $0x0  }
0x1f: {  	s9 =	smul.u32 $0xF7A, s1;
	s8 =	simm.s32 @!p0 $0x1BF5;
	p2 =	por !p2, p0  }
0x20: {  	[sflag:s8] =	ssyncset.s32 @!p0 $0xFFFFF086;
	s6 =	sadd.s32 @!p0 s3, s7;
	s7 =	simm.s32 @!p0 $0x108  }
0x21: {  	s3 =	sadd.s32 s3, s9;
	s6 =	sadd.s32 @!p0 $0x88, s6;
	s7 =	simm.s32 @p2 $0x1082  }
0x22: {  	[simem:s7], [sflag:s8] =	dma.local @!p0 [hbm:s6], $0xF7A  }
0x23: {  	s9 =	sor.u32 $0xD0000000, s2;
	s6 =	simm.s32 $0x108;
	_ =	swait.ge @!p0 [sflag:s8], $0x0  }
0x24: {  	s3 =	sadd.s32 $0x88, s3;
	s6 =	simm.s32 @!p1 $0x1082;
	[sflag:s4] =	ssyncset.s32 $0xFFFFF086  }
0x25: {  	[simem:s6], [sflag:s4] =	dma.local [hbm:s3], $0xF7A  }
0x26: {  	[smem:$0x3F9C] =	sst s1;
	(tag) =	ssettag s2;
	_ =	strace s9  }
0x27: {  	s1 =	sld [smem:$0x3FAC]  }
0x28: {  	s2 =	sld [smem:$0x3FAD]  }
0x29: {  	s4 =	sld [smem:$0x3FAF]  }
0x2a: {  	p0 =	seq.s32 s5, $0x0;
	s5 =	sld [smem:$0x3FB0]  }
0x2b: {  	s6 =	sld [smem:$0x3FB1]  }
0x2c: {  	s7 =	sld [smem:$0x3FB2]  }
0x2d: {  	s3 =	simm.s32 $0x108;
	s8 =	sld [smem:$0x3FB3]  }
0x2e: {  	s3 =	simm.s32 @!p0 $0x1082;
	s9 =	sld [smem:$0x3FB4]  }
0x2f: {  	lr =	sadd.s32 s0, s3;
	s0 =	sld [smem:$0x3FAB]  }
0x30: {  	s3 =	sld [smem:$0x3FAE]  }
0x31: {  	[smem:$0x3FB7] =	sst s10  }
0x32: {  	s10 =	sld [smem:$0x3FB5];
	_ =	sdelay $0x3  }
0x33: {  	p0 =	seq.s32 s10, $0x1;
	s10 =	sld [smem:$0x3FB7];
	_ =	sdelay $0x3  }
0x34: {  	[smem:$0x3FB7] =	sst s10  }
0x35: {  	s10 =	sld [smem:$0x3FB6];
	_ =	sdelay $0x3  }
0x36: {  	p1 =	seq.s32 s10, $0x1;
	s10 =	sld [smem:$0x3FB7];
	_ =	sdelay $0x3  }
0x37: {  	[smem:$0x3FB7] =	sst s10  }
0x38: {  	s10 =	sld [smem:$0x3FB8]  }
0x39: {  	_ = 	snop;
	(pc) =	sbr.ind lr, $3  }
0x3a: {  	_ = 	snop  }
0x3b: {  	_ = 	snop  }
0x3c: {  	p2 =	seq.s32 s10, $0x1;
	s10 =	sld [smem:$0x3FB7]  }
0x3d: {  	_ =	shalt  }
0x3e: {  	_ =	shalt  }
0x3f: {  	_ =	shalt  }
0x40: {  	_ =	shalt  }
0x41: {  	_ =	shalt  }
0x42: {  	_ =	shalt  }
0x43: {  	_ =	shalt  }
0x44: {  	_ =	shalt  }
0x45: {  	_ =	shalt  }
0x46: {  	_ =	shalt  }
0x47: {  	_ =	shalt  }
0x48: {  	_ =	shalt  }
0x49: {  	_ =	shalt  }
0x4a: {  	_ =	shalt  }
0x4b: {  	_ =	shalt  }
0x4c: {  	_ =	shalt  }
0x4d: {  	_ =	shalt  }
0x4e: {  	_ =	shalt  }
0x4f: {  	_ =	shalt  }
0x50: {  	_ =	shalt  }
0x51: {  	_ =	shalt  }
0x52: {  	_ =	shalt  }
0x53: {  	_ =	shalt  }
0x54: {  	_ =	shalt  }
0x55: {  	_ =	shalt  }
0x56: {  	_ =	shalt  }
0x57: {  	_ =	shalt  }
0x58: {  	_ =	shalt  }
0x59: {  	_ =	shalt  }
0x5a: {  	_ =	shalt  }
0x5b: {  	_ =	shalt  }
0x5c: {  	_ =	shalt  }
0x5d: {  	_ =	shalt  }
0x5e: {  	_ =	shalt  }
0x5f: {  	_ =	shalt  }
0x60: {  	_ =	shalt  }
0x61: {  	_ =	shalt  }
0x62: {  	_ =	shalt  }
0x63: {  	_ =	shalt  }
0x64: {  	_ =	shalt  }
0x65: {  	_ =	shalt  }
0x66: {  	_ =	shalt  }
0x67: {  	_ =	shalt  }
0x68: {  	_ =	shalt  }
0x69: {  	_ =	shalt  }
0x6a: {  	_ =	shalt  }
0x6b: {  	_ =	shalt  }
0x6c: {  	_ =	shalt  }
0x6d: {  	_ =	shalt  }
0x6e: {  	_ =	shalt  }
0x6f: {  	_ =	shalt  }
0x70: {  	_ =	shalt  }
0x71: {  	_ =	shalt  }
0x72: {  	_ =	shalt  }
0x73: {  	_ =	shalt  }
0x74: {  	_ =	shalt  }
0x75: {  	_ =	shalt  }
0x76: {  	_ =	shalt  }
0x77: {  	_ =	shalt  }
0x78: {  	_ =	shalt  }
0x79: {  	_ =	shalt  }
0x7a: {  	_ =	shalt  }
0x7b: {  	_ =	shalt  }
0x7c: {  	_ =	shalt  }
0x7d: {  	_ =	shalt  }
0x7e: {  	_ =	shalt  }
0x7f: {  	_ =	shalt  }
0x80: {  	_ =	shalt  }
0x81: {  	_ =	shalt  }
0x82: {  	_ =	shalt  }
0x83: {  	_ =	shalt  }
0x84: {  	_ =	shalt  }
0x85: {  	_ =	shalt  }
0x86: {  	_ =	shalt  }
0x87: {  	_ =	shalt  }
.Lfunc_end0:
.L_simem_size_0:
called_computation.1_lowered:
.L_overlay_start_0:
0x88: {  	s2 =	sld [smem:$0x3FD9]  }
0x89: {  	s3 =	sld [smem:$0x3FFE];
	_ =	sdelay $0x1  }
0x8a: {  	s1 =	srdreg.scid  }
0x8b: {  	s0 =	sand.u32 $0x1, s1  }
0x8c: {  	s17 =	sshll.u32 s0, $0xA;
	s2 =	sadd.s32 s3, s2  }
0x8d: {  	s2 =	sadd.s32 s2, s17  }
0x8e: {  	[smem:$0x3FC3] =	sst s2  }
0x8f: {  	_ = 	snop  }
0x90: {  	s2 =	sld [smem:$0x3FD0];
	(tm) =	ssettm $0x1  }
0x91: {  	s18 =	sld [smem:$0x3FFB];
	_ =	sdelay $0x3  }
0x92: {  	_ =	strace s18  }
0x93: {  	s3 =	sld [smem:$0x3FFC];
	_ =	sdelay $0x3  }
0x94: {  	_ =	strace s3  }
0x95: {  	s3 =	sld [smem:$0x3FFD];
	_ =	sdelay $0x3  }
0x96: {  	_ =	strace s3  }
0x97: {  	_ =	strace $0x8FFFFFFF  }
0x98: {  	s19 =	sld [smem:$0x3FDB];
	_ =	sdelay $0x1  }
0x99: {  	s4 =	simm.s32 $_scs_section_size  }
0x9a: {  	s5 =	simm.s32 $_size__tile_overlayer_lowered;
	s6 =	simm.s32 $_tile_overlayer_lowered  }
0x9b: {  	s22 =	simm.s32 $0x1BFF;
	s21 =	sshll.u32 s6, $0x1;
	s3 =	sadd.s32 s4, s19  }
0x9c: {  	s7 =	simm.s32 $0x0;
	s20 =	sshll.u32 s5, $0x1;
	s5 =	sadd.s32 s21, s3  }
0x9d: {  	[timem:s7], [sflag:s22] =	dma.local [hbm:s5], s20  }
0x9e: {  	_ =	swait.ge [sflag:s22], s20  }
0x9f: {  	s4 =	ssub.s32 $0x0, s20;
	[sflag:s22] =	ssyncset.done $0x0  }
0xa0: {  	[sflag:s22] =	ssyncadd.s32 s4;
	_ =	sdelay $0x1  }
0xa1: {  	s23 =	simm.s32 $0x1B8B  }
0xa2: {  	_ =	swait.ge [sflag:s23], $0x1  }
0xa3: {  	[sflag:s23] =	ssyncset.done $0x0  }
0xa4: {  	s25 =	simm.s32 $0x1B8E;
	s24 =	sld [smem:$0x3FFE];
	[sflag:s23] =	ssyncadd.s32 $0xFFFFFFFF  }
0xa5: {  	s26 =	simm.s32 $execute0_lowered;
	[smem:$0x3FD2] =	sst s25  }
0xa6: {  	s5 =	sshll.u32 s26, $0x1;
	_ =	strace $0x80000049;
	[dreg:$0x1] =	wrdreg $0xFFFFFFFF  }
0xa7: {  	s28 =	simm.s32 $_size_execute0_lowered;
	s3 =	sadd.s32 s3, s5;
	[dreg:$0x0] =	wrdreg $0x0  }
0xa8: {  	s5 =	sshll.u32 s28, $0x1;
	[dreg:$0x2] =	wrdreg s3  }
0xa9: {  	[dreg:$0x3] =	wrdreg s5  }
0xaa: {  	[dreg:$0x4] =	wrdreg $0xC0  }
0xab: {  	_ =	task [dreg:s7], $0x5FFFF  }
0xac: {  	[dreg:$0x1] =	wrdreg $0xFFFFFFFF  }
0xad: {  	[dreg:$0x0] =	wrdreg $0x60  }
0xae: {  	[dreg:$0x2] =	wrdreg s24  }
0xaf: {  	[dreg:$0x3] =	wrdreg s2  }
0xb0: {  	[dreg:$0x4] =	wrdreg $0xA9800  }
0xb1: {  	[dreg:$0x5] =	wrdreg $0x9  }
0xb2: {  	_ =	task.clear_ibuf [dreg:s7], $0x6FFFF;
	_ =	strace $0x90000049  }
0xb3: {  	s29 =	simm.s32 $0x9;
	_ =	strace $0x8000004B  }
0xb4: {  	_ =	swait.ge [sflag:s29], $0x1  }
0xb5: {  	[sflag:s29] =	ssyncadd.s32 $0xFFFFFFFF  }
0xb6: {  	_ =	strace $0x9000004B  }
0xb7: {  	_ =	sfence  }
0xb8: {  	s30 =	sld [smem:$0x0];
	_ =	sdelay $0x2  }
0xb9: {  	s31 =	sshll.u32 s1, $0xD;
	s1 =	sshrl.u32 s1, $0x2  }
0xba: {  	s3 =	sand.u32 $0x4000, s31;
	s1 =	sadd.s32 s1, s30  }
0xbb: {  	s0 =	sor.u32 s3, s0;
	s1 =	sshll.u32 s1, $0x11  }
0xbc: {  	s0 =	sor.u32 s1, s0  }
0xbd: {  	s0 =	sadd.s32 $0x8F2B, s0  }
0xbe: {  	[sflag:s0] =	ssyncadd.remote.s32 $0x1  }
0xbf: {  	_ =	sfence.sel $0xFFFF  }
0xc0: {  	[dreg:$0x0] =	wrdreg $0xFFFFFFFF;
	(pc) =	sbr.abs _section_cstart, $3  }
0xc1: {  	[dreg:$0x1] =	wrdreg $0xFFFFFFFF  }
0xc2: {  	_ =	task.clear_ibuf [dreg:s7], $0x2FFFF;
	_ =	strace $0x9FFFFFFF  }
0xc3: {  	(tm) =	ssettm $0x7FFFFFFF  }
tec
execute0_lowered:
.L_overlay_start_1:
0x0: {  	(tag) =	ssettag $0x1  }
0x1: {  	s0 =	rddreg [dreg:$0x0]  }
0x2: {  	s2 =	rddreg [dreg:$0x1]  }
0x3: {  	s3 =	rddreg [dreg:$0x2]  }
0x4: {  	s4 =	srdreg.scid;
	s1 =	stileid.u32  }
0x5: {  	s11 =	simm.s32 $0x2800;
	s12 =	simm.s32 $0x2980;
	s13 =	simm.s32 $0x2880  }
0x6: {  	s14 =	simm.s32 $0x6980;
	s28 =	simm.s32 $0x2900;
	s29 =	simm.s32 $0x2  }
0x7: {  	s30 =	simm.s32 $0x0;
	s6 =	sand.u32 $0x1, s4;
	s8 =	smul.u32 $0x14000, s1  }
0x8: {  	s4 =	simm.s32 $0x0;
	s5 =	sshll.u32 s1, $0x1;
	s25 =	smul.u32 $0x50000, s1  }
0x9: {  	s31 =	sshll.u32 s1, $0x6;
	s7 =	smul.u32 $0x140000, s6;
	[smem:$0x7FF] =	sst s4  }
0xa: {  	s5 =	sor.u32 s6, s5;
	s6 =	ssub.s32 $0x2, s6;
	s15 =	sor.u32 $0x1C03, s31  }
0xb: {  	_ =	strace $0x8000004A;
	s9 =	smul.u32 $0x500, s5;
	s5 =	sadd.s32 $0x17E00, s0  }
0xc: {  	s26 =	sshrl.u32 s6, $0x1;
	s7 =	sadd.s32 s8, s7;
	s8 =	sshrl.u32 s25, $0x2  }
0xd: {  	s10 =	ssub.s32 s6, s26;
	s26 =	simm.s32 $0x1;
	s9 =	sadd.s32 s9, s0  }
0xe: {  	s7 =	sshrl.u32 s7, $0x3;
	s16 =	sadd.s32 s8, s3;
	s8 =	smax.u32 s10, $0x1  }
0xf: {  	s10 =	simm.s32 $0x80;
	s0 =	sadd.s32 s7, s0;
	s6 =	sadd.s32 $0xDE00, s9  }
0x10: {  	s17 =	sadd.s32 $0x2000, s16;
	s18 =	sadd.s32 $0x4000, s16;
	s19 =	sadd.s32 $0x6000, s16  }
0x11: {  	s20 =	sadd.s32 $0x8000, s16;
	s21 =	sadd.s32 $0xA000, s16;
	s22 =	sadd.s32 $0xC000, s16  }
0x12: {  	s23 =	sadd.s32 $0xE000, s16;
	s24 =	sadd.s32 $0x10000, s16;
	s25 =	sadd.s32 $0x12000, s16  }
0x13: {  	s9 =	simm.s32 $0x3;
	s16 =	sshrl.u32 s16, $0x3;
	s7 =	sadd.s32 $0x3FE00, s0  }
0x14: {  	s17 =	sshrl.u32 s17, $0x3;
	s18 =	sshrl.u32 s18, $0x3;
	s19 =	sshrl.u32 s19, $0x3  }
0x15: {  	s20 =	sshrl.u32 s20, $0x3;
	s21 =	sshrl.u32 s21, $0x3;
	s22 =	sshrl.u32 s22, $0x3  }
0x16: {  	s23 =	sshrl.u32 s23, $0x3;
	s24 =	sshrl.u32 s24, $0x3;
	s25 =	sshrl.u32 s25, $0x3  }
.LBB2_1:
0x17: {  	[tilespmem:s4], [sflag:$0x3] =	stream.linear.gather [hbm4b:s6+s4], $0x2780, $0x38;
	[tilespmem:$0x1E980] =	vst v63  }
0x18: {  	_ =	swait.ge [sflag:s9], $0x2780  }
0x19: {  	[sflag:s9] =	ssyncset.done $0x0  }
0x1a: {  	[sflag:s9] =	ssyncadd.s32 $0xFFFFD880  }
0x1b: {  	v0 =	vld [tilespmem:$0x0]  }
0x1c: {  	v1 =	vld [tilespmem:$0x10]  }
0x1d: {  	v2 =	vld [tilespmem:$0x20]  }
0x1e: {  	v3 =	vld [tilespmem:$0x30]  }
0x1f: {  	v4 =	vld [tilespmem:$0x40]  }
0x20: {  	v5 =	vld [tilespmem:$0x50];
	v0 =	vand.u32 $0xFFFF, v0  }
0x21: {  	v37 =	vld [tilespmem:$0x60];
	v36 =	vand.u32 $0xFFFF, v1;
	[tilespmem:$0x2800] =	vst v0  }
0x22: {  	v39 =	vld [tilespmem:$0x70];
	v38 =	vand.u32 $0xFFFF, v2;
	[tilespmem:$0x2810] =	vst v36  }
0x23: {  	v40 =	vand.u32 $0xFFFF, v3;
	[tilespmem:$0x2820] =	vst v38  }
0x24: {  	v41 =	vand.u32 $0xFFFF, v4;
	[tilespmem:$0x2830] =	vst v40  }
0x25: {  	v42 =	vand.u32 $0xFFFF, v5;
	[tilespmem:$0x2840] =	vst v41  }
0x26: {  	v43 =	vand.u32 $0xFFFF, v37;
	[tilespmem:$0x2850] =	vst v42  }
0x27: {  	v44 =	vand.u32 $0xFFFF, v39;
	[tilespmem:$0x2860] =	vst v43  }
0x28: {  	[tilespmem:$0x2870] =	vst v44  }
0x29: {  	[tilespmem:s12], [sflag:$0x1] =	stream.indirect.gather [hbm4b:s5+s10], $0x80, s11, s10, $0xb8;
	[tilespmem:$0x1E980] =	vst v63  }
0x2a: {  	v45 =	vld [tilespmem:$0x80]  }
0x2b: {  	v46 =	vld [tilespmem:$0x90]  }
0x2c: {  	v47 =	vld [tilespmem:$0xA0]  }
0x2d: {  	v48 =	vld [tilespmem:$0xB0]  }
0x2e: {  	v49 =	vld [tilespmem:$0xC0]  }
0x2f: {  	v50 =	vld [tilespmem:$0xD0];
	v0 =	vand.u32 $0xFFFF, v45  }
0x30: {  	v52 =	vld [tilespmem:$0xE0];
	v51 =	vand.u32 $0xFFFF, v46;
	[tilespmem:$0x2880] =	vst v0  }
0x31: {  	v54 =	vld [tilespmem:$0xF0];
	v53 =	vand.u32 $0xFFFF, v47;
	[tilespmem:$0x2890] =	vst v51  }
0x32: {  	v55 =	vand.u32 $0xFFFF, v48;
	[tilespmem:$0x28A0] =	vst v53  }
0x33: {  	v56 =	vand.u32 $0xFFFF, v49;
	[tilespmem:$0x28B0] =	vst v55  }
0x34: {  	v57 =	vand.u32 $0xFFFF, v50;
	[tilespmem:$0x28C0] =	vst v56  }
0x35: {  	v58 =	vand.u32 $0xFFFF, v52;
	[tilespmem:$0x28D0] =	vst v57  }
0x36: {  	v59 =	vand.u32 $0xFFFF, v54;
	[tilespmem:$0x28E0] =	vst v58  }
0x37: {  	[tilespmem:$0x28F0] =	vst v59  }
0x38: {  	[tilespmem:s14], [sflag:$0x2] =	stream.indirect.gather [hbm4b:s5+s10], $0x80, s13, s10, $0xb8;
	[tilespmem:$0x1E980] =	vst v63  }
0x39: {  	[spmem:s16], [sflag:s15] =	dma.local [hbm:s2], $0x400  }
0x3a: {  	_ =	swait.ge [sflag:s9], $0x400  }
0x3b: {  	[sflag:s9] =	ssyncset.done $0x0  }
0x3c: {  	[sflag:s9] =	ssyncadd.s32 $0xFFFFFC00  }
0x3d: {  	[spmem:s17], [sflag:s15] =	dma.local [hbm:s2], $0x400  }
0x3e: {  	_ =	swait.ge [sflag:s9], $0x400  }
0x3f: {  	[sflag:s9] =	ssyncset.done $0x0  }
0x40: {  	[sflag:s9] =	ssyncadd.s32 $0xFFFFFC00  }
0x41: {  	[spmem:s18], [sflag:s15] =	dma.local [hbm:s2], $0x400  }
0x42: {  	_ =	swait.ge [sflag:s9], $0x400  }
0x43: {  	[sflag:s9] =	ssyncset.done $0x0  }
0x44: {  	[sflag:s9] =	ssyncadd.s32 $0xFFFFFC00  }
0x45: {  	[spmem:s19], [sflag:s15] =	dma.local [hbm:s2], $0x400  }
0x46: {  	_ =	swait.ge [sflag:s9], $0x400  }
0x47: {  	[sflag:s9] =	ssyncset.done $0x0  }
0x48: {  	[sflag:s9] =	ssyncadd.s32 $0xFFFFFC00  }
0x49: {  	[spmem:s20], [sflag:s15] =	dma.local [hbm:s2], $0x400  }
0x4a: {  	_ =	swait.ge [sflag:s9], $0x400  }
0x4b: {  	[sflag:s9] =	ssyncset.done $0x0  }
0x4c: {  	[sflag:s9] =	ssyncadd.s32 $0xFFFFFC00  }
0x4d: {  	[spmem:s21], [sflag:s15] =	dma.local [hbm:s2], $0x400  }
0x4e: {  	_ =	swait.ge [sflag:s9], $0x400  }
0x4f: {  	[sflag:s9] =	ssyncset.done $0x0  }
0x50: {  	[sflag:s9] =	ssyncadd.s32 $0xFFFFFC00  }
0x51: {  	[spmem:s22], [sflag:s15] =	dma.local [hbm:s2], $0x400  }
0x52: {  	_ =	swait.ge [sflag:s9], $0x400  }
0x53: {  	[sflag:s9] =	ssyncset.done $0x0  }
0x54: {  	[sflag:s9] =	ssyncadd.s32 $0xFFFFFC00  }
0x55: {  	[spmem:s23], [sflag:s15] =	dma.local [hbm:s2], $0x400  }
0x56: {  	_ =	swait.ge [sflag:s9], $0x400  }
0x57: {  	[sflag:s9] =	ssyncset.done $0x0  }
0x58: {  	[sflag:s9] =	ssyncadd.s32 $0xFFFFFC00  }
0x59: {  	[spmem:s24], [sflag:s15] =	dma.local [hbm:s2], $0x400  }
0x5a: {  	_ =	swait.ge [sflag:s9], $0x400  }
0x5b: {  	[sflag:s9] =	ssyncset.done $0x0  }
0x5c: {  	[sflag:s9] =	ssyncadd.s32 $0xFFFFFC00  }
0x5d: {  	[spmem:s25], [sflag:s15] =	dma.local [hbm:s2], $0x400  }
0x5e: {  	_ =	swait.ge [sflag:s9], $0x400  }
0x5f: {  	[sflag:s9] =	ssyncset.done $0x0  }
0x60: {  	[sflag:s9] =	ssyncadd.s32 $0xFFFFFC00  }
0x61: {  	[bflag:$0x0] =	sbarrier.arrive $0xFFFF  }
0x62: {  	_ =	swait.ge [sflag:s26], $0x4000  }
0x63: {  	[sflag:s26] =	ssyncset.done $0x0  }
0x64: {  	s0 =	simm.s32 $0x0;
	[sflag:s26] =	ssyncadd.s32 $0xFFFFC000  }
0x65: {  	v60 =	vld [tilespmem:s0+$0x0];
	_ =	sdelay $0x4  }
0x66: {  	v0 =	vshrl.u32 v60, $0x10  }
0x67: {  	[tilespmem:$0x2900] =	vst v0  }
0x68: {  	v0 =	vld [tilespmem:s0+$0x10];
	_ =	sdelay $0x4  }
0x69: {  	v0 =	vshrl.u32 v0, $0x10  }
0x6a: {  	[tilespmem:$0x2910] =	vst v0  }
0x6b: {  	v0 =	vld [tilespmem:s0+$0x20];
	_ =	sdelay $0x4  }
0x6c: {  	v0 =	vshrl.u32 v0, $0x10  }
0x6d: {  	[tilespmem:$0x2920] =	vst v0  }
0x6e: {  	v0 =	vld [tilespmem:s0+$0x30];
	_ =	sdelay $0x4  }
0x6f: {  	v0 =	vshrl.u32 v0, $0x10  }
0x70: {  	[tilespmem:$0x2930] =	vst v0  }
0x71: {  	v0 =	vld [tilespmem:s0+$0x40];
	_ =	sdelay $0x4  }
0x72: {  	v0 =	vshrl.u32 v0, $0x10  }
0x73: {  	[tilespmem:$0x2940] =	vst v0  }
0x74: {  	v0 =	vld [tilespmem:s0+$0x50];
	_ =	sdelay $0x4  }
0x75: {  	v0 =	vshrl.u32 v0, $0x10  }
0x76: {  	[tilespmem:$0x2950] =	vst v0  }
0x77: {  	v0 =	vld [tilespmem:s0+$0x60];
	_ =	sdelay $0x4  }
0x78: {  	v0 =	vshrl.u32 v0, $0x10  }
0x79: {  	[tilespmem:$0x2960] =	vst v0  }
0x7a: {  	v0 =	vld [tilespmem:s0+$0x70];
	_ =	sdelay $0x4  }
0x7b: {  	v0 =	vshrl.u32 v0, $0x10  }
0x7c: {  	[tilespmem:$0x2970] =	vst v0  }
0x7d: {  	[spmem:s3] =	stream.indirect.scatter.add.f32 [tilespmem:s12], [sflag:$0x3], $0x80, s28, s10, $0xb8;
	[tilespmem:$0x1E980] =	vst v63  }
0x7e: {  	_ =	swait.ge [sflag:s9], $0x4000  }
0x7f: {  	[sflag:s9] =	ssyncset.done $0x0  }
0x80: {  	[sflag:s9] =	ssyncadd.s32 $0xFFFFC000  }
0x81: {  	v61 =	vld [tilespmem:s0+$0x100];
	_ =	sdelay $0x4  }
0x82: {  	v0 =	vand.u32 $0xFFFF, v61  }
0x83: {  	[tilespmem:$0x2800] =	vst v0  }
0x84: {  	v0 =	vld [tilespmem:s0+$0x110];
	_ =	sdelay $0x4  }
0x85: {  	v0 =	vand.u32 $0xFFFF, v0  }
0x86: {  	[tilespmem:$0x2810] =	vst v0  }
0x87: {  	v0 =	vld [tilespmem:s0+$0x120];
	_ =	sdelay $0x4  }
0x88: {  	v0 =	vand.u32 $0xFFFF, v0  }
0x89: {  	[tilespmem:$0x2820] =	vst v0  }
0x8a: {  	v0 =	vld [tilespmem:s0+$0x130];
	_ =	sdelay $0x4  }
0x8b: {  	v0 =	vand.u32 $0xFFFF, v0  }
0x8c: {  	[tilespmem:$0x2830] =	vst v0  }
0x8d: {  	v0 =	vld [tilespmem:s0+$0x140];
	_ =	sdelay $0x4  }
0x8e: {  	v0 =	vand.u32 $0xFFFF, v0  }
0x8f: {  	[tilespmem:$0x2840] =	vst v0  }
0x90: {  	v0 =	vld [tilespmem:s0+$0x150];
	_ =	sdelay $0x4  }
0x91: {  	v0 =	vand.u32 $0xFFFF, v0  }
0x92: {  	[tilespmem:$0x2850] =	vst v0  }
0x93: {  	v0 =	vld [tilespmem:s0+$0x160];
	_ =	sdelay $0x4  }
0x94: {  	v0 =	vand.u32 $0xFFFF, v0  }
0x95: {  	[tilespmem:$0x2860] =	vst v0  }
0x96: {  	v0 =	vld [tilespmem:s0+$0x170];
	_ =	sdelay $0x4  }
0x97: {  	v0 =	vand.u32 $0xFFFF, v0  }
0x98: {  	[tilespmem:$0x2870] =	vst v0  }
0x99: {  	[tilespmem:s12], [sflag:$0x1] =	stream.indirect.gather [hbm4b:s5+s10], $0x80, s11, s10, $0xb8;
	[tilespmem:$0x1E980] =	vst v63  }
0x9a: {  	_ =	swait.ge [sflag:s29], $0x4000  }
0x9b: {  	[sflag:s29] =	ssyncset.done $0x0  }
0x9c: {  	[sflag:s29] =	ssyncadd.s32 $0xFFFFC000  }
0x9d: {  	v62 =	vld [tilespmem:s0+$0x80];
	_ =	sdelay $0x4  }
0x9e: {  	v0 =	vshrl.u32 v62, $0x10  }
0x9f: {  	[tilespmem:$0x2900] =	vst v0  }
0xa0: {  	v0 =	vld [tilespmem:s0+$0x90];
	_ =	sdelay $0x4  }
0xa1: {  	v0 =	vshrl.u32 v0, $0x10  }
0xa2: {  	[tilespmem:$0x2910] =	vst v0  }
0xa3: {  	v0 =	vld [tilespmem:s0+$0xA0];
	_ =	sdelay $0x4  }
0xa4: {  	v0 =	vshrl.u32 v0, $0x10  }
0xa5: {  	[tilespmem:$0x2920] =	vst v0  }
0xa6: {  	v0 =	vld [tilespmem:s0+$0xB0];
	_ =	sdelay $0x4  }
0xa7: {  	v0 =	vshrl.u32 v0, $0x10  }
0xa8: {  	[tilespmem:$0x2930] =	vst v0  }
0xa9: {  	v0 =	vld [tilespmem:s0+$0xC0];
	_ =	sdelay $0x4  }
0xaa: {  	v0 =	vshrl.u32 v0, $0x10  }
0xab: {  	[tilespmem:$0x2940] =	vst v0  }
0xac: {  	v0 =	vld [tilespmem:s0+$0xD0];
	_ =	sdelay $0x4  }
0xad: {  	v0 =	vshrl.u32 v0, $0x10  }
0xae: {  	[tilespmem:$0x2950] =	vst v0  }
0xaf: {  	v0 =	vld [tilespmem:s0+$0xE0];
	_ =	sdelay $0x4  }
0xb0: {  	v0 =	vshrl.u32 v0, $0x10  }
0xb1: {  	[tilespmem:$0x2960] =	vst v0  }
0xb2: {  	v0 =	vld [tilespmem:s0+$0xF0];
	_ =	sdelay $0x4  }
0xb3: {  	v0 =	vshrl.u32 v0, $0x10  }
0xb4: {  	[tilespmem:$0x2970] =	vst v0  }
0xb5: {  	[spmem:s3] =	stream.indirect.scatter.add.f32 [tilespmem:s14], [sflag:$0x3], $0x80, s28, s10, $0xb8;
	[tilespmem:$0x1E980] =	vst v63  }
0xb6: {  	_ =	swait.ge [sflag:s9], $0x4000  }
0xb7: {  	[sflag:s9] =	ssyncset.done $0x0  }
0xb8: {  	[sflag:s9] =	ssyncadd.s32 $0xFFFFC000  }
0xb9: {  	v63 =	vld [tilespmem:s0+$0x180];
	_ =	sdelay $0x4  }
0xba: {  	v0 =	vand.u32 $0xFFFF, v63  }
0xbb: {  	[tilespmem:$0x2880] =	vst v0  }
0xbc: {  	v0 =	vld [tilespmem:s0+$0x190];
	_ =	sdelay $0x4  }
0xbd: {  	v0 =	vand.u32 $0xFFFF, v0  }
0xbe: {  	[tilespmem:$0x2890] =	vst v0  }
0xbf: {  	v0 =	vld [tilespmem:s0+$0x1A0];
	_ =	sdelay $0x4  }
0xc0: {  	v0 =	vand.u32 $0xFFFF, v0  }
0xc1: {  	[tilespmem:$0x28A0] =	vst v0  }
0xc2: {  	v0 =	vld [tilespmem:s0+$0x1B0];
	_ =	sdelay $0x4  }
0xc3: {  	v0 =	vand.u32 $0xFFFF, v0  }
0xc4: {  	[tilespmem:$0x28B0] =	vst v0  }
0xc5: {  	v0 =	vld [tilespmem:s0+$0x1C0];
	_ =	sdelay $0x4  }
0xc6: {  	v0 =	vand.u32 $0xFFFF, v0  }
0xc7: {  	[tilespmem:$0x28C0] =	vst v0  }
0xc8: {  	v0 =	vld [tilespmem:s0+$0x1D0];
	_ =	sdelay $0x4  }
0xc9: {  	v0 =	vand.u32 $0xFFFF, v0  }
0xca: {  	[tilespmem:$0x28D0] =	vst v0  }
0xcb: {  	v0 =	vld [tilespmem:s0+$0x1E0];
	_ =	sdelay $0x4  }
0xcc: {  	v0 =	vand.u32 $0xFFFF, v0  }
0xcd: {  	[tilespmem:$0x28E0] =	vst v0  }
0xce: {  	v0 =	vld [tilespmem:s0+$0x1F0];
	_ =	sdelay $0x4  }
0xcf: {  	v0 =	vand.u32 $0xFFFF, v0  }
0xd0: {  	s31 =	simm.s32 $0x400;
	[tilespmem:$0x28F0] =	vst v0  }
.LBB2_2:
0xd1: {  	[tilespmem:s14], [sflag:$0x2] =	stream.indirect.gather [hbm4b:s5+s10], $0x80, s13, s10, $0xb8;
	[tilespmem:$0x1E980] =	vst v63  }
0xd2: {  	s0 =	smov.u32 s31  }
0xd3: {  	p0 =	sne.s32 s31, $0x9400;
	s31 =	sadd.s32 $0x400, s31;
	_ =	swait.ge [sflag:s26], $0x4000  }
0xd4: {  	[sflag:s26] =	ssyncset.done $0x0  }
0xd5: {  	s0 =	sshra.s32 s0, $0x2;
	[sflag:s26] =	ssyncadd.s32 $0xFFFFC000  }
0xd6: {  	v0 =	vld [tilespmem:s0+$0x0];
	_ =	sdelay $0x4  }
0xd7: {  	v0 =	vshrl.u32 v0, $0x10  }
0xd8: {  	[tilespmem:$0x2900] =	vst v0  }
0xd9: {  	v0 =	vld [tilespmem:s0+$0x10];
	_ =	sdelay $0x4  }
0xda: {  	v0 =	vshrl.u32 v0, $0x10  }
0xdb: {  	[tilespmem:$0x2910] =	vst v0  }
0xdc: {  	v0 =	vld [tilespmem:s0+$0x20];
	_ =	sdelay $0x4  }
0xdd: {  	v0 =	vshrl.u32 v0, $0x10  }
0xde: {  	[tilespmem:$0x2920] =	vst v0  }
0xdf: {  	v0 =	vld [tilespmem:s0+$0x30];
	_ =	sdelay $0x4  }
0xe0: {  	v0 =	vshrl.u32 v0, $0x10  }
0xe1: {  	[tilespmem:$0x2930] =	vst v0  }
0xe2: {  	v0 =	vld [tilespmem:s0+$0x40];
	_ =	sdelay $0x4  }
0xe3: {  	v0 =	vshrl.u32 v0, $0x10  }
0xe4: {  	[tilespmem:$0x2940] =	vst v0  }
0xe5: {  	v0 =	vld [tilespmem:s0+$0x50];
	_ =	sdelay $0x4  }
0xe6: {  	v0 =	vshrl.u32 v0, $0x10  }
0xe7: {  	[tilespmem:$0x2950] =	vst v0  }
0xe8: {  	v0 =	vld [tilespmem:s0+$0x60];
	_ =	sdelay $0x4  }
0xe9: {  	v0 =	vshrl.u32 v0, $0x10  }
0xea: {  	[tilespmem:$0x2960] =	vst v0  }
0xeb: {  	v0 =	vld [tilespmem:s0+$0x70];
	_ =	sdelay $0x4  }
0xec: {  	v0 =	vshrl.u32 v0, $0x10  }
0xed: {  	[tilespmem:$0x2970] =	vst v0  }
0xee: {  	[spmem:s3] =	stream.indirect.scatter.add.f32 [tilespmem:s12], [sflag:$0x3], $0x80, s28, s10, $0xb8;
	[tilespmem:$0x1E980] =	vst v63  }
0xef: {  	_ =	swait.ge [sflag:s9], $0x4000  }
0xf0: {  	[sflag:s9] =	ssyncset.done $0x0  }
0xf1: {  	[sflag:s9] =	ssyncadd.s32 $0xFFFFC000  }
0xf2: {  	v0 =	vld [tilespmem:s0+$0x100];
	_ =	sdelay $0x4  }
0xf3: {  	v0 =	vand.u32 $0xFFFF, v0  }
0xf4: {  	[tilespmem:$0x2800] =	vst v0  }
0xf5: {  	v0 =	vld [tilespmem:s0+$0x110];
	_ =	sdelay $0x4  }
0xf6: {  	v0 =	vand.u32 $0xFFFF, v0  }
0xf7: {  	[tilespmem:$0x2810] =	vst v0  }
0xf8: {  	v0 =	vld [tilespmem:s0+$0x120];
	_ =	sdelay $0x4  }
0xf9: {  	v0 =	vand.u32 $0xFFFF, v0  }
0xfa: {  	[tilespmem:$0x2820] =	vst v0  }
0xfb: {  	v0 =	vld [tilespmem:s0+$0x130];
	_ =	sdelay $0x4  }
0xfc: {  	v0 =	vand.u32 $0xFFFF, v0  }
0xfd: {  	[tilespmem:$0x2830] =	vst v0  }
0xfe: {  	v0 =	vld [tilespmem:s0+$0x140];
	_ =	sdelay $0x4  }
0xff: {  	v0 =	vand.u32 $0xFFFF, v0  }
0x100: {  	[tilespmem:$0x2840] =	vst v0  }
0x101: {  	v0 =	vld [tilespmem:s0+$0x150];
	_ =	sdelay $0x4  }
0x102: {  	v0 =	vand.u32 $0xFFFF, v0  }
0x103: {  	[tilespmem:$0x2850] =	vst v0  }
0x104: {  	v0 =	vld [tilespmem:s0+$0x160];
	_ =	sdelay $0x4  }
0x105: {  	v0 =	vand.u32 $0xFFFF, v0  }
0x106: {  	[tilespmem:$0x2860] =	vst v0  }
0x107: {  	v0 =	vld [tilespmem:s0+$0x170];
	_ =	sdelay $0x4  }
0x108: {  	v0 =	vand.u32 $0xFFFF, v0  }
0x109: {  	[tilespmem:$0x2870] =	vst v0  }
0x10a: {  	[tilespmem:s12], [sflag:$0x1] =	stream.indirect.gather [hbm4b:s5+s10], $0x80, s11, s10, $0xb8;
	[tilespmem:$0x1E980] =	vst v63  }
0x10b: {  	_ =	swait.ge [sflag:s29], $0x4000  }
0x10c: {  	[sflag:s29] =	ssyncset.done $0x0  }
0x10d: {  	[sflag:s29] =	ssyncadd.s32 $0xFFFFC000  }
0x10e: {  	v0 =	vld [tilespmem:s0+$0x80];
	_ =	sdelay $0x4  }
0x10f: {  	v0 =	vshrl.u32 v0, $0x10  }
0x110: {  	[tilespmem:$0x2900] =	vst v0  }
0x111: {  	v0 =	vld [tilespmem:s0+$0x90];
	_ =	sdelay $0x4  }
0x112: {  	v0 =	vshrl.u32 v0, $0x10  }
0x113: {  	[tilespmem:$0x2910] =	vst v0  }
0x114: {  	v0 =	vld [tilespmem:s0+$0xA0];
	_ =	sdelay $0x4  }
0x115: {  	v0 =	vshrl.u32 v0, $0x10  }
0x116: {  	[tilespmem:$0x2920] =	vst v0  }
0x117: {  	v0 =	vld [tilespmem:s0+$0xB0];
	_ =	sdelay $0x4  }
0x118: {  	v0 =	vshrl.u32 v0, $0x10  }
0x119: {  	[tilespmem:$0x2930] =	vst v0  }
0x11a: {  	v0 =	vld [tilespmem:s0+$0xC0];
	_ =	sdelay $0x4  }
0x11b: {  	v0 =	vshrl.u32 v0, $0x10  }
0x11c: {  	[tilespmem:$0x2940] =	vst v0  }
0x11d: {  	v0 =	vld [tilespmem:s0+$0xD0];
	_ =	sdelay $0x4  }
0x11e: {  	v0 =	vshrl.u32 v0, $0x10  }
0x11f: {  	[tilespmem:$0x2950] =	vst v0  }
0x120: {  	v0 =	vld [tilespmem:s0+$0xE0];
	_ =	sdelay $0x4  }
0x121: {  	v0 =	vshrl.u32 v0, $0x10  }
0x122: {  	[tilespmem:$0x2960] =	vst v0  }
0x123: {  	v0 =	vld [tilespmem:s0+$0xF0];
	_ =	sdelay $0x4  }
0x124: {  	v0 =	vshrl.u32 v0, $0x10  }
0x125: {  	[tilespmem:$0x2970] =	vst v0  }
0x126: {  	[spmem:s3] =	stream.indirect.scatter.add.f32 [tilespmem:s14], [sflag:$0x3], $0x80, s28, s10, $0xb8;
	[tilespmem:$0x1E980] =	vst v63  }
0x127: {  	_ =	swait.ge [sflag:s9], $0x4000  }
0x128: {  	[sflag:s9] =	ssyncset.done $0x0  }
0x129: {  	[sflag:s9] =	ssyncadd.s32 $0xFFFFC000  }
0x12a: {  	v0 =	vld [tilespmem:s0+$0x180];
	_ =	sdelay $0x4  }
0x12b: {  	v0 =	vand.u32 $0xFFFF, v0  }
0x12c: {  	[tilespmem:$0x2880] =	vst v0  }
0x12d: {  	v0 =	vld [tilespmem:s0+$0x190];
	_ =	sdelay $0x4  }
0x12e: {  	v0 =	vand.u32 $0xFFFF, v0  }
0x12f: {  	[tilespmem:$0x2890] =	vst v0  }
0x130: {  	v0 =	vld [tilespmem:s0+$0x1A0];
	_ =	sdelay $0x4  }
0x131: {  	v0 =	vand.u32 $0xFFFF, v0  }
0x132: {  	[tilespmem:$0x28A0] =	vst v0  }
0x133: {  	v0 =	vld [tilespmem:s0+$0x1B0];
	_ =	sdelay $0x4  }
0x134: {  	v0 =	vand.u32 $0xFFFF, v0  }
0x135: {  	[tilespmem:$0x28B0] =	vst v0  }
0x136: {  	v0 =	vld [tilespmem:s0+$0x1C0];
	_ =	sdelay $0x4  }
0x137: {  	v0 =	vand.u32 $0xFFFF, v0  }
0x138: {  	[tilespmem:$0x28C0] =	vst v0  }
0x139: {  	v0 =	vld [tilespmem:s0+$0x1D0];
	_ =	sdelay $0x4  }
0x13a: {  	v0 =	vand.u32 $0xFFFF, v0  }
0x13b: {  	[tilespmem:$0x28D0] =	vst v0  }
0x13c: {  	v0 =	vld [tilespmem:s0+$0x1E0];
	_ =	sdelay $0x4  }
0x13d: {  	v0 =	vand.u32 $0xFFFF, v0  }
0x13e: {  	[tilespmem:$0x28E0] =	vst v0  }
0x13f: {  	v0 =	vld [tilespmem:s0+$0x1F0];
	_ =	sdelay $0x1  }
.Ltmp0:
0x140: {  	(pc) =	sbr.rel @p0 .LBB2_2-.Ltmp0, $3  }
0x141: {  	_ =	sdelay $0x1  }
0x142: {  	v0 =	vand.u32 $0xFFFF, v0  }
0x143: {  	[tilespmem:$0x28F0] =	vst v0  }
0x144: {  	[tilespmem:s14], [sflag:$0x2] =	stream.indirect.gather [hbm4b:s5+s10], $0x80, s13, s10, $0xb8;
	[tilespmem:$0x1E980] =	vst v63  }
0x145: {  	_ =	swait.ge [sflag:s26], $0x4000  }
0x146: {  	[sflag:s26] =	ssyncset.done $0x0  }
0x147: {  	[sflag:s26] =	ssyncadd.s32 $0xFFFFC000  }
0x148: {  	v0 =	vld [tilespmem:$0x2600]  }
0x149: {  	v1 =	vld [tilespmem:$0x2610]  }
0x14a: {  	v2 =	vld [tilespmem:$0x2620]  }
0x14b: {  	v3 =	vld [tilespmem:$0x2630]  }
0x14c: {  	v4 =	vld [tilespmem:$0x2640]  }
0x14d: {  	v5 =	vld [tilespmem:$0x2650];
	v0 =	vshrl.u32 v0, $0x10  }
0x14e: {  	v11 =	vld [tilespmem:$0x2660];
	v10 =	vshrl.u32 v1, $0x10;
	[tilespmem:$0x2900] =	vst v0  }
0x14f: {  	v13 =	vld [tilespmem:$0x2670];
	v12 =	vshrl.u32 v2, $0x10;
	[tilespmem:$0x2910] =	vst v10  }
0x150: {  	v14 =	vshrl.u32 v3, $0x10;
	[tilespmem:$0x2920] =	vst v12  }
0x151: {  	v15 =	vshrl.u32 v4, $0x10;
	[tilespmem:$0x2930] =	vst v14  }
0x152: {  	v16 =	vshrl.u32 v5, $0x10;
	[tilespmem:$0x2940] =	vst v15  }
0x153: {  	v17 =	vshrl.u32 v11, $0x10;
	[tilespmem:$0x2950] =	vst v16  }
0x154: {  	v18 =	vshrl.u32 v13, $0x10;
	[tilespmem:$0x2960] =	vst v17  }
0x155: {  	[tilespmem:$0x2970] =	vst v18  }
0x156: {  	[spmem:s3] =	stream.indirect.scatter.add.f32 [tilespmem:s12], [sflag:$0x3], $0x80, s28, s10, $0xb8;
	[tilespmem:$0x1E980] =	vst v63  }
0x157: {  	_ =	swait.ge [sflag:s9], $0x4000  }
0x158: {  	[sflag:s9] =	ssyncset.done $0x0  }
0x159: {  	[sflag:s9] =	ssyncadd.s32 $0xFFFFC000  }
0x15a: {  	_ =	swait.ge [sflag:s29], $0x4000  }
0x15b: {  	[sflag:s29] =	ssyncset.done $0x0  }
0x15c: {  	[sflag:s29] =	ssyncadd.s32 $0xFFFFC000  }
0x15d: {  	v19 =	vld [tilespmem:$0x2680]  }
0x15e: {  	v20 =	vld [tilespmem:$0x2690]  }
0x15f: {  	v21 =	vld [tilespmem:$0x26A0]  }
0x160: {  	v22 =	vld [tilespmem:$0x26B0]  }
0x161: {  	v23 =	vld [tilespmem:$0x26C0]  }
0x162: {  	v24 =	vld [tilespmem:$0x26D0];
	v0 =	vshrl.u32 v19, $0x10  }
0x163: {  	v26 =	vld [tilespmem:$0x26E0];
	v25 =	vshrl.u32 v20, $0x10;
	[tilespmem:$0x2900] =	vst v0  }
0x164: {  	v28 =	vld [tilespmem:$0x26F0];
	v27 =	vshrl.u32 v21, $0x10;
	[tilespmem:$0x2910] =	vst v25  }
0x165: {  	v29 =	vshrl.u32 v22, $0x10;
	[tilespmem:$0x2920] =	vst v27  }
0x166: {  	v30 =	vshrl.u32 v23, $0x10;
	[tilespmem:$0x2930] =	vst v29  }
0x167: {  	v31 =	vshrl.u32 v24, $0x10;
	[tilespmem:$0x2940] =	vst v30  }
0x168: {  	v32 =	vshrl.u32 v26, $0x10;
	[tilespmem:$0x2950] =	vst v31  }
0x169: {  	v33 =	vshrl.u32 v28, $0x10;
	[tilespmem:$0x2960] =	vst v32  }
0x16a: {  	[tilespmem:$0x2970] =	vst v33  }
0x16b: {  	[spmem:s3] =	stream.indirect.scatter.add.f32 [tilespmem:s14], [sflag:$0x3], $0x80, s28, s10, $0xb8;
	[tilespmem:$0x1E980] =	vst v63  }
0x16c: {  	_ =	swait.ge [sflag:s9], $0x4000  }
0x16d: {  	[sflag:s9] =	ssyncset.done $0x0  }
0x16e: {  	[sflag:s9] =	ssyncadd.s32 $0xFFFFC000  }
0x16f: {  	v34 =	vld [tilespmem:$0x2700]  }
0x170: {  	v35 =	vld [tilespmem:$0x2710]  }
0x171: {  	v36 =	vld [tilespmem:$0x2720]  }
0x172: {  	v37 =	vld [tilespmem:$0x2730]  }
0x173: {  	v38 =	vld [tilespmem:$0x2740]  }
0x174: {  	v39 =	vld [tilespmem:$0x2750];
	v0 =	vand.u32 $0xFFFF, v34  }
0x175: {  	v41 =	vld [tilespmem:$0x2760];
	v40 =	vand.u32 $0xFFFF, v35;
	[tilespmem:$0x2800] =	vst v0  }
0x176: {  	v43 =	vld [tilespmem:$0x2770];
	v42 =	vand.u32 $0xFFFF, v36;
	[tilespmem:$0x2810] =	vst v40  }
0x177: {  	v44 =	vand.u32 $0xFFFF, v37;
	[tilespmem:$0x2820] =	vst v42  }
0x178: {  	v45 =	vand.u32 $0xFFFF, v38;
	[tilespmem:$0x2830] =	vst v44  }
0x179: {  	v46 =	vand.u32 $0xFFFF, v39;
	[tilespmem:$0x2840] =	vst v45  }
0x17a: {  	v47 =	vand.u32 $0xFFFF, v41;
	[tilespmem:$0x2850] =	vst v46  }
0x17b: {  	v48 =	vand.u32 $0xFFFF, v43;
	[tilespmem:$0x2860] =	vst v47  }
0x17c: {  	[tilespmem:$0x2870] =	vst v48  }
0x17d: {  	[tilespmem:s12], [sflag:$0x3] =	stream.indirect.gather [hbm4b:s5+s10], $0x80, s11, s10, $0xb8;
	[tilespmem:$0x1E980] =	vst v63  }
0x17e: {  	_ =	swait.ge [sflag:s9], $0x4000  }
0x17f: {  	[sflag:s9] =	ssyncset.done $0x0  }
0x180: {  	[sflag:s9] =	ssyncadd.s32 $0xFFFFC000  }
0x181: {  	v49 =	vld [tilespmem:$0x2700]  }
0x182: {  	v50 =	vld [tilespmem:$0x2710]  }
0x183: {  	v51 =	vld [tilespmem:$0x2720]  }
0x184: {  	v52 =	vld [tilespmem:$0x2730]  }
0x185: {  	v53 =	vld [tilespmem:$0x2740]  }
0x186: {  	v54 =	vld [tilespmem:$0x2750];
	v0 =	vshrl.u32 v49, $0x10  }
0x187: {  	v56 =	vld [tilespmem:$0x2760];
	v55 =	vshrl.u32 v50, $0x10;
	[tilespmem:$0x2900] =	vst v0  }
0x188: {  	v58 =	vld [tilespmem:$0x2770];
	v57 =	vshrl.u32 v51, $0x10;
	[tilespmem:$0x2910] =	vst v55  }
0x189: {  	v59 =	vshrl.u32 v52, $0x10;
	[tilespmem:$0x2920] =	vst v57  }
0x18a: {  	v60 =	vshrl.u32 v53, $0x10;
	[tilespmem:$0x2930] =	vst v59  }
0x18b: {  	v61 =	vshrl.u32 v54, $0x10;
	[tilespmem:$0x2940] =	vst v60  }
0x18c: {  	v62 =	vshrl.u32 v56, $0x10;
	[tilespmem:$0x2950] =	vst v61  }
0x18d: {  	v63 =	vshrl.u32 v58, $0x10;
	[tilespmem:$0x2960] =	vst v62  }
0x18e: {  	[tilespmem:$0x2970] =	vst v63  }
0x18f: {  	[spmem:s3] =	stream.indirect.scatter.add.f32 [tilespmem:s12], [sflag:$0x3], $0x80, s28, s10, $0xb8;
	[tilespmem:$0x1E980] =	vst v63  }
0x190: {  	_ =	swait.ge [sflag:s9], $0x4000  }
0x191: {  	s30 =	sadd.s32 $0x1, s30;
	[sflag:s9] =	ssyncset.done $0x0  }
0x192: {  	p0 =	sne.s32 s30, s8;
	[sflag:s9] =	ssyncadd.s32 $0xFFFFC000  }
.Ltmp1:
0x193: {  	[bflag:$0x0] =	sbarrier.arrive $0xFFFF;
	(pc) =	sbr.rel @p0 .LBB2_1-.Ltmp1, $4  }
0x194: {  	[hbm:s7], [sflag:s15] =	dma.local [spmem:s16], $0x2800  }
0x195: {  	_ =	swait.ge [sflag:s9], $0x2800  }
0x196: {  	[sflag:s9] =	ssyncset.done $0x0  }
0x197: {  	[sflag:s9] =	ssyncadd.s32 $0xFFFFD800  }
0x198: {  	_ =	sfence.sel $0x180000  }
0x199: {  	[bflag:$0x0] =	sbarrier.arrive $0xFFFF  }
0x19a: {  	_ =	strace $0x9000004A  }
0x19b: {  	[bflag:$0x2] =	sbarrier.arrive $0xFFFF  }
0x19c: {  	p0 =	sne.s32 s1, $0x0;
	s0 =	rddreg [dreg:$0x3]  }
0x19d: {  	s0 =	sadd.s32 @!p0 $0x100000, s0  }
0x19e: {  	[sflag:s0] =	ssyncadd.tile.s32 @!p0 $0x1;
	_ =	shalt  }
.Lfunc_end2:
_tile_overlayer_lowered:
.L_overlay_start_2:
0x19f: {  	(tag) =	ssettag $0x2  }
0x1a0: {  	s0 =	rddreg [dreg:$0x0];
	s2 =	stileid.u32  }
0x1a1: {  	s1 =	rddreg [dreg:$0x1];
	p0 =	sne.s32 s2, $0x0  }
0x1a2: {  	s3 =	rddreg [dreg:$0x2];
	[bflag:$0x3] =	sbarrier.arrive $0xFFFF;
	s2 =	simm.s32 @!p0 $0x1C03  }
0x1a3: {  	[timem:s3], [sflag:s2] =	dma.local @!p0 [hbm:s0], s1  }
0x1a4: {  	s0 =	simm.s32 @!p0 $0x3  }
0x1a5: {  	_ =	swait.ge @!p0 [sflag:s0], s1  }
0x1a6: {  	s1 =	ssub.s32 @!p0 $0x0, s1;
	[sflag:s0] =	ssyncset.done @!p0 $0x0  }
0x1a7: {  	[sflag:s0] =	ssyncadd.s32 @!p0 s1  }
0x1a8: {  	[bflag:$0x3] =	sbarrier.arrive $0xFFFF  }
0x1a9: {  	_ =	shalt  }

// kernel: kernel.14.cloned.1.call-start
scs
__scs_entry_jumppad:
0x0: {  	(pc) =	sbr.rel $0x88, $3  }
0x1: {  	(tag) =	ssettag $0x0;
	lr =	simm.s32 $0x1  }
0x2: {  	[smem:$0x3F9C] =	sst lr;
	_ =	strace $0xD0000000  }
0x3: {  	_ = 	snop  }
0x4: {  	_ = 	snop  }
0x5: {  	_ = 	snop  }
0x6: {  	_ = 	snop  }
0x7: {  	_ = 	snop  }
__scs_overlays_trampoline_lowered:
0x8: {  	[smem:$0x3FAB] =	sst s0  }
0x9: {  	[smem:$0x3FAC] =	sst s1  }
0xa: {  	[smem:$0x3FAD] =	sst s2  }
0xb: {  	[smem:$0x3FAE] =	sst s3  }
0xc: {  	[smem:$0x3FAF] =	sst s4  }
0xd: {  	[smem:$0x3FB0] =	sst s5  }
0xe: {  	[smem:$0x3FB1] =	sst s6  }
0xf: {  	[smem:$0x3FB2] =	sst s7  }
0x10: {  	[smem:$0x3FB3] =	sst s8  }
0x11: {  	[smem:$0x3FB4] =	sst s9;
	s0 =	simm.s32 @!p0 $0x0  }
0x12: {  	s1 =	sld [smem:$0x3F9A];
	s0 =	simm.s32 @p0 $0x1  }
0x13: {  	[smem:$0x3FB5] =	sst s0;
	s0 =	simm.s32 @!p1 $0x0  }
0x14: {  	s2 =	sld [smem:$0x3F99];
	s0 =	simm.s32 @p1 $0x1  }
0x15: {  	[smem:$0x3FB6] =	sst s0;
	s0 =	simm.s32 @!p2 $0x0  }
0x16: {  	s3 =	sld [smem:$0x3FDB];
	s0 =	simm.s32 @p2 $0x1  }
0x17: {  	s4 =	simm.s32 $0x1BF5;
	[smem:$0x3FB8] =	sst s0  }
0x18: {  	s0 =	sld [smem:$0x3F9B];
	_ =	swait.ge [sflag:s4], $0x0  }
0x19: {  	s7 =	sld [smem:$0x3F9C]  }
0x1a: {  	s8 =	sadd.s32 $0xFFFFE003, lr  }
0x1b: {  	s9 =	sadd.s32 $0xFFFFFEF7, lr;
	s5 =	simm.s32 $0xFFFFFFFF;
	p2 =	slt.u32 s8, $0xFFFFF086  }
0x1c: {  	p1 =	slt.u32 s9, $0xF7A;
	s5 =	simm.s32 @!p2 $0x0  }
0x1d: {  	s5 =	simm.s32 @p1 $0x1;
	p0 =	seq.s32 s7, s2  }
0x1e: {  	s7 =	smul.u32 @!p0 $0xF7A, s2;
	p2 =	seq.s32 @!p0 s5, $0x0  }
0x1f: {  	s9 =	smul.u32 $0xF7A, s1;
	s8 =	simm.s32 @!p0 $0x1BF5;
	p2 =	por !p2, p0  }
0x20: {  	[sflag:s8] =	ssyncset.s32 @!p0 $0xFFFFF086;
	s6 =	sadd.s32 @!p0 s3, s7;
	s7 =	simm.s32 @!p0 $0x108  }
0x21: {  	s3 =	sadd.s32 s3, s9;
	s6 =	sadd.s32 @!p0 $0x88, s6;
	s7 =	simm.s32 @p2 $0x1082  }
0x22: {  	[simem:s7], [sflag:s8] =	dma.local @!p0 [hbm:s6], $0xF7A  }
0x23: {  	s9 =	sor.u32 $0xD0000000, s2;
	s6 =	simm.s32 $0x108;
	_ =	swait.ge @!p0 [sflag:s8], $0x0  }
0x24: {  	s3 =	sadd.s32 $0x88, s3;
	s6 =	simm.s32 @!p1 $0x1082;
	[sflag:s4] =	ssyncset.s32 $0xFFFFF086  }
0x25: {  	[simem:s6], [sflag:s4] =	dma.local [hbm:s3], $0xF7A  }
0x26: {  	[smem:$0x3F9C] =	sst s1;
	(tag) =	ssettag s2;
	_ =	strace s9  }
0x27: {  	s1 =	sld [smem:$0x3FAC]  }
0x28: {  	s2 =	sld [smem:$0x3FAD]  }
0x29: {  	s4 =	sld [smem:$0x3FAF]  }
0x2a: {  	p0 =	seq.s32 s5, $0x0;
	s5 =	sld [smem:$0x3FB0]  }
0x2b: {  	s6 =	sld [smem:$0x3FB1]  }
0x2c: {  	s7 =	sld [smem:$0x3FB2]  }
0x2d: {  	s3 =	simm.s32 $0x108;
	s8 =	sld [smem:$0x3FB3]  }
0x2e: {  	s3 =	simm.s32 @!p0 $0x1082;
	s9 =	sld [smem:$0x3FB4]  }
0x2f: {  	lr =	sadd.s32 s0, s3;
	s0 =	sld [smem:$0x3FAB]  }
0x30: {  	s3 =	sld [smem:$0x3FAE]  }
0x31: {  	[smem:$0x3FB7] =	sst s10  }
0x32: {  	s10 =	sld [smem:$0x3FB5];
	_ =	sdelay $0x3  }
0x33: {  	p0 =	seq.s32 s10, $0x1;
	s10 =	sld [smem:$0x3FB7];
	_ =	sdelay $0x3  }
0x34: {  	[smem:$0x3FB7] =	sst s10  }
0x35: {  	s10 =	sld [smem:$0x3FB6];
	_ =	sdelay $0x3  }
0x36: {  	p1 =	seq.s32 s10, $0x1;
	s10 =	sld [smem:$0x3FB7];
	_ =	sdelay $0x3  }
0x37: {  	[smem:$0x3FB7] =	sst s10  }
0x38: {  	s10 =	sld [smem:$0x3FB8]  }
0x39: {  	_ = 	snop;
	(pc) =	sbr.ind lr, $3  }
0x3a: {  	_ = 	snop  }
0x3b: {  	_ = 	snop  }
0x3c: {  	p2 =	seq.s32 s10, $0x1;
	s10 =	sld [smem:$0x3FB7]  }
0x3d: {  	_ =	shalt  }
0x3e: {  	_ =	shalt  }
0x3f: {  	_ =	shalt  }
0x40: {  	_ =	shalt  }
0x41: {  	_ =	shalt  }
0x42: {  	_ =	shalt  }
0x43: {  	_ =	shalt  }
0x44: {  	_ =	shalt  }
0x45: {  	_ =	shalt  }
0x46: {  	_ =	shalt  }
0x47: {  	_ =	shalt  }
0x48: {  	_ =	shalt  }
0x49: {  	_ =	shalt  }
0x4a: {  	_ =	shalt  }
0x4b: {  	_ =	shalt  }
0x4c: {  	_ =	shalt  }
0x4d: {  	_ =	shalt  }
0x4e: {  	_ =	shalt  }
0x4f: {  	_ =	shalt  }
0x50: {  	_ =	shalt  }
0x51: {  	_ =	shalt  }
0x52: {  	_ =	shalt  }
0x53: {  	_ =	shalt  }
0x54: {  	_ =	shalt  }
0x55: {  	_ =	shalt  }
0x56: {  	_ =	shalt  }
0x57: {  	_ =	shalt  }
0x58: {  	_ =	shalt  }
0x59: {  	_ =	shalt  }
0x5a: {  	_ =	shalt  }
0x5b: {  	_ =	shalt  }
0x5c: {  	_ =	shalt  }
0x5d: {  	_ =	shalt  }
0x5e: {  	_ =	shalt  }
0x5f: {  	_ =	shalt  }
0x60: {  	_ =	shalt  }
0x61: {  	_ =	shalt  }
0x62: {  	_ =	shalt  }
0x63: {  	_ =	shalt  }
0x64: {  	_ =	shalt  }
0x65: {  	_ =	shalt  }
0x66: {  	_ =	shalt  }
0x67: {  	_ =	shalt  }
0x68: {  	_ =	shalt  }
0x69: {  	_ =	shalt  }
0x6a: {  	_ =	shalt  }
0x6b: {  	_ =	shalt  }
0x6c: {  	_ =	shalt  }
0x6d: {  	_ =	shalt  }
0x6e: {  	_ =	shalt  }
0x6f: {  	_ =	shalt  }
0x70: {  	_ =	shalt  }
0x71: {  	_ =	shalt  }
0x72: {  	_ =	shalt  }
0x73: {  	_ =	shalt  }
0x74: {  	_ =	shalt  }
0x75: {  	_ =	shalt  }
0x76: {  	_ =	shalt  }
0x77: {  	_ =	shalt  }
0x78: {  	_ =	shalt  }
0x79: {  	_ =	shalt  }
0x7a: {  	_ =	shalt  }
0x7b: {  	_ =	shalt  }
0x7c: {  	_ =	shalt  }
0x7d: {  	_ =	shalt  }
0x7e: {  	_ =	shalt  }
0x7f: {  	_ =	shalt  }
0x80: {  	_ =	shalt  }
0x81: {  	_ =	shalt  }
0x82: {  	_ =	shalt  }
0x83: {  	_ =	shalt  }
0x84: {  	_ =	shalt  }
0x85: {  	_ =	shalt  }
0x86: {  	_ =	shalt  }
0x87: {  	_ =	shalt  }
.Lfunc_end0:
.L_simem_size_0:
called_computation.2_lowered:
.L_overlay_start_0:
0x88: {  	s2 =	sld [smem:$0x3FD9]  }
0x89: {  	s3 =	sld [smem:$0x3FFE];
	_ =	sdelay $0x1  }
0x8a: {  	s1 =	srdreg.scid  }
0x8b: {  	s0 =	sand.u32 $0x1, s1  }
0x8c: {  	s17 =	sshll.u32 s0, $0xA;
	s2 =	sadd.s32 s3, s2  }
0x8d: {  	s2 =	sadd.s32 s2, s17  }
0x8e: {  	[smem:$0x3FC3] =	sst s2  }
0x8f: {  	_ = 	snop  }
0x90: {  	s2 =	sld [smem:$0x3FD0];
	(tm) =	ssettm $0x1  }
0x91: {  	s18 =	sld [smem:$0x3FFB];
	_ =	sdelay $0x3  }
0x92: {  	_ =	strace s18  }
0x93: {  	s3 =	sld [smem:$0x3FFC];
	_ =	sdelay $0x3  }
0x94: {  	_ =	strace s3  }
0x95: {  	s3 =	sld [smem:$0x3FFD];
	_ =	sdelay $0x3  }
0x96: {  	_ =	strace s3  }
0x97: {  	_ =	strace $0x8FFFFFFF  }
0x98: {  	s19 =	sld [smem:$0x3FDB];
	_ =	sdelay $0x1  }
0x99: {  	s4 =	simm.s32 $_scs_section_size  }
0x9a: {  	s5 =	simm.s32 $_size__tile_overlayer_lowered;
	s6 =	simm.s32 $_tile_overlayer_lowered  }
0x9b: {  	s22 =	simm.s32 $0x1BFF;
	s21 =	sshll.u32 s6, $0x1;
	s3 =	sadd.s32 s4, s19  }
0x9c: {  	s7 =	simm.s32 $0x0;
	s20 =	sshll.u32 s5, $0x1;
	s5 =	sadd.s32 s21, s3  }
0x9d: {  	[timem:s7], [sflag:s22] =	dma.local [hbm:s5], s20  }
0x9e: {  	_ =	swait.ge [sflag:s22], s20  }
0x9f: {  	s4 =	ssub.s32 $0x0, s20;
	[sflag:s22] =	ssyncset.done $0x0  }
0xa0: {  	[sflag:s22] =	ssyncadd.s32 s4;
	_ =	sdelay $0x1  }
0xa1: {  	s23 =	simm.s32 $0x1B8B  }
0xa2: {  	_ =	swait.ge [sflag:s23], $0x1  }
0xa3: {  	[sflag:s23] =	ssyncset.done $0x0  }
0xa4: {  	s25 =	simm.s32 $0x1B8E;
	s24 =	sld [smem:$0x3FFE];
	[sflag:s23] =	ssyncadd.s32 $0xFFFFFFFF  }
0xa5: {  	s26 =	simm.s32 $execute0_lowered;
	[smem:$0x3FD2] =	sst s25  }
0xa6: {  	s5 =	sshll.u32 s26, $0x1;
	_ =	strace $0x8000004C;
	[dreg:$0x1] =	wrdreg $0xFFFFFFFF  }
0xa7: {  	s28 =	simm.s32 $_size_execute0_lowered;
	s3 =	sadd.s32 s3, s5;
	[dreg:$0x0] =	wrdreg $0x0  }
0xa8: {  	s5 =	sshll.u32 s28, $0x1;
	[dreg:$0x2] =	wrdreg s3  }
0xa9: {  	[dreg:$0x3] =	wrdreg s5  }
0xaa: {  	[dreg:$0x4] =	wrdreg $0xC0  }
0xab: {  	_ =	task [dreg:s7], $0x5FFFF  }
0xac: {  	[dreg:$0x1] =	wrdreg $0xFFFFFFFF  }
0xad: {  	[dreg:$0x0] =	wrdreg $0x60  }
0xae: {  	[dreg:$0x2] =	wrdreg s24  }
0xaf: {  	[dreg:$0x3] =	wrdreg s2  }
0xb0: {  	[dreg:$0x4] =	wrdreg $0xA9800  }
0xb1: {  	[dreg:$0x5] =	wrdreg $0x9  }
0xb2: {  	_ =	task.clear_ibuf [dreg:s7], $0x6FFFF;
	_ =	strace $0x9000004C  }
0xb3: {  	s29 =	simm.s32 $0x9;
	_ =	strace $0x8000004E  }
0xb4: {  	_ =	swait.ge [sflag:s29], $0x1  }
0xb5: {  	[sflag:s29] =	ssyncadd.s32 $0xFFFFFFFF  }
0xb6: {  	_ =	strace $0x9000004E  }
0xb7: {  	_ =	sfence  }
0xb8: {  	s30 =	sld [smem:$0x0];
	_ =	sdelay $0x2  }
0xb9: {  	s31 =	sshll.u32 s1, $0xD;
	s1 =	sshrl.u32 s1, $0x2  }
0xba: {  	s3 =	sand.u32 $0x4000, s31;
	s1 =	sadd.s32 s1, s30  }
0xbb: {  	s0 =	sor.u32 s3, s0;
	s1 =	sshll.u32 s1, $0x11  }
0xbc: {  	s0 =	sor.u32 s1, s0  }
0xbd: {  	s0 =	sadd.s32 $0x8F2B, s0  }
0xbe: {  	[sflag:s0] =	ssyncadd.remote.s32 $0x1  }
0xbf: {  	_ =	sfence.sel $0xFFFF  }
0xc0: {  	[dreg:$0x0] =	wrdreg $0xFFFFFFFF;
	(pc) =	sbr.abs _section_cstart, $3  }
0xc1: {  	[dreg:$0x1] =	wrdreg $0xFFFFFFFF  }
0xc2: {  	_ =	task.clear_ibuf [dreg:s7], $0x2FFFF;
	_ =	strace $0x9FFFFFFF  }
0xc3: {  	(tm) =	ssettm $0x7FFFFFFF  }
tec
execute0_lowered:
.L_overlay_start_1:
0x0: {  	(tag) =	ssettag $0x1  }
0x1: {  	s0 =	rddreg [dreg:$0x0]  }
0x2: {  	s2 =	rddreg [dreg:$0x1]  }
0x3: {  	s3 =	rddreg [dreg:$0x2]  }
0x4: {  	s4 =	srdreg.scid;
	s1 =	stileid.u32  }
0x5: {  	s11 =	simm.s32 $0x2800;
	s12 =	simm.s32 $0x2980;
	s13 =	simm.s32 $0x2880  }
0x6: {  	s14 =	simm.s32 $0x6980;
	s28 =	simm.s32 $0x2900;
	s29 =	simm.s32 $0x2  }
0x7: {  	s30 =	simm.s32 $0x0;
	s6 =	sand.u32 $0x1, s4;
	s8 =	smul.u32 $0x14000, s1  }
0x8: {  	s4 =	simm.s32 $0x0;
	s5 =	sshll.u32 s1, $0x1;
	s25 =	smul.u32 $0x50000, s1  }
0x9: {  	s31 =	sshll.u32 s1, $0x6;
	s7 =	smul.u32 $0x140000, s6;
	[smem:$0x7FF] =	sst s4  }
0xa: {  	s5 =	sor.u32 s6, s5;
	s6 =	ssub.s32 $0x2, s6;
	s15 =	sor.u32 $0x1C03, s31  }
0xb: {  	_ =	strace $0x8000004D;
	s9 =	smul.u32 $0x500, s5;
	s5 =	sadd.s32 $0x17E00, s0  }
0xc: {  	s26 =	sshrl.u32 s6, $0x1;
	s7 =	sadd.s32 s8, s7;
	s8 =	sshrl.u32 s25, $0x2  }
0xd: {  	s10 =	ssub.s32 s6, s26;
	s26 =	simm.s32 $0x1;
	s9 =	sadd.s32 s9, s0  }
0xe: {  	s7 =	sshrl.u32 s7, $0x3;
	s16 =	sadd.s32 s8, s3;
	s8 =	smax.u32 s10, $0x1  }
0xf: {  	s10 =	simm.s32 $0x80;
	s0 =	sadd.s32 s7, s0;
	s6 =	sadd.s32 $0xDE00, s9  }
0x10: {  	s17 =	sadd.s32 $0x2000, s16;
	s18 =	sadd.s32 $0x4000, s16;
	s19 =	sadd.s32 $0x6000, s16  }
0x11: {  	s20 =	sadd.s32 $0x8000, s16;
	s21 =	sadd.s32 $0xA000, s16;
	s22 =	sadd.s32 $0xC000, s16  }
0x12: {  	s23 =	sadd.s32 $0xE000, s16;
	s24 =	sadd.s32 $0x10000, s16;
	s25 =	sadd.s32 $0x12000, s16  }
0x13: {  	s9 =	simm.s32 $0x3;
	s16 =	sshrl.u32 s16, $0x3;
	s7 =	sadd.s32 $0x3FE00, s0  }
0x14: {  	s17 =	sshrl.u32 s17, $0x3;
	s18 =	sshrl.u32 s18, $0x3;
	s19 =	sshrl.u32 s19, $0x3  }
0x15: {  	s20 =	sshrl.u32 s20, $0x3;
	s21 =	sshrl.u32 s21, $0x3;
	s22 =	sshrl.u32 s22, $0x3  }
0x16: {  	s23 =	sshrl.u32 s23, $0x3;
	s24 =	sshrl.u32 s24, $0x3;
	s25 =	sshrl.u32 s25, $0x3  }
.LBB2_1:
0x17: {  	[tilespmem:s4], [sflag:$0x3] =	stream.linear.gather [hbm4b:s6+s4], $0x2780, $0x38;
	[tilespmem:$0x1E980] =	vst v63  }
0x18: {  	_ =	swait.ge [sflag:s9], $0x2780  }
0x19: {  	[sflag:s9] =	ssyncset.done $0x0  }
0x1a: {  	[sflag:s9] =	ssyncadd.s32 $0xFFFFD880  }
0x1b: {  	v0 =	vld [tilespmem:$0x0]  }
0x1c: {  	v1 =	vld [tilespmem:$0x10]  }
0x1d: {  	v2 =	vld [tilespmem:$0x20]  }
0x1e: {  	v3 =	vld [tilespmem:$0x30]  }
0x1f: {  	v4 =	vld [tilespmem:$0x40]  }
0x20: {  	v5 =	vld [tilespmem:$0x50];
	v0 =	vand.u32 $0xFFFF, v0  }
0x21: {  	v37 =	vld [tilespmem:$0x60];
	v36 =	vand.u32 $0xFFFF, v1;
	[tilespmem:$0x2800] =	vst v0  }
0x22: {  	v39 =	vld [tilespmem:$0x70];
	v38 =	vand.u32 $0xFFFF, v2;
	[tilespmem:$0x2810] =	vst v36  }
0x23: {  	v40 =	vand.u32 $0xFFFF, v3;
	[tilespmem:$0x2820] =	vst v38  }
0x24: {  	v41 =	vand.u32 $0xFFFF, v4;
	[tilespmem:$0x2830] =	vst v40  }
0x25: {  	v42 =	vand.u32 $0xFFFF, v5;
	[tilespmem:$0x2840] =	vst v41  }
0x26: {  	v43 =	vand.u32 $0xFFFF, v37;
	[tilespmem:$0x2850] =	vst v42  }
0x27: {  	v44 =	vand.u32 $0xFFFF, v39;
	[tilespmem:$0x2860] =	vst v43  }
0x28: {  	[tilespmem:$0x2870] =	vst v44  }
0x29: {  	[tilespmem:s12], [sflag:$0x1] =	stream.indirect.gather [hbm4b:s5+s10], $0x80, s11, s10, $0xb8;
	[tilespmem:$0x1E980] =	vst v63  }
0x2a: {  	v45 =	vld [tilespmem:$0x80]  }
0x2b: {  	v46 =	vld [tilespmem:$0x90]  }
0x2c: {  	v47 =	vld [tilespmem:$0xA0]  }
0x2d: {  	v48 =	vld [tilespmem:$0xB0]  }
0x2e: {  	v49 =	vld [tilespmem:$0xC0]  }
0x2f: {  	v50 =	vld [tilespmem:$0xD0];
	v0 =	vand.u32 $0xFFFF, v45  }
0x30: {  	v52 =	vld [tilespmem:$0xE0];
	v51 =	vand.u32 $0xFFFF, v46;
	[tilespmem:$0x2880] =	vst v0  }
0x31: {  	v54 =	vld [tilespmem:$0xF0];
	v53 =	vand.u32 $0xFFFF, v47;
	[tilespmem:$0x2890] =	vst v51  }
0x32: {  	v55 =	vand.u32 $0xFFFF, v48;
	[tilespmem:$0x28A0] =	vst v53  }
0x33: {  	v56 =	vand.u32 $0xFFFF, v49;
	[tilespmem:$0x28B0] =	vst v55  }
0x34: {  	v57 =	vand.u32 $0xFFFF, v50;
	[tilespmem:$0x28C0] =	vst v56  }
0x35: {  	v58 =	vand.u32 $0xFFFF, v52;
	[tilespmem:$0x28D0] =	vst v57  }
0x36: {  	v59 =	vand.u32 $0xFFFF, v54;
	[tilespmem:$0x28E0] =	vst v58  }
0x37: {  	[tilespmem:$0x28F0] =	vst v59  }
0x38: {  	[tilespmem:s14], [sflag:$0x2] =	stream.indirect.gather [hbm4b:s5+s10], $0x80, s13, s10, $0xb8;
	[tilespmem:$0x1E980] =	vst v63  }
0x39: {  	[spmem:s16], [sflag:s15] =	dma.local [hbm:s2], $0x400  }
0x3a: {  	_ =	swait.ge [sflag:s9], $0x400  }
0x3b: {  	[sflag:s9] =	ssyncset.done $0x0  }
0x3c: {  	[sflag:s9] =	ssyncadd.s32 $0xFFFFFC00  }
0x3d: {  	[spmem:s17], [sflag:s15] =	dma.local [hbm:s2], $0x400  }
0x3e: {  	_ =	swait.ge [sflag:s9], $0x400  }
0x3f: {  	[sflag:s9] =	ssyncset.done $0x0  }
0x40: {  	[sflag:s9] =	ssyncadd.s32 $0xFFFFFC00  }
0x41: {  	[spmem:s18], [sflag:s15] =	dma.local [hbm:s2], $0x400  }
0x42: {  	_ =	swait.ge [sflag:s9], $0x400  }
0x43: {  	[sflag:s9] =	ssyncset.done $0x0  }
0x44: {  	[sflag:s9] =	ssyncadd.s32 $0xFFFFFC00  }
0x45: {  	[spmem:s19], [sflag:s15] =	dma.local [hbm:s2], $0x400  }
0x46: {  	_ =	swait.ge [sflag:s9], $0x400  }
0x47: {  	[sflag:s9] =	ssyncset.done $0x0  }
0x48: {  	[sflag:s9] =	ssyncadd.s32 $0xFFFFFC00  }
0x49: {  	[spmem:s20], [sflag:s15] =	dma.local [hbm:s2], $0x400  }
0x4a: {  	_ =	swait.ge [sflag:s9], $0x400  }
0x4b: {  	[sflag:s9] =	ssyncset.done $0x0  }
0x4c: {  	[sflag:s9] =	ssyncadd.s32 $0xFFFFFC00  }
0x4d: {  	[spmem:s21], [sflag:s15] =	dma.local [hbm:s2], $0x400  }
0x4e: {  	_ =	swait.ge [sflag:s9], $0x400  }
0x4f: {  	[sflag:s9] =	ssyncset.done $0x0  }
0x50: {  	[sflag:s9] =	ssyncadd.s32 $0xFFFFFC00  }
0x51: {  	[spmem:s22], [sflag:s15] =	dma.local [hbm:s2], $0x400  }
0x52: {  	_ =	swait.ge [sflag:s9], $0x400  }
0x53: {  	[sflag:s9] =	ssyncset.done $0x0  }
0x54: {  	[sflag:s9] =	ssyncadd.s32 $0xFFFFFC00  }
0x55: {  	[spmem:s23], [sflag:s15] =	dma.local [hbm:s2], $0x400  }
0x56: {  	_ =	swait.ge [sflag:s9], $0x400  }
0x57: {  	[sflag:s9] =	ssyncset.done $0x0  }
0x58: {  	[sflag:s9] =	ssyncadd.s32 $0xFFFFFC00  }
0x59: {  	[spmem:s24], [sflag:s15] =	dma.local [hbm:s2], $0x400  }
0x5a: {  	_ =	swait.ge [sflag:s9], $0x400  }
0x5b: {  	[sflag:s9] =	ssyncset.done $0x0  }
0x5c: {  	[sflag:s9] =	ssyncadd.s32 $0xFFFFFC00  }
0x5d: {  	[spmem:s25], [sflag:s15] =	dma.local [hbm:s2], $0x400  }
0x5e: {  	_ =	swait.ge [sflag:s9], $0x400  }
0x5f: {  	[sflag:s9] =	ssyncset.done $0x0  }
0x60: {  	[sflag:s9] =	ssyncadd.s32 $0xFFFFFC00  }
0x61: {  	[bflag:$0x0] =	sbarrier.arrive $0xFFFF  }
0x62: {  	_ =	swait.ge [sflag:s26], $0x4000  }
0x63: {  	[sflag:s26] =	ssyncset.done $0x0  }
0x64: {  	s0 =	simm.s32 $0x0;
	[sflag:s26] =	ssyncadd.s32 $0xFFFFC000  }
0x65: {  	v60 =	vld [tilespmem:s0+$0x0];
	_ =	sdelay $0x4  }
0x66: {  	v0 =	vshrl.u32 v60, $0x10  }
0x67: {  	[tilespmem:$0x2900] =	vst v0  }
0x68: {  	v0 =	vld [tilespmem:s0+$0x10];
	_ =	sdelay $0x4  }
0x69: {  	v0 =	vshrl.u32 v0, $0x10  }
0x6a: {  	[tilespmem:$0x2910] =	vst v0  }
0x6b: {  	v0 =	vld [tilespmem:s0+$0x20];
	_ =	sdelay $0x4  }
0x6c: {  	v0 =	vshrl.u32 v0, $0x10  }
0x6d: {  	[tilespmem:$0x2920] =	vst v0  }
0x6e: {  	v0 =	vld [tilespmem:s0+$0x30];
	_ =	sdelay $0x4  }
0x6f: {  	v0 =	vshrl.u32 v0, $0x10  }
0x70: {  	[tilespmem:$0x2930] =	vst v0  }
0x71: {  	v0 =	vld [tilespmem:s0+$0x40];
	_ =	sdelay $0x4  }
0x72: {  	v0 =	vshrl.u32 v0, $0x10  }
0x73: {  	[tilespmem:$0x2940] =	vst v0  }
0x74: {  	v0 =	vld [tilespmem:s0+$0x50];
	_ =	sdelay $0x4  }
0x75: {  	v0 =	vshrl.u32 v0, $0x10  }
0x76: {  	[tilespmem:$0x2950] =	vst v0  }
0x77: {  	v0 =	vld [tilespmem:s0+$0x60];
	_ =	sdelay $0x4  }
0x78: {  	v0 =	vshrl.u32 v0, $0x10  }
0x79: {  	[tilespmem:$0x2960] =	vst v0  }
0x7a: {  	v0 =	vld [tilespmem:s0+$0x70];
	_ =	sdelay $0x4  }
0x7b: {  	v0 =	vshrl.u32 v0, $0x10  }
0x7c: {  	[tilespmem:$0x2970] =	vst v0  }
0x7d: {  	[spmem:s3] =	stream.indirect.scatter.add.f32 [tilespmem:s12], [sflag:$0x3], $0x80, s28, s10, $0xb8;
	[tilespmem:$0x1E980] =	vst v63  }
0x7e: {  	_ =	swait.ge [sflag:s9], $0x4000  }
0x7f: {  	[sflag:s9] =	ssyncset.done $0x0  }
0x80: {  	[sflag:s9] =	ssyncadd.s32 $0xFFFFC000  }
0x81: {  	v61 =	vld [tilespmem:s0+$0x100];
	_ =	sdelay $0x4  }
0x82: {  	v0 =	vand.u32 $0xFFFF, v61  }
0x83: {  	[tilespmem:$0x2800] =	vst v0  }
0x84: {  	v0 =	vld [tilespmem:s0+$0x110];
	_ =	sdelay $0x4  }
0x85: {  	v0 =	vand.u32 $0xFFFF, v0  }
0x86: {  	[tilespmem:$0x2810] =	vst v0  }
0x87: {  	v0 =	vld [tilespmem:s0+$0x120];
	_ =	sdelay $0x4  }
0x88: {  	v0 =	vand.u32 $0xFFFF, v0  }
0x89: {  	[tilespmem:$0x2820] =	vst v0  }
0x8a: {  	v0 =	vld [tilespmem:s0+$0x130];
	_ =	sdelay $0x4  }
0x8b: {  	v0 =	vand.u32 $0xFFFF, v0  }
0x8c: {  	[tilespmem:$0x2830] =	vst v0  }
0x8d: {  	v0 =	vld [tilespmem:s0+$0x140];
	_ =	sdelay $0x4  }
0x8e: {  	v0 =	vand.u32 $0xFFFF, v0  }
0x8f: {  	[tilespmem:$0x2840] =	vst v0  }
0x90: {  	v0 =	vld [tilespmem:s0+$0x150];
	_ =	sdelay $0x4  }
0x91: {  	v0 =	vand.u32 $0xFFFF, v0  }
0x92: {  	[tilespmem:$0x2850] =	vst v0  }
0x93: {  	v0 =	vld [tilespmem:s0+$0x160];
	_ =	sdelay $0x4  }
0x94: {  	v0 =	vand.u32 $0xFFFF, v0  }
0x95: {  	[tilespmem:$0x2860] =	vst v0  }
0x96: {  	v0 =	vld [tilespmem:s0+$0x170];
	_ =	sdelay $0x4  }
0x97: {  	v0 =	vand.u32 $0xFFFF, v0  }
0x98: {  	[tilespmem:$0x2870] =	vst v0  }
0x99: {  	[tilespmem:s12], [sflag:$0x1] =	stream.indirect.gather [hbm4b:s5+s10], $0x80, s11, s10, $0xb8;
	[tilespmem:$0x1E980] =	vst v63  }
0x9a: {  	_ =	swait.ge [sflag:s29], $0x4000  }
0x9b: {  	[sflag:s29] =	ssyncset.done $0x0  }
0x9c: {  	[sflag:s29] =	ssyncadd.s32 $0xFFFFC000  }
0x9d: {  	v62 =	vld [tilespmem:s0+$0x80];
	_ =	sdelay $0x4  }
0x9e: {  	v0 =	vshrl.u32 v62, $0x10  }
0x9f: {  	[tilespmem:$0x2900] =	vst v0  }
0xa0: {  	v0 =	vld [tilespmem:s0+$0x90];
	_ =	sdelay $0x4  }
0xa1: {  	v0 =	vshrl.u32 v0, $0x10  }
0xa2: {  	[tilespmem:$0x2910] =	vst v0  }
0xa3: {  	v0 =	vld [tilespmem:s0+$0xA0];
	_ =	sdelay $0x4  }
0xa4: {  	v0 =	vshrl.u32 v0, $0x10  }
0xa5: {  	[tilespmem:$0x2920] =	vst v0  }
0xa6: {  	v0 =	vld [tilespmem:s0+$0xB0];
	_ =	sdelay $0x4  }
0xa7: {  	v0 =	vshrl.u32 v0, $0x10  }
0xa8: {  	[tilespmem:$0x2930] =	vst v0  }
0xa9: {  	v0 =	vld [tilespmem:s0+$0xC0];
	_ =	sdelay $0x4  }
0xaa: {  	v0 =	vshrl.u32 v0, $0x10  }
0xab: {  	[tilespmem:$0x2940] =	vst v0  }
0xac: {  	v0 =	vld [tilespmem:s0+$0xD0];
	_ =	sdelay $0x4  }
0xad: {  	v0 =	vshrl.u32 v0, $0x10  }
0xae: {  	[tilespmem:$0x2950] =	vst v0  }
0xaf: {  	v0 =	vld [tilespmem:s0+$0xE0];
	_ =	sdelay $0x4  }
0xb0: {  	v0 =	vshrl.u32 v0, $0x10  }
0xb1: {  	[tilespmem:$0x2960] =	vst v0  }
0xb2: {  	v0 =	vld [tilespmem:s0+$0xF0];
	_ =	sdelay $0x4  }
0xb3: {  	v0 =	vshrl.u32 v0, $0x10  }
0xb4: {  	[tilespmem:$0x2970] =	vst v0  }
0xb5: {  	[spmem:s3] =	stream.indirect.scatter.add.f32 [tilespmem:s14], [sflag:$0x3], $0x80, s28, s10, $0xb8;
	[tilespmem:$0x1E980] =	vst v63  }
0xb6: {  	_ =	swait.ge [sflag:s9], $0x4000  }
0xb7: {  	[sflag:s9] =	ssyncset.done $0x0  }
0xb8: {  	[sflag:s9] =	ssyncadd.s32 $0xFFFFC000  }
0xb9: {  	v63 =	vld [tilespmem:s0+$0x180];
	_ =	sdelay $0x4  }
0xba: {  	v0 =	vand.u32 $0xFFFF, v63  }
0xbb: {  	[tilespmem:$0x2880] =	vst v0  }
0xbc: {  	v0 =	vld [tilespmem:s0+$0x190];
	_ =	sdelay $0x4  }
0xbd: {  	v0 =	vand.u32 $0xFFFF, v0  }
0xbe: {  	[tilespmem:$0x2890] =	vst v0  }
0xbf: {  	v0 =	vld [tilespmem:s0+$0x1A0];
	_ =	sdelay $0x4  }
0xc0: {  	v0 =	vand.u32 $0xFFFF, v0  }
0xc1: {  	[tilespmem:$0x28A0] =	vst v0  }
0xc2: {  	v0 =	vld [tilespmem:s0+$0x1B0];
	_ =	sdelay $0x4  }
0xc3: {  	v0 =	vand.u32 $0xFFFF, v0  }
0xc4: {  	[tilespmem:$0x28B0] =	vst v0  }
0xc5: {  	v0 =	vld [tilespmem:s0+$0x1C0];
	_ =	sdelay $0x4  }
0xc6: {  	v0 =	vand.u32 $0xFFFF, v0  }
0xc7: {  	[tilespmem:$0x28C0] =	vst v0  }
0xc8: {  	v0 =	vld [tilespmem:s0+$0x1D0];
	_ =	sdelay $0x4  }
0xc9: {  	v0 =	vand.u32 $0xFFFF, v0  }
0xca: {  	[tilespmem:$0x28D0] =	vst v0  }
0xcb: {  	v0 =	vld [tilespmem:s0+$0x1E0];
	_ =	sdelay $0x4  }
0xcc: {  	v0 =	vand.u32 $0xFFFF, v0  }
0xcd: {  	[tilespmem:$0x28E0] =	vst v0  }
0xce: {  	v0 =	vld [tilespmem:s0+$0x1F0];
	_ =	sdelay $0x4  }
0xcf: {  	v0 =	vand.u32 $0xFFFF, v0  }
0xd0: {  	s31 =	simm.s32 $0x400;
	[tilespmem:$0x28F0] =	vst v0  }
.LBB2_2:
0xd1: {  	[tilespmem:s14], [sflag:$0x2] =	stream.indirect.gather [hbm4b:s5+s10], $0x80, s13, s10, $0xb8;
	[tilespmem:$0x1E980] =	vst v63  }
0xd2: {  	s0 =	smov.u32 s31  }
0xd3: {  	p0 =	sne.s32 s31, $0x9400;
	s31 =	sadd.s32 $0x400, s31;
	_ =	swait.ge [sflag:s26], $0x4000  }
0xd4: {  	[sflag:s26] =	ssyncset.done $0x0  }
0xd5: {  	s0 =	sshra.s32 s0, $0x2;
	[sflag:s26] =	ssyncadd.s32 $0xFFFFC000  }
0xd6: {  	v0 =	vld [tilespmem:s0+$0x0];
	_ =	sdelay $0x4  }
0xd7: {  	v0 =	vshrl.u32 v0, $0x10  }
0xd8: {  	[tilespmem:$0x2900] =	vst v0  }
0xd9: {  	v0 =	vld [tilespmem:s0+$0x10];
	_ =	sdelay $0x4  }
0xda: {  	v0 =	vshrl.u32 v0, $0x10  }
0xdb: {  	[tilespmem:$0x2910] =	vst v0  }
0xdc: {  	v0 =	vld [tilespmem:s0+$0x20];
	_ =	sdelay $0x4  }
0xdd: {  	v0 =	vshrl.u32 v0, $0x10  }
0xde: {  	[tilespmem:$0x2920] =	vst v0  }
0xdf: {  	v0 =	vld [tilespmem:s0+$0x30];
	_ =	sdelay $0x4  }
0xe0: {  	v0 =	vshrl.u32 v0, $0x10  }
0xe1: {  	[tilespmem:$0x2930] =	vst v0  }
0xe2: {  	v0 =	vld [tilespmem:s0+$0x40];
	_ =	sdelay $0x4  }
0xe3: {  	v0 =	vshrl.u32 v0, $0x10  }
0xe4: {  	[tilespmem:$0x2940] =	vst v0  }
0xe5: {  	v0 =	vld [tilespmem:s0+$0x50];
	_ =	sdelay $0x4  }
0xe6: {  	v0 =	vshrl.u32 v0, $0x10  }
0xe7: {  	[tilespmem:$0x2950] =	vst v0  }
0xe8: {  	v0 =	vld [tilespmem:s0+$0x60];
	_ =	sdelay $0x4  }
0xe9: {  	v0 =	vshrl.u32 v0, $0x10  }
0xea: {  	[tilespmem:$0x2960] =	vst v0  }
0xeb: {  	v0 =	vld [tilespmem:s0+$0x70];
	_ =	sdelay $0x4  }
0xec: {  	v0 =	vshrl.u32 v0, $0x10  }
0xed: {  	[tilespmem:$0x2970] =	vst v0  }
0xee: {  	[spmem:s3] =	stream.indirect.scatter.add.f32 [tilespmem:s12], [sflag:$0x3], $0x80, s28, s10, $0xb8;
	[tilespmem:$0x1E980] =	vst v63  }
0xef: {  	_ =	swait.ge [sflag:s9], $0x4000  }
0xf0: {  	[sflag:s9] =	ssyncset.done $0x0  }
0xf1: {  	[sflag:s9] =	ssyncadd.s32 $0xFFFFC000  }
0xf2: {  	v0 =	vld [tilespmem:s0+$0x100];
	_ =	sdelay $0x4  }
0xf3: {  	v0 =	vand.u32 $0xFFFF, v0  }
0xf4: {  	[tilespmem:$0x2800] =	vst v0  }
0xf5: {  	v0 =	vld [tilespmem:s0+$0x110];
	_ =	sdelay $0x4  }
0xf6: {  	v0 =	vand.u32 $0xFFFF, v0  }
0xf7: {  	[tilespmem:$0x2810] =	vst v0  }
0xf8: {  	v0 =	vld [tilespmem:s0+$0x120];
	_ =	sdelay $0x4  }
0xf9: {  	v0 =	vand.u32 $0xFFFF, v0  }
0xfa: {  	[tilespmem:$0x2820] =	vst v0  }
0xfb: {  	v0 =	vld [tilespmem:s0+$0x130];
	_ =	sdelay $0x4  }
0xfc: {  	v0 =	vand.u32 $0xFFFF, v0  }
0xfd: {  	[tilespmem:$0x2830] =	vst v0  }
0xfe: {  	v0 =	vld [tilespmem:s0+$0x140];
	_ =	sdelay $0x4  }
0xff: {  	v0 =	vand.u32 $0xFFFF, v0  }
0x100: {  	[tilespmem:$0x2840] =	vst v0  }
0x101: {  	v0 =	vld [tilespmem:s0+$0x150];
	_ =	sdelay $0x4  }
0x102: {  	v0 =	vand.u32 $0xFFFF, v0  }
0x103: {  	[tilespmem:$0x2850] =	vst v0  }
0x104: {  	v0 =	vld [tilespmem:s0+$0x160];
	_ =	sdelay $0x4  }
0x105: {  	v0 =	vand.u32 $0xFFFF, v0  }
0x106: {  	[tilespmem:$0x2860] =	vst v0  }
0x107: {  	v0 =	vld [tilespmem:s0+$0x170];
	_ =	sdelay $0x4  }
0x108: {  	v0 =	vand.u32 $0xFFFF, v0  }
0x109: {  	[tilespmem:$0x2870] =	vst v0  }
0x10a: {  	[tilespmem:s12], [sflag:$0x1] =	stream.indirect.gather [hbm4b:s5+s10], $0x80, s11, s10, $0xb8;
	[tilespmem:$0x1E980] =	vst v63  }
0x10b: {  	_ =	swait.ge [sflag:s29], $0x4000  }
0x10c: {  	[sflag:s29] =	ssyncset.done $0x0  }
0x10d: {  	[sflag:s29] =	ssyncadd.s32 $0xFFFFC000  }
0x10e: {  	v0 =	vld [tilespmem:s0+$0x80];
	_ =	sdelay $0x4  }
0x10f: {  	v0 =	vshrl.u32 v0, $0x10  }
0x110: {  	[tilespmem:$0x2900] =	vst v0  }
0x111: {  	v0 =	vld [tilespmem:s0+$0x90];
	_ =	sdelay $0x4  }
0x112: {  	v0 =	vshrl.u32 v0, $0x10  }
0x113: {  	[tilespmem:$0x2910] =	vst v0  }
0x114: {  	v0 =	vld [tilespmem:s0+$0xA0];
	_ =	sdelay $0x4  }
0x115: {  	v0 =	vshrl.u32 v0, $0x10  }
0x116: {  	[tilespmem:$0x2920] =	vst v0  }
0x117: {  	v0 =	vld [tilespmem:s0+$0xB0];
	_ =	sdelay $0x4  }
0x118: {  	v0 =	vshrl.u32 v0, $0x10  }
0x119: {  	[tilespmem:$0x2930] =	vst v0  }
0x11a: {  	v0 =	vld [tilespmem:s0+$0xC0];
	_ =	sdelay $0x4  }
0x11b: {  	v0 =	vshrl.u32 v0, $0x10  }
0x11c: {  	[tilespmem:$0x2940] =	vst v0  }
0x11d: {  	v0 =	vld [tilespmem:s0+$0xD0];
	_ =	sdelay $0x4  }
0x11e: {  	v0 =	vshrl.u32 v0, $0x10  }
0x11f: {  	[tilespmem:$0x2950] =	vst v0  }
0x120: {  	v0 =	vld [tilespmem:s0+$0xE0];
	_ =	sdelay $0x4  }
0x121: {  	v0 =	vshrl.u32 v0, $0x10  }
0x122: {  	[tilespmem:$0x2960] =	vst v0  }
0x123: {  	v0 =	vld [tilespmem:s0+$0xF0];
	_ =	sdelay $0x4  }
0x124: {  	v0 =	vshrl.u32 v0, $0x10  }
0x125: {  	[tilespmem:$0x2970] =	vst v0  }
0x126: {  	[spmem:s3] =	stream.indirect.scatter.add.f32 [tilespmem:s14], [sflag:$0x3], $0x80, s28, s10, $0xb8;
	[tilespmem:$0x1E980] =	vst v63  }
0x127: {  	_ =	swait.ge [sflag:s9], $0x4000  }
0x128: {  	[sflag:s9] =	ssyncset.done $0x0  }
0x129: {  	[sflag:s9] =	ssyncadd.s32 $0xFFFFC000  }
0x12a: {  	v0 =	vld [tilespmem:s0+$0x180];
	_ =	sdelay $0x4  }
0x12b: {  	v0 =	vand.u32 $0xFFFF, v0  }
0x12c: {  	[tilespmem:$0x2880] =	vst v0  }
0x12d: {  	v0 =	vld [tilespmem:s0+$0x190];
	_ =	sdelay $0x4  }
0x12e: {  	v0 =	vand.u32 $0xFFFF, v0  }
0x12f: {  	[tilespmem:$0x2890] =	vst v0  }
0x130: {  	v0 =	vld [tilespmem:s0+$0x1A0];
	_ =	sdelay $0x4  }
0x131: {  	v0 =	vand.u32 $0xFFFF, v0  }
0x132: {  	[tilespmem:$0x28A0] =	vst v0  }
0x133: {  	v0 =	vld [tilespmem:s0+$0x1B0];
	_ =	sdelay $0x4  }
0x134: {  	v0 =	vand.u32 $0xFFFF, v0  }
0x135: {  	[tilespmem:$0x28B0] =	vst v0  }
0x136: {  	v0 =	vld [tilespmem:s0+$0x1C0];
	_ =	sdelay $0x4  }
0x137: {  	v0 =	vand.u32 $0xFFFF, v0  }
0x138: {  	[tilespmem:$0x28C0] =	vst v0  }
0x139: {  	v0 =	vld [tilespmem:s0+$0x1D0];
	_ =	sdelay $0x4  }
0x13a: {  	v0 =	vand.u32 $0xFFFF, v0  }
0x13b: {  	[tilespmem:$0x28D0] =	vst v0  }
0x13c: {  	v0 =	vld [tilespmem:s0+$0x1E0];
	_ =	sdelay $0x4  }
0x13d: {  	v0 =	vand.u32 $0xFFFF, v0  }
0x13e: {  	[tilespmem:$0x28E0] =	vst v0  }
0x13f: {  	v0 =	vld [tilespmem:s0+$0x1F0];
	_ =	sdelay $0x1  }
.Ltmp0:
0x140: {  	(pc) =	sbr.rel @p0 .LBB2_2-.Ltmp0, $3  }
0x141: {  	_ =	sdelay $0x1  }
0x142: {  	v0 =	vand.u32 $0xFFFF, v0  }
0x143: {  	[tilespmem:$0x28F0] =	vst v0  }
0x144: {  	[tilespmem:s14], [sflag:$0x2] =	stream.indirect.gather [hbm4b:s5+s10], $0x80, s13, s10, $0xb8;
	[tilespmem:$0x1E980] =	vst v63  }
0x145: {  	_ =	swait.ge [sflag:s26], $0x4000  }
0x146: {  	[sflag:s26] =	ssyncset.done $0x0  }
0x147: {  	[sflag:s26] =	ssyncadd.s32 $0xFFFFC000  }
0x148: {  	v0 =	vld [tilespmem:$0x2600]  }
0x149: {  	v1 =	vld [tilespmem:$0x2610]  }
0x14a: {  	v2 =	vld [tilespmem:$0x2620]  }
0x14b: {  	v3 =	vld [tilespmem:$0x2630]  }
0x14c: {  	v4 =	vld [tilespmem:$0x2640]  }
0x14d: {  	v5 =	vld [tilespmem:$0x2650];
	v0 =	vshrl.u32 v0, $0x10  }
0x14e: {  	v11 =	vld [tilespmem:$0x2660];
	v10 =	vshrl.u32 v1, $0x10;
	[tilespmem:$0x2900] =	vst v0  }
0x14f: {  	v13 =	vld [tilespmem:$0x2670];
	v12 =	vshrl.u32 v2, $0x10;
	[tilespmem:$0x2910] =	vst v10  }
0x150: {  	v14 =	vshrl.u32 v3, $0x10;
	[tilespmem:$0x2920] =	vst v12  }
0x151: {  	v15 =	vshrl.u32 v4, $0x10;
	[tilespmem:$0x2930] =	vst v14  }
0x152: {  	v16 =	vshrl.u32 v5, $0x10;
	[tilespmem:$0x2940] =	vst v15  }
0x153: {  	v17 =	vshrl.u32 v11, $0x10;
	[tilespmem:$0x2950] =	vst v16  }
0x154: {  	v18 =	vshrl.u32 v13, $0x10;
	[tilespmem:$0x2960] =	vst v17  }
0x155: {  	[tilespmem:$0x2970] =	vst v18  }
0x156: {  	[spmem:s3] =	stream.indirect.scatter.add.f32 [tilespmem:s12], [sflag:$0x3], $0x80, s28, s10, $0xb8;
	[tilespmem:$0x1E980] =	vst v63  }
0x157: {  	_ =	swait.ge [sflag:s9], $0x4000  }
0x158: {  	[sflag:s9] =	ssyncset.done $0x0  }
0x159: {  	[sflag:s9] =	ssyncadd.s32 $0xFFFFC000  }
0x15a: {  	_ =	swait.ge [sflag:s29], $0x4000  }
0x15b: {  	[sflag:s29] =	ssyncset.done $0x0  }
0x15c: {  	[sflag:s29] =	ssyncadd.s32 $0xFFFFC000  }
0x15d: {  	v19 =	vld [tilespmem:$0x2680]  }
0x15e: {  	v20 =	vld [tilespmem:$0x2690]  }
0x15f: {  	v21 =	vld [tilespmem:$0x26A0]  }
0x160: {  	v22 =	vld [tilespmem:$0x26B0]  }
0x161: {  	v23 =	vld [tilespmem:$0x26C0]  }
0x162: {  	v24 =	vld [tilespmem:$0x26D0];
	v0 =	vshrl.u32 v19, $0x10  }
0x163: {  	v26 =	vld [tilespmem:$0x26E0];
	v25 =	vshrl.u32 v20, $0x10;
	[tilespmem:$0x2900] =	vst v0  }
0x164: {  	v28 =	vld [tilespmem:$0x26F0];
	v27 =	vshrl.u32 v21, $0x10;
	[tilespmem:$0x2910] =	vst v25  }
0x165: {  	v29 =	vshrl.u32 v22, $0x10;
	[tilespmem:$0x2920] =	vst v27  }
0x166: {  	v30 =	vshrl.u32 v23, $0x10;
	[tilespmem:$0x2930] =	vst v29  }
0x167: {  	v31 =	vshrl.u32 v24, $0x10;
	[tilespmem:$0x2940] =	vst v30  }
0x168: {  	v32 =	vshrl.u32 v26, $0x10;
	[tilespmem:$0x2950] =	vst v31  }
0x169: {  	v33 =	vshrl.u32 v28, $0x10;
	[tilespmem:$0x2960] =	vst v32  }
0x16a: {  	[tilespmem:$0x2970] =	vst v33  }
0x16b: {  	[spmem:s3] =	stream.indirect.scatter.add.f32 [tilespmem:s14], [sflag:$0x3], $0x80, s28, s10, $0xb8;
	[tilespmem:$0x1E980] =	vst v63  }
0x16c: {  	_ =	swait.ge [sflag:s9], $0x4000  }
0x16d: {  	[sflag:s9] =	ssyncset.done $0x0  }
0x16e: {  	[sflag:s9] =	ssyncadd.s32 $0xFFFFC000  }
0x16f: {  	v34 =	vld [tilespmem:$0x2700]  }
0x170: {  	v35 =	vld [tilespmem:$0x2710]  }
0x171: {  	v36 =	vld [tilespmem:$0x2720]  }
0x172: {  	v37 =	vld [tilespmem:$0x2730]  }
0x173: {  	v38 =	vld [tilespmem:$0x2740]  }
0x174: {  	v39 =	vld [tilespmem:$0x2750];
	v0 =	vand.u32 $0xFFFF, v34  }
0x175: {  	v41 =	vld [tilespmem:$0x2760];
	v40 =	vand.u32 $0xFFFF, v35;
	[tilespmem:$0x2800] =	vst v0  }
0x176: {  	v43 =	vld [tilespmem:$0x2770];
	v42 =	vand.u32 $0xFFFF, v36;
	[tilespmem:$0x2810] =	vst v40  }
0x177: {  	v44 =	vand.u32 $0xFFFF, v37;
	[tilespmem:$0x2820] =	vst v42  }
0x178: {  	v45 =	vand.u32 $0xFFFF, v38;
	[tilespmem:$0x2830] =	vst v44  }
0x179: {  	v46 =	vand.u32 $0xFFFF, v39;
	[tilespmem:$0x2840] =	vst v45  }
0x17a: {  	v47 =	vand.u32 $0xFFFF, v41;
	[tilespmem:$0x2850] =	vst v46  }
0x17b: {  	v48 =	vand.u32 $0xFFFF, v43;
	[tilespmem:$0x2860] =	vst v47  }
0x17c: {  	[tilespmem:$0x2870] =	vst v48  }
0x17d: {  	[tilespmem:s12], [sflag:$0x3] =	stream.indirect.gather [hbm4b:s5+s10], $0x80, s11, s10, $0xb8;
	[tilespmem:$0x1E980] =	vst v63  }
0x17e: {  	_ =	swait.ge [sflag:s9], $0x4000  }
0x17f: {  	[sflag:s9] =	ssyncset.done $0x0  }
0x180: {  	[sflag:s9] =	ssyncadd.s32 $0xFFFFC000  }
0x181: {  	v49 =	vld [tilespmem:$0x2700]  }
0x182: {  	v50 =	vld [tilespmem:$0x2710]  }
0x183: {  	v51 =	vld [tilespmem:$0x2720]  }
0x184: {  	v52 =	vld [tilespmem:$0x2730]  }
0x185: {  	v53 =	vld [tilespmem:$0x2740]  }
0x186: {  	v54 =	vld [tilespmem:$0x2750];
	v0 =	vshrl.u32 v49, $0x10  }
0x187: {  	v56 =	vld [tilespmem:$0x2760];
	v55 =	vshrl.u32 v50, $0x10;
	[tilespmem:$0x2900] =	vst v0  }
0x188: {  	v58 =	vld [tilespmem:$0x2770];
	v57 =	vshrl.u32 v51, $0x10;
	[tilespmem:$0x2910] =	vst v55  }
0x189: {  	v59 =	vshrl.u32 v52, $0x10;
	[tilespmem:$0x2920] =	vst v57  }
0x18a: {  	v60 =	vshrl.u32 v53, $0x10;
	[tilespmem:$0x2930] =	vst v59  }
0x18b: {  	v61 =	vshrl.u32 v54, $0x10;
	[tilespmem:$0x2940] =	vst v60  }
0x18c: {  	v62 =	vshrl.u32 v56, $0x10;
	[tilespmem:$0x2950] =	vst v61  }
0x18d: {  	v63 =	vshrl.u32 v58, $0x10;
	[tilespmem:$0x2960] =	vst v62  }
0x18e: {  	[tilespmem:$0x2970] =	vst v63  }
0x18f: {  	[spmem:s3] =	stream.indirect.scatter.add.f32 [tilespmem:s12], [sflag:$0x3], $0x80, s28, s10, $0xb8;
	[tilespmem:$0x1E980] =	vst v63  }
0x190: {  	_ =	swait.ge [sflag:s9], $0x4000  }
0x191: {  	s30 =	sadd.s32 $0x1, s30;
	[sflag:s9] =	ssyncset.done $0x0  }
0x192: {  	p0 =	sne.s32 s30, s8;
	[sflag:s9] =	ssyncadd.s32 $0xFFFFC000  }
.Ltmp1:
0x193: {  	[bflag:$0x0] =	sbarrier.arrive $0xFFFF;
	(pc) =	sbr.rel @p0 .LBB2_1-.Ltmp1, $4  }
0x194: {  	[hbm:s7], [sflag:s15] =	dma.local [spmem:s16], $0x2800  }
0x195: {  	_ =	swait.ge [sflag:s9], $0x2800  }
0x196: {  	[sflag:s9] =	ssyncset.done $0x0  }
0x197: {  	[sflag:s9] =	ssyncadd.s32 $0xFFFFD800  }
0x198: {  	_ =	sfence.sel $0x180000  }
0x199: {  	[bflag:$0x0] =	sbarrier.arrive $0xFFFF  }
0x19a: {  	_ =	strace $0x9000004D  }
0x19b: {  	[bflag:$0x2] =	sbarrier.arrive $0xFFFF  }
0x19c: {  	p0 =	sne.s32 s1, $0x0;
	s0 =	rddreg [dreg:$0x3]  }
0x19d: {  	s0 =	sadd.s32 @!p0 $0x100000, s0  }
0x19e: {  	[sflag:s0] =	ssyncadd.tile.s32 @!p0 $0x1;
	_ =	shalt  }
.Lfunc_end2:
_tile_overlayer_lowered:
.L_overlay_start_2:
0x19f: {  	(tag) =	ssettag $0x2  }
0x1a0: {  	s0 =	rddreg [dreg:$0x0];
	s2 =	stileid.u32  }
0x1a1: {  	s1 =	rddreg [dreg:$0x1];
	p0 =	sne.s32 s2, $0x0  }
0x1a2: {  	s3 =	rddreg [dreg:$0x2];
	[bflag:$0x3] =	sbarrier.arrive $0xFFFF;
	s2 =	simm.s32 @!p0 $0x1C03  }
0x1a3: {  	[timem:s3], [sflag:s2] =	dma.local @!p0 [hbm:s0], s1  }
0x1a4: {  	s0 =	simm.s32 @!p0 $0x3  }
0x1a5: {  	_ =	swait.ge @!p0 [sflag:s0], s1  }
0x1a6: {  	s1 =	ssub.s32 @!p0 $0x0, s1;
	[sflag:s0] =	ssyncset.done @!p0 $0x0  }
0x1a7: {  	[sflag:s0] =	ssyncadd.s32 @!p0 s1  }
0x1a8: {  	[bflag:$0x3] =	sbarrier.arrive $0xFFFF  }
0x1a9: {  	_ =	shalt  }

// kernel: kernel.8.cloned.1.call-start
scs
__scs_entry_jumppad:
0x0: {  	(pc) =	sbr.rel $0x88, $3  }
0x1: {  	(tag) =	ssettag $0x0;
	lr =	simm.s32 $0x1  }
0x2: {  	[smem:$0x3F9C] =	sst lr;
	_ =	strace $0xD0000000  }
0x3: {  	_ = 	snop  }
0x4: {  	_ = 	snop  }
0x5: {  	_ = 	snop  }
0x6: {  	_ = 	snop  }
0x7: {  	_ = 	snop  }
__scs_overlays_trampoline_lowered:
0x8: {  	[smem:$0x3FAB] =	sst s0  }
0x9: {  	[smem:$0x3FAC] =	sst s1  }
0xa: {  	[smem:$0x3FAD] =	sst s2  }
0xb: {  	[smem:$0x3FAE] =	sst s3  }
0xc: {  	[smem:$0x3FAF] =	sst s4  }
0xd: {  	[smem:$0x3FB0] =	sst s5  }
0xe: {  	[smem:$0x3FB1] =	sst s6  }
0xf: {  	[smem:$0x3FB2] =	sst s7  }
0x10: {  	[smem:$0x3FB3] =	sst s8  }
0x11: {  	[smem:$0x3FB4] =	sst s9;
	s0 =	simm.s32 @!p0 $0x0  }
0x12: {  	s1 =	sld [smem:$0x3F9A];
	s0 =	simm.s32 @p0 $0x1  }
0x13: {  	[smem:$0x3FB5] =	sst s0;
	s0 =	simm.s32 @!p1 $0x0  }
0x14: {  	s2 =	sld [smem:$0x3F99];
	s0 =	simm.s32 @p1 $0x1  }
0x15: {  	[smem:$0x3FB6] =	sst s0;
	s0 =	simm.s32 @!p2 $0x0  }
0x16: {  	s3 =	sld [smem:$0x3FDB];
	s0 =	simm.s32 @p2 $0x1  }
0x17: {  	s4 =	simm.s32 $0x1BF5;
	[smem:$0x3FB8] =	sst s0  }
0x18: {  	s0 =	sld [smem:$0x3F9B];
	_ =	swait.ge [sflag:s4], $0x0  }
0x19: {  	s7 =	sld [smem:$0x3F9C]  }
0x1a: {  	s8 =	sadd.s32 $0xFFFFE003, lr  }
0x1b: {  	s9 =	sadd.s32 $0xFFFFFEF7, lr;
	s5 =	simm.s32 $0xFFFFFFFF;
	p2 =	slt.u32 s8, $0xFFFFF086  }
0x1c: {  	p1 =	slt.u32 s9, $0xF7A;
	s5 =	simm.s32 @!p2 $0x0  }
0x1d: {  	s5 =	simm.s32 @p1 $0x1;
	p0 =	seq.s32 s7, s2  }
0x1e: {  	s7 =	smul.u32 @!p0 $0xF7A, s2;
	p2 =	seq.s32 @!p0 s5, $0x0  }
0x1f: {  	s9 =	smul.u32 $0xF7A, s1;
	s8 =	simm.s32 @!p0 $0x1BF5;
	p2 =	por !p2, p0  }
0x20: {  	[sflag:s8] =	ssyncset.s32 @!p0 $0xFFFFF086;
	s6 =	sadd.s32 @!p0 s3, s7;
	s7 =	simm.s32 @!p0 $0x108  }
0x21: {  	s3 =	sadd.s32 s3, s9;
	s6 =	sadd.s32 @!p0 $0x88, s6;
	s7 =	simm.s32 @p2 $0x1082  }
0x22: {  	[simem:s7], [sflag:s8] =	dma.local @!p0 [hbm:s6], $0xF7A  }
0x23: {  	s9 =	sor.u32 $0xD0000000, s2;
	s6 =	simm.s32 $0x108;
	_ =	swait.ge @!p0 [sflag:s8], $0x0  }
0x24: {  	s3 =	sadd.s32 $0x88, s3;
	s6 =	simm.s32 @!p1 $0x1082;
	[sflag:s4] =	ssyncset.s32 $0xFFFFF086  }
0x25: {  	[simem:s6], [sflag:s4] =	dma.local [hbm:s3], $0xF7A  }
0x26: {  	[smem:$0x3F9C] =	sst s1;
	(tag) =	ssettag s2;
	_ =	strace s9  }
0x27: {  	s1 =	sld [smem:$0x3FAC]  }
0x28: {  	s2 =	sld [smem:$0x3FAD]  }
0x29: {  	s4 =	sld [smem:$0x3FAF]  }
0x2a: {  	p0 =	seq.s32 s5, $0x0;
	s5 =	sld [smem:$0x3FB0]  }
0x2b: {  	s6 =	sld [smem:$0x3FB1]  }
0x2c: {  	s7 =	sld [smem:$0x3FB2]  }
0x2d: {  	s3 =	simm.s32 $0x108;
	s8 =	sld [smem:$0x3FB3]  }
0x2e: {  	s3 =	simm.s32 @!p0 $0x1082;
	s9 =	sld [smem:$0x3FB4]  }
0x2f: {  	lr =	sadd.s32 s0, s3;
	s0 =	sld [smem:$0x3FAB]  }
0x30: {  	s3 =	sld [smem:$0x3FAE]  }
0x31: {  	[smem:$0x3FB7] =	sst s10  }
0x32: {  	s10 =	sld [smem:$0x3FB5];
	_ =	sdelay $0x3  }
0x33: {  	p0 =	seq.s32 s10, $0x1;
	s10 =	sld [smem:$0x3FB7];
	_ =	sdelay $0x3  }
0x34: {  	[smem:$0x3FB7] =	sst s10  }
0x35: {  	s10 =	sld [smem:$0x3FB6];
	_ =	sdelay $0x3  }
0x36: {  	p1 =	seq.s32 s10, $0x1;
	s10 =	sld [smem:$0x3FB7];
	_ =	sdelay $0x3  }
0x37: {  	[smem:$0x3FB7] =	sst s10  }
0x38: {  	s10 =	sld [smem:$0x3FB8]  }
0x39: {  	_ = 	snop;
	(pc) =	sbr.ind lr, $3  }
0x3a: {  	_ = 	snop  }
0x3b: {  	_ = 	snop  }
0x3c: {  	p2 =	seq.s32 s10, $0x1;
	s10 =	sld [smem:$0x3FB7]  }
0x3d: {  	_ =	shalt  }
0x3e: {  	_ =	shalt  }
0x3f: {  	_ =	shalt  }
0x40: {  	_ =	shalt  }
0x41: {  	_ =	shalt  }
0x42: {  	_ =	shalt  }
0x43: {  	_ =	shalt  }
0x44: {  	_ =	shalt  }
0x45: {  	_ =	shalt  }
0x46: {  	_ =	shalt  }
0x47: {  	_ =	shalt  }
0x48: {  	_ =	shalt  }
0x49: {  	_ =	shalt  }
0x4a: {  	_ =	shalt  }
0x4b: {  	_ =	shalt  }
0x4c: {  	_ =	shalt  }
0x4d: {  	_ =	shalt  }
0x4e: {  	_ =	shalt  }
0x4f: {  	_ =	shalt  }
0x50: {  	_ =	shalt  }
0x51: {  	_ =	shalt  }
0x52: {  	_ =	shalt  }
0x53: {  	_ =	shalt  }
0x54: {  	_ =	shalt  }
0x55: {  	_ =	shalt  }
0x56: {  	_ =	shalt  }
0x57: {  	_ =	shalt  }
0x58: {  	_ =	shalt  }
0x59: {  	_ =	shalt  }
0x5a: {  	_ =	shalt  }
0x5b: {  	_ =	shalt  }
0x5c: {  	_ =	shalt  }
0x5d: {  	_ =	shalt  }
0x5e: {  	_ =	shalt  }
0x5f: {  	_ =	shalt  }
0x60: {  	_ =	shalt  }
0x61: {  	_ =	shalt  }
0x62: {  	_ =	shalt  }
0x63: {  	_ =	shalt  }
0x64: {  	_ =	shalt  }
0x65: {  	_ =	shalt  }
0x66: {  	_ =	shalt  }
0x67: {  	_ =	shalt  }
0x68: {  	_ =	shalt  }
0x69: {  	_ =	shalt  }
0x6a: {  	_ =	shalt  }
0x6b: {  	_ =	shalt  }
0x6c: {  	_ =	shalt  }
0x6d: {  	_ =	shalt  }
0x6e: {  	_ =	shalt  }
0x6f: {  	_ =	shalt  }
0x70: {  	_ =	shalt  }
0x71: {  	_ =	shalt  }
0x72: {  	_ =	shalt  }
0x73: {  	_ =	shalt  }
0x74: {  	_ =	shalt  }
0x75: {  	_ =	shalt  }
0x76: {  	_ =	shalt  }
0x77: {  	_ =	shalt  }
0x78: {  	_ =	shalt  }
0x79: {  	_ =	shalt  }
0x7a: {  	_ =	shalt  }
0x7b: {  	_ =	shalt  }
0x7c: {  	_ =	shalt  }
0x7d: {  	_ =	shalt  }
0x7e: {  	_ =	shalt  }
0x7f: {  	_ =	shalt  }
0x80: {  	_ =	shalt  }
0x81: {  	_ =	shalt  }
0x82: {  	_ =	shalt  }
0x83: {  	_ =	shalt  }
0x84: {  	_ =	shalt  }
0x85: {  	_ =	shalt  }
0x86: {  	_ =	shalt  }
0x87: {  	_ =	shalt  }
.Lfunc_end0:
.L_simem_size_0:
called_computation_lowered:
.L_overlay_start_0:
0x88: {  	s2 =	sld [smem:$0x3FD9]  }
0x89: {  	s3 =	sld [smem:$0x3FFE];
	_ =	sdelay $0x1  }
0x8a: {  	s1 =	srdreg.scid  }
0x8b: {  	s0 =	sand.u32 $0x1, s1  }
0x8c: {  	s17 =	sshll.u32 s0, $0xA;
	s2 =	sadd.s32 s3, s2  }
0x8d: {  	s2 =	sadd.s32 s2, s17  }
0x8e: {  	[smem:$0x3FC3] =	sst s2  }
0x8f: {  	_ = 	snop  }
0x90: {  	s2 =	sld [smem:$0x3FD0];
	(tm) =	ssettm $0x1  }
0x91: {  	s18 =	sld [smem:$0x3FFB];
	_ =	sdelay $0x3  }
0x92: {  	_ =	strace s18  }
0x93: {  	s3 =	sld [smem:$0x3FFC];
	_ =	sdelay $0x3  }
0x94: {  	_ =	strace s3  }
0x95: {  	s3 =	sld [smem:$0x3FFD];
	_ =	sdelay $0x3  }
0x96: {  	_ =	strace s3  }
0x97: {  	_ =	strace $0x8FFFFFFF  }
0x98: {  	s19 =	sld [smem:$0x3FDB];
	_ =	sdelay $0x1  }
0x99: {  	s4 =	simm.s32 $_scs_section_size  }
0x9a: {  	s5 =	simm.s32 $_size__tile_overlayer_lowered;
	s6 =	simm.s32 $_tile_overlayer_lowered  }
0x9b: {  	s22 =	simm.s32 $0x1BFF;
	s21 =	sshll.u32 s6, $0x1;
	s3 =	sadd.s32 s4, s19  }
0x9c: {  	s7 =	simm.s32 $0x0;
	s20 =	sshll.u32 s5, $0x1;
	s5 =	sadd.s32 s21, s3  }
0x9d: {  	[timem:s7], [sflag:s22] =	dma.local [hbm:s5], s20  }
0x9e: {  	_ =	swait.ge [sflag:s22], s20  }
0x9f: {  	s4 =	ssub.s32 $0x0, s20;
	[sflag:s22] =	ssyncset.done $0x0  }
0xa0: {  	[sflag:s22] =	ssyncadd.s32 s4;
	_ =	sdelay $0x1  }
0xa1: {  	s23 =	simm.s32 $0x1B8B  }
0xa2: {  	_ =	swait.ge [sflag:s23], $0x1  }
0xa3: {  	[sflag:s23] =	ssyncset.done $0x0  }
0xa4: {  	s25 =	simm.s32 $0x1B8E;
	s24 =	sld [smem:$0x3FFE];
	[sflag:s23] =	ssyncadd.s32 $0xFFFFFFFF  }
0xa5: {  	s26 =	simm.s32 $execute0_lowered;
	[smem:$0x3FD2] =	sst s25  }
0xa6: {  	s5 =	sshll.u32 s26, $0x1;
	_ =	strace $0x80000046;
	[dreg:$0x1] =	wrdreg $0xFFFFFFFF  }
0xa7: {  	s28 =	simm.s32 $_size_execute0_lowered;
	s3 =	sadd.s32 s3, s5;
	[dreg:$0x0] =	wrdreg $0x0  }
0xa8: {  	s5 =	sshll.u32 s28, $0x1;
	[dreg:$0x2] =	wrdreg s3  }
0xa9: {  	[dreg:$0x3] =	wrdreg s5  }
0xaa: {  	[dreg:$0x4] =	wrdreg $0xC0  }
0xab: {  	_ =	task [dreg:s7], $0x5FFFF  }
0xac: {  	[dreg:$0x1] =	wrdreg $0xFFFFFFFF  }
0xad: {  	[dreg:$0x0] =	wrdreg $0x60  }
0xae: {  	[dreg:$0x2] =	wrdreg s2  }
0xaf: {  	[dreg:$0x3] =	wrdreg s24  }
0xb0: {  	[dreg:$0x4] =	wrdreg $0x78000  }
0xb1: {  	[dreg:$0x5] =	wrdreg $0x9  }
0xb2: {  	_ =	task.clear_ibuf [dreg:s7], $0x6FFFF;
	_ =	strace $0x90000046  }
0xb3: {  	s29 =	simm.s32 $0x9;
	_ =	strace $0x80000048  }
0xb4: {  	_ =	swait.ge [sflag:s29], $0x1  }
0xb5: {  	[sflag:s29] =	ssyncadd.s32 $0xFFFFFFFF  }
0xb6: {  	_ =	strace $0x90000048  }
0xb7: {  	_ =	sfence  }
0xb8: {  	s30 =	sld [smem:$0x0];
	_ =	sdelay $0x2  }
0xb9: {  	s31 =	sshll.u32 s1, $0xD;
	s1 =	sshrl.u32 s1, $0x2  }
0xba: {  	s3 =	sand.u32 $0x4000, s31;
	s1 =	sadd.s32 s1, s30  }
0xbb: {  	s0 =	sor.u32 s3, s0;
	s1 =	sshll.u32 s1, $0x11  }
0xbc: {  	s0 =	sor.u32 s1, s0  }
0xbd: {  	s0 =	sadd.s32 $0x8F2B, s0  }
0xbe: {  	[sflag:s0] =	ssyncadd.remote.s32 $0x1  }
0xbf: {  	_ =	sfence.sel $0xFFFF  }
0xc0: {  	[dreg:$0x0] =	wrdreg $0xFFFFFFFF;
	(pc) =	sbr.abs _section_cstart, $3  }
0xc1: {  	[dreg:$0x1] =	wrdreg $0xFFFFFFFF  }
0xc2: {  	_ =	task.clear_ibuf [dreg:s7], $0x2FFFF;
	_ =	strace $0x9FFFFFFF  }
0xc3: {  	(tm) =	ssettm $0x7FFFFFFF  }
tec
execute0_lowered:
.L_overlay_start_1:
0x0: {  	(tag) =	ssettag $0x1  }
0x1: {  	s4 =	rddreg [dreg:$0x0]  }
0x2: {  	s5 =	rddreg [dreg:$0x1]  }
0x3: {  	s2 =	rddreg [dreg:$0x2]  }
0x4: {  	s0 =	rddreg [dreg:$0x3];
	s1 =	stileid.u32  }
0x5: {  	s3 =	simm.s32 $0x0;
	s7 =	srdreg.scid;
	s14 =	simm.s32 $0x80  }
0x6: {  	s15 =	simm.s32 $0x20;
	s16 =	simm.s32 $0x10;
	s17 =	simm.s32 $0x0  }
0x7: {  	s6 =	smul.u32 $0x280, s1;
	[smem:$0x7FF] =	sst s3;
	s7 =	sand.u32 $0x1, s7  }
0x8: {  	s8 =	smul.u32 $0x500, s1;
	s10 =	sshll.u32 s1, $0x1;
	s31 =	sshll.u32 s1, $0x6  }
0x9: {  	_ =	strace $0x80000047;
	s9 =	sshll.u32 s7, $0x7;
	s28 =	sor.u32 s7, s10  }
0xa: {  	s7 =	ssub.s32 $0x2, s7;
	s10 =	simm.s32 $0x1;
	s11 =	sshrl.u32 s6, $0x3  }
0xb: {  	s8 =	sor.u32 s9, s8;
	s9 =	smul.u32 $0x500, s28;
	s30 =	sshrl.u32 s7, $0x1  }
0xc: {  	s13 =	sadd.s32 s6, s2;
	s8 =	sshrl.u32 s8, $0x3;
	s29 =	sadd.s32 s11, s5  }
0xd: {  	s11 =	ssub.s32 s7, s30;
	s13 =	sshrl.u32 s13, $0x3;
	s8 =	sadd.s32 s8, s5  }
0xe: {  	s12 =	sadd.s32 s9, s5;
	s4 =	sadd.s32 s4, s9;
	s6 =	sadd.s32 $0xCE00, s29  }
0xf: {  	s9 =	smax.u32 s11, $0x1;
	s11 =	simm.s32 $0x2800;
	s5 =	sadd.s32 $0x2E00, s12  }
0x10: {  	v0 =	vimm.f32 $1.000000000e+00;
	s7 =	sadd.s32 $0xD400, s8;
	s8 =	sadd.s32 $0xDE00, s12;
	s12 =	sor.u32 $0x1C01, s31  }
.LBB2_1:
0x11: {  	[tilespmem:s3], [sflag:$0x1] =	stream.linear.gather [hbm4b:s4+s3], $0x2780, $0x38;
	[tilespmem:$0x7A80] =	vst v63  }
0x12: {  	_ =	swait.ge [sflag:s10], $0x2780  }
0x13: {  	[sflag:s10] =	ssyncset.done $0x0  }
0x14: {  	[sflag:s10] =	ssyncadd.s32 $0xFFFFD880  }
0x15: {  	[tilespmem:s11], [sflag:$0x1] =	stream.linear.gather [hbm4b:s5+s3], $0x2780, $0x38;
	[tilespmem:$0x7A80] =	vst v63  }
0x16: {  	_ =	swait.ge [sflag:s10], $0x2780  }
0x17: {  	[sflag:s10] =	ssyncset.done $0x0  }
0x18: {  	[sflag:s10] =	ssyncadd.s32 $0xFFFFD880  }
0x19: {  	[spmem:s13], [sflag:s12] =	dma.local [hbm:s6], $0x50  }
0x1a: {  	_ =	swait.ge [sflag:s10], $0x50  }
0x1b: {  	[sflag:s10] =	ssyncset.done $0x0  }
0x1c: {  	[sflag:s10] =	ssyncadd.s32 $0xFFFFFFB0  }
0x1d: {  	s19 =	simm.s32 $0x0;
	[bflag:$0x0] =	sbarrier.arrive $0xFFFF  }
0x1e: {  	v6 =	vld [tilespmem:s19+$0x2860]  }
0x1f: {  	v5 =	vld [tilespmem:s19+$0x60]  }
0x20: {  	v3 =	vld [tilespmem:s19+$0x10]  }
0x21: {  	v1 =	vld [tilespmem:s19+$0x30]  }
0x22: {  	v4 =	vld [tilespmem:s19+$0x2810]  }
0x23: {  	s18 =	simm.s32 $0x200;
	s20 =	simm.s32 $0x400;
	v2 =	vld [tilespmem:s19+$0x50]  }
.LBB2_2:
0x24: {  	p0 =	sne.s32 s20, $0x9C00;
	v7 =	vld [tilespmem:s19+$0x2850];
	v8 =	vand.u32 $0x7F, v5;
	s21 =	smov.u32 s20;
	s20 =	sadd.s32 $0x200, s20  }
0x25: {  	vm0 =	veq.s32 v5, v6;
	v9 =	vld [tilespmem:s19+$0x0];
	v10 =	vand.u32 $0x7F, v3;
	v8 =	vadd.s32 $0x2710, v8  }
0x26: {  	v12 =	vsel vm0, $0x0, v0;
	v11 =	vld [tilespmem:s19+$0x2830];
	v6 =	vsel vm0, v8, v6  }
0x27: {  	v10 =	vadd.s32 $0x2710, v10;
	v8 =	vld [tilespmem:s19+$0x2800];
	vm0 =	veq.s32 v3, v4;
	v6 =	vshll.u32 v6, $0x10  }
0x28: {  	v13 =	vsel vm0, $0x0, v0;
	v4 =	vsel vm0, v10, v4;
	v5 =	vor.u32 v5, v6  }
0x29: {  	v6 =	vand.u32 $0x7F, v1;
	v14 =	vand.u32 $0x7F, v2;
	v4 =	vshll.u32 v4, $0x10;
	v10 =	vld [tilespmem:s19+$0x2840];
	[tilespmem:s19+$0x5060] =	vst v12  }
0x2a: {  	v12 =	vand.u32 $0x7F, v9;
	v3 =	vor.u32 v3, v4;
	v4 =	vadd.s32 $0x2710, v6;
	v6 =	vld [tilespmem:s19+$0x40];
	[tilespmem:s19+$0x2860] =	vst v5  }
0x2b: {  	vm2 =	veq.s32 v2, v7;
	v5 =	vadd.s32 $0x2710, v12;
	vm1 =	veq.s32 v1, v11;
	v12 =	vld [tilespmem:s19+$0x2870]  }
0x2c: {  	vm0 =	veq.s32 v9, v8;
	v4 =	vsel vm1, v4, v11;
	v11 =	vadd.s32 $0x2710, v14;
	v14 =	vld [tilespmem:s19+$0x70]  }
0x2d: {  	v15 =	vsel vm0, $0x0, v0;
	v5 =	vsel vm0, v5, v8;
	v8 =	vld [tilespmem:s19+$0x20];
	v7 =	vsel vm2, v11, v7  }
0x2e: {  	v4 =	vshll.u32 v4, $0x10;
	[tilespmem:s19+$0x5000] =	vst v15;
	v5 =	vshll.u32 v5, $0x10;
	v11 =	vld [tilespmem:s19+$0x2820];
	v7 =	vshll.u32 v7, $0x10  }
0x2f: {  	v5 =	vor.u32 v9, v5;
	[tilespmem:s19+$0x5010] =	vst v13;
	vm0 =	veq.s32 v6, v10;
	v2 =	vor.u32 v2, v7  }
0x30: {  	v1 =	vor.u32 v1, v4;
	[tilespmem:s19+$0x2800] =	vst v5;
	v5 =	vsel vm1, $0x0, v0;
	v4 =	vsel vm0, $0x0, v0  }
0x31: {  	v7 =	vsel vm2, $0x0, v0;
	[tilespmem:s19+$0x5040] =	vst v4;
	v4 =	vand.u32 $0x7F, v6;
	v9 =	vand.u32 $0x7F, v14  }
0x32: {  	vm1 =	veq.s32 v14, v12;
	v13 =	vand.u32 $0x7F, v8;
	[tilespmem:s19+$0x5050] =	vst v7;
	v7 =	vadd.s32 $0x2710, v9  }
0x33: {  	vm2 =	veq.s32 v8, v11;
	v9 =	vadd.s32 $0x2710, v13;
	[tilespmem:s19+$0x5030] =	vst v5;
	v5 =	vsel vm1, v7, v12  }
0x34: {  	v7 =	vsel vm2, $0x0, v0;
	v9 =	vsel vm2, v9, v11;
	[tilespmem:s19+$0x2850] =	vst v2;
	v2 =	vshll.u32 v5, $0x10  }
0x35: {  	v5 =	vsel vm1, $0x0, v0;
	[tilespmem:s19+$0x2810] =	vst v3;
	v3 =	vshll.u32 v9, $0x10;
	v2 =	vor.u32 v14, v2  }
0x36: {  	v4 =	vadd.s32 $0x2710, v4;
	[tilespmem:s19+$0x5020] =	vst v7;
	v3 =	vor.u32 v8, v3  }
0x37: {  	v4 =	vsel vm0, v4, v10;
	[tilespmem:s19+$0x5070] =	vst v5  }
0x38: {  	v4 =	vshll.u32 v4, $0x10;
	[tilespmem:s19+$0x2870] =	vst v2  }
0x39: {  	[tilespmem:s19+$0x2830] =	vst v1;
	v1 =	vor.u32 v6, v4  }
0x3a: {  	s22 =	sadd.s32 $0x5000, s19;
	[tilespmem:s19+$0x2840] =	vst v1  }
0x3b: {  	[tilespmem:s19+$0x2820] =	vst v3  }
0x3c: {  	[spmem:s2] =	stream.indirect.scatter.add.f32 [tilespmem:s22], [sflag:$0x1], $0x1, s19, s14, $0xb8;
	[tilespmem:$0x7A80] =	vst v63  }
0x3d: {  	_ =	swait.ge [sflag:s10], $0x80  }
0x3e: {  	[sflag:s10] =	ssyncset.done $0x0  }
0x3f: {  	s19 =	sshra.s32 s18, $0x2;
	s18 =	smov.u32 s21;
	[sflag:s10] =	ssyncadd.s32 $0xFFFFFF80  }
0x40: {  	v6 =	vld [tilespmem:s19+$0x2860]  }
.Ltmp0:
0x41: {  	v5 =	vld [tilespmem:s19+$0x60];
	(pc) =	sbr.rel @p0 .LBB2_2-.Ltmp0, $4  }
0x42: {  	v3 =	vld [tilespmem:s19+$0x10]  }
0x43: {  	v1 =	vld [tilespmem:s19+$0x30]  }
0x44: {  	v4 =	vld [tilespmem:s19+$0x2810]  }
0x45: {  	v2 =	vld [tilespmem:s19+$0x50]  }
0x46: {  	v7 =	vld [tilespmem:s19+$0x2850]  }
0x47: {  	v8 =	vld [tilespmem:s19+$0x0]  }
0x48: {  	v10 =	vld [tilespmem:s19+$0x2830]  }
0x49: {  	v11 =	vld [tilespmem:s19+$0x2800]  }
0x4a: {  	v9 =	vand.u32 $0x7F, v5;
	v18 =	vld [tilespmem:s19+$0x2840]  }
0x4b: {  	vm0 =	veq.s32 v5, v6;
	v20 =	vld [tilespmem:s19+$0x40];
	v9 =	vadd.s32 $0x2710, v9  }
0x4c: {  	v13 =	vld [tilespmem:s19+$0x2870];
	v21 =	vand.u32 $0x7F, v3;
	v6 =	vsel vm0, v9, v6  }
0x4d: {  	v15 =	vld [tilespmem:s19+$0x70];
	v12 =	vsel vm0, $0x0, v0;
	v22 =	vadd.s32 $0x2710, v21;
	v6 =	vshll.u32 v6, $0x10  }
0x4e: {  	v25 =	vld [tilespmem:s19+$0x20];
	v26 =	vand.u32 $0x7F, v1;
	vm15 =	veq.s32 v3, v4;
	v19 =	vor.u32 v5, v6  }
0x4f: {  	v28 =	vld [tilespmem:s19+$0x2820];
	v14 =	vsel vm15, $0x0, v0;
	v4 =	vsel vm15, v22, v4;
	v27 =	vand.u32 $0x7F, v2  }
0x50: {  	[tilespmem:s19+$0x5060] =	vst v12;
	v5 =	vadd.s32 $0x2710, v26;
	v23 =	vand.u32 $0x7F, v8;
	vm1 =	veq.s32 v8, v11  }
0x51: {  	[tilespmem:s19+$0x2860] =	vst v19;
	v4 =	vshll.u32 v4, $0x10;
	vm4 =	veq.s32 v1, v10;
	vm5 =	veq.s32 v20, v18  }
0x52: {  	[tilespmem:s19+$0x5010] =	vst v14;
	vm2 =	veq.s32 v2, v7;
	v32 =	vand.u32 $0x7F, v20;
	v24 =	vsel vm1, $0x0, v0  }
0x53: {  	v33 =	vand.u32 $0x7F, v15;
	vm6 =	veq.s32 v15, v13;
	v29 =	vsel vm5, $0x0, v0;
	[tilespmem:s19+$0x5000] =	vst v24  }
0x54: {  	vm7 =	veq.s32 v25, v28;
	v12 =	vadd.s32 $0x2710, v23;
	v30 =	vsel vm2, $0x0, v0;
	[tilespmem:s19+$0x5040] =	vst v29  }
0x55: {  	v3 =	vor.u32 v3, v4;
	v4 =	vadd.s32 $0x2710, v27;
	v31 =	vsel vm4, $0x0, v0;
	[tilespmem:s19+$0x5050] =	vst v30  }
0x56: {  	v5 =	vsel vm4, v5, v10;
	v34 =	vsel vm7, $0x0, v0;
	v35 =	vsel vm6, $0x0, v0;
	[tilespmem:s19+$0x5030] =	vst v31  }
0x57: {  	v11 =	vsel vm1, v12, v11;
	v4 =	vsel vm2, v4, v7;
	v5 =	vshll.u32 v5, $0x10;
	[tilespmem:s19+$0x2810] =	vst v3  }
0x58: {  	v7 =	vadd.s32 $0x2710, v33;
	[tilespmem:s19+$0x5020] =	vst v34;
	v11 =	vshll.u32 v11, $0x10;
	v4 =	vshll.u32 v4, $0x10  }
0x59: {  	[tilespmem:s19+$0x5070] =	vst v35;
	v7 =	vsel vm6, v7, v13;
	v1 =	vor.u32 v1, v5;
	v2 =	vor.u32 v2, v4  }
0x5a: {  	v8 =	vor.u32 v8, v11;
	v4 =	vadd.s32 $0x2710, v32;
	[tilespmem:s19+$0x2850] =	vst v2;
	v2 =	vand.u32 $0x7F, v25  }
0x5b: {  	v3 =	vshll.u32 v7, $0x10;
	[tilespmem:s19+$0x2830] =	vst v1;
	v4 =	vsel vm5, v4, v18;
	v2 =	vadd.s32 $0x2710, v2  }
0x5c: {  	[tilespmem:s19+$0x2800] =	vst v8;
	v3 =	vor.u32 v15, v3;
	v4 =	vshll.u32 v4, $0x10;
	v2 =	vsel vm7, v2, v28  }
0x5d: {  	[tilespmem:s19+$0x2870] =	vst v3;
	v1 =	vor.u32 v20, v4;
	v2 =	vshll.u32 v2, $0x10  }
0x5e: {  	[tilespmem:s19+$0x2840] =	vst v1;
	v2 =	vor.u32 v25, v2  }
0x5f: {  	s20 =	sadd.s32 $0x5000, s19;
	[tilespmem:s19+$0x2820] =	vst v2  }
0x60: {  	[spmem:s2] =	stream.indirect.scatter.add.f32 [tilespmem:s20], [sflag:$0x1], $0x1, s19, s14, $0xb8;
	[tilespmem:$0x7A80] =	vst v63  }
0x61: {  	_ =	swait.ge [sflag:s10], $0x80  }
0x62: {  	[sflag:s10] =	ssyncset.done $0x0  }
0x63: {  	s18 =	sshra.s32 s18, $0x2;
	[sflag:s10] =	ssyncadd.s32 $0xFFFFFF80  }
0x64: {  	v1 =	vld [tilespmem:s18+$0x2860]  }
0x65: {  	v2 =	vld [tilespmem:s18+$0x60]  }
0x66: {  	v3 =	vld [tilespmem:s18+$0x10]  }
0x67: {  	v36 =	vld [tilespmem:s18+$0x30]  }
0x68: {  	v37 =	vld [tilespmem:s18+$0x2810]  }
0x69: {  	v38 =	vld [tilespmem:s18+$0x50]  }
0x6a: {  	v39 =	vld [tilespmem:s18+$0x0]  }
0x6b: {  	v41 =	vld [tilespmem:s18+$0x2800]  }
0x6c: {  	v43 =	vld [tilespmem:s18+$0x2830]  }
0x6d: {  	v46 =	vld [tilespmem:s18+$0x2840]  }
0x6e: {  	v48 =	vld [tilespmem:s18+$0x40]  }
0x6f: {  	v49 =	vld [tilespmem:s18+$0x2850];
	_ =	sdelay $0x1  }
0x70: {  	v40 =	vand.u32 $0x7F, v2;
	vm8 =	veq.s32 v2, v1;
	v42 =	vand.u32 $0x7F, v3  }
0x71: {  	vm9 =	veq.s32 v3, v37;
	v50 =	vand.u32 $0x7F, v39;
	v51 =	vand.u32 $0x7F, v36  }
0x72: {  	vm10 =	veq.s32 v39, v41;
	v53 =	vand.u32 $0x7F, v38;
	vm11 =	veq.s32 v36, v43  }
0x73: {  	vm12 =	veq.s32 v48, v46;
	vm13 =	veq.s32 v38, v49;
	v8 =	vadd.s32 $0x2710, v40  }
0x74: {  	v59 =	vand.u32 $0x7F, v48;
	v44 =	vsel vm8, $0x0, v0;
	v1 =	vsel vm8, v8, v1  }
0x75: {  	v45 =	vadd.s32 $0x2710, v42;
	v47 =	vsel vm9, $0x0, v0;
	[tilespmem:s18+$0x5060] =	vst v44;
	v1 =	vshll.u32 v1, $0x10  }
0x76: {  	v52 =	vld [tilespmem:s18+$0x2870];
	v15 =	vadd.s32 $0x2710, v51;
	v5 =	vsel vm9, v45, v37;
	[tilespmem:s18+$0x5010] =	vst v47;
	v1 =	vor.u32 v2, v1  }
0x77: {  	v9 =	vadd.s32 $0x2710, v53;
	v55 =	vsel vm12, $0x0, v0;
	v2 =	vshll.u32 v5, $0x10;
	[tilespmem:s18+$0x2860] =	vst v1;
	v1 =	vld [tilespmem:s18+$0x70]  }
0x78: {  	v54 =	vld [tilespmem:s18+$0x2820];
	v56 =	vsel vm13, $0x0, v0;
	[tilespmem:s18+$0x5040] =	vst v55;
	v2 =	vor.u32 v3, v2;
	v3 =	vsel vm10, $0x0, v0  }
0x79: {  	v57 =	vsel vm11, $0x0, v0;
	v6 =	vadd.s32 $0x2710, v59;
	v9 =	vsel vm13, v9, v49;
	[tilespmem:s18+$0x5000] =	vst v3;
	v3 =	vld [tilespmem:s18+$0x20]  }
0x7a: {  	v11 =	vsel vm11, v15, v43;
	[tilespmem:s18+$0x5050] =	vst v56;
	v9 =	vshll.u32 v9, $0x10;
	v5 =	vadd.s32 $0x2710, v50  }
0x7b: {  	[tilespmem:s18+$0x5030] =	vst v57;
	v11 =	vshll.u32 v11, $0x10;
	v58 =	vor.u32 v38, v9;
	v5 =	vsel vm10, v5, v41  }
0x7c: {  	v4 =	vor.u32 v36, v11;
	[tilespmem:s18+$0x2850] =	vst v58;
	v5 =	vshll.u32 v5, $0x10;
	v60 =	vand.u32 $0x7F, v1  }
0x7d: {  	[tilespmem:s18+$0x2830] =	vst v4;
	v5 =	vor.u32 v39, v5;
	vm14 =	veq.s32 v1, v52;
	v9 =	vadd.s32 $0x2710, v60  }
0x7e: {  	[tilespmem:s18+$0x2810] =	vst v2;
	vm15 =	veq.s32 v3, v54;
	v61 =	vand.u32 $0x7F, v3;
	v9 =	vsel vm14, v9, v52  }
0x7f: {  	[tilespmem:s18+$0x2800] =	vst v5;
	v63 =	vsel vm14, $0x0, v0;
	v62 =	vsel vm15, $0x0, v0;
	v2 =	vshll.u32 v9, $0x10  }
0x80: {  	v5 =	vadd.s32 $0x2710, v61;
	[tilespmem:s18+$0x5070] =	vst v63;
	v1 =	vor.u32 v1, v2;
	v2 =	vsel vm12, v6, v46  }
0x81: {  	[tilespmem:s18+$0x5020] =	vst v62;
	v5 =	vsel vm15, v5, v54;
	v2 =	vshll.u32 v2, $0x10  }
0x82: {  	[tilespmem:s18+$0x2870] =	vst v1;
	v1 =	vshll.u32 v5, $0x10;
	v2 =	vor.u32 v48, v2  }
0x83: {  	v1 =	vor.u32 v3, v1;
	[tilespmem:s18+$0x2840] =	vst v2  }
0x84: {  	s31 =	sadd.s32 $0x5000, s18;
	[tilespmem:s18+$0x2820] =	vst v1  }
0x85: {  	[spmem:s2] =	stream.indirect.scatter.add.f32 [tilespmem:s31], [sflag:$0x1], $0x1, s18, s14, $0xb8;
	[tilespmem:$0x7A80] =	vst v63  }
0x86: {  	_ =	swait.ge [sflag:s10], $0x80  }
0x87: {  	[sflag:s10] =	ssyncset.done $0x0  }
0x88: {  	[sflag:s10] =	ssyncadd.s32 $0xFFFFFF80  }
0x89: {  	[bflag:$0x0] =	sbarrier.arrive $0xFFFF  }
0x8a: {  	[hbm:s7@s15], [sflag:s12] =	dma.strided [spmem:s13@s16], $0x50, s10, $0x10   }
0x8b: {  	s17 =	sadd.s32 $0x1, s17;
	_ =	swait.ge [sflag:s10], $0x50  }
0x8c: {  	p0 =	sne.s32 s17, s9;
	[sflag:s10] =	ssyncset.done $0x0  }
.Ltmp1:
0x8d: {  	[sflag:s10] =	ssyncadd.s32 $0xFFFFFFB0;
	(pc) =	sbr.rel @p0 .LBB2_1-.Ltmp1, $4  }
0x8e: {  	[hbm4b:s8+s3] =	stream.linear.scatter [tilespmem:s11], [sflag:$0x1], $0x2780, $0x38;
	[tilespmem:$0x7A80] =	vst v63  }
0x8f: {  	_ =	swait.ge [sflag:s10], $0x2780  }
0x90: {  	[sflag:s10] =	ssyncset.done $0x0  }
0x91: {  	[sflag:s10] =	ssyncadd.s32 $0xFFFFD880  }
0x92: {  	_ =	sfence.sel $0x180000  }
0x93: {  	[bflag:$0x0] =	sbarrier.arrive $0xFFFF  }
0x94: {  	p0 =	sne.s32 s1, $0x0;
	_ =	strace $0x90000047  }
0x95: {  	s0 =	sadd.s32 @!p0 $0x100000, s0;
	[bflag:$0x2] =	sbarrier.arrive $0xFFFF  }
0x96: {  	[sflag:s0] =	ssyncadd.tile.s32 @!p0 $0x1;
	_ =	shalt  }
.Lfunc_end2:
_tile_overlayer_lowered:
.L_overlay_start_2:
0x97: {  	(tag) =	ssettag $0x2  }
0x98: {  	s0 =	rddreg [dreg:$0x0];
	s2 =	stileid.u32  }
0x99: {  	s1 =	rddreg [dreg:$0x1];
	p0 =	sne.s32 s2, $0x0  }
0x9a: {  	s3 =	rddreg [dreg:$0x2];
	[bflag:$0x3] =	sbarrier.arrive $0xFFFF;
	s2 =	simm.s32 @!p0 $0x1C01  }
0x9b: {  	[timem:s3], [sflag:s2] =	dma.local @!p0 [hbm:s0], s1  }
0x9c: {  	s0 =	simm.s32 @!p0 $0x1  }
0x9d: {  	_ =	swait.ge @!p0 [sflag:s0], s1  }
0x9e: {  	s1 =	ssub.s32 @!p0 $0x0, s1;
	[sflag:s0] =	ssyncset.done @!p0 $0x0  }
0x9f: {  	[sflag:s0] =	ssyncadd.s32 @!p0 s1  }
0xa0: {  	[bflag:$0x3] =	sbarrier.arrive $0xFFFF  }
0xa1: {  	_ =	shalt  }

</sc_bundles>
